<compile_context>
chip_gen: v7x
topology: tpu7x:2x2x1
jax: 0.10.2.dev20260603
libtpu: 0.0.44.dev20260713+nightly
codegen_flags: <defaults>
</compile_context>

<pallas_src>
import functools

import jax
import jax.numpy as jnp
from jax import lax
from jax.experimental import pallas as pl
from jax.experimental.pallas import tpu as pltpu
from jax.experimental.pallas import tpu_sc as plsc

_CHUNK = 128
_BK = 1024


@functools.partial(jax.jit, static_argnames=("V", "D", "NC", "NW"))
def _sc_row_major(v_t, *, V, D, NC, NW):
    BK = _BK
    n_full = V // BK
    main = (n_full // NW) * NW
    tail0 = n_full * BK
    tail_rest = V - tail0
    TP = -(-tail_rest // 128) * 128 if tail_rest else 0

    mesh = plsc.VectorSubcoreMesh(core_axis_name="c", subcore_axis_name="s")

    @functools.partial(
        pl.kernel,
        out_type=jax.ShapeDtypeStruct((V * D,), jnp.float32),
        mesh=mesh,
        compiler_params=pltpu.CompilerParams(needs_layout_passes=False),
        scratch_types=[
            pltpu.VMEM((D, BK), jnp.float32),
            pltpu.VMEM((D, BK), jnp.float32),
            pltpu.VMEM((BK * D,), jnp.float32),
            pltpu.VMEM((BK * D,), jnp.float32),
            pltpu.SemaphoreType.DMA,
            pltpu.SemaphoreType.DMA,
            pltpu.SemaphoreType.DMA,
            pltpu.SemaphoreType.DMA,
        ],
    )
    def k1(v_t_hbm, v_tail_hbm, v_out_hbm, si0, si1, so0, so1,
           isem0, isem1, osem0, osem1):
        wid = lax.axis_index("s") * NC + lax.axis_index("c")
        iota = lax.iota(jnp.int32, D)
        idxc = [iota * D + d for d in range(D)]
        sis, sos = (si0, si1), (so0, so1)
        isems, osems = (isem0, isem1), (osem0, osem1)

        def start_in(tab_hbm, src_col, width, p):
            return [
                pltpu.async_copy(
                    tab_hbm.at[:, pl.ds(src_col, width)],
                    sis[p].at[:, pl.ds(0, width)], isems[p]),
            ]

        def shuffle(width, p):
            si, so = sis[p], sos[p]

            def g_body(g, carry):
                off = g * 16
                base = g * (16 * D)
                for d in range(D):
                    x = si[d, pl.ds(off, 16)]
                    plsc.store_scatter(so, [idxc[d] + base], x)
                return carry
            lax.fori_loop(0, width // 16, g_body, 0, unroll=4)

        def start_out(out_hbm, out_col, out_width, p):
            return pltpu.async_copy(
                sos[p].at[pl.ds(0, out_width * D)],
                out_hbm.at[pl.ds(out_col * D, out_width * D)], osems[p])

        def wait_in(tab_hbm, p):
            pltpu.make_async_copy(
                tab_hbm.at[:, pl.ds(0, BK)],
                sis[p].at[:, pl.ds(0, BK)], isems[p]).wait()

        def wait_out(out_hbm, p):
            pltpu.make_async_copy(
                sos[p].at[pl.ds(0, BK * D)],
                out_hbm.at[pl.ds(0, BK * D)], osems[p]).wait()

        n_main = main // NW
        n_pairs = n_main // 2
        for tab_hbm, tail_hbm, out_hbm in (
                (v_t_hbm, v_tail_hbm, v_out_hbm),):
            def col(k):
                return (wid + k * NW) * BK

            start_in(tab_hbm, col(0), BK, 0)

            def pair_body(kk, carry, tab=tab_hbm, out=out_hbm):
                ka = 2 * kk
                start_in(tab, col(ka + 1), BK, 1)
                wait_in(tab, 0)

                @pl.when(kk > 0)
                def _():
                    wait_out(out, 0)
                shuffle(BK, 0)
                start_out(out, col(ka), BK, 0)

                @pl.when(kk < n_pairs - 1)
                def _():
                    start_in(tab, col(ka + 2), BK, 0)
                wait_in(tab, 1)

                @pl.when(kk > 0)
                def _():
                    wait_out(out, 1)
                shuffle(BK, 1)
                start_out(out, col(ka + 1), BK, 1)
                return carry
            lax.fori_loop(0, n_pairs, pair_body, 0)
            wait_out(out_hbm, 0)
            wait_out(out_hbm, 1)

            @pl.when(wid < n_full - main)
            def _():
                c = (main + wid) * BK
                for cp in start_in(tab_hbm, c, BK, 0):
                    cp.wait()
                shuffle(BK, 0)
                start_out(out_hbm, c, BK, 0).wait()
            if tail_rest:
                @pl.when(wid == NW - 1)
                def _():
                    for cp in start_in(tail_hbm, 0, TP, 1):
                        cp.wait()
                    shuffle(TP, 1)
                    start_out(out_hbm, tail0, tail_rest, 1).wait()

    if tail_rest:
        v_tail = jnp.pad(v_t[:, tail0:], ((0, 0), (0, TP - tail_rest)))
    else:
        v_tail = jnp.zeros((D, 128), jnp.float32)
    return k1(v_t, v_tail)


@functools.partial(jax.jit, static_argnames=("B", "V", "D", "N", "NC", "NW"))
def _sc_partials(v_pos, neg_idx, v_rm, *, B, V, D, N, NC, NW):
    BW = B // NW
    C = 64
    n_chunks = BW // C

    mesh = plsc.VectorSubcoreMesh(core_axis_name="c", subcore_axis_name="s")

    @functools.partial(
        pl.kernel,
        out_type=(
            jax.ShapeDtypeStruct((B, D), jnp.float32),
            jax.ShapeDtypeStruct((B * D,), jnp.float32),
        ),
        mesh=mesh,
        compiler_params=pltpu.CompilerParams(use_tc_tiling_on_sc=False),
        scratch_types=[
            pltpu.VMEM((BW,), jnp.int32),
            pltpu.VMEM((BW * N,), jnp.int32),
            pltpu.VMEM((C, D), jnp.float32),
            pltpu.VMEM((C, D), jnp.float32),
            pltpu.VMEM((C * N, D), jnp.float32),
            pltpu.VMEM((C * N, D), jnp.float32),
            pltpu.VMEM((C * D,), jnp.float32),
            pltpu.VMEM((C * D,), jnp.float32),
            pltpu.SemaphoreType.DMA,
            pltpu.SemaphoreType.DMA,
            pltpu.SemaphoreType.DMA,
            pltpu.SemaphoreType.DMA,
        ],
    )
    def sc_kernel(v_pos_hbm, neg_hbm, v_w_hbm,
                  v_out_hbm, ns_out_hbm,
                  v_idx_v, neg_idx_v, vr0, vr1, nr0, nr1, ns0, ns1,
                  gsem0, gsem1, osem0, osem1):
        wid = lax.axis_index("s") * NC + lax.axis_index("c")
        vrs, nrs, nss = (vr0, vr1), (nr0, nr1), (ns0, ns1)
        gsems, osems = (gsem0, gsem1), (osem0, osem1)

        def wait_gathers(p):
            pltpu.make_async_copy(
                v_w_hbm.at[pl.ds(0, C)], vrs[p], gsems[p]).wait()
            pltpu.make_async_copy(
                v_w_hbm.at[pl.ds(0, N * C)], nrs[p], gsems[p]).wait()

        def wait_outs(p):
            pltpu.make_async_copy(
                vrs[p], v_out_hbm.at[pl.ds(0, C)], osems[p]).wait()
            pltpu.make_async_copy(
                nss[p], ns_out_hbm.at[pl.ds(0, C * D)], osems[p]).wait()

        pltpu.sync_copy(v_pos_hbm.at[pl.ds(wid * BW, BW)], v_idx_v)
        pltpu.sync_copy(neg_hbm.at[pl.ds(wid * BW * N, BW * N)], neg_idx_v)

        def fire(ci, p):
            pltpu.async_copy(
                v_w_hbm.at[v_idx_v.at[pl.ds(ci * C, C)]], vrs[p], gsems[p])
            for j in range(N):
                pltpu.async_copy(
                    v_w_hbm.at[neg_idx_v.at[pl.ds((ci * N + j) * C, C)]],
                    nrs[p].at[pl.ds(j * C, C)], gsems[p])

        def process(ci, p, first):
            wait_gathers(p)

            @pl.when(jnp.logical_not(first))
            def _():
                wait_outs(p)
            neg_rows_v, out_ns_v = nrs[p], nss[p]

            def b_body(b, carry2):
                rows = [neg_rows_v[b * N + nn] for nn in range(N)]
                while len(rows) > 1:
                    rows = [rows[i] + rows[i + 1] for i in range(0, len(rows) - 1, 2)] + (
                        [rows[-1]] if len(rows) % 2 else [])
                out_ns_v[pl.ds(b * D, D)] = rows[0]
                return carry2
            lax.fori_loop(0, C, b_body, 0, unroll=2)
            base = wid * BW + ci * C
            pltpu.async_copy(vrs[p], v_out_hbm.at[pl.ds(base, C)], osems[p])
            pltpu.async_copy(out_ns_v, ns_out_hbm.at[pl.ds(base * D, C * D)],
                             osems[p])

        fire(0, 0)

        def pair_body(kk, carry):
            ka = 2 * kk
            fire(ka + 1, 1)
            process(ka, 0, kk == 0)

            @pl.when(kk < n_chunks // 2 - 1)
            def _():
                fire(ka + 2, 0)
            process(ka + 1, 1, kk == 0)
            return carry
        lax.fori_loop(0, n_chunks // 2, pair_body, 0)
        wait_outs(0)
        wait_outs(1)

    return sc_kernel(v_pos, neg_idx, v_rm)


def _tc_loss_body(u_ref, v_ref, ns_ref, out_ref, *, D, inv_b):
    xu = u_ref[...]
    xp = xu * v_ref[...]
    xn = xu * ns_ref[...]
    lanes = xp.shape[-1]
    g = lanes // D
    i0 = lax.broadcasted_iota(jnp.int32, (lanes, g), 0)
    i1 = lax.broadcasted_iota(jnp.int32, (lanes, g), 1)
    s_mat = (i0 // D == i1).astype(jnp.float32)
    ps = jnp.dot(xp, s_mat, preferred_element_type=jnp.float32)
    ns = jnp.dot(xn, s_mat, preferred_element_type=jnp.float32)

    def log_sigmoid(x):
        return jnp.minimum(x, 0.0) - jnp.log1p(jnp.exp(-jnp.abs(x)))

    loss = log_sigmoid(ps) + log_sigmoid(ns)
    out_ref[0, 0] = -jnp.sum(loss) * inv_b


def kernel(u_pos, v_pos, v_neg, batch_size, u_weight, v_weight):
    B = u_pos.shape[0]
    V, D = u_weight.shape
    N = v_neg.shape[-1]
    info = plsc.get_sparse_core_info()
    NC, NS = info.num_cores, info.num_subcores
    NW = NC * NS

    v_lin = _sc_row_major(v_weight.T, V=V, D=D, NC=NC, NW=NW)

    neg_idx = v_neg.reshape(-1).astype(jnp.int32)
    embed_v, neg_sum = _sc_partials(
        v_pos.astype(jnp.int32), neg_idx, v_lin.reshape(V, D),
        B=B, V=V, D=D, N=N, NC=NC, NW=NW)

    embed_u = jnp.take(u_weight, u_pos, axis=0)

    lanes = 128
    rows = B * D // lanes
    u2d = embed_u.reshape(rows, lanes)
    v2d = embed_v.reshape(rows, lanes)
    ns2d = neg_sum.reshape(rows, lanes)

    out = pl.pallas_call(
        functools.partial(_tc_loss_body, D=D, inv_b=1.0 / B),
        out_shape=jax.ShapeDtypeStruct((1, 1), jnp.float32),
        out_specs=pl.BlockSpec(memory_space=pltpu.SMEM),
    )(u2d, v2d, ns2d)
    return out.reshape(())

# --- scband reference (transcript-rebuilt; emitter-appended) ---
"""Pipeline reference for scband-skip-gram-40527311405302 (READ-ONLY COPY).

The authoritative reference and input builder live on the scoring server;
editing this copy changes nothing except your own understanding.
"""

import jax, jax.numpy as jnp
import numpy as np

V = 1000000
D = 16
B = 16384
N_NEG = 20


def setup_inputs(seed: int = 0) -> dict:
    key = jax.random.key(seed)
    k1, k2, k3, k4, k5 = jax.random.split(key, 5)
    u_pos = jax.random.randint(k1, (B,), 0, V)
    v_pos = jax.random.randint(k2, (B,), 0, V)
    v_neg = jax.random.randint(k3, (B, 1, N_NEG), 0, V)
    init_range = 0.5 / D
    u_weight = jax.random.uniform(k4, (V, D), minval=-init_range, maxval=init_range, dtype=jnp.float32)
    v_weight = jax.random.uniform(k5, (V, D), minval=-init_range, maxval=init_range, dtype=jnp.float32)
    return {"u_pos": u_pos, "v_pos": v_pos, "v_neg": v_neg, "batch_size": B, "u_weight": u_weight, "v_weight": v_weight}


def reference(u_pos, v_pos, v_neg, batch_size, u_weight, v_weight):
    # embed_u = self.u_embeddings(u_pos.view(-1))
    embed_u = jnp.take(u_weight, u_pos.reshape(-1), axis=0)            # [B, D]
    # embed_v = self.v_embeddings(v_pos.view(-1))
    embed_v = jnp.take(v_weight, v_pos.reshape(-1), axis=0)            # [B, D]
    pos_score = jnp.sum(embed_u * embed_v, axis=1)                      # [B]
    log_target = jax.nn.log_sigmoid(pos_score)                          # [B]
    # torch.flatten(v_neg, 0, 1): [B, 1, N] -> [B, N]
    v_neg_flat = v_neg.reshape((v_neg.shape[0] * v_neg.shape[1],) + v_neg.shape[2:])
    neg_embed_v = jnp.take(v_weight, v_neg_flat, axis=0)                # [B, N, D]
    # torch.bmm(neg_embed_v, embed_u.unsqueeze(2)).squeeze()
    neg_score = jnp.squeeze(jnp.matmul(neg_embed_v, embed_u[:, :, None]), axis=-1)  # [B, N]
    neg_score = jnp.sum(neg_score, axis=1)                              # [B]
    sum_log_sampled = jax.nn.log_sigmoid(neg_score)                     # [B]
    loss = log_target + sum_log_sampled
    return -1.0 * jnp.sum(loss) / batch_size

if __name__ == "__main__":
    import jax
    _d = setup_inputs()
    print(jax.jit(kernel)(*tuple(_d.values())))

</pallas_src>

<mosaic_0001>
#map = affine_map<(d0, d1) -> (0, 0)>
#map1 = affine_map<(d0, d1) -> (0)>
module attributes {stable_mosaic.version = 14 : i64} {
  func.func @k1(%arg0: i32, %arg1: i32, %arg2: memref<16x1000000xf32, #tpu.memory_space<hbm>>, %arg3: memref<16x640xf32, #tpu.memory_space<hbm>>, %arg4: memref<16000000xf32, #tpu.memory_space<hbm>>, %arg5: memref<16x1024xf32, #tpu.memory_space<vmem>>, %arg6: memref<16x1024xf32, #tpu.memory_space<vmem>>, %arg7: memref<16384xf32, #tpu.memory_space<vmem>>, %arg8: memref<16384xf32, #tpu.memory_space<vmem>>, %arg9: memref<!tpu.dma_semaphore, #tpu.memory_space<semaphore_mem>>, %arg10: memref<!tpu.dma_semaphore, #tpu.memory_space<semaphore_mem>>, %arg11: memref<!tpu.dma_semaphore, #tpu.memory_space<semaphore_mem>>, %arg12: memref<!tpu.dma_semaphore, #tpu.memory_space<semaphore_mem>>) attributes {dimension_semantics = [#tpu.dimension_semantics<core_parallel>, #tpu.dimension_semantics<subcore_parallel>], iteration_bounds = array<i64: 2, 16>, scalar_prefetch = 0 : i64, scratch_operands = 8 : i64, tpu.core_type = #tpu.core_type<sc_vector_subcore>, window_params = [{transform_indices = #map}, {transform_indices = #map}, {transform_indices = #map1}]} {
    %mul3A = arith.constant 2 : i32
    %mul3A_0 = arith.muli %arg1, %mul3A : i32
    %add3A = arith.addi %mul3A_0, %arg0 : i32
    %iota3A = tpu.iota {dimensions = array<i32: 0>} : vector<16xi32>
    %mul3A_1 = arith.constant 16 : i32
    %mul3A_2 = vector.broadcast %mul3A_1 : i32 to vector<16xi32>
    %mul3A_3 = arith.muli %iota3A, %mul3A_2 : vector<16xi32>
    %add3A_4 = arith.constant 0 : i32
    %add3A_5 = vector.broadcast %add3A_4 : i32 to vector<16xi32>
    %add3A_6 = arith.addi %mul3A_3, %add3A_5 : vector<16xi32>
    %mul3A_7 = arith.constant 16 : i32
    %mul3A_8 = vector.broadcast %mul3A_7 : i32 to vector<16xi32>
    %mul3A_9 = arith.muli %iota3A, %mul3A_8 : vector<16xi32>
    %add3A_10 = arith.constant 1 : i32
    %add3A_11 = vector.broadcast %add3A_10 : i32 to vector<16xi32>
    %add3A_12 = arith.addi %mul3A_9, %add3A_11 : vector<16xi32>
    %mul3A_13 = arith.constant 16 : i32
    %mul3A_14 = vector.broadcast %mul3A_13 : i32 to vector<16xi32>
    %mul3A_15 = arith.muli %iota3A, %mul3A_14 : vector<16xi32>
    %add3A_16 = arith.constant 2 : i32
    %add3A_17 = vector.broadcast %add3A_16 : i32 to vector<16xi32>
    %add3A_18 = arith.addi %mul3A_15, %add3A_17 : vector<16xi32>
    %mul3A_19 = arith.constant 16 : i32
    %mul3A_20 = vector.broadcast %mul3A_19 : i32 to vector<16xi32>
    %mul3A_21 = arith.muli %iota3A, %mul3A_20 : vector<16xi32>
    %add3A_22 = arith.constant 3 : i32
    %add3A_23 = vector.broadcast %add3A_22 : i32 to vector<16xi32>
    %add3A_24 = arith.addi %mul3A_21, %add3A_23 : vector<16xi32>
    %mul3A_25 = arith.constant 16 : i32
    %mul3A_26 = vector.broadcast %mul3A_25 : i32 to vector<16xi32>
    %mul3A_27 = arith.muli %iota3A, %mul3A_26 : vector<16xi32>
    %add3A_28 = arith.constant 4 : i32
    %add3A_29 = vector.broadcast %add3A_28 : i32 to vector<16xi32>
    %add3A_30 = arith.addi %mul3A_27, %add3A_29 : vector<16xi32>
    %mul3A_31 = arith.constant 16 : i32
    %mul3A_32 = vector.broadcast %mul3A_31 : i32 to vector<16xi32>
    %mul3A_33 = arith.muli %iota3A, %mul3A_32 : vector<16xi32>
    %add3A_34 = arith.constant 5 : i32
    %add3A_35 = vector.broadcast %add3A_34 : i32 to vector<16xi32>
    %add3A_36 = arith.addi %mul3A_33, %add3A_35 : vector<16xi32>
    %mul3A_37 = arith.constant 16 : i32
    %mul3A_38 = vector.broadcast %mul3A_37 : i32 to vector<16xi32>
    %mul3A_39 = arith.muli %iota3A, %mul3A_38 : vector<16xi32>
    %add3A_40 = arith.constant 6 : i32
    %add3A_41 = vector.broadcast %add3A_40 : i32 to vector<16xi32>
    %add3A_42 = arith.addi %mul3A_39, %add3A_41 : vector<16xi32>
    %mul3A_43 = arith.constant 16 : i32
    %mul3A_44 = vector.broadcast %mul3A_43 : i32 to vector<16xi32>
    %mul3A_45 = arith.muli %iota3A, %mul3A_44 : vector<16xi32>
    %add3A_46 = arith.constant 7 : i32
    %add3A_47 = vector.broadcast %add3A_46 : i32 to vector<16xi32>
    %add3A_48 = arith.addi %mul3A_45, %add3A_47 : vector<16xi32>
    %mul3A_49 = arith.constant 16 : i32
    %mul3A_50 = vector.broadcast %mul3A_49 : i32 to vector<16xi32>
    %mul3A_51 = arith.muli %iota3A, %mul3A_50 : vector<16xi32>
    %add3A_52 = arith.constant 8 : i32
    %add3A_53 = vector.broadcast %add3A_52 : i32 to vector<16xi32>
    %add3A_54 = arith.addi %mul3A_51, %add3A_53 : vector<16xi32>
    %mul3A_55 = arith.constant 16 : i32
    %mul3A_56 = vector.broadcast %mul3A_55 : i32 to vector<16xi32>
    %mul3A_57 = arith.muli %iota3A, %mul3A_56 : vector<16xi32>
    %add3A_58 = arith.constant 9 : i32
    %add3A_59 = vector.broadcast %add3A_58 : i32 to vector<16xi32>
    %add3A_60 = arith.addi %mul3A_57, %add3A_59 : vector<16xi32>
    %mul3A_61 = arith.constant 16 : i32
    %mul3A_62 = vector.broadcast %mul3A_61 : i32 to vector<16xi32>
    %mul3A_63 = arith.muli %iota3A, %mul3A_62 : vector<16xi32>
    %add3A_64 = arith.constant 10 : i32
    %add3A_65 = vector.broadcast %add3A_64 : i32 to vector<16xi32>
    %add3A_66 = arith.addi %mul3A_63, %add3A_65 : vector<16xi32>
    %mul3A_67 = arith.constant 16 : i32
    %mul3A_68 = vector.broadcast %mul3A_67 : i32 to vector<16xi32>
    %mul3A_69 = arith.muli %iota3A, %mul3A_68 : vector<16xi32>
    %add3A_70 = arith.constant 11 : i32
    %add3A_71 = vector.broadcast %add3A_70 : i32 to vector<16xi32>
    %add3A_72 = arith.addi %mul3A_69, %add3A_71 : vector<16xi32>
    %mul3A_73 = arith.constant 16 : i32
    %mul3A_74 = vector.broadcast %mul3A_73 : i32 to vector<16xi32>
    %mul3A_75 = arith.muli %iota3A, %mul3A_74 : vector<16xi32>
    %add3A_76 = arith.constant 12 : i32
    %add3A_77 = vector.broadcast %add3A_76 : i32 to vector<16xi32>
    %add3A_78 = arith.addi %mul3A_75, %add3A_77 : vector<16xi32>
    %mul3A_79 = arith.constant 16 : i32
    %mul3A_80 = vector.broadcast %mul3A_79 : i32 to vector<16xi32>
    %mul3A_81 = arith.muli %iota3A, %mul3A_80 : vector<16xi32>
    %add3A_82 = arith.constant 13 : i32
    %add3A_83 = vector.broadcast %add3A_82 : i32 to vector<16xi32>
    %add3A_84 = arith.addi %mul3A_81, %add3A_83 : vector<16xi32>
    %mul3A_85 = arith.constant 16 : i32
    %mul3A_86 = vector.broadcast %mul3A_85 : i32 to vector<16xi32>
    %mul3A_87 = arith.muli %iota3A, %mul3A_86 : vector<16xi32>
    %add3A_88 = arith.constant 14 : i32
    %add3A_89 = vector.broadcast %add3A_88 : i32 to vector<16xi32>
    %add3A_90 = arith.addi %mul3A_87, %add3A_89 : vector<16xi32>
    %mul3A_91 = arith.constant 16 : i32
    %mul3A_92 = vector.broadcast %mul3A_91 : i32 to vector<16xi32>
    %mul3A_93 = arith.muli %iota3A, %mul3A_92 : vector<16xi32>
    %add3A_94 = arith.constant 15 : i32
    %add3A_95 = vector.broadcast %add3A_94 : i32 to vector<16xi32>
    %add3A_96 = arith.addi %mul3A_93, %add3A_95 : vector<16xi32>
    %add3A_97 = arith.constant 0 : i32
    %add3A_98 = arith.addi %add3A, %add3A_97 : i32
    %mul3A_99 = arith.constant 1024 : i32
    %mul3A_100 = arith.muli %add3A_98, %mul3A_99 : i32
    %dma_start3A = arith.constant 0 : i32
    %dma_start3A_101 = arith.constant 0 : i32
    %dma_start3A_102 = tpu.memref_slice %arg5[%dma_start3A, %dma_start3A_101] : memref<16x1024xf32, #tpu.memory_space<vmem>> -> memref<16x1024xf32, #tpu.memory_space<vmem>>
    %dma_start3A_103 = arith.constant 0 : i32
    %dma_start3A_104 = tpu.memref_slice %arg2[%dma_start3A_103, %mul3A_100] : memref<16x1000000xf32, #tpu.memory_space<hbm>> -> memref<16x1024xf32, #tpu.memory_space<hbm>>
    %dma_start3A_105 = arith.constant 0 : i32
    %dma_start3A_106 = arith.constant 0 : i32
    %dma_start3A_107 = tpu.memref_slice %arg5[%dma_start3A_105, %dma_start3A_106] : memref<16x1024xf32, #tpu.memory_space<vmem>> -> memref<16x1024xf32, #tpu.memory_space<vmem>>
    %dma_start3A_108 = arith.constant 0 : i32
    %dma_start3A_109 = tpu.memref_slice %arg2[%dma_start3A_108, %mul3A_100] : memref<16x1000000xf32, #tpu.memory_space<hbm>> -> memref<16x1024xf32, #tpu.memory_space<hbm>>
    tpu.enqueue_dma source(%dma_start3A_109 : memref<16x1024xf32, #tpu.memory_space<hbm>>) target(%dma_start3A_107 : memref<16x1024xf32, #tpu.memory_space<vmem>>) target_semaphore(%arg9 : memref<!tpu.dma_semaphore, #tpu.memory_space<semaphore_mem>>)
    %scan3A = arith.constant 0 : i32
    %scan3A_110 = arith.constant 0 : i32
    %scan3A_111 = arith.constant 15 : i32
    %scan3A_112 = arith.addi %scan3A_110, %scan3A_111 : i32
    %scan3A_113 = arith.constant 1 : i32
    scf.for %scan3A_136 = %scan3A_110 to %scan3A_112 step %scan3A_113  : i32 {
      %mul3A_137 = arith.constant 2 : i32
      %mul3A_138 = arith.muli %mul3A_137, %scan3A_136 : i32
      %add3A_139 = arith.constant 1 : i32
      %add3A_140 = arith.addi %mul3A_138, %add3A_139 : i32
      %mul3A_141 = arith.constant 32 : i32
      %mul3A_142 = arith.muli %add3A_140, %mul3A_141 : i32
      %add3A_143 = arith.addi %add3A, %mul3A_142 : i32
      %mul3A_144 = arith.constant 1024 : i32
      %mul3A_145 = arith.muli %add3A_143, %mul3A_144 : i32
      %dma_start3A_146 = arith.constant 0 : i32
      %dma_start3A_147 = arith.constant 0 : i32
      %dma_start3A_148 = tpu.memref_slice %arg6[%dma_start3A_146, %dma_start3A_147] : memref<16x1024xf32, #tpu.memory_space<vmem>> -> memref<16x1024xf32, #tpu.memory_space<vmem>>
      %dma_start3A_149 = arith.constant 0 : i32
      %dma_start3A_150 = tpu.memref_slice %arg2[%dma_start3A_149, %mul3A_145] : memref<16x1000000xf32, #tpu.memory_space<hbm>> -> memref<16x1024xf32, #tpu.memory_space<hbm>>
      %dma_start3A_151 = arith.constant 0 : i32
      %dma_start3A_152 = arith.constant 0 : i32
      %dma_start3A_153 = tpu.memref_slice %arg6[%dma_start3A_151, %dma_start3A_152] : memref<16x1024xf32, #tpu.memory_space<vmem>> -> memref<16x1024xf32, #tpu.memory_space<vmem>>
      %dma_start3A_154 = arith.constant 0 : i32
      %dma_start3A_155 = tpu.memref_slice %arg2[%dma_start3A_154, %mul3A_145] : memref<16x1000000xf32, #tpu.memory_space<hbm>> -> memref<16x1024xf32, #tpu.memory_space<hbm>>
      tpu.enqueue_dma source(%dma_start3A_155 : memref<16x1024xf32, #tpu.memory_space<hbm>>) target(%dma_start3A_153 : memref<16x1024xf32, #tpu.memory_space<vmem>>) target_semaphore(%arg10 : memref<!tpu.dma_semaphore, #tpu.memory_space<semaphore_mem>>)
      %dma_wait3A_156 = arith.constant 0 : i32
      %dma_wait3A_157 = arith.constant 0 : i32
      %dma_wait3A_158 = tpu.memref_slice %arg5[%dma_wait3A_156, %dma_wait3A_157] : memref<16x1024xf32, #tpu.memory_space<vmem>> -> memref<16x1024xf32, #tpu.memory_space<vmem>>
      %dma_wait3A_159 = arith.constant 0 : i32
      %dma_wait3A_160 = arith.constant 0 : i32
      %dma_wait3A_161 = tpu.memref_slice %arg2[%dma_wait3A_159, %dma_wait3A_160] : memref<16x1000000xf32, #tpu.memory_space<hbm>> -> memref<16x1024xf32, #tpu.memory_space<hbm>>
      %dma_wait3A_162 = arith.constant 0 : i32
      %dma_wait3A_163 = arith.constant 0 : i32
      %dma_wait3A_164 = tpu.memref_slice %arg5[%dma_wait3A_162, %dma_wait3A_163] : memref<16x1024xf32, #tpu.memory_space<vmem>> -> memref<16x1024xf32, #tpu.memory_space<vmem>>
      %dma_wait3A_165 = arith.constant 0 : i32
      %dma_wait3A_166 = arith.constant 0 : i32
      %dma_wait3A_167 = tpu.memref_slice %arg2[%dma_wait3A_165, %dma_wait3A_166] : memref<16x1000000xf32, #tpu.memory_space<hbm>> -> memref<16x1024xf32, #tpu.memory_space<hbm>>
      tpu.wait_dma2 semaphore(%arg9 : memref<!tpu.dma_semaphore, #tpu.memory_space<semaphore_mem>>) src(%dma_wait3A_167 : memref<16x1024xf32, #tpu.memory_space<hbm>>) dst(%dma_wait3A_164 : memref<16x1024xf32, #tpu.memory_space<vmem>>)
      %gt3A = arith.constant 0 : i32
      %gt3A_168 = arith.cmpi sgt, %scan3A_136, %gt3A : i32
      %convert_element_type3A_169 = arith.extui %gt3A_168 : i1 to i32
      %cond3A_170 = arith.constant 0 : i32
      %cond3A_171 = arith.cmpi ne, %convert_element_type3A_169, %cond3A_170 : i32
      scf.if %cond3A_171 {
        %dma_wait3A_234 = arith.constant 0 : i32
        %dma_wait3A_235 = tpu.memref_slice %arg7[%dma_wait3A_234] : memref<16384xf32, #tpu.memory_space<vmem>> -> memref<16384xf32, #tpu.memory_space<vmem>>
        %dma_wait3A_236 = arith.constant 0 : i32
        %dma_wait3A_237 = tpu.memref_slice %arg4[%dma_wait3A_236] : memref<16000000xf32, #tpu.memory_space<hbm>> -> memref<16384xf32, #tpu.memory_space<hbm>>
        %dma_wait3A_238 = arith.constant 0 : i32
        %dma_wait3A_239 = tpu.memref_slice %arg4[%dma_wait3A_238] : memref<16000000xf32, #tpu.memory_space<hbm>> -> memref<16384xf32, #tpu.memory_space<hbm>>
        %dma_wait3A_240 = arith.constant 0 : i32
        %dma_wait3A_241 = tpu.memref_slice %arg7[%dma_wait3A_240] : memref<16384xf32, #tpu.memory_space<vmem>> -> memref<16384xf32, #tpu.memory_space<vmem>>
        tpu.wait_dma2 semaphore(%arg11 : memref<!tpu.dma_semaphore, #tpu.memory_space<semaphore_mem>>) src(%dma_wait3A_241 : memref<16384xf32, #tpu.memory_space<vmem>>) dst(%dma_wait3A_239 : memref<16384xf32, #tpu.memory_space<hbm>>)
      } else {
      }
      %scan3A_172 = arith.constant 0 : i32
      %scan3A_173 = arith.constant 0 : i32
      %scan3A_174 = arith.constant 64 : i32
      %scan3A_175 = arith.addi %scan3A_173, %scan3A_174 : i32
      %scan3A_176 = arith.constant 4 : i32
      scf.for %scan3A_234 = %scan3A_173 to %scan3A_175 step %scan3A_176  : i32 {
        %mul3A_235 = arith.constant 16 : i32
        %mul3A_236 = arith.muli %scan3A_234, %mul3A_235 : i32
        %mul3A_237 = arith.constant 256 : i32
        %mul3A_238 = arith.muli %scan3A_234, %mul3A_237 : i32
        %get3A = arith.constant 0 : i32
        %get3A_239 = arith.index_cast %get3A : i32 to index
        %get3A_240 = arith.index_cast %mul3A_236 : i32 to index
        %get3A_241 = tpu.vector_load %arg5[%get3A_239, %get3A_240] {strides = array<i32>} : memref<16x1024xf32, #tpu.memory_space<vmem>>, vector<16xf32>,
        %add3A_242 = vector.broadcast %mul3A_238 : i32 to vector<16xi32>
        %add3A_243 = arith.addi %add3A_6, %add3A_242 : vector<16xi32>
        tpu.vector_store_idx %arg7[%add3A_243], %get3A_241 : memref<16384xf32, #tpu.memory_space<vmem>>[vector<16xi32>], vector<16xf32>,
        %get3A_244 = arith.constant 1 : i32
        %get3A_245 = arith.index_cast %get3A_244 : i32 to index
        %get3A_246 = arith.index_cast %mul3A_236 : i32 to index
        %get3A_247 = tpu.vector_load %arg5[%get3A_245, %get3A_246] {strides = array<i32>} : memref<16x1024xf32, #tpu.memory_space<vmem>>, vector<16xf32>,
        %add3A_248 = vector.broadcast %mul3A_238 : i32 to vector<16xi32>
        %add3A_249 = arith.addi %add3A_12, %add3A_248 : vector<16xi32>
        tpu.vector_store_idx %arg7[%add3A_249], %get3A_247 : memref<16384xf32, #tpu.memory_space<vmem>>[vector<16xi32>], vector<16xf32>,
        %get3A_250 = arith.constant 2 : i32
        %get3A_251 = arith.index_cast %get3A_250 : i32 to index
        %get3A_252 = arith.index_cast %mul3A_236 : i32 to index
        %get3A_253 = tpu.vector_load %arg5[%get3A_251, %get3A_252] {strides = array<i32>} : memref<16x1024xf32, #tpu.memory_space<vmem>>, vector<16xf32>,
        %add3A_254 = vector.broadcast %mul3A_238 : i32 to vector<16xi32>
        %add3A_255 = arith.addi %add3A_18, %add3A_254 : vector<16xi32>
        tpu.vector_store_idx %arg7[%add3A_255], %get3A_253 : memref<16384xf32, #tpu.memory_space<vmem>>[vector<16xi32>], vector<16xf32>,
        %get3A_256 = arith.constant 3 : i32
        %get3A_257 = arith.index_cast %get3A_256 : i32 to index
        %get3A_258 = arith.index_cast %mul3A_236 : i32 to index
        %get3A_259 = tpu.vector_load %arg5[%get3A_257, %get3A_258] {strides = array<i32>} : memref<16x1024xf32, #tpu.memory_space<vmem>>, vector<16xf32>,
        %add3A_260 = vector.broadcast %mul3A_238 : i32 to vector<16xi32>
        %add3A_261 = arith.addi %add3A_24, %add3A_260 : vector<16xi32>
        tpu.vector_store_idx %arg7[%add3A_261], %get3A_259 : memref<16384xf32, #tpu.memory_space<vmem>>[vector<16xi32>], vector<16xf32>,
        %get3A_262 = arith.constant 4 : i32
        %get3A_263 = arith.index_cast %get3A_262 : i32 to index
        %get3A_264 = arith.index_cast %mul3A_236 : i32 to index
        %get3A_265 = tpu.vector_load %arg5[%get3A_263, %get3A_264] {strides = array<i32>} : memref<16x1024xf32, #tpu.memory_space<vmem>>, vector<16xf32>,
        %add3A_266 = vector.broadcast %mul3A_238 : i32 to vector<16xi32>
        %add3A_267 = arith.addi %add3A_30, %add3A_266 : vector<16xi32>
        tpu.vector_store_idx %arg7[%add3A_267], %get3A_265 : memref<16384xf32, #tpu.memory_space<vmem>>[vector<16xi32>], vector<16xf32>,
        %get3A_268 = arith.constant 5 : i32
        %get3A_269 = arith.index_cast %get3A_268 : i32 to index
        %get3A_270 = arith.index_cast %mul3A_236 : i32 to index
        %get3A_271 = tpu.vector_load %arg5[%get3A_269, %get3A_270] {strides = array<i32>} : memref<16x1024xf32, #tpu.memory_space<vmem>>, vector<16xf32>,
        %add3A_272 = vector.broadcast %mul3A_238 : i32 to vector<16xi32>
        %add3A_273 = arith.addi %add3A_36, %add3A_272 : vector<16xi32>
        tpu.vector_store_idx %arg7[%add3A_273], %get3A_271 : memref<16384xf32, #tpu.memory_space<vmem>>[vector<16xi32>], vector<16xf32>,
        %get3A_274 = arith.constant 6 : i32
        %get3A_275 = arith.index_cast %get3A_274 : i32 to index
        %get3A_276 = arith.index_cast %mul3A_236 : i32 to index
        %get3A_277 = tpu.vector_load %arg5[%get3A_275, %get3A_276] {strides = array<i32>} : memref<16x1024xf32, #tpu.memory_space<vmem>>, vector<16xf32>,
        %add3A_278 = vector.broadcast %mul3A_238 : i32 to vector<16xi32>
        %add3A_279 = arith.addi %add3A_42, %add3A_278 : vector<16xi32>
        tpu.vector_store_idx %arg7[%add3A_279], %get3A_277 : memref<16384xf32, #tpu.memory_space<vmem>>[vector<16xi32>], vector<16xf32>,
        %get3A_280 = arith.constant 7 : i32
        %get3A_281 = arith.index_cast %get3A_280 : i32 to index
        %get3A_282 = arith.index_cast %mul3A_236 : i32 to index
        %get3A_283 = tpu.vector_load %arg5[%get3A_281, %get3A_282] {strides = array<i32>} : memref<16x1024xf32, #tpu.memory_space<vmem>>, vector<16xf32>,
        %add3A_284 = vector.broadcast %mul3A_238 : i32 to vector<16xi32>
        %add3A_285 = arith.addi %add3A_48, %add3A_284 : vector<16xi32>
        tpu.vector_store_idx %arg7[%add3A_285], %get3A_283 : memref<16384xf32, #tpu.memory_space<vmem>>[vector<16xi32>], vector<16xf32>,
        %get3A_286 = arith.constant 8 : i32
        %get3A_287 = arith.index_cast %get3A_286 : i32 to index
        %get3A_288 = arith.index_cast %mul3A_236 : i32 to index
        %get3A_289 = tpu.vector_load %arg5[%get3A_287, %get3A_288] {strides = array<i32>} : memref<16x1024xf32, #tpu.memory_space<vmem>>, vector<16xf32>,
        %add3A_290 = vector.broadcast %mul3A_238 : i32 to vector<16xi32>
        %add3A_291 = arith.addi %add3A_54, %add3A_290 : vector<16xi32>
        tpu.vector_store_idx %arg7[%add3A_291], %get3A_289 : memref<16384xf32, #tpu.memory_space<vmem>>[vector<16xi32>], vector<16xf32>,
        %get3A_292 = arith.constant 9 : i32
        %get3A_293 = arith.index_cast %get3A_292 : i32 to index
        %get3A_294 = arith.index_cast %mul3A_236 : i32 to index
        %get3A_295 = tpu.vector_load %arg5[%get3A_293, %get3A_294] {strides = array<i32>} : memref<16x1024xf32, #tpu.memory_space<vmem>>, vector<16xf32>,
        %add3A_296 = vector.broadcast %mul3A_238 : i32 to vector<16xi32>
        %add3A_297 = arith.addi %add3A_60, %add3A_296 : vector<16xi32>
        tpu.vector_store_idx %arg7[%add3A_297], %get3A_295 : memref<16384xf32, #tpu.memory_space<vmem>>[vector<16xi32>], vector<16xf32>,
        %get3A_298 = arith.constant 10 : i32
        %get3A_299 = arith.index_cast %get3A_298 : i32 to index
        %get3A_300 = arith.index_cast %mul3A_236 : i32 to index
        %get3A_301 = tpu.vector_load %arg5[%get3A_299, %get3A_300] {strides = array<i32>} : memref<16x1024xf32, #tpu.memory_space<vmem>>, vector<16xf32>,
        %add3A_302 = vector.broadcast %mul3A_238 : i32 to vector<16xi32>
        %add3A_303 = arith.addi %add3A_66, %add3A_302 : vector<16xi32>
        tpu.vector_store_idx %arg7[%add3A_303], %get3A_301 : memref<16384xf32, #tpu.memory_space<vmem>>[vector<16xi32>], vector<16xf32>,
        %get3A_304 = arith.constant 11 : i32
        %get3A_305 = arith.index_cast %get3A_304 : i32 to index
        %get3A_306 = arith.index_cast %mul3A_236 : i32 to index
        %get3A_307 = tpu.vector_load %arg5[%get3A_305, %get3A_306] {strides = array<i32>} : memref<16x1024xf32, #tpu.memory_space<vmem>>, vector<16xf32>,
        %add3A_308 = vector.broadcast %mul3A_238 : i32 to vector<16xi32>
        %add3A_309 = arith.addi %add3A_72, %add3A_308 : vector<16xi32>
        tpu.vector_store_idx %arg7[%add3A_309], %get3A_307 : memref<16384xf32, #tpu.memory_space<vmem>>[vector<16xi32>], vector<16xf32>,
        %get3A_310 = arith.constant 12 : i32
        %get3A_311 = arith.index_cast %get3A_310 : i32 to index
        %get3A_312 = arith.index_cast %mul3A_236 : i32 to index
        %get3A_313 = tpu.vector_load %arg5[%get3A_311, %get3A_312] {strides = array<i32>} : memref<16x1024xf32, #tpu.memory_space<vmem>>, vector<16xf32>,
        %add3A_314 = vector.broadcast %mul3A_238 : i32 to vector<16xi32>
        %add3A_315 = arith.addi %add3A_78, %add3A_314 : vector<16xi32>
        tpu.vector_store_idx %arg7[%add3A_315], %get3A_313 : memref<16384xf32, #tpu.memory_space<vmem>>[vector<16xi32>], vector<16xf32>,
        %get3A_316 = arith.constant 13 : i32
        %get3A_317 = arith.index_cast %get3A_316 : i32 to index
        %get3A_318 = arith.index_cast %mul3A_236 : i32 to index
        %get3A_319 = tpu.vector_load %arg5[%get3A_317, %get3A_318] {strides = array<i32>} : memref<16x1024xf32, #tpu.memory_space<vmem>>, vector<16xf32>,
        %add3A_320 = vector.broadcast %mul3A_238 : i32 to vector<16xi32>
        %add3A_321 = arith.addi %add3A_84, %add3A_320 : vector<16xi32>
        tpu.vector_store_idx %arg7[%add3A_321], %get3A_319 : memref<16384xf32, #tpu.memory_space<vmem>>[vector<16xi32>], vector<16xf32>,
        %get3A_322 = arith.constant 14 : i32
        %get3A_323 = arith.index_cast %get3A_322 : i32 to index
        %get3A_324 = arith.index_cast %mul3A_236 : i32 to index
        %get3A_325 = tpu.vector_load %arg5[%get3A_323, %get3A_324] {strides = array<i32>} : memref<16x1024xf32, #tpu.memory_space<vmem>>, vector<16xf32>,
        %add3A_326 = vector.broadcast %mul3A_238 : i32 to vector<16xi32>
        %add3A_327 = arith.addi %add3A_90, %add3A_326 : vector<16xi32>
        tpu.vector_store_idx %arg7[%add3A_327], %get3A_325 : memref<16384xf32, #tpu.memory_space<vmem>>[vector<16xi32>], vector<16xf32>,
        %get3A_328 = arith.constant 15 : i32
        %get3A_329 = arith.index_cast %get3A_328 : i32 to index
        %get3A_330 = arith.index_cast %mul3A_236 : i32 to index
        %get3A_331 = tpu.vector_load %arg5[%get3A_329, %get3A_330] {strides = array<i32>} : memref<16x1024xf32, #tpu.memory_space<vmem>>, vector<16xf32>,
        %add3A_332 = vector.broadcast %mul3A_238 : i32 to vector<16xi32>
        %add3A_333 = arith.addi %add3A_96, %add3A_332 : vector<16xi32>
        tpu.vector_store_idx %arg7[%add3A_333], %get3A_331 : memref<16384xf32, #tpu.memory_space<vmem>>[vector<16xi32>], vector<16xf32>,
        %scan3A_334 = arith.constant 1 : i32
        %scan3A_335 = arith.addi %scan3A_234, %scan3A_334 : i32
        %mul3A_336 = arith.constant 16 : i32
        %mul3A_337 = arith.muli %scan3A_335, %mul3A_336 : i32
        %mul3A_338 = arith.constant 256 : i32
        %mul3A_339 = arith.muli %scan3A_335, %mul3A_338 : i32
        %get3A_340 = arith.constant 0 : i32
        %get3A_341 = arith.index_cast %get3A_340 : i32 to index
        %get3A_342 = arith.index_cast %mul3A_337 : i32 to index
        %get3A_343 = tpu.vector_load %arg5[%get3A_341, %get3A_342] {strides = array<i32>} : memref<16x1024xf32, #tpu.memory_space<vmem>>, vector<16xf32>,
        %add3A_344 = vector.broadcast %mul3A_339 : i32 to vector<16xi32>
        %add3A_345 = arith.addi %add3A_6, %add3A_344 : vector<16xi32>
        tpu.vector_store_idx %arg7[%add3A_345], %get3A_343 : memref<16384xf32, #tpu.memory_space<vmem>>[vector<16xi32>], vector<16xf32>,
        %get3A_346 = arith.constant 1 : i32
        %get3A_347 = arith.index_cast %get3A_346 : i32 to index
        %get3A_348 = arith.index_cast %mul3A_337 : i32 to index
        %get3A_349 = tpu.vector_load %arg5[%get3A_347, %get3A_348] {strides = array<i32>} : memref<16x1024xf32, #tpu.memory_space<vmem>>, vector<16xf32>,
        %add3A_350 = vector.broadcast %mul3A_339 : i32 to vector<16xi32>
        %add3A_351 = arith.addi %add3A_12, %add3A_350 : vector<16xi32>
        tpu.vector_store_idx %arg7[%add3A_351], %get3A_349 : memref<16384xf32, #tpu.memory_space<vmem>>[vector<16xi32>], vector<16xf32>,
        %get3A_352 = arith.constant 2 : i32
        %get3A_353 = arith.index_cast %get3A_352 : i32 to index
        %get3A_354 = arith.index_cast %mul3A_337 : i32 to index
        %get3A_355 = tpu.vector_load %arg5[%get3A_353, %get3A_354] {strides = array<i32>} : memref<16x1024xf32, #tpu.memory_space<vmem>>, vector<16xf32>,
        %add3A_356 = vector.broadcast %mul3A_339 : i32 to vector<16xi32>
        %add3A_357 = arith.addi %add3A_18, %add3A_356 : vector<16xi32>
        tpu.vector_store_idx %arg7[%add3A_357], %get3A_355 : memref<16384xf32, #tpu.memory_space<vmem>>[vector<16xi32>], vector<16xf32>,
        %get3A_358 = arith.constant 3 : i32
        %get3A_359 = arith.index_cast %get3A_358 : i32 to index
        %get3A_360 = arith.index_cast %mul3A_337 : i32 to index
        %get3A_361 = tpu.vector_load %arg5[%get3A_359, %get3A_360] {strides = array<i32>} : memref<16x1024xf32, #tpu.memory_space<vmem>>, vector<16xf32>,
        %add3A_362 = vector.broadcast %mul3A_339 : i32 to vector<16xi32>
        %add3A_363 = arith.addi %add3A_24, %add3A_362 : vector<16xi32>
        tpu.vector_store_idx %arg7[%add3A_363], %get3A_361 : memref<16384xf32, #tpu.memory_space<vmem>>[vector<16xi32>], vector<16xf32>,
        %get3A_364 = arith.constant 4 : i32
        %get3A_365 = arith.index_cast %get3A_364 : i32 to index
        %get3A_366 = arith.index_cast %mul3A_337 : i32 to index
        %get3A_367 = tpu.vector_load %arg5[%get3A_365, %get3A_366] {strides = array<i32>} : memref<16x1024xf32, #tpu.memory_space<vmem>>, vector<16xf32>,
        %add3A_368 = vector.broadcast %mul3A_339 : i32 to vector<16xi32>
        %add3A_369 = arith.addi %add3A_30, %add3A_368 : vector<16xi32>
        tpu.vector_store_idx %arg7[%add3A_369], %get3A_367 : memref<16384xf32, #tpu.memory_space<vmem>>[vector<16xi32>], vector<16xf32>,
        %get3A_370 = arith.constant 5 : i32
        %get3A_371 = arith.index_cast %get3A_370 : i32 to index
        %get3A_372 = arith.index_cast %mul3A_337 : i32 to index
        %get3A_373 = tpu.vector_load %arg5[%get3A_371, %get3A_372] {strides = array<i32>} : memref<16x1024xf32, #tpu.memory_space<vmem>>, vector<16xf32>,
        %add3A_374 = vector.broadcast %mul3A_339 : i32 to vector<16xi32>
        %add3A_375 = arith.addi %add3A_36, %add3A_374 : vector<16xi32>
        tpu.vector_store_idx %arg7[%add3A_375], %get3A_373 : memref<16384xf32, #tpu.memory_space<vmem>>[vector<16xi32>], vector<16xf32>,
        %get3A_376 = arith.constant 6 : i32
        %get3A_377 = arith.index_cast %get3A_376 : i32 to index
        %get3A_378 = arith.index_cast %mul3A_337 : i32 to index
        %get3A_379 = tpu.vector_load %arg5[%get3A_377, %get3A_378] {strides = array<i32>} : memref<16x1024xf32, #tpu.memory_space<vmem>>, vector<16xf32>,
        %add3A_380 = vector.broadcast %mul3A_339 : i32 to vector<16xi32>
        %add3A_381 = arith.addi %add3A_42, %add3A_380 : vector<16xi32>
        tpu.vector_store_idx %arg7[%add3A_381], %get3A_379 : memref<16384xf32, #tpu.memory_space<vmem>>[vector<16xi32>], vector<16xf32>,
        %get3A_382 = arith.constant 7 : i32
        %get3A_383 = arith.index_cast %get3A_382 : i32 to index
        %get3A_384 = arith.index_cast %mul3A_337 : i32 to index
        %get3A_385 = tpu.vector_load %arg5[%get3A_383, %get3A_384] {strides = array<i32>} : memref<16x1024xf32, #tpu.memory_space<vmem>>, vector<16xf32>,
        %add3A_386 = vector.broadcast %mul3A_339 : i32 to vector<16xi32>
        %add3A_387 = arith.addi %add3A_48, %add3A_386 : vector<16xi32>
        tpu.vector_store_idx %arg7[%add3A_387], %get3A_385 : memref<16384xf32, #tpu.memory_space<vmem>>[vector<16xi32>], vector<16xf32>,
        %get3A_388 = arith.constant 8 : i32
        %get3A_389 = arith.index_cast %get3A_388 : i32 to index
        %get3A_390 = arith.index_cast %mul3A_337 : i32 to index
        %get3A_391 = tpu.vector_load %arg5[%get3A_389, %get3A_390] {strides = array<i32>} : memref<16x1024xf32, #tpu.memory_space<vmem>>, vector<16xf32>,
        %add3A_392 = vector.broadcast %mul3A_339 : i32 to vector<16xi32>
        %add3A_393 = arith.addi %add3A_54, %add3A_392 : vector<16xi32>
        tpu.vector_store_idx %arg7[%add3A_393], %get3A_391 : memref<16384xf32, #tpu.memory_space<vmem>>[vector<16xi32>], vector<16xf32>,
        %get3A_394 = arith.constant 9 : i32
        %get3A_395 = arith.index_cast %get3A_394 : i32 to index
        %get3A_396 = arith.index_cast %mul3A_337 : i32 to index
        %get3A_397 = tpu.vector_load %arg5[%get3A_395, %get3A_396] {strides = array<i32>} : memref<16x1024xf32, #tpu.memory_space<vmem>>, vector<16xf32>,
        %add3A_398 = vector.broadcast %mul3A_339 : i32 to vector<16xi32>
        %add3A_399 = arith.addi %add3A_60, %add3A_398 : vector<16xi32>
        tpu.vector_store_idx %arg7[%add3A_399], %get3A_397 : memref<16384xf32, #tpu.memory_space<vmem>>[vector<16xi32>], vector<16xf32>,
        %get3A_400 = arith.constant 10 : i32
        %get3A_401 = arith.index_cast %get3A_400 : i32 to index
        %get3A_402 = arith.index_cast %mul3A_337 : i32 to index
        %get3A_403 = tpu.vector_load %arg5[%get3A_401, %get3A_402] {strides = array<i32>} : memref<16x1024xf32, #tpu.memory_space<vmem>>, vector<16xf32>,
        %add3A_404 = vector.broadcast %mul3A_339 : i32 to vector<16xi32>
        %add3A_405 = arith.addi %add3A_66, %add3A_404 : vector<16xi32>
        tpu.vector_store_idx %arg7[%add3A_405], %get3A_403 : memref<16384xf32, #tpu.memory_space<vmem>>[vector<16xi32>], vector<16xf32>,
        %get3A_406 = arith.constant 11 : i32
        %get3A_407 = arith.index_cast %get3A_406 : i32 to index
        %get3A_408 = arith.index_cast %mul3A_337 : i32 to index
        %get3A_409 = tpu.vector_load %arg5[%get3A_407, %get3A_408] {strides = array<i32>} : memref<16x1024xf32, #tpu.memory_space<vmem>>, vector<16xf32>,
        %add3A_410 = vector.broadcast %mul3A_339 : i32 to vector<16xi32>
        %add3A_411 = arith.addi %add3A_72, %add3A_410 : vector<16xi32>
        tpu.vector_store_idx %arg7[%add3A_411], %get3A_409 : memref<16384xf32, #tpu.memory_space<vmem>>[vector<16xi32>], vector<16xf32>,
        %get3A_412 = arith.constant 12 : i32
        %get3A_413 = arith.index_cast %get3A_412 : i32 to index
        %get3A_414 = arith.index_cast %mul3A_337 : i32 to index
        %get3A_415 = tpu.vector_load %arg5[%get3A_413, %get3A_414] {strides = array<i32>} : memref<16x1024xf32, #tpu.memory_space<vmem>>, vector<16xf32>,
        %add3A_416 = vector.broadcast %mul3A_339 : i32 to vector<16xi32>
        %add3A_417 = arith.addi %add3A_78, %add3A_416 : vector<16xi32>
        tpu.vector_store_idx %arg7[%add3A_417], %get3A_415 : memref<16384xf32, #tpu.memory_space<vmem>>[vector<16xi32>], vector<16xf32>,
        %get3A_418 = arith.constant 13 : i32
        %get3A_419 = arith.index_cast %get3A_418 : i32 to index
        %get3A_420 = arith.index_cast %mul3A_337 : i32 to index
        %get3A_421 = tpu.vector_load %arg5[%get3A_419, %get3A_420] {strides = array<i32>} : memref<16x1024xf32, #tpu.memory_space<vmem>>, vector<16xf32>,
        %add3A_422 = vector.broadcast %mul3A_339 : i32 to vector<16xi32>
        %add3A_423 = arith.addi %add3A_84, %add3A_422 : vector<16xi32>
        tpu.vector_store_idx %arg7[%add3A_423], %get3A_421 : memref<16384xf32, #tpu.memory_space<vmem>>[vector<16xi32>], vector<16xf32>,
        %get3A_424 = arith.constant 14 : i32
        %get3A_425 = arith.index_cast %get3A_424 : i32 to index
        %get3A_426 = arith.index_cast %mul3A_337 : i32 to index
        %get3A_427 = tpu.vector_load %arg5[%get3A_425, %get3A_426] {strides = array<i32>} : memref<16x1024xf32, #tpu.memory_space<vmem>>, vector<16xf32>,
        %add3A_428 = vector.broadcast %mul3A_339 : i32 to vector<16xi32>
        %add3A_429 = arith.addi %add3A_90, %add3A_428 : vector<16xi32>
        tpu.vector_store_idx %arg7[%add3A_429], %get3A_427 : memref<16384xf32, #tpu.memory_space<vmem>>[vector<16xi32>], vector<16xf32>,
        %get3A_430 = arith.constant 15 : i32
        %get3A_431 = arith.index_cast %get3A_430 : i32 to index
        %get3A_432 = arith.index_cast %mul3A_337 : i32 to index
        %get3A_433 = tpu.vector_load %arg5[%get3A_431, %get3A_432] {strides = array<i32>} : memref<16x1024xf32, #tpu.memory_space<vmem>>, vector<16xf32>,
        %add3A_434 = vector.broadcast %mul3A_339 : i32 to vector<16xi32>
        %add3A_435 = arith.addi %add3A_96, %add3A_434 : vector<16xi32>
        tpu.vector_store_idx %arg7[%add3A_435], %get3A_433 : memref<16384xf32, #tpu.memory_space<vmem>>[vector<16xi32>], vector<16xf32>,
        %scan3A_436 = arith.constant 2 : i32
        %scan3A_437 = arith.addi %scan3A_234, %scan3A_436 : i32
        %mul3A_438 = arith.constant 16 : i32
        %mul3A_439 = arith.muli %scan3A_437, %mul3A_438 : i32
        %mul3A_440 = arith.constant 256 : i32
        %mul3A_441 = arith.muli %scan3A_437, %mul3A_440 : i32
        %get3A_442 = arith.constant 0 : i32
        %get3A_443 = arith.index_cast %get3A_442 : i32 to index
        %get3A_444 = arith.index_cast %mul3A_439 : i32 to index
        %get3A_445 = tpu.vector_load %arg5[%get3A_443, %get3A_444] {strides = array<i32>} : memref<16x1024xf32, #tpu.memory_space<vmem>>, vector<16xf32>,
        %add3A_446 = vector.broadcast %mul3A_441 : i32 to vector<16xi32>
        %add3A_447 = arith.addi %add3A_6, %add3A_446 : vector<16xi32>
        tpu.vector_store_idx %arg7[%add3A_447], %get3A_445 : memref<16384xf32, #tpu.memory_space<vmem>>[vector<16xi32>], vector<16xf32>,
        %get3A_448 = arith.constant 1 : i32
        %get3A_449 = arith.index_cast %get3A_448 : i32 to index
        %get3A_450 = arith.index_cast %mul3A_439 : i32 to index
        %get3A_451 = tpu.vector_load %arg5[%get3A_449, %get3A_450] {strides = array<i32>} : memref<16x1024xf32, #tpu.memory_space<vmem>>, vector<16xf32>,
        %add3A_452 = vector.broadcast %mul3A_441 : i32 to vector<16xi32>
        %add3A_453 = arith.addi %add3A_12, %add3A_452 : vector<16xi32>
        tpu.vector_store_idx %arg7[%add3A_453], %get3A_451 : memref<16384xf32, #tpu.memory_space<vmem>>[vector<16xi32>], vector<16xf32>,
        %get3A_454 = arith.constant 2 : i32
        %get3A_455 = arith.index_cast %get3A_454 : i32 to index
        %get3A_456 = arith.index_cast %mul3A_439 : i32 to index
        %get3A_457 = tpu.vector_load %arg5[%get3A_455, %get3A_456] {strides = array<i32>} : memref<16x1024xf32, #tpu.memory_space<vmem>>, vector<16xf32>,
        %add3A_458 = vector.broadcast %mul3A_441 : i32 to vector<16xi32>
        %add3A_459 = arith.addi %add3A_18, %add3A_458 : vector<16xi32>
        tpu.vector_store_idx %arg7[%add3A_459], %get3A_457 : memref<16384xf32, #tpu.memory_space<vmem>>[vector<16xi32>], vector<16xf32>,
        %get3A_460 = arith.constant 3 : i32
        %get3A_461 = arith.index_cast %get3A_460 : i32 to index
        %get3A_462 = arith.index_cast %mul3A_439 : i32 to index
        %get3A_463 = tpu.vector_load %arg5[%get3A_461, %get3A_462] {strides = array<i32>} : memref<16x1024xf32, #tpu.memory_space<vmem>>, vector<16xf32>,
        %add3A_464 = vector.broadcast %mul3A_441 : i32 to vector<16xi32>
        %add3A_465 = arith.addi %add3A_24, %add3A_464 : vector<16xi32>
        tpu.vector_store_idx %arg7[%add3A_465], %get3A_463 : memref<16384xf32, #tpu.memory_space<vmem>>[vector<16xi32>], vector<16xf32>,
        %get3A_466 = arith.constant 4 : i32
        %get3A_467 = arith.index_cast %get3A_466 : i32 to index
        %get3A_468 = arith.index_cast %mul3A_439 : i32 to index
        %get3A_469 = tpu.vector_load %arg5[%get3A_467, %get3A_468] {strides = array<i32>} : memref<16x1024xf32, #tpu.memory_space<vmem>>, vector<16xf32>,
        %add3A_470 = vector.broadcast %mul3A_441 : i32 to vector<16xi32>
        %add3A_471 = arith.addi %add3A_30, %add3A_470 : vector<16xi32>
        tpu.vector_store_idx %arg7[%add3A_471], %get3A_469 : memref<16384xf32, #tpu.memory_space<vmem>>[vector<16xi32>], vector<16xf32>,
        %get3A_472 = arith.constant 5 : i32
        %get3A_473 = arith.index_cast %get3A_472 : i32 to index
        %get3A_474 = arith.index_cast %mul3A_439 : i32 to index
        %get3A_475 = tpu.vector_load %arg5[%get3A_473, %get3A_474] {strides = array<i32>} : memref<16x1024xf32, #tpu.memory_space<vmem>>, vector<16xf32>,
        %add3A_476 = vector.broadcast %mul3A_441 : i32 to vector<16xi32>
        %add3A_477 = arith.addi %add3A_36, %add3A_476 : vector<16xi32>
        tpu.vector_store_idx %arg7[%add3A_477], %get3A_475 : memref<16384xf32, #tpu.memory_space<vmem>>[vector<16xi32>], vector<16xf32>,
        %get3A_478 = arith.constant 6 : i32
        %get3A_479 = arith.index_cast %get3A_478 : i32 to index
        %get3A_480 = arith.index_cast %mul3A_439 : i32 to index
        %get3A_481 = tpu.vector_load %arg5[%get3A_479, %get3A_480] {strides = array<i32>} : memref<16x1024xf32, #tpu.memory_space<vmem>>, vector<16xf32>,
        %add3A_482 = vector.broadcast %mul3A_441 : i32 to vector<16xi32>
        %add3A_483 = arith.addi %add3A_42, %add3A_482 : vector<16xi32>
        tpu.vector_store_idx %arg7[%add3A_483], %get3A_481 : memref<16384xf32, #tpu.memory_space<vmem>>[vector<16xi32>], vector<16xf32>,
        %get3A_484 = arith.constant 7 : i32
        %get3A_485 = arith.index_cast %get3A_484 : i32 to index
        %get3A_486 = arith.index_cast %mul3A_439 : i32 to index
        %get3A_487 = tpu.vector_load %arg5[%get3A_485, %get3A_486] {strides = array<i32>} : memref<16x1024xf32, #tpu.memory_space<vmem>>, vector<16xf32>,
        %add3A_488 = vector.broadcast %mul3A_441 : i32 to vector<16xi32>
        %add3A_489 = arith.addi %add3A_48, %add3A_488 : vector<16xi32>
        tpu.vector_store_idx %arg7[%add3A_489], %get3A_487 : memref<16384xf32, #tpu.memory_space<vmem>>[vector<16xi32>], vector<16xf32>,
        %get3A_490 = arith.constant 8 : i32
        %get3A_491 = arith.index_cast %get3A_490 : i32 to index
        %get3A_492 = arith.index_cast %mul3A_439 : i32 to index
        %get3A_493 = tpu.vector_load %arg5[%get3A_491, %get3A_492] {strides = array<i32>} : memref<16x1024xf32, #tpu.memory_space<vmem>>, vector<16xf32>,
        %add3A_494 = vector.broadcast %mul3A_441 : i32 to vector<16xi32>
        %add3A_495 = arith.addi %add3A_54, %add3A_494 : vector<16xi32>
        tpu.vector_store_idx %arg7[%add3A_495], %get3A_493 : memref<16384xf32, #tpu.memory_space<vmem>>[vector<16xi32>], vector<16xf32>,
        %get3A_496 = arith.constant 9 : i32
        %get3A_497 = arith.index_cast %get3A_496 : i32 to index
        %get3A_498 = arith.index_cast %mul3A_439 : i32 to index
        %get3A_499 = tpu.vector_load %arg5[%get3A_497, %get3A_498] {strides = array<i32>} : memref<16x1024xf32, #tpu.memory_space<vmem>>, vector<16xf32>,
        %add3A_500 = vector.broadcast %mul3A_441 : i32 to vector<16xi32>
        %add3A_501 = arith.addi %add3A_60, %add3A_500 : vector<16xi32>
        tpu.vector_store_idx %arg7[%add3A_501], %get3A_499 : memref<16384xf32, #tpu.memory_space<vmem>>[vector<16xi32>], vector<16xf32>,
        %get3A_502 = arith.constant 10 : i32
        %get3A_503 = arith.index_cast %get3A_502 : i32 to index
        %get3A_504 = arith.index_cast %mul3A_439 : i32 to index
        %get3A_505 = tpu.vector_load %arg5[%get3A_503, %get3A_504] {strides = array<i32>} : memref<16x1024xf32, #tpu.memory_space<vmem>>, vector<16xf32>,
        %add3A_506 = vector.broadcast %mul3A_441 : i32 to vector<16xi32>
        %add3A_507 = arith.addi %add3A_66, %add3A_506 : vector<16xi32>
        tpu.vector_store_idx %arg7[%add3A_507], %get3A_505 : memref<16384xf32, #tpu.memory_space<vmem>>[vector<16xi32>], vector<16xf32>,
        %get3A_508 = arith.constant 11 : i32
        %get3A_509 = arith.index_cast %get3A_508 : i32 to index
        %get3A_510 = arith.index_cast %mul3A_439 : i32 to index
        %get3A_511 = tpu.vector_load %arg5[%get3A_509, %get3A_510] {strides = array<i32>} : memref<16x1024xf32, #tpu.memory_space<vmem>>, vector<16xf32>,
        %add3A_512 = vector.broadcast %mul3A_441 : i32 to vector<16xi32>
        %add3A_513 = arith.addi %add3A_72, %add3A_512 : vector<16xi32>
        tpu.vector_store_idx %arg7[%add3A_513], %get3A_511 : memref<16384xf32, #tpu.memory_space<vmem>>[vector<16xi32>], vector<16xf32>,
        %get3A_514 = arith.constant 12 : i32
        %get3A_515 = arith.index_cast %get3A_514 : i32 to index
        %get3A_516 = arith.index_cast %mul3A_439 : i32 to index
        %get3A_517 = tpu.vector_load %arg5[%get3A_515, %get3A_516] {strides = array<i32>} : memref<16x1024xf32, #tpu.memory_space<vmem>>, vector<16xf32>,
        %add3A_518 = vector.broadcast %mul3A_441 : i32 to vector<16xi32>
        %add3A_519 = arith.addi %add3A_78, %add3A_518 : vector<16xi32>
        tpu.vector_store_idx %arg7[%add3A_519], %get3A_517 : memref<16384xf32, #tpu.memory_space<vmem>>[vector<16xi32>], vector<16xf32>,
        %get3A_520 = arith.constant 13 : i32
        %get3A_521 = arith.index_cast %get3A_520 : i32 to index
        %get3A_522 = arith.index_cast %mul3A_439 : i32 to index
        %get3A_523 = tpu.vector_load %arg5[%get3A_521, %get3A_522] {strides = array<i32>} : memref<16x1024xf32, #tpu.memory_space<vmem>>, vector<16xf32>,
        %add3A_524 = vector.broadcast %mul3A_441 : i32 to vector<16xi32>
        %add3A_525 = arith.addi %add3A_84, %add3A_524 : vector<16xi32>
        tpu.vector_store_idx %arg7[%add3A_525], %get3A_523 : memref<16384xf32, #tpu.memory_space<vmem>>[vector<16xi32>], vector<16xf32>,
        %get3A_526 = arith.constant 14 : i32
        %get3A_527 = arith.index_cast %get3A_526 : i32 to index
        %get3A_528 = arith.index_cast %mul3A_439 : i32 to index
        %get3A_529 = tpu.vector_load %arg5[%get3A_527, %get3A_528] {strides = array<i32>} : memref<16x1024xf32, #tpu.memory_space<vmem>>, vector<16xf32>,
        %add3A_530 = vector.broadcast %mul3A_441 : i32 to vector<16xi32>
        %add3A_531 = arith.addi %add3A_90, %add3A_530 : vector<16xi32>
        tpu.vector_store_idx %arg7[%add3A_531], %get3A_529 : memref<16384xf32, #tpu.memory_space<vmem>>[vector<16xi32>], vector<16xf32>,
        %get3A_532 = arith.constant 15 : i32
        %get3A_533 = arith.index_cast %get3A_532 : i32 to index
        %get3A_534 = arith.index_cast %mul3A_439 : i32 to index
        %get3A_535 = tpu.vector_load %arg5[%get3A_533, %get3A_534] {strides = array<i32>} : memref<16x1024xf32, #tpu.memory_space<vmem>>, vector<16xf32>,
        %add3A_536 = vector.broadcast %mul3A_441 : i32 to vector<16xi32>
        %add3A_537 = arith.addi %add3A_96, %add3A_536 : vector<16xi32>
        tpu.vector_store_idx %arg7[%add3A_537], %get3A_535 : memref<16384xf32, #tpu.memory_space<vmem>>[vector<16xi32>], vector<16xf32>,
        %scan3A_538 = arith.constant 3 : i32
        %scan3A_539 = arith.addi %scan3A_234, %scan3A_538 : i32
        %mul3A_540 = arith.constant 16 : i32
        %mul3A_541 = arith.muli %scan3A_539, %mul3A_540 : i32
        %mul3A_542 = arith.constant 256 : i32
        %mul3A_543 = arith.muli %scan3A_539, %mul3A_542 : i32
        %get3A_544 = arith.constant 0 : i32
        %get3A_545 = arith.index_cast %get3A_544 : i32 to index
        %get3A_546 = arith.index_cast %mul3A_541 : i32 to index
        %get3A_547 = tpu.vector_load %arg5[%get3A_545, %get3A_546] {strides = array<i32>} : memref<16x1024xf32, #tpu.memory_space<vmem>>, vector<16xf32>,
        %add3A_548 = vector.broadcast %mul3A_543 : i32 to vector<16xi32>
        %add3A_549 = arith.addi %add3A_6, %add3A_548 : vector<16xi32>
        tpu.vector_store_idx %arg7[%add3A_549], %get3A_547 : memref<16384xf32, #tpu.memory_space<vmem>>[vector<16xi32>], vector<16xf32>,
        %get3A_550 = arith.constant 1 : i32
        %get3A_551 = arith.index_cast %get3A_550 : i32 to index
        %get3A_552 = arith.index_cast %mul3A_541 : i32 to index
        %get3A_553 = tpu.vector_load %arg5[%get3A_551, %get3A_552] {strides = array<i32>} : memref<16x1024xf32, #tpu.memory_space<vmem>>, vector<16xf32>,
        %add3A_554 = vector.broadcast %mul3A_543 : i32 to vector<16xi32>
        %add3A_555 = arith.addi %add3A_12, %add3A_554 : vector<16xi32>
        tpu.vector_store_idx %arg7[%add3A_555], %get3A_553 : memref<16384xf32, #tpu.memory_space<vmem>>[vector<16xi32>], vector<16xf32>,
        %get3A_556 = arith.constant 2 : i32
        %get3A_557 = arith.index_cast %get3A_556 : i32 to index
        %get3A_558 = arith.index_cast %mul3A_541 : i32 to index
        %get3A_559 = tpu.vector_load %arg5[%get3A_557, %get3A_558] {strides = array<i32>} : memref<16x1024xf32, #tpu.memory_space<vmem>>, vector<16xf32>,
        %add3A_560 = vector.broadcast %mul3A_543 : i32 to vector<16xi32>
        %add3A_561 = arith.addi %add3A_18, %add3A_560 : vector<16xi32>
        tpu.vector_store_idx %arg7[%add3A_561], %get3A_559 : memref<16384xf32, #tpu.memory_space<vmem>>[vector<16xi32>], vector<16xf32>,
        %get3A_562 = arith.constant 3 : i32
        %get3A_563 = arith.index_cast %get3A_562 : i32 to index
        %get3A_564 = arith.index_cast %mul3A_541 : i32 to index
        %get3A_565 = tpu.vector_load %arg5[%get3A_563, %get3A_564] {strides = array<i32>} : memref<16x1024xf32, #tpu.memory_space<vmem>>, vector<16xf32>,
        %add3A_566 = vector.broadcast %mul3A_543 : i32 to vector<16xi32>
        %add3A_567 = arith.addi %add3A_24, %add3A_566 : vector<16xi32>
        tpu.vector_store_idx %arg7[%add3A_567], %get3A_565 : memref<16384xf32, #tpu.memory_space<vmem>>[vector<16xi32>], vector<16xf32>,
        %get3A_568 = arith.constant 4 : i32
        %get3A_569 = arith.index_cast %get3A_568 : i32 to index
        %get3A_570 = arith.index_cast %mul3A_541 : i32 to index
        %get3A_571 = tpu.vector_load %arg5[%get3A_569, %get3A_570] {strides = array<i32>} : memref<16x1024xf32, #tpu.memory_space<vmem>>, vector<16xf32>,
        %add3A_572 = vector.broadcast %mul3A_543 : i32 to vector<16xi32>
        %add3A_573 = arith.addi %add3A_30, %add3A_572 : vector<16xi32>
        tpu.vector_store_idx %arg7[%add3A_573], %get3A_571 : memref<16384xf32, #tpu.memory_space<vmem>>[vector<16xi32>], vector<16xf32>,
        %get3A_574 = arith.constant 5 : i32
        %get3A_575 = arith.index_cast %get3A_574 : i32 to index
        %get3A_576 = arith.index_cast %mul3A_541 : i32 to index
        %get3A_577 = tpu.vector_load %arg5[%get3A_575, %get3A_576] {strides = array<i32>} : memref<16x1024xf32, #tpu.memory_space<vmem>>, vector<16xf32>,
        %add3A_578 = vector.broadcast %mul3A_543 : i32 to vector<16xi32>
        %add3A_579 = arith.addi %add3A_36, %add3A_578 : vector<16xi32>
        tpu.vector_store_idx %arg7[%add3A_579], %get3A_577 : memref<16384xf32, #tpu.memory_space<vmem>>[vector<16xi32>], vector<16xf32>,
        %get3A_580 = arith.constant 6 : i32
        %get3A_581 = arith.index_cast %get3A_580 : i32 to index
        %get3A_582 = arith.index_cast %mul3A_541 : i32 to index
        %get3A_583 = tpu.vector_load %arg5[%get3A_581, %get3A_582] {strides = array<i32>} : memref<16x1024xf32, #tpu.memory_space<vmem>>, vector<16xf32>,
        %add3A_584 = vector.broadcast %mul3A_543 : i32 to vector<16xi32>
        %add3A_585 = arith.addi %add3A_42, %add3A_584 : vector<16xi32>
        tpu.vector_store_idx %arg7[%add3A_585], %get3A_583 : memref<16384xf32, #tpu.memory_space<vmem>>[vector<16xi32>], vector<16xf32>,
        %get3A_586 = arith.constant 7 : i32
        %get3A_587 = arith.index_cast %get3A_586 : i32 to index
        %get3A_588 = arith.index_cast %mul3A_541 : i32 to index
        %get3A_589 = tpu.vector_load %arg5[%get3A_587, %get3A_588] {strides = array<i32>} : memref<16x1024xf32, #tpu.memory_space<vmem>>, vector<16xf32>,
        %add3A_590 = vector.broadcast %mul3A_543 : i32 to vector<16xi32>
        %add3A_591 = arith.addi %add3A_48, %add3A_590 : vector<16xi32>
        tpu.vector_store_idx %arg7[%add3A_591], %get3A_589 : memref<16384xf32, #tpu.memory_space<vmem>>[vector<16xi32>], vector<16xf32>,
        %get3A_592 = arith.constant 8 : i32
        %get3A_593 = arith.index_cast %get3A_592 : i32 to index
        %get3A_594 = arith.index_cast %mul3A_541 : i32 to index
        %get3A_595 = tpu.vector_load %arg5[%get3A_593, %get3A_594] {strides = array<i32>} : memref<16x1024xf32, #tpu.memory_space<vmem>>, vector<16xf32>,
        %add3A_596 = vector.broadcast %mul3A_543 : i32 to vector<16xi32>
        %add3A_597 = arith.addi %add3A_54, %add3A_596 : vector<16xi32>
        tpu.vector_store_idx %arg7[%add3A_597], %get3A_595 : memref<16384xf32, #tpu.memory_space<vmem>>[vector<16xi32>], vector<16xf32>,
        %get3A_598 = arith.constant 9 : i32
        %get3A_599 = arith.index_cast %get3A_598 : i32 to index
        %get3A_600 = arith.index_cast %mul3A_541 : i32 to index
        %get3A_601 = tpu.vector_load %arg5[%get3A_599, %get3A_600] {strides = array<i32>} : memref<16x1024xf32, #tpu.memory_space<vmem>>, vector<16xf32>,
        %add3A_602 = vector.broadcast %mul3A_543 : i32 to vector<16xi32>
        %add3A_603 = arith.addi %add3A_60, %add3A_602 : vector<16xi32>
        tpu.vector_store_idx %arg7[%add3A_603], %get3A_601 : memref<16384xf32, #tpu.memory_space<vmem>>[vector<16xi32>], vector<16xf32>,
        %get3A_604 = arith.constant 10 : i32
        %get3A_605 = arith.index_cast %get3A_604 : i32 to index
        %get3A_606 = arith.index_cast %mul3A_541 : i32 to index
        %get3A_607 = tpu.vector_load %arg5[%get3A_605, %get3A_606] {strides = array<i32>} : memref<16x1024xf32, #tpu.memory_space<vmem>>, vector<16xf32>,
        %add3A_608 = vector.broadcast %mul3A_543 : i32 to vector<16xi32>
        %add3A_609 = arith.addi %add3A_66, %add3A_608 : vector<16xi32>
        tpu.vector_store_idx %arg7[%add3A_609], %get3A_607 : memref<16384xf32, #tpu.memory_space<vmem>>[vector<16xi32>], vector<16xf32>,
        %get3A_610 = arith.constant 11 : i32
        %get3A_611 = arith.index_cast %get3A_610 : i32 to index
        %get3A_612 = arith.index_cast %mul3A_541 : i32 to index
        %get3A_613 = tpu.vector_load %arg5[%get3A_611, %get3A_612] {strides = array<i32>} : memref<16x1024xf32, #tpu.memory_space<vmem>>, vector<16xf32>,
        %add3A_614 = vector.broadcast %mul3A_543 : i32 to vector<16xi32>
        %add3A_615 = arith.addi %add3A_72, %add3A_614 : vector<16xi32>
        tpu.vector_store_idx %arg7[%add3A_615], %get3A_613 : memref<16384xf32, #tpu.memory_space<vmem>>[vector<16xi32>], vector<16xf32>,
        %get3A_616 = arith.constant 12 : i32
        %get3A_617 = arith.index_cast %get3A_616 : i32 to index
        %get3A_618 = arith.index_cast %mul3A_541 : i32 to index
        %get3A_619 = tpu.vector_load %arg5[%get3A_617, %get3A_618] {strides = array<i32>} : memref<16x1024xf32, #tpu.memory_space<vmem>>, vector<16xf32>,
        %add3A_620 = vector.broadcast %mul3A_543 : i32 to vector<16xi32>
        %add3A_621 = arith.addi %add3A_78, %add3A_620 : vector<16xi32>
        tpu.vector_store_idx %arg7[%add3A_621], %get3A_619 : memref<16384xf32, #tpu.memory_space<vmem>>[vector<16xi32>], vector<16xf32>,
        %get3A_622 = arith.constant 13 : i32
        %get3A_623 = arith.index_cast %get3A_622 : i32 to index
        %get3A_624 = arith.index_cast %mul3A_541 : i32 to index
        %get3A_625 = tpu.vector_load %arg5[%get3A_623, %get3A_624] {strides = array<i32>} : memref<16x1024xf32, #tpu.memory_space<vmem>>, vector<16xf32>,
        %add3A_626 = vector.broadcast %mul3A_543 : i32 to vector<16xi32>
        %add3A_627 = arith.addi %add3A_84, %add3A_626 : vector<16xi32>
        tpu.vector_store_idx %arg7[%add3A_627], %get3A_625 : memref<16384xf32, #tpu.memory_space<vmem>>[vector<16xi32>], vector<16xf32>,
        %get3A_628 = arith.constant 14 : i32
        %get3A_629 = arith.index_cast %get3A_628 : i32 to index
        %get3A_630 = arith.index_cast %mul3A_541 : i32 to index
        %get3A_631 = tpu.vector_load %arg5[%get3A_629, %get3A_630] {strides = array<i32>} : memref<16x1024xf32, #tpu.memory_space<vmem>>, vector<16xf32>,
        %add3A_632 = vector.broadcast %mul3A_543 : i32 to vector<16xi32>
        %add3A_633 = arith.addi %add3A_90, %add3A_632 : vector<16xi32>
        tpu.vector_store_idx %arg7[%add3A_633], %get3A_631 : memref<16384xf32, #tpu.memory_space<vmem>>[vector<16xi32>], vector<16xf32>,
        %get3A_634 = arith.constant 15 : i32
        %get3A_635 = arith.index_cast %get3A_634 : i32 to index
        %get3A_636 = arith.index_cast %mul3A_541 : i32 to index
        %get3A_637 = tpu.vector_load %arg5[%get3A_635, %get3A_636] {strides = array<i32>} : memref<16x1024xf32, #tpu.memory_space<vmem>>, vector<16xf32>,
        %add3A_638 = vector.broadcast %mul3A_543 : i32 to vector<16xi32>
        %add3A_639 = arith.addi %add3A_96, %add3A_638 : vector<16xi32>
        tpu.vector_store_idx %arg7[%add3A_639], %get3A_637 : memref<16384xf32, #tpu.memory_space<vmem>>[vector<16xi32>], vector<16xf32>,
      }
      %scan3A_177 = arith.constant 64 : i32
      %mul3A_178 = arith.constant 32 : i32
      %mul3A_179 = arith.muli %mul3A_138, %mul3A_178 : i32
      %add3A_180 = arith.addi %add3A, %mul3A_179 : i32
      %mul3A_181 = arith.constant 1024 : i32
      %mul3A_182 = arith.muli %add3A_180, %mul3A_181 : i32
      %mul3A_183 = arith.constant 16 : i32
      %mul3A_184 = arith.muli %mul3A_182, %mul3A_183 : i32
      %dma_start3A_185 = arith.constant 0 : i32
      %dma_start3A_186 = tpu.memref_slice %arg7[%dma_start3A_185] : memref<16384xf32, #tpu.memory_space<vmem>> -> memref<16384xf32, #tpu.memory_space<vmem>>
      %dma_start3A_187 = tpu.memref_slice %arg4[%mul3A_184] : memref<16000000xf32, #tpu.memory_space<hbm>> -> memref<16384xf32, #tpu.memory_space<hbm>>
      %dma_start3A_188 = tpu.memref_slice %arg4[%mul3A_184] : memref<16000000xf32, #tpu.memory_space<hbm>> -> memref<16384xf32, #tpu.memory_space<hbm>>
      %dma_start3A_189 = arith.constant 0 : i32
      %dma_start3A_190 = tpu.memref_slice %arg7[%dma_start3A_189] : memref<16384xf32, #tpu.memory_space<vmem>> -> memref<16384xf32, #tpu.memory_space<vmem>>
      tpu.enqueue_dma source(%dma_start3A_190 : memref<16384xf32, #tpu.memory_space<vmem>>) target(%dma_start3A_188 : memref<16384xf32, #tpu.memory_space<hbm>>) target_semaphore(%arg11 : memref<!tpu.dma_semaphore, #tpu.memory_space<semaphore_mem>>)
      %lt3A_191 = arith.constant 14 : i32
      %lt3A_192 = arith.cmpi slt, %scan3A_136, %lt3A_191 : i32
      %convert_element_type3A_193 = arith.extui %lt3A_192 : i1 to i32
      %cond3A_194 = arith.constant 0 : i32
      %cond3A_195 = arith.cmpi ne, %convert_element_type3A_193, %cond3A_194 : i32
      scf.if %cond3A_195 {
        %add3A_234 = arith.constant 2 : i32
        %add3A_235 = arith.addi %mul3A_138, %add3A_234 : i32
        %mul3A_236 = arith.constant 32 : i32
        %mul3A_237 = arith.muli %add3A_235, %mul3A_236 : i32
        %add3A_238 = arith.addi %add3A, %mul3A_237 : i32
        %mul3A_239 = arith.constant 1024 : i32
        %mul3A_240 = arith.muli %add3A_238, %mul3A_239 : i32
        %dma_start3A_241 = arith.constant 0 : i32
        %dma_start3A_242 = arith.constant 0 : i32
        %dma_start3A_243 = tpu.memref_slice %arg5[%dma_start3A_241, %dma_start3A_242] : memref<16x1024xf32, #tpu.memory_space<vmem>> -> memref<16x1024xf32, #tpu.memory_space<vmem>>
        %dma_start3A_244 = arith.constant 0 : i32
        %dma_start3A_245 = tpu.memref_slice %arg2[%dma_start3A_244, %mul3A_240] : memref<16x1000000xf32, #tpu.memory_space<hbm>> -> memref<16x1024xf32, #tpu.memory_space<hbm>>
        %dma_start3A_246 = arith.constant 0 : i32
        %dma_start3A_247 = arith.constant 0 : i32
        %dma_start3A_248 = tpu.memref_slice %arg5[%dma_start3A_246, %dma_start3A_247] : memref<16x1024xf32, #tpu.memory_space<vmem>> -> memref<16x1024xf32, #tpu.memory_space<vmem>>
        %dma_start3A_249 = arith.constant 0 : i32
        %dma_start3A_250 = tpu.memref_slice %arg2[%dma_start3A_249, %mul3A_240] : memref<16x1000000xf32, #tpu.memory_space<hbm>> -> memref<16x1024xf32, #tpu.memory_space<hbm>>
        tpu.enqueue_dma source(%dma_start3A_250 : memref<16x1024xf32, #tpu.memory_space<hbm>>) target(%dma_start3A_248 : memref<16x1024xf32, #tpu.memory_space<vmem>>) target_semaphore(%arg9 : memref<!tpu.dma_semaphore, #tpu.memory_space<semaphore_mem>>)
      } else {
      }
      %dma_wait3A_196 = arith.constant 0 : i32
      %dma_wait3A_197 = arith.constant 0 : i32
      %dma_wait3A_198 = tpu.memref_slice %arg6[%dma_wait3A_196, %dma_wait3A_197] : memref<16x1024xf32, #tpu.memory_space<vmem>> -> memref<16x1024xf32, #tpu.memory_space<vmem>>
      %dma_wait3A_199 = arith.constant 0 : i32
      %dma_wait3A_200 = arith.constant 0 : i32
      %dma_wait3A_201 = tpu.memref_slice %arg2[%dma_wait3A_199, %dma_wait3A_200] : memref<16x1000000xf32, #tpu.memory_space<hbm>> -> memref<16x1024xf32, #tpu.memory_space<hbm>>
      %dma_wait3A_202 = arith.constant 0 : i32
      %dma_wait3A_203 = arith.constant 0 : i32
      %dma_wait3A_204 = tpu.memref_slice %arg6[%dma_wait3A_202, %dma_wait3A_203] : memref<16x1024xf32, #tpu.memory_space<vmem>> -> memref<16x1024xf32, #tpu.memory_space<vmem>>
      %dma_wait3A_205 = arith.constant 0 : i32
      %dma_wait3A_206 = arith.constant 0 : i32
      %dma_wait3A_207 = tpu.memref_slice %arg2[%dma_wait3A_205, %dma_wait3A_206] : memref<16x1000000xf32, #tpu.memory_space<hbm>> -> memref<16x1024xf32, #tpu.memory_space<hbm>>
      tpu.wait_dma2 semaphore(%arg10 : memref<!tpu.dma_semaphore, #tpu.memory_space<semaphore_mem>>) src(%dma_wait3A_207 : memref<16x1024xf32, #tpu.memory_space<hbm>>) dst(%dma_wait3A_204 : memref<16x1024xf32, #tpu.memory_space<vmem>>)
      %gt3A_208 = arith.constant 0 : i32
      %gt3A_209 = arith.cmpi sgt, %scan3A_136, %gt3A_208 : i32
      %convert_element_type3A_210 = arith.extui %gt3A_209 : i1 to i32
      %cond3A_211 = arith.constant 0 : i32
      %cond3A_212 = arith.cmpi ne, %convert_element_type3A_210, %cond3A_211 : i32
      scf.if %cond3A_212 {
        %dma_wait3A_234 = arith.constant 0 : i32
        %dma_wait3A_235 = tpu.memref_slice %arg8[%dma_wait3A_234] : memref<16384xf32, #tpu.memory_space<vmem>> -> memref<16384xf32, #tpu.memory_space<vmem>>
        %dma_wait3A_236 = arith.constant 0 : i32
        %dma_wait3A_237 = tpu.memref_slice %arg4[%dma_wait3A_236] : memref<16000000xf32, #tpu.memory_space<hbm>> -> memref<16384xf32, #tpu.memory_space<hbm>>
        %dma_wait3A_238 = arith.constant 0 : i32
        %dma_wait3A_239 = tpu.memref_slice %arg4[%dma_wait3A_238] : memref<16000000xf32, #tpu.memory_space<hbm>> -> memref<16384xf32, #tpu.memory_space<hbm>>
        %dma_wait3A_240 = arith.constant 0 : i32
        %dma_wait3A_241 = tpu.memref_slice %arg8[%dma_wait3A_240] : memref<16384xf32, #tpu.memory_space<vmem>> -> memref<16384xf32, #tpu.memory_space<vmem>>
        tpu.wait_dma2 semaphore(%arg12 : memref<!tpu.dma_semaphore, #tpu.memory_space<semaphore_mem>>) src(%dma_wait3A_241 : memref<16384xf32, #tpu.memory_space<vmem>>) dst(%dma_wait3A_239 : memref<16384xf32, #tpu.memory_space<hbm>>)
      } else {
      }
      %scan3A_213 = arith.constant 0 : i32
      %scan3A_214 = arith.constant 0 : i32
      %scan3A_215 = arith.constant 64 : i32
      %scan3A_216 = arith.addi %scan3A_214, %scan3A_215 : i32
      %scan3A_217 = arith.constant 4 : i32
      scf.for %scan3A_234 = %scan3A_214 to %scan3A_216 step %scan3A_217  : i32 {
        %mul3A_235 = arith.constant 16 : i32
        %mul3A_236 = arith.muli %scan3A_234, %mul3A_235 : i32
        %mul3A_237 = arith.constant 256 : i32
        %mul3A_238 = arith.muli %scan3A_234, %mul3A_237 : i32
        %get3A = arith.constant 0 : i32
        %get3A_239 = arith.index_cast %get3A : i32 to index
        %get3A_240 = arith.index_cast %mul3A_236 : i32 to index
        %get3A_241 = tpu.vector_load %arg6[%get3A_239, %get3A_240] {strides = array<i32>} : memref<16x1024xf32, #tpu.memory_space<vmem>>, vector<16xf32>,
        %add3A_242 = vector.broadcast %mul3A_238 : i32 to vector<16xi32>
        %add3A_243 = arith.addi %add3A_6, %add3A_242 : vector<16xi32>
        tpu.vector_store_idx %arg8[%add3A_243], %get3A_241 : memref<16384xf32, #tpu.memory_space<vmem>>[vector<16xi32>], vector<16xf32>,
        %get3A_244 = arith.constant 1 : i32
        %get3A_245 = arith.index_cast %get3A_244 : i32 to index
        %get3A_246 = arith.index_cast %mul3A_236 : i32 to index
        %get3A_247 = tpu.vector_load %arg6[%get3A_245, %get3A_246] {strides = array<i32>} : memref<16x1024xf32, #tpu.memory_space<vmem>>, vector<16xf32>,
        %add3A_248 = vector.broadcast %mul3A_238 : i32 to vector<16xi32>
        %add3A_249 = arith.addi %add3A_12, %add3A_248 : vector<16xi32>
        tpu.vector_store_idx %arg8[%add3A_249], %get3A_247 : memref<16384xf32, #tpu.memory_space<vmem>>[vector<16xi32>], vector<16xf32>,
        %get3A_250 = arith.constant 2 : i32
        %get3A_251 = arith.index_cast %get3A_250 : i32 to index
        %get3A_252 = arith.index_cast %mul3A_236 : i32 to index
        %get3A_253 = tpu.vector_load %arg6[%get3A_251, %get3A_252] {strides = array<i32>} : memref<16x1024xf32, #tpu.memory_space<vmem>>, vector<16xf32>,
        %add3A_254 = vector.broadcast %mul3A_238 : i32 to vector<16xi32>
        %add3A_255 = arith.addi %add3A_18, %add3A_254 : vector<16xi32>
        tpu.vector_store_idx %arg8[%add3A_255], %get3A_253 : memref<16384xf32, #tpu.memory_space<vmem>>[vector<16xi32>], vector<16xf32>,
        %get3A_256 = arith.constant 3 : i32
        %get3A_257 = arith.index_cast %get3A_256 : i32 to index
        %get3A_258 = arith.index_cast %mul3A_236 : i32 to index
        %get3A_259 = tpu.vector_load %arg6[%get3A_257, %get3A_258] {strides = array<i32>} : memref<16x1024xf32, #tpu.memory_space<vmem>>, vector<16xf32>,
        %add3A_260 = vector.broadcast %mul3A_238 : i32 to vector<16xi32>
        %add3A_261 = arith.addi %add3A_24, %add3A_260 : vector<16xi32>
        tpu.vector_store_idx %arg8[%add3A_261], %get3A_259 : memref<16384xf32, #tpu.memory_space<vmem>>[vector<16xi32>], vector<16xf32>,
        %get3A_262 = arith.constant 4 : i32
        %get3A_263 = arith.index_cast %get3A_262 : i32 to index
        %get3A_264 = arith.index_cast %mul3A_236 : i32 to index
        %get3A_265 = tpu.vector_load %arg6[%get3A_263, %get3A_264] {strides = array<i32>} : memref<16x1024xf32, #tpu.memory_space<vmem>>, vector<16xf32>,
        %add3A_266 = vector.broadcast %mul3A_238 : i32 to vector<16xi32>
        %add3A_267 = arith.addi %add3A_30, %add3A_266 : vector<16xi32>
        tpu.vector_store_idx %arg8[%add3A_267], %get3A_265 : memref<16384xf32, #tpu.memory_space<vmem>>[vector<16xi32>], vector<16xf32>,
        %get3A_268 = arith.constant 5 : i32
        %get3A_269 = arith.index_cast %get3A_268 : i32 to index
        %get3A_270 = arith.index_cast %mul3A_236 : i32 to index
        %get3A_271 = tpu.vector_load %arg6[%get3A_269, %get3A_270] {strides = array<i32>} : memref<16x1024xf32, #tpu.memory_space<vmem>>, vector<16xf32>,
        %add3A_272 = vector.broadcast %mul3A_238 : i32 to vector<16xi32>
        %add3A_273 = arith.addi %add3A_36, %add3A_272 : vector<16xi32>
        tpu.vector_store_idx %arg8[%add3A_273], %get3A_271 : memref<16384xf32, #tpu.memory_space<vmem>>[vector<16xi32>], vector<16xf32>,
        %get3A_274 = arith.constant 6 : i32
        %get3A_275 = arith.index_cast %get3A_274 : i32 to index
        %get3A_276 = arith.index_cast %mul3A_236 : i32 to index
        %get3A_277 = tpu.vector_load %arg6[%get3A_275, %get3A_276] {strides = array<i32>} : memref<16x1024xf32, #tpu.memory_space<vmem>>, vector<16xf32>,
        %add3A_278 = vector.broadcast %mul3A_238 : i32 to vector<16xi32>
        %add3A_279 = arith.addi %add3A_42, %add3A_278 : vector<16xi32>
        tpu.vector_store_idx %arg8[%add3A_279], %get3A_277 : memref<16384xf32, #tpu.memory_space<vmem>>[vector<16xi32>], vector<16xf32>,
        %get3A_280 = arith.constant 7 : i32
        %get3A_281 = arith.index_cast %get3A_280 : i32 to index
        %get3A_282 = arith.index_cast %mul3A_236 : i32 to index
        %get3A_283 = tpu.vector_load %arg6[%get3A_281, %get3A_282] {strides = array<i32>} : memref<16x1024xf32, #tpu.memory_space<vmem>>, vector<16xf32>,
        %add3A_284 = vector.broadcast %mul3A_238 : i32 to vector<16xi32>
        %add3A_285 = arith.addi %add3A_48, %add3A_284 : vector<16xi32>
        tpu.vector_store_idx %arg8[%add3A_285], %get3A_283 : memref<16384xf32, #tpu.memory_space<vmem>>[vector<16xi32>], vector<16xf32>,
        %get3A_286 = arith.constant 8 : i32
        %get3A_287 = arith.index_cast %get3A_286 : i32 to index
        %get3A_288 = arith.index_cast %mul3A_236 : i32 to index
        %get3A_289 = tpu.vector_load %arg6[%get3A_287, %get3A_288] {strides = array<i32>} : memref<16x1024xf32, #tpu.memory_space<vmem>>, vector<16xf32>,
        %add3A_290 = vector.broadcast %mul3A_238 : i32 to vector<16xi32>
        %add3A_291 = arith.addi %add3A_54, %add3A_290 : vector<16xi32>
        tpu.vector_store_idx %arg8[%add3A_291], %get3A_289 : memref<16384xf32, #tpu.memory_space<vmem>>[vector<16xi32>], vector<16xf32>,
        %get3A_292 = arith.constant 9 : i32
        %get3A_293 = arith.index_cast %get3A_292 : i32 to index
        %get3A_294 = arith.index_cast %mul3A_236 : i32 to index
        %get3A_295 = tpu.vector_load %arg6[%get3A_293, %get3A_294] {strides = array<i32>} : memref<16x1024xf32, #tpu.memory_space<vmem>>, vector<16xf32>,
        %add3A_296 = vector.broadcast %mul3A_238 : i32 to vector<16xi32>
        %add3A_297 = arith.addi %add3A_60, %add3A_296 : vector<16xi32>
        tpu.vector_store_idx %arg8[%add3A_297], %get3A_295 : memref<16384xf32, #tpu.memory_space<vmem>>[vector<16xi32>], vector<16xf32>,
        %get3A_298 = arith.constant 10 : i32
        %get3A_299 = arith.index_cast %get3A_298 : i32 to index
        %get3A_300 = arith.index_cast %mul3A_236 : i32 to index
        %get3A_301 = tpu.vector_load %arg6[%get3A_299, %get3A_300] {strides = array<i32>} : memref<16x1024xf32, #tpu.memory_space<vmem>>, vector<16xf32>,
        %add3A_302 = vector.broadcast %mul3A_238 : i32 to vector<16xi32>
        %add3A_303 = arith.addi %add3A_66, %add3A_302 : vector<16xi32>
        tpu.vector_store_idx %arg8[%add3A_303], %get3A_301 : memref<16384xf32, #tpu.memory_space<vmem>>[vector<16xi32>], vector<16xf32>,
        %get3A_304 = arith.constant 11 : i32
        %get3A_305 = arith.index_cast %get3A_304 : i32 to index
        %get3A_306 = arith.index_cast %mul3A_236 : i32 to index
        %get3A_307 = tpu.vector_load %arg6[%get3A_305, %get3A_306] {strides = array<i32>} : memref<16x1024xf32, #tpu.memory_space<vmem>>, vector<16xf32>,
        %add3A_308 = vector.broadcast %mul3A_238 : i32 to vector<16xi32>
        %add3A_309 = arith.addi %add3A_72, %add3A_308 : vector<16xi32>
        tpu.vector_store_idx %arg8[%add3A_309], %get3A_307 : memref<16384xf32, #tpu.memory_space<vmem>>[vector<16xi32>], vector<16xf32>,
        %get3A_310 = arith.constant 12 : i32
        %get3A_311 = arith.index_cast %get3A_310 : i32 to index
        %get3A_312 = arith.index_cast %mul3A_236 : i32 to index
        %get3A_313 = tpu.vector_load %arg6[%get3A_311, %get3A_312] {strides = array<i32>} : memref<16x1024xf32, #tpu.memory_space<vmem>>, vector<16xf32>,
        %add3A_314 = vector.broadcast %mul3A_238 : i32 to vector<16xi32>
        %add3A_315 = arith.addi %add3A_78, %add3A_314 : vector<16xi32>
        tpu.vector_store_idx %arg8[%add3A_315], %get3A_313 : memref<16384xf32, #tpu.memory_space<vmem>>[vector<16xi32>], vector<16xf32>,
        %get3A_316 = arith.constant 13 : i32
        %get3A_317 = arith.index_cast %get3A_316 : i32 to index
        %get3A_318 = arith.index_cast %mul3A_236 : i32 to index
        %get3A_319 = tpu.vector_load %arg6[%get3A_317, %get3A_318] {strides = array<i32>} : memref<16x1024xf32, #tpu.memory_space<vmem>>, vector<16xf32>,
        %add3A_320 = vector.broadcast %mul3A_238 : i32 to vector<16xi32>
        %add3A_321 = arith.addi %add3A_84, %add3A_320 : vector<16xi32>
        tpu.vector_store_idx %arg8[%add3A_321], %get3A_319 : memref<16384xf32, #tpu.memory_space<vmem>>[vector<16xi32>], vector<16xf32>,
        %get3A_322 = arith.constant 14 : i32
        %get3A_323 = arith.index_cast %get3A_322 : i32 to index
        %get3A_324 = arith.index_cast %mul3A_236 : i32 to index
        %get3A_325 = tpu.vector_load %arg6[%get3A_323, %get3A_324] {strides = array<i32>} : memref<16x1024xf32, #tpu.memory_space<vmem>>, vector<16xf32>,
        %add3A_326 = vector.broadcast %mul3A_238 : i32 to vector<16xi32>
        %add3A_327 = arith.addi %add3A_90, %add3A_326 : vector<16xi32>
        tpu.vector_store_idx %arg8[%add3A_327], %get3A_325 : memref<16384xf32, #tpu.memory_space<vmem>>[vector<16xi32>], vector<16xf32>,
        %get3A_328 = arith.constant 15 : i32
        %get3A_329 = arith.index_cast %get3A_328 : i32 to index
        %get3A_330 = arith.index_cast %mul3A_236 : i32 to index
        %get3A_331 = tpu.vector_load %arg6[%get3A_329, %get3A_330] {strides = array<i32>} : memref<16x1024xf32, #tpu.memory_space<vmem>>, vector<16xf32>,
        %add3A_332 = vector.broadcast %mul3A_238 : i32 to vector<16xi32>
        %add3A_333 = arith.addi %add3A_96, %add3A_332 : vector<16xi32>
        tpu.vector_store_idx %arg8[%add3A_333], %get3A_331 : memref<16384xf32, #tpu.memory_space<vmem>>[vector<16xi32>], vector<16xf32>,
        %scan3A_334 = arith.constant 1 : i32
        %scan3A_335 = arith.addi %scan3A_234, %scan3A_334 : i32
        %mul3A_336 = arith.constant 16 : i32
        %mul3A_337 = arith.muli %scan3A_335, %mul3A_336 : i32
        %mul3A_338 = arith.constant 256 : i32
        %mul3A_339 = arith.muli %scan3A_335, %mul3A_338 : i32
        %get3A_340 = arith.constant 0 : i32
        %get3A_341 = arith.index_cast %get3A_340 : i32 to index
        %get3A_342 = arith.index_cast %mul3A_337 : i32 to index
        %get3A_343 = tpu.vector_load %arg6[%get3A_341, %get3A_342] {strides = array<i32>} : memref<16x1024xf32, #tpu.memory_space<vmem>>, vector<16xf32>,
        %add3A_344 = vector.broadcast %mul3A_339 : i32 to vector<16xi32>
        %add3A_345 = arith.addi %add3A_6, %add3A_344 : vector<16xi32>
        tpu.vector_store_idx %arg8[%add3A_345], %get3A_343 : memref<16384xf32, #tpu.memory_space<vmem>>[vector<16xi32>], vector<16xf32>,
        %get3A_346 = arith.constant 1 : i32
        %get3A_347 = arith.index_cast %get3A_346 : i32 to index
        %get3A_348 = arith.index_cast %mul3A_337 : i32 to index
        %get3A_349 = tpu.vector_load %arg6[%get3A_347, %get3A_348] {strides = array<i32>} : memref<16x1024xf32, #tpu.memory_space<vmem>>, vector<16xf32>,
        %add3A_350 = vector.broadcast %mul3A_339 : i32 to vector<16xi32>
        %add3A_351 = arith.addi %add3A_12, %add3A_350 : vector<16xi32>
        tpu.vector_store_idx %arg8[%add3A_351], %get3A_349 : memref<16384xf32, #tpu.memory_space<vmem>>[vector<16xi32>], vector<16xf32>,
        %get3A_352 = arith.constant 2 : i32
        %get3A_353 = arith.index_cast %get3A_352 : i32 to index
        %get3A_354 = arith.index_cast %mul3A_337 : i32 to index
        %get3A_355 = tpu.vector_load %arg6[%get3A_353, %get3A_354] {strides = array<i32>} : memref<16x1024xf32, #tpu.memory_space<vmem>>, vector<16xf32>,
        %add3A_356 = vector.broadcast %mul3A_339 : i32 to vector<16xi32>
        %add3A_357 = arith.addi %add3A_18, %add3A_356 : vector<16xi32>
        tpu.vector_store_idx %arg8[%add3A_357], %get3A_355 : memref<16384xf32, #tpu.memory_space<vmem>>[vector<16xi32>], vector<16xf32>,
        %get3A_358 = arith.constant 3 : i32
        %get3A_359 = arith.index_cast %get3A_358 : i32 to index
        %get3A_360 = arith.index_cast %mul3A_337 : i32 to index
        %get3A_361 = tpu.vector_load %arg6[%get3A_359, %get3A_360] {strides = array<i32>} : memref<16x1024xf32, #tpu.memory_space<vmem>>, vector<16xf32>,
        %add3A_362 = vector.broadcast %mul3A_339 : i32 to vector<16xi32>
        %add3A_363 = arith.addi %add3A_24, %add3A_362 : vector<16xi32>
        tpu.vector_store_idx %arg8[%add3A_363], %get3A_361 : memref<16384xf32, #tpu.memory_space<vmem>>[vector<16xi32>], vector<16xf32>,
        %get3A_364 = arith.constant 4 : i32
        %get3A_365 = arith.index_cast %get3A_364 : i32 to index
        %get3A_366 = arith.index_cast %mul3A_337 : i32 to index
        %get3A_367 = tpu.vector_load %arg6[%get3A_365, %get3A_366] {strides = array<i32>} : memref<16x1024xf32, #tpu.memory_space<vmem>>, vector<16xf32>,
        %add3A_368 = vector.broadcast %mul3A_339 : i32 to vector<16xi32>
        %add3A_369 = arith.addi %add3A_30, %add3A_368 : vector<16xi32>
        tpu.vector_store_idx %arg8[%add3A_369], %get3A_367 : memref<16384xf32, #tpu.memory_space<vmem>>[vector<16xi32>], vector<16xf32>,
        %get3A_370 = arith.constant 5 : i32
        %get3A_371 = arith.index_cast %get3A_370 : i32 to index
        %get3A_372 = arith.index_cast %mul3A_337 : i32 to index
        %get3A_373 = tpu.vector_load %arg6[%get3A_371, %get3A_372] {strides = array<i32>} : memref<16x1024xf32, #tpu.memory_space<vmem>>, vector<16xf32>,
        %add3A_374 = vector.broadcast %mul3A_339 : i32 to vector<16xi32>
        %add3A_375 = arith.addi %add3A_36, %add3A_374 : vector<16xi32>
        tpu.vector_store_idx %arg8[%add3A_375], %get3A_373 : memref<16384xf32, #tpu.memory_space<vmem>>[vector<16xi32>], vector<16xf32>,
        %get3A_376 = arith.constant 6 : i32
        %get3A_377 = arith.index_cast %get3A_376 : i32 to index
        %get3A_378 = arith.index_cast %mul3A_337 : i32 to index
        %get3A_379 = tpu.vector_load %arg6[%get3A_377, %get3A_378] {strides = array<i32>} : memref<16x1024xf32, #tpu.memory_space<vmem>>, vector<16xf32>,
        %add3A_380 = vector.broadcast %mul3A_339 : i32 to vector<16xi32>
        %add3A_381 = arith.addi %add3A_42, %add3A_380 : vector<16xi32>
        tpu.vector_store_idx %arg8[%add3A_381], %get3A_379 : memref<16384xf32, #tpu.memory_space<vmem>>[vector<16xi32>], vector<16xf32>,
        %get3A_382 = arith.constant 7 : i32
        %get3A_383 = arith.index_cast %get3A_382 : i32 to index
        %get3A_384 = arith.index_cast %mul3A_337 : i32 to index
        %get3A_385 = tpu.vector_load %arg6[%get3A_383, %get3A_384] {strides = array<i32>} : memref<16x1024xf32, #tpu.memory_space<vmem>>, vector<16xf32>,
        %add3A_386 = vector.broadcast %mul3A_339 : i32 to vector<16xi32>
        %add3A_387 = arith.addi %add3A_48, %add3A_386 : vector<16xi32>
        tpu.vector_store_idx %arg8[%add3A_387], %get3A_385 : memref<16384xf32, #tpu.memory_space<vmem>>[vector<16xi32>], vector<16xf32>,
        %get3A_388 = arith.constant 8 : i32
        %get3A_389 = arith.index_cast %get3A_388 : i32 to index
        %get3A_390 = arith.index_cast %mul3A_337 : i32 to index
        %get3A_391 = tpu.vector_load %arg6[%get3A_389, %get3A_390] {strides = array<i32>} : memref<16x1024xf32, #tpu.memory_space<vmem>>, vector<16xf32>,
        %add3A_392 = vector.broadcast %mul3A_339 : i32 to vector<16xi32>
        %add3A_393 = arith.addi %add3A_54, %add3A_392 : vector<16xi32>
        tpu.vector_store_idx %arg8[%add3A_393], %get3A_391 : memref<16384xf32, #tpu.memory_space<vmem>>[vector<16xi32>], vector<16xf32>,
        %get3A_394 = arith.constant 9 : i32
        %get3A_395 = arith.index_cast %get3A_394 : i32 to index
        %get3A_396 = arith.index_cast %mul3A_337 : i32 to index
        %get3A_397 = tpu.vector_load %arg6[%get3A_395, %get3A_396] {strides = array<i32>} : memref<16x1024xf32, #tpu.memory_space<vmem>>, vector<16xf32>,
        %add3A_398 = vector.broadcast %mul3A_339 : i32 to vector<16xi32>
        %add3A_399 = arith.addi %add3A_60, %add3A_398 : vector<16xi32>
        tpu.vector_store_idx %arg8[%add3A_399], %get3A_397 : memref<16384xf32, #tpu.memory_space<vmem>>[vector<16xi32>], vector<16xf32>,
        %get3A_400 = arith.constant 10 : i32
        %get3A_401 = arith.index_cast %get3A_400 : i32 to index
        %get3A_402 = arith.index_cast %mul3A_337 : i32 to index
        %get3A_403 = tpu.vector_load %arg6[%get3A_401, %get3A_402] {strides = array<i32>} : memref<16x1024xf32, #tpu.memory_space<vmem>>, vector<16xf32>,
        %add3A_404 = vector.broadcast %mul3A_339 : i32 to vector<16xi32>
        %add3A_405 = arith.addi %add3A_66, %add3A_404 : vector<16xi32>
        tpu.vector_store_idx %arg8[%add3A_405], %get3A_403 : memref<16384xf32, #tpu.memory_space<vmem>>[vector<16xi32>], vector<16xf32>,
        %get3A_406 = arith.constant 11 : i32
        %get3A_407 = arith.index_cast %get3A_406 : i32 to index
        %get3A_408 = arith.index_cast %mul3A_337 : i32 to index
        %get3A_409 = tpu.vector_load %arg6[%get3A_407, %get3A_408] {strides = array<i32>} : memref<16x1024xf32, #tpu.memory_space<vmem>>, vector<16xf32>,
        %add3A_410 = vector.broadcast %mul3A_339 : i32 to vector<16xi32>
        %add3A_411 = arith.addi %add3A_72, %add3A_410 : vector<16xi32>
        tpu.vector_store_idx %arg8[%add3A_411], %get3A_409 : memref<16384xf32, #tpu.memory_space<vmem>>[vector<16xi32>], vector<16xf32>,
        %get3A_412 = arith.constant 12 : i32
        %get3A_413 = arith.index_cast %get3A_412 : i32 to index
        %get3A_414 = arith.index_cast %mul3A_337 : i32 to index
        %get3A_415 = tpu.vector_load %arg6[%get3A_413, %get3A_414] {strides = array<i32>} : memref<16x1024xf32, #tpu.memory_space<vmem>>, vector<16xf32>,
        %add3A_416 = vector.broadcast %mul3A_339 : i32 to vector<16xi32>
        %add3A_417 = arith.addi %add3A_78, %add3A_416 : vector<16xi32>
        tpu.vector_store_idx %arg8[%add3A_417], %get3A_415 : memref<16384xf32, #tpu.memory_space<vmem>>[vector<16xi32>], vector<16xf32>,
        %get3A_418 = arith.constant 13 : i32
        %get3A_419 = arith.index_cast %get3A_418 : i32 to index
        %get3A_420 = arith.index_cast %mul3A_337 : i32 to index
        %get3A_421 = tpu.vector_load %arg6[%get3A_419, %get3A_420] {strides = array<i32>} : memref<16x1024xf32, #tpu.memory_space<vmem>>, vector<16xf32>,
        %add3A_422 = vector.broadcast %mul3A_339 : i32 to vector<16xi32>
        %add3A_423 = arith.addi %add3A_84, %add3A_422 : vector<16xi32>
        tpu.vector_store_idx %arg8[%add3A_423], %get3A_421 : memref<16384xf32, #tpu.memory_space<vmem>>[vector<16xi32>], vector<16xf32>,
        %get3A_424 = arith.constant 14 : i32
        %get3A_425 = arith.index_cast %get3A_424 : i32 to index
        %get3A_426 = arith.index_cast %mul3A_337 : i32 to index
        %get3A_427 = tpu.vector_load %arg6[%get3A_425, %get3A_426] {strides = array<i32>} : memref<16x1024xf32, #tpu.memory_space<vmem>>, vector<16xf32>,
        %add3A_428 = vector.broadcast %mul3A_339 : i32 to vector<16xi32>
        %add3A_429 = arith.addi %add3A_90, %add3A_428 : vector<16xi32>
        tpu.vector_store_idx %arg8[%add3A_429], %get3A_427 : memref<16384xf32, #tpu.memory_space<vmem>>[vector<16xi32>], vector<16xf32>,
        %get3A_430 = arith.constant 15 : i32
        %get3A_431 = arith.index_cast %get3A_430 : i32 to index
        %get3A_432 = arith.index_cast %mul3A_337 : i32 to index
        %get3A_433 = tpu.vector_load %arg6[%get3A_431, %get3A_432] {strides = array<i32>} : memref<16x1024xf32, #tpu.memory_space<vmem>>, vector<16xf32>,
        %add3A_434 = vector.broadcast %mul3A_339 : i32 to vector<16xi32>
        %add3A_435 = arith.addi %add3A_96, %add3A_434 : vector<16xi32>
        tpu.vector_store_idx %arg8[%add3A_435], %get3A_433 : memref<16384xf32, #tpu.memory_space<vmem>>[vector<16xi32>], vector<16xf32>,
        %scan3A_436 = arith.constant 2 : i32
        %scan3A_437 = arith.addi %scan3A_234, %scan3A_436 : i32
        %mul3A_438 = arith.constant 16 : i32
        %mul3A_439 = arith.muli %scan3A_437, %mul3A_438 : i32
        %mul3A_440 = arith.constant 256 : i32
        %mul3A_441 = arith.muli %scan3A_437, %mul3A_440 : i32
        %get3A_442 = arith.constant 0 : i32
        %get3A_443 = arith.index_cast %get3A_442 : i32 to index
        %get3A_444 = arith.index_cast %mul3A_439 : i32 to index
        %get3A_445 = tpu.vector_load %arg6[%get3A_443, %get3A_444] {strides = array<i32>} : memref<16x1024xf32, #tpu.memory_space<vmem>>, vector<16xf32>,
        %add3A_446 = vector.broadcast %mul3A_441 : i32 to vector<16xi32>
        %add3A_447 = arith.addi %add3A_6, %add3A_446 : vector<16xi32>
        tpu.vector_store_idx %arg8[%add3A_447], %get3A_445 : memref<16384xf32, #tpu.memory_space<vmem>>[vector<16xi32>], vector<16xf32>,
        %get3A_448 = arith.constant 1 : i32
        %get3A_449 = arith.index_cast %get3A_448 : i32 to index
        %get3A_450 = arith.index_cast %mul3A_439 : i32 to index
        %get3A_451 = tpu.vector_load %arg6[%get3A_449, %get3A_450] {strides = array<i32>} : memref<16x1024xf32, #tpu.memory_space<vmem>>, vector<16xf32>,
        %add3A_452 = vector.broadcast %mul3A_441 : i32 to vector<16xi32>
        %add3A_453 = arith.addi %add3A_12, %add3A_452 : vector<16xi32>
        tpu.vector_store_idx %arg8[%add3A_453], %get3A_451 : memref<16384xf32, #tpu.memory_space<vmem>>[vector<16xi32>], vector<16xf32>,
        %get3A_454 = arith.constant 2 : i32
        %get3A_455 = arith.index_cast %get3A_454 : i32 to index
        %get3A_456 = arith.index_cast %mul3A_439 : i32 to index
        %get3A_457 = tpu.vector_load %arg6[%get3A_455, %get3A_456] {strides = array<i32>} : memref<16x1024xf32, #tpu.memory_space<vmem>>, vector<16xf32>,
        %add3A_458 = vector.broadcast %mul3A_441 : i32 to vector<16xi32>
        %add3A_459 = arith.addi %add3A_18, %add3A_458 : vector<16xi32>
        tpu.vector_store_idx %arg8[%add3A_459], %get3A_457 : memref<16384xf32, #tpu.memory_space<vmem>>[vector<16xi32>], vector<16xf32>,
        %get3A_460 = arith.constant 3 : i32
        %get3A_461 = arith.index_cast %get3A_460 : i32 to index
        %get3A_462 = arith.index_cast %mul3A_439 : i32 to index
        %get3A_463 = tpu.vector_load %arg6[%get3A_461, %get3A_462] {strides = array<i32>} : memref<16x1024xf32, #tpu.memory_space<vmem>>, vector<16xf32>,
        %add3A_464 = vector.broadcast %mul3A_441 : i32 to vector<16xi32>
        %add3A_465 = arith.addi %add3A_24, %add3A_464 : vector<16xi32>
        tpu.vector_store_idx %arg8[%add3A_465], %get3A_463 : memref<16384xf32, #tpu.memory_space<vmem>>[vector<16xi32>], vector<16xf32>,
        %get3A_466 = arith.constant 4 : i32
        %get3A_467 = arith.index_cast %get3A_466 : i32 to index
        %get3A_468 = arith.index_cast %mul3A_439 : i32 to index
        %get3A_469 = tpu.vector_load %arg6[%get3A_467, %get3A_468] {strides = array<i32>} : memref<16x1024xf32, #tpu.memory_space<vmem>>, vector<16xf32>,
        %add3A_470 = vector.broadcast %mul3A_441 : i32 to vector<16xi32>
        %add3A_471 = arith.addi %add3A_30, %add3A_470 : vector<16xi32>
        tpu.vector_store_idx %arg8[%add3A_471], %get3A_469 : memref<16384xf32, #tpu.memory_space<vmem>>[vector<16xi32>], vector<16xf32>,
        %get3A_472 = arith.constant 5 : i32
        %get3A_473 = arith.index_cast %get3A_472 : i32 to index
        %get3A_474 = arith.index_cast %mul3A_439 : i32 to index
        %get3A_475 = tpu.vector_load %arg6[%get3A_473, %get3A_474] {strides = array<i32>} : memref<16x1024xf32, #tpu.memory_space<vmem>>, vector<16xf32>,
        %add3A_476 = vector.broadcast %mul3A_441 : i32 to vector<16xi32>
        %add3A_477 = arith.addi %add3A_36, %add3A_476 : vector<16xi32>
        tpu.vector_store_idx %arg8[%add3A_477], %get3A_475 : memref<16384xf32, #tpu.memory_space<vmem>>[vector<16xi32>], vector<16xf32>,
        %get3A_478 = arith.constant 6 : i32
        %get3A_479 = arith.index_cast %get3A_478 : i32 to index
        %get3A_480 = arith.index_cast %mul3A_439 : i32 to index
        %get3A_481 = tpu.vector_load %arg6[%get3A_479, %get3A_480] {strides = array<i32>} : memref<16x1024xf32, #tpu.memory_space<vmem>>, vector<16xf32>,
        %add3A_482 = vector.broadcast %mul3A_441 : i32 to vector<16xi32>
        %add3A_483 = arith.addi %add3A_42, %add3A_482 : vector<16xi32>
        tpu.vector_store_idx %arg8[%add3A_483], %get3A_481 : memref<16384xf32, #tpu.memory_space<vmem>>[vector<16xi32>], vector<16xf32>,
        %get3A_484 = arith.constant 7 : i32
        %get3A_485 = arith.index_cast %get3A_484 : i32 to index
        %get3A_486 = arith.index_cast %mul3A_439 : i32 to index
        %get3A_487 = tpu.vector_load %arg6[%get3A_485, %get3A_486] {strides = array<i32>} : memref<16x1024xf32, #tpu.memory_space<vmem>>, vector<16xf32>,
        %add3A_488 = vector.broadcast %mul3A_441 : i32 to vector<16xi32>
        %add3A_489 = arith.addi %add3A_48, %add3A_488 : vector<16xi32>
        tpu.vector_store_idx %arg8[%add3A_489], %get3A_487 : memref<16384xf32, #tpu.memory_space<vmem>>[vector<16xi32>], vector<16xf32>,
        %get3A_490 = arith.constant 8 : i32
        %get3A_491 = arith.index_cast %get3A_490 : i32 to index
        %get3A_492 = arith.index_cast %mul3A_439 : i32 to index
        %get3A_493 = tpu.vector_load %arg6[%get3A_491, %get3A_492] {strides = array<i32>} : memref<16x1024xf32, #tpu.memory_space<vmem>>, vector<16xf32>,
        %add3A_494 = vector.broadcast %mul3A_441 : i32 to vector<16xi32>
        %add3A_495 = arith.addi %add3A_54, %add3A_494 : vector<16xi32>
        tpu.vector_store_idx %arg8[%add3A_495], %get3A_493 : memref<16384xf32, #tpu.memory_space<vmem>>[vector<16xi32>], vector<16xf32>,
        %get3A_496 = arith.constant 9 : i32
        %get3A_497 = arith.index_cast %get3A_496 : i32 to index
        %get3A_498 = arith.index_cast %mul3A_439 : i32 to index
        %get3A_499 = tpu.vector_load %arg6[%get3A_497, %get3A_498] {strides = array<i32>} : memref<16x1024xf32, #tpu.memory_space<vmem>>, vector<16xf32>,
        %add3A_500 = vector.broadcast %mul3A_441 : i32 to vector<16xi32>
        %add3A_501 = arith.addi %add3A_60, %add3A_500 : vector<16xi32>
        tpu.vector_store_idx %arg8[%add3A_501], %get3A_499 : memref<16384xf32, #tpu.memory_space<vmem>>[vector<16xi32>], vector<16xf32>,
        %get3A_502 = arith.constant 10 : i32
        %get3A_503 = arith.index_cast %get3A_502 : i32 to index
        %get3A_504 = arith.index_cast %mul3A_439 : i32 to index
        %get3A_505 = tpu.vector_load %arg6[%get3A_503, %get3A_504] {strides = array<i32>} : memref<16x1024xf32, #tpu.memory_space<vmem>>, vector<16xf32>,
        %add3A_506 = vector.broadcast %mul3A_441 : i32 to vector<16xi32>
        %add3A_507 = arith.addi %add3A_66, %add3A_506 : vector<16xi32>
        tpu.vector_store_idx %arg8[%add3A_507], %get3A_505 : memref<16384xf32, #tpu.memory_space<vmem>>[vector<16xi32>], vector<16xf32>,
        %get3A_508 = arith.constant 11 : i32
        %get3A_509 = arith.index_cast %get3A_508 : i32 to index
        %get3A_510 = arith.index_cast %mul3A_439 : i32 to index
        %get3A_511 = tpu.vector_load %arg6[%get3A_509, %get3A_510] {strides = array<i32>} : memref<16x1024xf32, #tpu.memory_space<vmem>>, vector<16xf32>,
        %add3A_512 = vector.broadcast %mul3A_441 : i32 to vector<16xi32>
        %add3A_513 = arith.addi %add3A_72, %add3A_512 : vector<16xi32>
        tpu.vector_store_idx %arg8[%add3A_513], %get3A_511 : memref<16384xf32, #tpu.memory_space<vmem>>[vector<16xi32>], vector<16xf32>,
        %get3A_514 = arith.constant 12 : i32
        %get3A_515 = arith.index_cast %get3A_514 : i32 to index
        %get3A_516 = arith.index_cast %mul3A_439 : i32 to index
        %get3A_517 = tpu.vector_load %arg6[%get3A_515, %get3A_516] {strides = array<i32>} : memref<16x1024xf32, #tpu.memory_space<vmem>>, vector<16xf32>,
        %add3A_518 = vector.broadcast %mul3A_441 : i32 to vector<16xi32>
        %add3A_519 = arith.addi %add3A_78, %add3A_518 : vector<16xi32>
        tpu.vector_store_idx %arg8[%add3A_519], %get3A_517 : memref<16384xf32, #tpu.memory_space<vmem>>[vector<16xi32>], vector<16xf32>,
        %get3A_520 = arith.constant 13 : i32
        %get3A_521 = arith.index_cast %get3A_520 : i32 to index
        %get3A_522 = arith.index_cast %mul3A_439 : i32 to index
        %get3A_523 = tpu.vector_load %arg6[%get3A_521, %get3A_522] {strides = array<i32>} : memref<16x1024xf32, #tpu.memory_space<vmem>>, vector<16xf32>,
        %add3A_524 = vector.broadcast %mul3A_441 : i32 to vector<16xi32>
        %add3A_525 = arith.addi %add3A_84, %add3A_524 : vector<16xi32>
        tpu.vector_store_idx %arg8[%add3A_525], %get3A_523 : memref<16384xf32, #tpu.memory_space<vmem>>[vector<16xi32>], vector<16xf32>,
        %get3A_526 = arith.constant 14 : i32
        %get3A_527 = arith.index_cast %get3A_526 : i32 to index
        %get3A_528 = arith.index_cast %mul3A_439 : i32 to index
        %get3A_529 = tpu.vector_load %arg6[%get3A_527, %get3A_528] {strides = array<i32>} : memref<16x1024xf32, #tpu.memory_space<vmem>>, vector<16xf32>,
        %add3A_530 = vector.broadcast %mul3A_441 : i32 to vector<16xi32>
        %add3A_531 = arith.addi %add3A_90, %add3A_530 : vector<16xi32>
        tpu.vector_store_idx %arg8[%add3A_531], %get3A_529 : memref<16384xf32, #tpu.memory_space<vmem>>[vector<16xi32>], vector<16xf32>,
        %get3A_532 = arith.constant 15 : i32
        %get3A_533 = arith.index_cast %get3A_532 : i32 to index
        %get3A_534 = arith.index_cast %mul3A_439 : i32 to index
        %get3A_535 = tpu.vector_load %arg6[%get3A_533, %get3A_534] {strides = array<i32>} : memref<16x1024xf32, #tpu.memory_space<vmem>>, vector<16xf32>,
        %add3A_536 = vector.broadcast %mul3A_441 : i32 to vector<16xi32>
        %add3A_537 = arith.addi %add3A_96, %add3A_536 : vector<16xi32>
        tpu.vector_store_idx %arg8[%add3A_537], %get3A_535 : memref<16384xf32, #tpu.memory_space<vmem>>[vector<16xi32>], vector<16xf32>,
        %scan3A_538 = arith.constant 3 : i32
        %scan3A_539 = arith.addi %scan3A_234, %scan3A_538 : i32
        %mul3A_540 = arith.constant 16 : i32
        %mul3A_541 = arith.muli %scan3A_539, %mul3A_540 : i32
        %mul3A_542 = arith.constant 256 : i32
        %mul3A_543 = arith.muli %scan3A_539, %mul3A_542 : i32
        %get3A_544 = arith.constant 0 : i32
        %get3A_545 = arith.index_cast %get3A_544 : i32 to index
        %get3A_546 = arith.index_cast %mul3A_541 : i32 to index
        %get3A_547 = tpu.vector_load %arg6[%get3A_545, %get3A_546] {strides = array<i32>} : memref<16x1024xf32, #tpu.memory_space<vmem>>, vector<16xf32>,
        %add3A_548 = vector.broadcast %mul3A_543 : i32 to vector<16xi32>
        %add3A_549 = arith.addi %add3A_6, %add3A_548 : vector<16xi32>
        tpu.vector_store_idx %arg8[%add3A_549], %get3A_547 : memref<16384xf32, #tpu.memory_space<vmem>>[vector<16xi32>], vector<16xf32>,
        %get3A_550 = arith.constant 1 : i32
        %get3A_551 = arith.index_cast %get3A_550 : i32 to index
        %get3A_552 = arith.index_cast %mul3A_541 : i32 to index
        %get3A_553 = tpu.vector_load %arg6[%get3A_551, %get3A_552] {strides = array<i32>} : memref<16x1024xf32, #tpu.memory_space<vmem>>, vector<16xf32>,
        %add3A_554 = vector.broadcast %mul3A_543 : i32 to vector<16xi32>
        %add3A_555 = arith.addi %add3A_12, %add3A_554 : vector<16xi32>
        tpu.vector_store_idx %arg8[%add3A_555], %get3A_553 : memref<16384xf32, #tpu.memory_space<vmem>>[vector<16xi32>], vector<16xf32>,
        %get3A_556 = arith.constant 2 : i32
        %get3A_557 = arith.index_cast %get3A_556 : i32 to index
        %get3A_558 = arith.index_cast %mul3A_541 : i32 to index
        %get3A_559 = tpu.vector_load %arg6[%get3A_557, %get3A_558] {strides = array<i32>} : memref<16x1024xf32, #tpu.memory_space<vmem>>, vector<16xf32>,
        %add3A_560 = vector.broadcast %mul3A_543 : i32 to vector<16xi32>
        %add3A_561 = arith.addi %add3A_18, %add3A_560 : vector<16xi32>
        tpu.vector_store_idx %arg8[%add3A_561], %get3A_559 : memref<16384xf32, #tpu.memory_space<vmem>>[vector<16xi32>], vector<16xf32>,
        %get3A_562 = arith.constant 3 : i32
        %get3A_563 = arith.index_cast %get3A_562 : i32 to index
        %get3A_564 = arith.index_cast %mul3A_541 : i32 to index
        %get3A_565 = tpu.vector_load %arg6[%get3A_563, %get3A_564] {strides = array<i32>} : memref<16x1024xf32, #tpu.memory_space<vmem>>, vector<16xf32>,
        %add3A_566 = vector.broadcast %mul3A_543 : i32 to vector<16xi32>
        %add3A_567 = arith.addi %add3A_24, %add3A_566 : vector<16xi32>
        tpu.vector_store_idx %arg8[%add3A_567], %get3A_565 : memref<16384xf32, #tpu.memory_space<vmem>>[vector<16xi32>], vector<16xf32>,
        %get3A_568 = arith.constant 4 : i32
        %get3A_569 = arith.index_cast %get3A_568 : i32 to index
        %get3A_570 = arith.index_cast %mul3A_541 : i32 to index
        %get3A_571 = tpu.vector_load %arg6[%get3A_569, %get3A_570] {strides = array<i32>} : memref<16x1024xf32, #tpu.memory_space<vmem>>, vector<16xf32>,
        %add3A_572 = vector.broadcast %mul3A_543 : i32 to vector<16xi32>
        %add3A_573 = arith.addi %add3A_30, %add3A_572 : vector<16xi32>
        tpu.vector_store_idx %arg8[%add3A_573], %get3A_571 : memref<16384xf32, #tpu.memory_space<vmem>>[vector<16xi32>], vector<16xf32>,
        %get3A_574 = arith.constant 5 : i32
        %get3A_575 = arith.index_cast %get3A_574 : i32 to index
        %get3A_576 = arith.index_cast %mul3A_541 : i32 to index
        %get3A_577 = tpu.vector_load %arg6[%get3A_575, %get3A_576] {strides = array<i32>} : memref<16x1024xf32, #tpu.memory_space<vmem>>, vector<16xf32>,
        %add3A_578 = vector.broadcast %mul3A_543 : i32 to vector<16xi32>
        %add3A_579 = arith.addi %add3A_36, %add3A_578 : vector<16xi32>
        tpu.vector_store_idx %arg8[%add3A_579], %get3A_577 : memref<16384xf32, #tpu.memory_space<vmem>>[vector<16xi32>], vector<16xf32>,
        %get3A_580 = arith.constant 6 : i32
        %get3A_581 = arith.index_cast %get3A_580 : i32 to index
        %get3A_582 = arith.index_cast %mul3A_541 : i32 to index
        %get3A_583 = tpu.vector_load %arg6[%get3A_581, %get3A_582] {strides = array<i32>} : memref<16x1024xf32, #tpu.memory_space<vmem>>, vector<16xf32>,
        %add3A_584 = vector.broadcast %mul3A_543 : i32 to vector<16xi32>
        %add3A_585 = arith.addi %add3A_42, %add3A_584 : vector<16xi32>
        tpu.vector_store_idx %arg8[%add3A_585], %get3A_583 : memref<16384xf32, #tpu.memory_space<vmem>>[vector<16xi32>], vector<16xf32>,
        %get3A_586 = arith.constant 7 : i32
        %get3A_587 = arith.index_cast %get3A_586 : i32 to index
        %get3A_588 = arith.index_cast %mul3A_541 : i32 to index
        %get3A_589 = tpu.vector_load %arg6[%get3A_587, %get3A_588] {strides = array<i32>} : memref<16x1024xf32, #tpu.memory_space<vmem>>, vector<16xf32>,
        %add3A_590 = vector.broadcast %mul3A_543 : i32 to vector<16xi32>
        %add3A_591 = arith.addi %add3A_48, %add3A_590 : vector<16xi32>
        tpu.vector_store_idx %arg8[%add3A_591], %get3A_589 : memref<16384xf32, #tpu.memory_space<vmem>>[vector<16xi32>], vector<16xf32>,
        %get3A_592 = arith.constant 8 : i32
        %get3A_593 = arith.index_cast %get3A_592 : i32 to index
        %get3A_594 = arith.index_cast %mul3A_541 : i32 to index
        %get3A_595 = tpu.vector_load %arg6[%get3A_593, %get3A_594] {strides = array<i32>} : memref<16x1024xf32, #tpu.memory_space<vmem>>, vector<16xf32>,
        %add3A_596 = vector.broadcast %mul3A_543 : i32 to vector<16xi32>
        %add3A_597 = arith.addi %add3A_54, %add3A_596 : vector<16xi32>
        tpu.vector_store_idx %arg8[%add3A_597], %get3A_595 : memref<16384xf32, #tpu.memory_space<vmem>>[vector<16xi32>], vector<16xf32>,
        %get3A_598 = arith.constant 9 : i32
        %get3A_599 = arith.index_cast %get3A_598 : i32 to index
        %get3A_600 = arith.index_cast %mul3A_541 : i32 to index
        %get3A_601 = tpu.vector_load %arg6[%get3A_599, %get3A_600] {strides = array<i32>} : memref<16x1024xf32, #tpu.memory_space<vmem>>, vector<16xf32>,
        %add3A_602 = vector.broadcast %mul3A_543 : i32 to vector<16xi32>
        %add3A_603 = arith.addi %add3A_60, %add3A_602 : vector<16xi32>
        tpu.vector_store_idx %arg8[%add3A_603], %get3A_601 : memref<16384xf32, #tpu.memory_space<vmem>>[vector<16xi32>], vector<16xf32>,
        %get3A_604 = arith.constant 10 : i32
        %get3A_605 = arith.index_cast %get3A_604 : i32 to index
        %get3A_606 = arith.index_cast %mul3A_541 : i32 to index
        %get3A_607 = tpu.vector_load %arg6[%get3A_605, %get3A_606] {strides = array<i32>} : memref<16x1024xf32, #tpu.memory_space<vmem>>, vector<16xf32>,
        %add3A_608 = vector.broadcast %mul3A_543 : i32 to vector<16xi32>
        %add3A_609 = arith.addi %add3A_66, %add3A_608 : vector<16xi32>
        tpu.vector_store_idx %arg8[%add3A_609], %get3A_607 : memref<16384xf32, #tpu.memory_space<vmem>>[vector<16xi32>], vector<16xf32>,
        %get3A_610 = arith.constant 11 : i32
        %get3A_611 = arith.index_cast %get3A_610 : i32 to index
        %get3A_612 = arith.index_cast %mul3A_541 : i32 to index
        %get3A_613 = tpu.vector_load %arg6[%get3A_611, %get3A_612] {strides = array<i32>} : memref<16x1024xf32, #tpu.memory_space<vmem>>, vector<16xf32>,
        %add3A_614 = vector.broadcast %mul3A_543 : i32 to vector<16xi32>
        %add3A_615 = arith.addi %add3A_72, %add3A_614 : vector<16xi32>
        tpu.vector_store_idx %arg8[%add3A_615], %get3A_613 : memref<16384xf32, #tpu.memory_space<vmem>>[vector<16xi32>], vector<16xf32>,
        %get3A_616 = arith.constant 12 : i32
        %get3A_617 = arith.index_cast %get3A_616 : i32 to index
        %get3A_618 = arith.index_cast %mul3A_541 : i32 to index
        %get3A_619 = tpu.vector_load %arg6[%get3A_617, %get3A_618] {strides = array<i32>} : memref<16x1024xf32, #tpu.memory_space<vmem>>, vector<16xf32>,
        %add3A_620 = vector.broadcast %mul3A_543 : i32 to vector<16xi32>
        %add3A_621 = arith.addi %add3A_78, %add3A_620 : vector<16xi32>
        tpu.vector_store_idx %arg8[%add3A_621], %get3A_619 : memref<16384xf32, #tpu.memory_space<vmem>>[vector<16xi32>], vector<16xf32>,
        %get3A_622 = arith.constant 13 : i32
        %get3A_623 = arith.index_cast %get3A_622 : i32 to index
        %get3A_624 = arith.index_cast %mul3A_541 : i32 to index
        %get3A_625 = tpu.vector_load %arg6[%get3A_623, %get3A_624] {strides = array<i32>} : memref<16x1024xf32, #tpu.memory_space<vmem>>, vector<16xf32>,
        %add3A_626 = vector.broadcast %mul3A_543 : i32 to vector<16xi32>
        %add3A_627 = arith.addi %add3A_84, %add3A_626 : vector<16xi32>
        tpu.vector_store_idx %arg8[%add3A_627], %get3A_625 : memref<16384xf32, #tpu.memory_space<vmem>>[vector<16xi32>], vector<16xf32>,
        %get3A_628 = arith.constant 14 : i32
        %get3A_629 = arith.index_cast %get3A_628 : i32 to index
        %get3A_630 = arith.index_cast %mul3A_541 : i32 to index
        %get3A_631 = tpu.vector_load %arg6[%get3A_629, %get3A_630] {strides = array<i32>} : memref<16x1024xf32, #tpu.memory_space<vmem>>, vector<16xf32>,
        %add3A_632 = vector.broadcast %mul3A_543 : i32 to vector<16xi32>
        %add3A_633 = arith.addi %add3A_90, %add3A_632 : vector<16xi32>
        tpu.vector_store_idx %arg8[%add3A_633], %get3A_631 : memref<16384xf32, #tpu.memory_space<vmem>>[vector<16xi32>], vector<16xf32>,
        %get3A_634 = arith.constant 15 : i32
        %get3A_635 = arith.index_cast %get3A_634 : i32 to index
        %get3A_636 = arith.index_cast %mul3A_541 : i32 to index
        %get3A_637 = tpu.vector_load %arg6[%get3A_635, %get3A_636] {strides = array<i32>} : memref<16x1024xf32, #tpu.memory_space<vmem>>, vector<16xf32>,
        %add3A_638 = vector.broadcast %mul3A_543 : i32 to vector<16xi32>
        %add3A_639 = arith.addi %add3A_96, %add3A_638 : vector<16xi32>
        tpu.vector_store_idx %arg8[%add3A_639], %get3A_637 : memref<16384xf32, #tpu.memory_space<vmem>>[vector<16xi32>], vector<16xf32>,
      }
      %scan3A_218 = arith.constant 64 : i32
      %add3A_219 = arith.constant 1 : i32
      %add3A_220 = arith.addi %mul3A_138, %add3A_219 : i32
      %mul3A_221 = arith.constant 32 : i32
      %mul3A_222 = arith.muli %add3A_220, %mul3A_221 : i32
      %add3A_223 = arith.addi %add3A, %mul3A_222 : i32
      %mul3A_224 = arith.constant 1024 : i32
      %mul3A_225 = arith.muli %add3A_223, %mul3A_224 : i32
      %mul3A_226 = arith.constant 16 : i32
      %mul3A_227 = arith.muli %mul3A_225, %mul3A_226 : i32
      %dma_start3A_228 = arith.constant 0 : i32
      %dma_start3A_229 = tpu.memref_slice %arg8[%dma_start3A_228] : memref<16384xf32, #tpu.memory_space<vmem>> -> memref<16384xf32, #tpu.memory_space<vmem>>
      %dma_start3A_230 = tpu.memref_slice %arg4[%mul3A_227] : memref<16000000xf32, #tpu.memory_space<hbm>> -> memref<16384xf32, #tpu.memory_space<hbm>>
      %dma_start3A_231 = tpu.memref_slice %arg4[%mul3A_227] : memref<16000000xf32, #tpu.memory_space<hbm>> -> memref<16384xf32, #tpu.memory_space<hbm>>
      %dma_start3A_232 = arith.constant 0 : i32
      %dma_start3A_233 = tpu.memref_slice %arg8[%dma_start3A_232] : memref<16384xf32, #tpu.memory_space<vmem>> -> memref<16384xf32, #tpu.memory_space<vmem>>
      tpu.enqueue_dma source(%dma_start3A_233 : memref<16384xf32, #tpu.memory_space<vmem>>) target(%dma_start3A_231 : memref<16384xf32, #tpu.memory_space<hbm>>) target_semaphore(%arg12 : memref<!tpu.dma_semaphore, #tpu.memory_space<semaphore_mem>>)
    }
    %scan3A_114 = arith.constant 15 : i32
    %dma_wait3A = arith.constant 0 : i32
    %dma_wait3A_115 = tpu.memref_slice %arg7[%dma_wait3A] : memref<16384xf32, #tpu.memory_space<vmem>> -> memref<16384xf32, #tpu.memory_space<vmem>>
    %dma_wait3A_116 = arith.constant 0 : i32
    %dma_wait3A_117 = tpu.memref_slice %arg4[%dma_wait3A_116] : memref<16000000xf32, #tpu.memory_space<hbm>> -> memref<16384xf32, #tpu.memory_space<hbm>>
    %dma_wait3A_118 = arith.constant 0 : i32
    %dma_wait3A_119 = tpu.memref_slice %arg4[%dma_wait3A_118] : memref<16000000xf32, #tpu.memory_space<hbm>> -> memref<16384xf32, #tpu.memory_space<hbm>>
    %dma_wait3A_120 = arith.constant 0 : i32
    %dma_wait3A_121 = tpu.memref_slice %arg7[%dma_wait3A_120] : memref<16384xf32, #tpu.memory_space<vmem>> -> memref<16384xf32, #tpu.memory_space<vmem>>
    tpu.wait_dma2 semaphore(%arg11 : memref<!tpu.dma_semaphore, #tpu.memory_space<semaphore_mem>>) src(%dma_wait3A_121 : memref<16384xf32, #tpu.memory_space<vmem>>) dst(%dma_wait3A_119 : memref<16384xf32, #tpu.memory_space<hbm>>)
    %dma_wait3A_122 = arith.constant 0 : i32
    %dma_wait3A_123 = tpu.memref_slice %arg8[%dma_wait3A_122] : memref<16384xf32, #tpu.memory_space<vmem>> -> memref<16384xf32, #tpu.memory_space<vmem>>
    %dma_wait3A_124 = arith.constant 0 : i32
    %dma_wait3A_125 = tpu.memref_slice %arg4[%dma_wait3A_124] : memref<16000000xf32, #tpu.memory_space<hbm>> -> memref<16384xf32, #tpu.memory_space<hbm>>
    %dma_wait3A_126 = arith.constant 0 : i32
    %dma_wait3A_127 = tpu.memref_slice %arg4[%dma_wait3A_126] : memref<16000000xf32, #tpu.memory_space<hbm>> -> memref<16384xf32, #tpu.memory_space<hbm>>
    %dma_wait3A_128 = arith.constant 0 : i32
    %dma_wait3A_129 = tpu.memref_slice %arg8[%dma_wait3A_128] : memref<16384xf32, #tpu.memory_space<vmem>> -> memref<16384xf32, #tpu.memory_space<vmem>>
    tpu.wait_dma2 semaphore(%arg12 : memref<!tpu.dma_semaphore, #tpu.memory_space<semaphore_mem>>) src(%dma_wait3A_129 : memref<16384xf32, #tpu.memory_space<vmem>>) dst(%dma_wait3A_127 : memref<16384xf32, #tpu.memory_space<hbm>>)
    %lt3A = arith.constant 16 : i32
    %lt3A_130 = arith.cmpi slt, %add3A, %lt3A : i32
    %convert_element_type3A = arith.extui %lt3A_130 : i1 to i32
    %cond3A = arith.constant 0 : i32
    %cond3A_131 = arith.cmpi ne, %convert_element_type3A, %cond3A : i32
    scf.if %cond3A_131 {
      %add3A_136 = arith.constant 960 : i32
      %add3A_137 = arith.addi %add3A_136, %add3A : i32
      %mul3A_138 = arith.constant 1024 : i32
      %mul3A_139 = arith.muli %add3A_137, %mul3A_138 : i32
      %dma_start3A_140 = arith.constant 0 : i32
      %dma_start3A_141 = arith.constant 0 : i32
      %dma_start3A_142 = tpu.memref_slice %arg5[%dma_start3A_140, %dma_start3A_141] : memref<16x1024xf32, #tpu.memory_space<vmem>> -> memref<16x1024xf32, #tpu.memory_space<vmem>>
      %dma_start3A_143 = arith.constant 0 : i32
      %dma_start3A_144 = tpu.memref_slice %arg2[%dma_start3A_143, %mul3A_139] : memref<16x1000000xf32, #tpu.memory_space<hbm>> -> memref<16x1024xf32, #tpu.memory_space<hbm>>
      %dma_start3A_145 = arith.constant 0 : i32
      %dma_start3A_146 = arith.constant 0 : i32
      %dma_start3A_147 = tpu.memref_slice %arg5[%dma_start3A_145, %dma_start3A_146] : memref<16x1024xf32, #tpu.memory_space<vmem>> -> memref<16x1024xf32, #tpu.memory_space<vmem>>
      %dma_start3A_148 = arith.constant 0 : i32
      %dma_start3A_149 = tpu.memref_slice %arg2[%dma_start3A_148, %mul3A_139] : memref<16x1000000xf32, #tpu.memory_space<hbm>> -> memref<16x1024xf32, #tpu.memory_space<hbm>>
      tpu.enqueue_dma source(%dma_start3A_149 : memref<16x1024xf32, #tpu.memory_space<hbm>>) target(%dma_start3A_147 : memref<16x1024xf32, #tpu.memory_space<vmem>>) target_semaphore(%arg9 : memref<!tpu.dma_semaphore, #tpu.memory_space<semaphore_mem>>)
      %dma_wait3A_150 = arith.constant 0 : i32
      %dma_wait3A_151 = arith.constant 0 : i32
      %dma_wait3A_152 = tpu.memref_slice %arg5[%dma_wait3A_150, %dma_wait3A_151] : memref<16x1024xf32, #tpu.memory_space<vmem>> -> memref<16x1024xf32, #tpu.memory_space<vmem>>
      %dma_wait3A_153 = arith.constant 0 : i32
      %dma_wait3A_154 = tpu.memref_slice %arg2[%dma_wait3A_153, %mul3A_139] : memref<16x1000000xf32, #tpu.memory_space<hbm>> -> memref<16x1024xf32, #tpu.memory_space<hbm>>
      %dma_wait3A_155 = arith.constant 0 : i32
      %dma_wait3A_156 = arith.constant 0 : i32
      %dma_wait3A_157 = tpu.memref_slice %arg5[%dma_wait3A_155, %dma_wait3A_156] : memref<16x1024xf32, #tpu.memory_space<vmem>> -> memref<16x1024xf32, #tpu.memory_space<vmem>>
      %dma_wait3A_158 = arith.constant 0 : i32
      %dma_wait3A_159 = tpu.memref_slice %arg2[%dma_wait3A_158, %mul3A_139] : memref<16x1000000xf32, #tpu.memory_space<hbm>> -> memref<16x1024xf32, #tpu.memory_space<hbm>>
      tpu.wait_dma2 semaphore(%arg9 : memref<!tpu.dma_semaphore, #tpu.memory_space<semaphore_mem>>) src(%dma_wait3A_159 : memref<16x1024xf32, #tpu.memory_space<hbm>>) dst(%dma_wait3A_157 : memref<16x1024xf32, #tpu.memory_space<vmem>>)
      %scan3A_160 = arith.constant 0 : i32
      %scan3A_161 = arith.constant 0 : i32
      %scan3A_162 = arith.constant 64 : i32
      %scan3A_163 = arith.addi %scan3A_161, %scan3A_162 : i32
      %scan3A_164 = arith.constant 4 : i32
      scf.for %scan3A_180 = %scan3A_161 to %scan3A_163 step %scan3A_164  : i32 {
        %mul3A_181 = arith.constant 16 : i32
        %mul3A_182 = arith.muli %scan3A_180, %mul3A_181 : i32
        %mul3A_183 = arith.constant 256 : i32
        %mul3A_184 = arith.muli %scan3A_180, %mul3A_183 : i32
        %get3A = arith.constant 0 : i32
        %get3A_185 = arith.index_cast %get3A : i32 to index
        %get3A_186 = arith.index_cast %mul3A_182 : i32 to index
        %get3A_187 = tpu.vector_load %arg5[%get3A_185, %get3A_186] {strides = array<i32>} : memref<16x1024xf32, #tpu.memory_space<vmem>>, vector<16xf32>,
        %add3A_188 = vector.broadcast %mul3A_184 : i32 to vector<16xi32>
        %add3A_189 = arith.addi %add3A_6, %add3A_188 : vector<16xi32>
        tpu.vector_store_idx %arg7[%add3A_189], %get3A_187 : memref<16384xf32, #tpu.memory_space<vmem>>[vector<16xi32>], vector<16xf32>,
        %get3A_190 = arith.constant 1 : i32
        %get3A_191 = arith.index_cast %get3A_190 : i32 to index
        %get3A_192 = arith.index_cast %mul3A_182 : i32 to index
        %get3A_193 = tpu.vector_load %arg5[%get3A_191, %get3A_192] {strides = array<i32>} : memref<16x1024xf32, #tpu.memory_space<vmem>>, vector<16xf32>,
        %add3A_194 = vector.broadcast %mul3A_184 : i32 to vector<16xi32>
        %add3A_195 = arith.addi %add3A_12, %add3A_194 : vector<16xi32>
        tpu.vector_store_idx %arg7[%add3A_195], %get3A_193 : memref<16384xf32, #tpu.memory_space<vmem>>[vector<16xi32>], vector<16xf32>,
        %get3A_196 = arith.constant 2 : i32
        %get3A_197 = arith.index_cast %get3A_196 : i32 to index
        %get3A_198 = arith.index_cast %mul3A_182 : i32 to index
        %get3A_199 = tpu.vector_load %arg5[%get3A_197, %get3A_198] {strides = array<i32>} : memref<16x1024xf32, #tpu.memory_space<vmem>>, vector<16xf32>,
        %add3A_200 = vector.broadcast %mul3A_184 : i32 to vector<16xi32>
        %add3A_201 = arith.addi %add3A_18, %add3A_200 : vector<16xi32>
        tpu.vector_store_idx %arg7[%add3A_201], %get3A_199 : memref<16384xf32, #tpu.memory_space<vmem>>[vector<16xi32>], vector<16xf32>,
        %get3A_202 = arith.constant 3 : i32
        %get3A_203 = arith.index_cast %get3A_202 : i32 to index
        %get3A_204 = arith.index_cast %mul3A_182 : i32 to index
        %get3A_205 = tpu.vector_load %arg5[%get3A_203, %get3A_204] {strides = array<i32>} : memref<16x1024xf32, #tpu.memory_space<vmem>>, vector<16xf32>,
        %add3A_206 = vector.broadcast %mul3A_184 : i32 to vector<16xi32>
        %add3A_207 = arith.addi %add3A_24, %add3A_206 : vector<16xi32>
        tpu.vector_store_idx %arg7[%add3A_207], %get3A_205 : memref<16384xf32, #tpu.memory_space<vmem>>[vector<16xi32>], vector<16xf32>,
        %get3A_208 = arith.constant 4 : i32
        %get3A_209 = arith.index_cast %get3A_208 : i32 to index
        %get3A_210 = arith.index_cast %mul3A_182 : i32 to index
        %get3A_211 = tpu.vector_load %arg5[%get3A_209, %get3A_210] {strides = array<i32>} : memref<16x1024xf32, #tpu.memory_space<vmem>>, vector<16xf32>,
        %add3A_212 = vector.broadcast %mul3A_184 : i32 to vector<16xi32>
        %add3A_213 = arith.addi %add3A_30, %add3A_212 : vector<16xi32>
        tpu.vector_store_idx %arg7[%add3A_213], %get3A_211 : memref<16384xf32, #tpu.memory_space<vmem>>[vector<16xi32>], vector<16xf32>,
        %get3A_214 = arith.constant 5 : i32
        %get3A_215 = arith.index_cast %get3A_214 : i32 to index
        %get3A_216 = arith.index_cast %mul3A_182 : i32 to index
        %get3A_217 = tpu.vector_load %arg5[%get3A_215, %get3A_216] {strides = array<i32>} : memref<16x1024xf32, #tpu.memory_space<vmem>>, vector<16xf32>,
        %add3A_218 = vector.broadcast %mul3A_184 : i32 to vector<16xi32>
        %add3A_219 = arith.addi %add3A_36, %add3A_218 : vector<16xi32>
        tpu.vector_store_idx %arg7[%add3A_219], %get3A_217 : memref<16384xf32, #tpu.memory_space<vmem>>[vector<16xi32>], vector<16xf32>,
        %get3A_220 = arith.constant 6 : i32
        %get3A_221 = arith.index_cast %get3A_220 : i32 to index
        %get3A_222 = arith.index_cast %mul3A_182 : i32 to index
        %get3A_223 = tpu.vector_load %arg5[%get3A_221, %get3A_222] {strides = array<i32>} : memref<16x1024xf32, #tpu.memory_space<vmem>>, vector<16xf32>,
        %add3A_224 = vector.broadcast %mul3A_184 : i32 to vector<16xi32>
        %add3A_225 = arith.addi %add3A_42, %add3A_224 : vector<16xi32>
        tpu.vector_store_idx %arg7[%add3A_225], %get3A_223 : memref<16384xf32, #tpu.memory_space<vmem>>[vector<16xi32>], vector<16xf32>,
        %get3A_226 = arith.constant 7 : i32
        %get3A_227 = arith.index_cast %get3A_226 : i32 to index
        %get3A_228 = arith.index_cast %mul3A_182 : i32 to index
        %get3A_229 = tpu.vector_load %arg5[%get3A_227, %get3A_228] {strides = array<i32>} : memref<16x1024xf32, #tpu.memory_space<vmem>>, vector<16xf32>,
        %add3A_230 = vector.broadcast %mul3A_184 : i32 to vector<16xi32>
        %add3A_231 = arith.addi %add3A_48, %add3A_230 : vector<16xi32>
        tpu.vector_store_idx %arg7[%add3A_231], %get3A_229 : memref<16384xf32, #tpu.memory_space<vmem>>[vector<16xi32>], vector<16xf32>,
        %get3A_232 = arith.constant 8 : i32
        %get3A_233 = arith.index_cast %get3A_232 : i32 to index
        %get3A_234 = arith.index_cast %mul3A_182 : i32 to index
        %get3A_235 = tpu.vector_load %arg5[%get3A_233, %get3A_234] {strides = array<i32>} : memref<16x1024xf32, #tpu.memory_space<vmem>>, vector<16xf32>,
        %add3A_236 = vector.broadcast %mul3A_184 : i32 to vector<16xi32>
        %add3A_237 = arith.addi %add3A_54, %add3A_236 : vector<16xi32>
        tpu.vector_store_idx %arg7[%add3A_237], %get3A_235 : memref<16384xf32, #tpu.memory_space<vmem>>[vector<16xi32>], vector<16xf32>,
        %get3A_238 = arith.constant 9 : i32
        %get3A_239 = arith.index_cast %get3A_238 : i32 to index
        %get3A_240 = arith.index_cast %mul3A_182 : i32 to index
        %get3A_241 = tpu.vector_load %arg5[%get3A_239, %get3A_240] {strides = array<i32>} : memref<16x1024xf32, #tpu.memory_space<vmem>>, vector<16xf32>,
        %add3A_242 = vector.broadcast %mul3A_184 : i32 to vector<16xi32>
        %add3A_243 = arith.addi %add3A_60, %add3A_242 : vector<16xi32>
        tpu.vector_store_idx %arg7[%add3A_243], %get3A_241 : memref<16384xf32, #tpu.memory_space<vmem>>[vector<16xi32>], vector<16xf32>,
        %get3A_244 = arith.constant 10 : i32
        %get3A_245 = arith.index_cast %get3A_244 : i32 to index
        %get3A_246 = arith.index_cast %mul3A_182 : i32 to index
        %get3A_247 = tpu.vector_load %arg5[%get3A_245, %get3A_246] {strides = array<i32>} : memref<16x1024xf32, #tpu.memory_space<vmem>>, vector<16xf32>,
        %add3A_248 = vector.broadcast %mul3A_184 : i32 to vector<16xi32>
        %add3A_249 = arith.addi %add3A_66, %add3A_248 : vector<16xi32>
        tpu.vector_store_idx %arg7[%add3A_249], %get3A_247 : memref<16384xf32, #tpu.memory_space<vmem>>[vector<16xi32>], vector<16xf32>,
        %get3A_250 = arith.constant 11 : i32
        %get3A_251 = arith.index_cast %get3A_250 : i32 to index
        %get3A_252 = arith.index_cast %mul3A_182 : i32 to index
        %get3A_253 = tpu.vector_load %arg5[%get3A_251, %get3A_252] {strides = array<i32>} : memref<16x1024xf32, #tpu.memory_space<vmem>>, vector<16xf32>,
        %add3A_254 = vector.broadcast %mul3A_184 : i32 to vector<16xi32>
        %add3A_255 = arith.addi %add3A_72, %add3A_254 : vector<16xi32>
        tpu.vector_store_idx %arg7[%add3A_255], %get3A_253 : memref<16384xf32, #tpu.memory_space<vmem>>[vector<16xi32>], vector<16xf32>,
        %get3A_256 = arith.constant 12 : i32
        %get3A_257 = arith.index_cast %get3A_256 : i32 to index
        %get3A_258 = arith.index_cast %mul3A_182 : i32 to index
        %get3A_259 = tpu.vector_load %arg5[%get3A_257, %get3A_258] {strides = array<i32>} : memref<16x1024xf32, #tpu.memory_space<vmem>>, vector<16xf32>,
        %add3A_260 = vector.broadcast %mul3A_184 : i32 to vector<16xi32>
        %add3A_261 = arith.addi %add3A_78, %add3A_260 : vector<16xi32>
        tpu.vector_store_idx %arg7[%add3A_261], %get3A_259 : memref<16384xf32, #tpu.memory_space<vmem>>[vector<16xi32>], vector<16xf32>,
        %get3A_262 = arith.constant 13 : i32
        %get3A_263 = arith.index_cast %get3A_262 : i32 to index
        %get3A_264 = arith.index_cast %mul3A_182 : i32 to index
        %get3A_265 = tpu.vector_load %arg5[%get3A_263, %get3A_264] {strides = array<i32>} : memref<16x1024xf32, #tpu.memory_space<vmem>>, vector<16xf32>,
        %add3A_266 = vector.broadcast %mul3A_184 : i32 to vector<16xi32>
        %add3A_267 = arith.addi %add3A_84, %add3A_266 : vector<16xi32>
        tpu.vector_store_idx %arg7[%add3A_267], %get3A_265 : memref<16384xf32, #tpu.memory_space<vmem>>[vector<16xi32>], vector<16xf32>,
        %get3A_268 = arith.constant 14 : i32
        %get3A_269 = arith.index_cast %get3A_268 : i32 to index
        %get3A_270 = arith.index_cast %mul3A_182 : i32 to index
        %get3A_271 = tpu.vector_load %arg5[%get3A_269, %get3A_270] {strides = array<i32>} : memref<16x1024xf32, #tpu.memory_space<vmem>>, vector<16xf32>,
        %add3A_272 = vector.broadcast %mul3A_184 : i32 to vector<16xi32>
        %add3A_273 = arith.addi %add3A_90, %add3A_272 : vector<16xi32>
        tpu.vector_store_idx %arg7[%add3A_273], %get3A_271 : memref<16384xf32, #tpu.memory_space<vmem>>[vector<16xi32>], vector<16xf32>,
        %get3A_274 = arith.constant 15 : i32
        %get3A_275 = arith.index_cast %get3A_274 : i32 to index
        %get3A_276 = arith.index_cast %mul3A_182 : i32 to index
        %get3A_277 = tpu.vector_load %arg5[%get3A_275, %get3A_276] {strides = array<i32>} : memref<16x1024xf32, #tpu.memory_space<vmem>>, vector<16xf32>,
        %add3A_278 = vector.broadcast %mul3A_184 : i32 to vector<16xi32>
        %add3A_279 = arith.addi %add3A_96, %add3A_278 : vector<16xi32>
        tpu.vector_store_idx %arg7[%add3A_279], %get3A_277 : memref<16384xf32, #tpu.memory_space<vmem>>[vector<16xi32>], vector<16xf32>,
        %scan3A_280 = arith.constant 1 : i32
        %scan3A_281 = arith.addi %scan3A_180, %scan3A_280 : i32
        %mul3A_282 = arith.constant 16 : i32
        %mul3A_283 = arith.muli %scan3A_281, %mul3A_282 : i32
        %mul3A_284 = arith.constant 256 : i32
        %mul3A_285 = arith.muli %scan3A_281, %mul3A_284 : i32
        %get3A_286 = arith.constant 0 : i32
        %get3A_287 = arith.index_cast %get3A_286 : i32 to index
        %get3A_288 = arith.index_cast %mul3A_283 : i32 to index
        %get3A_289 = tpu.vector_load %arg5[%get3A_287, %get3A_288] {strides = array<i32>} : memref<16x1024xf32, #tpu.memory_space<vmem>>, vector<16xf32>,
        %add3A_290 = vector.broadcast %mul3A_285 : i32 to vector<16xi32>
        %add3A_291 = arith.addi %add3A_6, %add3A_290 : vector<16xi32>
        tpu.vector_store_idx %arg7[%add3A_291], %get3A_289 : memref<16384xf32, #tpu.memory_space<vmem>>[vector<16xi32>], vector<16xf32>,
        %get3A_292 = arith.constant 1 : i32
        %get3A_293 = arith.index_cast %get3A_292 : i32 to index
        %get3A_294 = arith.index_cast %mul3A_283 : i32 to index
        %get3A_295 = tpu.vector_load %arg5[%get3A_293, %get3A_294] {strides = array<i32>} : memref<16x1024xf32, #tpu.memory_space<vmem>>, vector<16xf32>,
        %add3A_296 = vector.broadcast %mul3A_285 : i32 to vector<16xi32>
        %add3A_297 = arith.addi %add3A_12, %add3A_296 : vector<16xi32>
        tpu.vector_store_idx %arg7[%add3A_297], %get3A_295 : memref<16384xf32, #tpu.memory_space<vmem>>[vector<16xi32>], vector<16xf32>,
        %get3A_298 = arith.constant 2 : i32
        %get3A_299 = arith.index_cast %get3A_298 : i32 to index
        %get3A_300 = arith.index_cast %mul3A_283 : i32 to index
        %get3A_301 = tpu.vector_load %arg5[%get3A_299, %get3A_300] {strides = array<i32>} : memref<16x1024xf32, #tpu.memory_space<vmem>>, vector<16xf32>,
        %add3A_302 = vector.broadcast %mul3A_285 : i32 to vector<16xi32>
        %add3A_303 = arith.addi %add3A_18, %add3A_302 : vector<16xi32>
        tpu.vector_store_idx %arg7[%add3A_303], %get3A_301 : memref<16384xf32, #tpu.memory_space<vmem>>[vector<16xi32>], vector<16xf32>,
        %get3A_304 = arith.constant 3 : i32
        %get3A_305 = arith.index_cast %get3A_304 : i32 to index
        %get3A_306 = arith.index_cast %mul3A_283 : i32 to index
        %get3A_307 = tpu.vector_load %arg5[%get3A_305, %get3A_306] {strides = array<i32>} : memref<16x1024xf32, #tpu.memory_space<vmem>>, vector<16xf32>,
        %add3A_308 = vector.broadcast %mul3A_285 : i32 to vector<16xi32>
        %add3A_309 = arith.addi %add3A_24, %add3A_308 : vector<16xi32>
        tpu.vector_store_idx %arg7[%add3A_309], %get3A_307 : memref<16384xf32, #tpu.memory_space<vmem>>[vector<16xi32>], vector<16xf32>,
        %get3A_310 = arith.constant 4 : i32
        %get3A_311 = arith.index_cast %get3A_310 : i32 to index
        %get3A_312 = arith.index_cast %mul3A_283 : i32 to index
        %get3A_313 = tpu.vector_load %arg5[%get3A_311, %get3A_312] {strides = array<i32>} : memref<16x1024xf32, #tpu.memory_space<vmem>>, vector<16xf32>,
        %add3A_314 = vector.broadcast %mul3A_285 : i32 to vector<16xi32>
        %add3A_315 = arith.addi %add3A_30, %add3A_314 : vector<16xi32>
        tpu.vector_store_idx %arg7[%add3A_315], %get3A_313 : memref<16384xf32, #tpu.memory_space<vmem>>[vector<16xi32>], vector<16xf32>,
        %get3A_316 = arith.constant 5 : i32
        %get3A_317 = arith.index_cast %get3A_316 : i32 to index
        %get3A_318 = arith.index_cast %mul3A_283 : i32 to index
        %get3A_319 = tpu.vector_load %arg5[%get3A_317, %get3A_318] {strides = array<i32>} : memref<16x1024xf32, #tpu.memory_space<vmem>>, vector<16xf32>,
        %add3A_320 = vector.broadcast %mul3A_285 : i32 to vector<16xi32>
        %add3A_321 = arith.addi %add3A_36, %add3A_320 : vector<16xi32>
        tpu.vector_store_idx %arg7[%add3A_321], %get3A_319 : memref<16384xf32, #tpu.memory_space<vmem>>[vector<16xi32>], vector<16xf32>,
        %get3A_322 = arith.constant 6 : i32
        %get3A_323 = arith.index_cast %get3A_322 : i32 to index
        %get3A_324 = arith.index_cast %mul3A_283 : i32 to index
        %get3A_325 = tpu.vector_load %arg5[%get3A_323, %get3A_324] {strides = array<i32>} : memref<16x1024xf32, #tpu.memory_space<vmem>>, vector<16xf32>,
        %add3A_326 = vector.broadcast %mul3A_285 : i32 to vector<16xi32>
        %add3A_327 = arith.addi %add3A_42, %add3A_326 : vector<16xi32>
        tpu.vector_store_idx %arg7[%add3A_327], %get3A_325 : memref<16384xf32, #tpu.memory_space<vmem>>[vector<16xi32>], vector<16xf32>,
        %get3A_328 = arith.constant 7 : i32
        %get3A_329 = arith.index_cast %get3A_328 : i32 to index
        %get3A_330 = arith.index_cast %mul3A_283 : i32 to index
        %get3A_331 = tpu.vector_load %arg5[%get3A_329, %get3A_330] {strides = array<i32>} : memref<16x1024xf32, #tpu.memory_space<vmem>>, vector<16xf32>,
        %add3A_332 = vector.broadcast %mul3A_285 : i32 to vector<16xi32>
        %add3A_333 = arith.addi %add3A_48, %add3A_332 : vector<16xi32>
        tpu.vector_store_idx %arg7[%add3A_333], %get3A_331 : memref<16384xf32, #tpu.memory_space<vmem>>[vector<16xi32>], vector<16xf32>,
        %get3A_334 = arith.constant 8 : i32
        %get3A_335 = arith.index_cast %get3A_334 : i32 to index
        %get3A_336 = arith.index_cast %mul3A_283 : i32 to index
        %get3A_337 = tpu.vector_load %arg5[%get3A_335, %get3A_336] {strides = array<i32>} : memref<16x1024xf32, #tpu.memory_space<vmem>>, vector<16xf32>,
        %add3A_338 = vector.broadcast %mul3A_285 : i32 to vector<16xi32>
        %add3A_339 = arith.addi %add3A_54, %add3A_338 : vector<16xi32>
        tpu.vector_store_idx %arg7[%add3A_339], %get3A_337 : memref<16384xf32, #tpu.memory_space<vmem>>[vector<16xi32>], vector<16xf32>,
        %get3A_340 = arith.constant 9 : i32
        %get3A_341 = arith.index_cast %get3A_340 : i32 to index
        %get3A_342 = arith.index_cast %mul3A_283 : i32 to index
        %get3A_343 = tpu.vector_load %arg5[%get3A_341, %get3A_342] {strides = array<i32>} : memref<16x1024xf32, #tpu.memory_space<vmem>>, vector<16xf32>,
        %add3A_344 = vector.broadcast %mul3A_285 : i32 to vector<16xi32>
        %add3A_345 = arith.addi %add3A_60, %add3A_344 : vector<16xi32>
        tpu.vector_store_idx %arg7[%add3A_345], %get3A_343 : memref<16384xf32, #tpu.memory_space<vmem>>[vector<16xi32>], vector<16xf32>,
        %get3A_346 = arith.constant 10 : i32
        %get3A_347 = arith.index_cast %get3A_346 : i32 to index
        %get3A_348 = arith.index_cast %mul3A_283 : i32 to index
        %get3A_349 = tpu.vector_load %arg5[%get3A_347, %get3A_348] {strides = array<i32>} : memref<16x1024xf32, #tpu.memory_space<vmem>>, vector<16xf32>,
        %add3A_350 = vector.broadcast %mul3A_285 : i32 to vector<16xi32>
        %add3A_351 = arith.addi %add3A_66, %add3A_350 : vector<16xi32>
        tpu.vector_store_idx %arg7[%add3A_351], %get3A_349 : memref<16384xf32, #tpu.memory_space<vmem>>[vector<16xi32>], vector<16xf32>,
        %get3A_352 = arith.constant 11 : i32
        %get3A_353 = arith.index_cast %get3A_352 : i32 to index
        %get3A_354 = arith.index_cast %mul3A_283 : i32 to index
        %get3A_355 = tpu.vector_load %arg5[%get3A_353, %get3A_354] {strides = array<i32>} : memref<16x1024xf32, #tpu.memory_space<vmem>>, vector<16xf32>,
        %add3A_356 = vector.broadcast %mul3A_285 : i32 to vector<16xi32>
        %add3A_357 = arith.addi %add3A_72, %add3A_356 : vector<16xi32>
        tpu.vector_store_idx %arg7[%add3A_357], %get3A_355 : memref<16384xf32, #tpu.memory_space<vmem>>[vector<16xi32>], vector<16xf32>,
        %get3A_358 = arith.constant 12 : i32
        %get3A_359 = arith.index_cast %get3A_358 : i32 to index
        %get3A_360 = arith.index_cast %mul3A_283 : i32 to index
        %get3A_361 = tpu.vector_load %arg5[%get3A_359, %get3A_360] {strides = array<i32>} : memref<16x1024xf32, #tpu.memory_space<vmem>>, vector<16xf32>,
        %add3A_362 = vector.broadcast %mul3A_285 : i32 to vector<16xi32>
        %add3A_363 = arith.addi %add3A_78, %add3A_362 : vector<16xi32>
        tpu.vector_store_idx %arg7[%add3A_363], %get3A_361 : memref<16384xf32, #tpu.memory_space<vmem>>[vector<16xi32>], vector<16xf32>,
        %get3A_364 = arith.constant 13 : i32
        %get3A_365 = arith.index_cast %get3A_364 : i32 to index
        %get3A_366 = arith.index_cast %mul3A_283 : i32 to index
        %get3A_367 = tpu.vector_load %arg5[%get3A_365, %get3A_366] {strides = array<i32>} : memref<16x1024xf32, #tpu.memory_space<vmem>>, vector<16xf32>,
        %add3A_368 = vector.broadcast %mul3A_285 : i32 to vector<16xi32>
        %add3A_369 = arith.addi %add3A_84, %add3A_368 : vector<16xi32>
        tpu.vector_store_idx %arg7[%add3A_369], %get3A_367 : memref<16384xf32, #tpu.memory_space<vmem>>[vector<16xi32>], vector<16xf32>,
        %get3A_370 = arith.constant 14 : i32
        %get3A_371 = arith.index_cast %get3A_370 : i32 to index
        %get3A_372 = arith.index_cast %mul3A_283 : i32 to index
        %get3A_373 = tpu.vector_load %arg5[%get3A_371, %get3A_372] {strides = array<i32>} : memref<16x1024xf32, #tpu.memory_space<vmem>>, vector<16xf32>,
        %add3A_374 = vector.broadcast %mul3A_285 : i32 to vector<16xi32>
        %add3A_375 = arith.addi %add3A_90, %add3A_374 : vector<16xi32>
        tpu.vector_store_idx %arg7[%add3A_375], %get3A_373 : memref<16384xf32, #tpu.memory_space<vmem>>[vector<16xi32>], vector<16xf32>,
        %get3A_376 = arith.constant 15 : i32
        %get3A_377 = arith.index_cast %get3A_376 : i32 to index
        %get3A_378 = arith.index_cast %mul3A_283 : i32 to index
        %get3A_379 = tpu.vector_load %arg5[%get3A_377, %get3A_378] {strides = array<i32>} : memref<16x1024xf32, #tpu.memory_space<vmem>>, vector<16xf32>,
        %add3A_380 = vector.broadcast %mul3A_285 : i32 to vector<16xi32>
        %add3A_381 = arith.addi %add3A_96, %add3A_380 : vector<16xi32>
        tpu.vector_store_idx %arg7[%add3A_381], %get3A_379 : memref<16384xf32, #tpu.memory_space<vmem>>[vector<16xi32>], vector<16xf32>,
        %scan3A_382 = arith.constant 2 : i32
        %scan3A_383 = arith.addi %scan3A_180, %scan3A_382 : i32
        %mul3A_384 = arith.constant 16 : i32
        %mul3A_385 = arith.muli %scan3A_383, %mul3A_384 : i32
        %mul3A_386 = arith.constant 256 : i32
        %mul3A_387 = arith.muli %scan3A_383, %mul3A_386 : i32
        %get3A_388 = arith.constant 0 : i32
        %get3A_389 = arith.index_cast %get3A_388 : i32 to index
        %get3A_390 = arith.index_cast %mul3A_385 : i32 to index
        %get3A_391 = tpu.vector_load %arg5[%get3A_389, %get3A_390] {strides = array<i32>} : memref<16x1024xf32, #tpu.memory_space<vmem>>, vector<16xf32>,
        %add3A_392 = vector.broadcast %mul3A_387 : i32 to vector<16xi32>
        %add3A_393 = arith.addi %add3A_6, %add3A_392 : vector<16xi32>
        tpu.vector_store_idx %arg7[%add3A_393], %get3A_391 : memref<16384xf32, #tpu.memory_space<vmem>>[vector<16xi32>], vector<16xf32>,
        %get3A_394 = arith.constant 1 : i32
        %get3A_395 = arith.index_cast %get3A_394 : i32 to index
        %get3A_396 = arith.index_cast %mul3A_385 : i32 to index
        %get3A_397 = tpu.vector_load %arg5[%get3A_395, %get3A_396] {strides = array<i32>} : memref<16x1024xf32, #tpu.memory_space<vmem>>, vector<16xf32>,
        %add3A_398 = vector.broadcast %mul3A_387 : i32 to vector<16xi32>
        %add3A_399 = arith.addi %add3A_12, %add3A_398 : vector<16xi32>
        tpu.vector_store_idx %arg7[%add3A_399], %get3A_397 : memref<16384xf32, #tpu.memory_space<vmem>>[vector<16xi32>], vector<16xf32>,
        %get3A_400 = arith.constant 2 : i32
        %get3A_401 = arith.index_cast %get3A_400 : i32 to index
        %get3A_402 = arith.index_cast %mul3A_385 : i32 to index
        %get3A_403 = tpu.vector_load %arg5[%get3A_401, %get3A_402] {strides = array<i32>} : memref<16x1024xf32, #tpu.memory_space<vmem>>, vector<16xf32>,
        %add3A_404 = vector.broadcast %mul3A_387 : i32 to vector<16xi32>
        %add3A_405 = arith.addi %add3A_18, %add3A_404 : vector<16xi32>
        tpu.vector_store_idx %arg7[%add3A_405], %get3A_403 : memref<16384xf32, #tpu.memory_space<vmem>>[vector<16xi32>], vector<16xf32>,
        %get3A_406 = arith.constant 3 : i32
        %get3A_407 = arith.index_cast %get3A_406 : i32 to index
        %get3A_408 = arith.index_cast %mul3A_385 : i32 to index
        %get3A_409 = tpu.vector_load %arg5[%get3A_407, %get3A_408] {strides = array<i32>} : memref<16x1024xf32, #tpu.memory_space<vmem>>, vector<16xf32>,
        %add3A_410 = vector.broadcast %mul3A_387 : i32 to vector<16xi32>
        %add3A_411 = arith.addi %add3A_24, %add3A_410 : vector<16xi32>
        tpu.vector_store_idx %arg7[%add3A_411], %get3A_409 : memref<16384xf32, #tpu.memory_space<vmem>>[vector<16xi32>], vector<16xf32>,
        %get3A_412 = arith.constant 4 : i32
        %get3A_413 = arith.index_cast %get3A_412 : i32 to index
        %get3A_414 = arith.index_cast %mul3A_385 : i32 to index
        %get3A_415 = tpu.vector_load %arg5[%get3A_413, %get3A_414] {strides = array<i32>} : memref<16x1024xf32, #tpu.memory_space<vmem>>, vector<16xf32>,
        %add3A_416 = vector.broadcast %mul3A_387 : i32 to vector<16xi32>
        %add3A_417 = arith.addi %add3A_30, %add3A_416 : vector<16xi32>
        tpu.vector_store_idx %arg7[%add3A_417], %get3A_415 : memref<16384xf32, #tpu.memory_space<vmem>>[vector<16xi32>], vector<16xf32>,
        %get3A_418 = arith.constant 5 : i32
        %get3A_419 = arith.index_cast %get3A_418 : i32 to index
        %get3A_420 = arith.index_cast %mul3A_385 : i32 to index
        %get3A_421 = tpu.vector_load %arg5[%get3A_419, %get3A_420] {strides = array<i32>} : memref<16x1024xf32, #tpu.memory_space<vmem>>, vector<16xf32>,
        %add3A_422 = vector.broadcast %mul3A_387 : i32 to vector<16xi32>
        %add3A_423 = arith.addi %add3A_36, %add3A_422 : vector<16xi32>
        tpu.vector_store_idx %arg7[%add3A_423], %get3A_421 : memref<16384xf32, #tpu.memory_space<vmem>>[vector<16xi32>], vector<16xf32>,
        %get3A_424 = arith.constant 6 : i32
        %get3A_425 = arith.index_cast %get3A_424 : i32 to index
        %get3A_426 = arith.index_cast %mul3A_385 : i32 to index
        %get3A_427 = tpu.vector_load %arg5[%get3A_425, %get3A_426] {strides = array<i32>} : memref<16x1024xf32, #tpu.memory_space<vmem>>, vector<16xf32>,
        %add3A_428 = vector.broadcast %mul3A_387 : i32 to vector<16xi32>
        %add3A_429 = arith.addi %add3A_42, %add3A_428 : vector<16xi32>
        tpu.vector_store_idx %arg7[%add3A_429], %get3A_427 : memref<16384xf32, #tpu.memory_space<vmem>>[vector<16xi32>], vector<16xf32>,
        %get3A_430 = arith.constant 7 : i32
        %get3A_431 = arith.index_cast %get3A_430 : i32 to index
        %get3A_432 = arith.index_cast %mul3A_385 : i32 to index
        %get3A_433 = tpu.vector_load %arg5[%get3A_431, %get3A_432] {strides = array<i32>} : memref<16x1024xf32, #tpu.memory_space<vmem>>, vector<16xf32>,
        %add3A_434 = vector.broadcast %mul3A_387 : i32 to vector<16xi32>
        %add3A_435 = arith.addi %add3A_48, %add3A_434 : vector<16xi32>
        tpu.vector_store_idx %arg7[%add3A_435], %get3A_433 : memref<16384xf32, #tpu.memory_space<vmem>>[vector<16xi32>], vector<16xf32>,
        %get3A_436 = arith.constant 8 : i32
        %get3A_437 = arith.index_cast %get3A_436 : i32 to index
        %get3A_438 = arith.index_cast %mul3A_385 : i32 to index
        %get3A_439 = tpu.vector_load %arg5[%get3A_437, %get3A_438] {strides = array<i32>} : memref<16x1024xf32, #tpu.memory_space<vmem>>, vector<16xf32>,
        %add3A_440 = vector.broadcast %mul3A_387 : i32 to vector<16xi32>
        %add3A_441 = arith.addi %add3A_54, %add3A_440 : vector<16xi32>
        tpu.vector_store_idx %arg7[%add3A_441], %get3A_439 : memref<16384xf32, #tpu.memory_space<vmem>>[vector<16xi32>], vector<16xf32>,
        %get3A_442 = arith.constant 9 : i32
        %get3A_443 = arith.index_cast %get3A_442 : i32 to index
        %get3A_444 = arith.index_cast %mul3A_385 : i32 to index
        %get3A_445 = tpu.vector_load %arg5[%get3A_443, %get3A_444] {strides = array<i32>} : memref<16x1024xf32, #tpu.memory_space<vmem>>, vector<16xf32>,
        %add3A_446 = vector.broadcast %mul3A_387 : i32 to vector<16xi32>
        %add3A_447 = arith.addi %add3A_60, %add3A_446 : vector<16xi32>
        tpu.vector_store_idx %arg7[%add3A_447], %get3A_445 : memref<16384xf32, #tpu.memory_space<vmem>>[vector<16xi32>], vector<16xf32>,
        %get3A_448 = arith.constant 10 : i32
        %get3A_449 = arith.index_cast %get3A_448 : i32 to index
        %get3A_450 = arith.index_cast %mul3A_385 : i32 to index
        %get3A_451 = tpu.vector_load %arg5[%get3A_449, %get3A_450] {strides = array<i32>} : memref<16x1024xf32, #tpu.memory_space<vmem>>, vector<16xf32>,
        %add3A_452 = vector.broadcast %mul3A_387 : i32 to vector<16xi32>
        %add3A_453 = arith.addi %add3A_66, %add3A_452 : vector<16xi32>
        tpu.vector_store_idx %arg7[%add3A_453], %get3A_451 : memref<16384xf32, #tpu.memory_space<vmem>>[vector<16xi32>], vector<16xf32>,
        %get3A_454 = arith.constant 11 : i32
        %get3A_455 = arith.index_cast %get3A_454 : i32 to index
        %get3A_456 = arith.index_cast %mul3A_385 : i32 to index
        %get3A_457 = tpu.vector_load %arg5[%get3A_455, %get3A_456] {strides = array<i32>} : memref<16x1024xf32, #tpu.memory_space<vmem>>, vector<16xf32>,
        %add3A_458 = vector.broadcast %mul3A_387 : i32 to vector<16xi32>
        %add3A_459 = arith.addi %add3A_72, %add3A_458 : vector<16xi32>
        tpu.vector_store_idx %arg7[%add3A_459], %get3A_457 : memref<16384xf32, #tpu.memory_space<vmem>>[vector<16xi32>], vector<16xf32>,
        %get3A_460 = arith.constant 12 : i32
        %get3A_461 = arith.index_cast %get3A_460 : i32 to index
        %get3A_462 = arith.index_cast %mul3A_385 : i32 to index
        %get3A_463 = tpu.vector_load %arg5[%get3A_461, %get3A_462] {strides = array<i32>} : memref<16x1024xf32, #tpu.memory_space<vmem>>, vector<16xf32>,
        %add3A_464 = vector.broadcast %mul3A_387 : i32 to vector<16xi32>
        %add3A_465 = arith.addi %add3A_78, %add3A_464 : vector<16xi32>
        tpu.vector_store_idx %arg7[%add3A_465], %get3A_463 : memref<16384xf32, #tpu.memory_space<vmem>>[vector<16xi32>], vector<16xf32>,
        %get3A_466 = arith.constant 13 : i32
        %get3A_467 = arith.index_cast %get3A_466 : i32 to index
        %get3A_468 = arith.index_cast %mul3A_385 : i32 to index
        %get3A_469 = tpu.vector_load %arg5[%get3A_467, %get3A_468] {strides = array<i32>} : memref<16x1024xf32, #tpu.memory_space<vmem>>, vector<16xf32>,
        %add3A_470 = vector.broadcast %mul3A_387 : i32 to vector<16xi32>
        %add3A_471 = arith.addi %add3A_84, %add3A_470 : vector<16xi32>
        tpu.vector_store_idx %arg7[%add3A_471], %get3A_469 : memref<16384xf32, #tpu.memory_space<vmem>>[vector<16xi32>], vector<16xf32>,
        %get3A_472 = arith.constant 14 : i32
        %get3A_473 = arith.index_cast %get3A_472 : i32 to index
        %get3A_474 = arith.index_cast %mul3A_385 : i32 to index
        %get3A_475 = tpu.vector_load %arg5[%get3A_473, %get3A_474] {strides = array<i32>} : memref<16x1024xf32, #tpu.memory_space<vmem>>, vector<16xf32>,
        %add3A_476 = vector.broadcast %mul3A_387 : i32 to vector<16xi32>
        %add3A_477 = arith.addi %add3A_90, %add3A_476 : vector<16xi32>
        tpu.vector_store_idx %arg7[%add3A_477], %get3A_475 : memref<16384xf32, #tpu.memory_space<vmem>>[vector<16xi32>], vector<16xf32>,
        %get3A_478 = arith.constant 15 : i32
        %get3A_479 = arith.index_cast %get3A_478 : i32 to index
        %get3A_480 = arith.index_cast %mul3A_385 : i32 to index
        %get3A_481 = tpu.vector_load %arg5[%get3A_479, %get3A_480] {strides = array<i32>} : memref<16x1024xf32, #tpu.memory_space<vmem>>, vector<16xf32>,
        %add3A_482 = vector.broadcast %mul3A_387 : i32 to vector<16xi32>
        %add3A_483 = arith.addi %add3A_96, %add3A_482 : vector<16xi32>
        tpu.vector_store_idx %arg7[%add3A_483], %get3A_481 : memref<16384xf32, #tpu.memory_space<vmem>>[vector<16xi32>], vector<16xf32>,
        %scan3A_484 = arith.constant 3 : i32
        %scan3A_485 = arith.addi %scan3A_180, %scan3A_484 : i32
        %mul3A_486 = arith.constant 16 : i32
        %mul3A_487 = arith.muli %scan3A_485, %mul3A_486 : i32
        %mul3A_488 = arith.constant 256 : i32
        %mul3A_489 = arith.muli %scan3A_485, %mul3A_488 : i32
        %get3A_490 = arith.constant 0 : i32
        %get3A_491 = arith.index_cast %get3A_490 : i32 to index
        %get3A_492 = arith.index_cast %mul3A_487 : i32 to index
        %get3A_493 = tpu.vector_load %arg5[%get3A_491, %get3A_492] {strides = array<i32>} : memref<16x1024xf32, #tpu.memory_space<vmem>>, vector<16xf32>,
        %add3A_494 = vector.broadcast %mul3A_489 : i32 to vector<16xi32>
        %add3A_495 = arith.addi %add3A_6, %add3A_494 : vector<16xi32>
        tpu.vector_store_idx %arg7[%add3A_495], %get3A_493 : memref<16384xf32, #tpu.memory_space<vmem>>[vector<16xi32>], vector<16xf32>,
        %get3A_496 = arith.constant 1 : i32
        %get3A_497 = arith.index_cast %get3A_496 : i32 to index
        %get3A_498 = arith.index_cast %mul3A_487 : i32 to index
        %get3A_499 = tpu.vector_load %arg5[%get3A_497, %get3A_498] {strides = array<i32>} : memref<16x1024xf32, #tpu.memory_space<vmem>>, vector<16xf32>,
        %add3A_500 = vector.broadcast %mul3A_489 : i32 to vector<16xi32>
        %add3A_501 = arith.addi %add3A_12, %add3A_500 : vector<16xi32>
        tpu.vector_store_idx %arg7[%add3A_501], %get3A_499 : memref<16384xf32, #tpu.memory_space<vmem>>[vector<16xi32>], vector<16xf32>,
        %get3A_502 = arith.constant 2 : i32
        %get3A_503 = arith.index_cast %get3A_502 : i32 to index
        %get3A_504 = arith.index_cast %mul3A_487 : i32 to index
        %get3A_505 = tpu.vector_load %arg5[%get3A_503, %get3A_504] {strides = array<i32>} : memref<16x1024xf32, #tpu.memory_space<vmem>>, vector<16xf32>,
        %add3A_506 = vector.broadcast %mul3A_489 : i32 to vector<16xi32>
        %add3A_507 = arith.addi %add3A_18, %add3A_506 : vector<16xi32>
        tpu.vector_store_idx %arg7[%add3A_507], %get3A_505 : memref<16384xf32, #tpu.memory_space<vmem>>[vector<16xi32>], vector<16xf32>,
        %get3A_508 = arith.constant 3 : i32
        %get3A_509 = arith.index_cast %get3A_508 : i32 to index
        %get3A_510 = arith.index_cast %mul3A_487 : i32 to index
        %get3A_511 = tpu.vector_load %arg5[%get3A_509, %get3A_510] {strides = array<i32>} : memref<16x1024xf32, #tpu.memory_space<vmem>>, vector<16xf32>,
        %add3A_512 = vector.broadcast %mul3A_489 : i32 to vector<16xi32>
        %add3A_513 = arith.addi %add3A_24, %add3A_512 : vector<16xi32>
        tpu.vector_store_idx %arg7[%add3A_513], %get3A_511 : memref<16384xf32, #tpu.memory_space<vmem>>[vector<16xi32>], vector<16xf32>,
        %get3A_514 = arith.constant 4 : i32
        %get3A_515 = arith.index_cast %get3A_514 : i32 to index
        %get3A_516 = arith.index_cast %mul3A_487 : i32 to index
        %get3A_517 = tpu.vector_load %arg5[%get3A_515, %get3A_516] {strides = array<i32>} : memref<16x1024xf32, #tpu.memory_space<vmem>>, vector<16xf32>,
        %add3A_518 = vector.broadcast %mul3A_489 : i32 to vector<16xi32>
        %add3A_519 = arith.addi %add3A_30, %add3A_518 : vector<16xi32>
        tpu.vector_store_idx %arg7[%add3A_519], %get3A_517 : memref<16384xf32, #tpu.memory_space<vmem>>[vector<16xi32>], vector<16xf32>,
        %get3A_520 = arith.constant 5 : i32
        %get3A_521 = arith.index_cast %get3A_520 : i32 to index
        %get3A_522 = arith.index_cast %mul3A_487 : i32 to index
        %get3A_523 = tpu.vector_load %arg5[%get3A_521, %get3A_522] {strides = array<i32>} : memref<16x1024xf32, #tpu.memory_space<vmem>>, vector<16xf32>,
        %add3A_524 = vector.broadcast %mul3A_489 : i32 to vector<16xi32>
        %add3A_525 = arith.addi %add3A_36, %add3A_524 : vector<16xi32>
        tpu.vector_store_idx %arg7[%add3A_525], %get3A_523 : memref<16384xf32, #tpu.memory_space<vmem>>[vector<16xi32>], vector<16xf32>,
        %get3A_526 = arith.constant 6 : i32
        %get3A_527 = arith.index_cast %get3A_526 : i32 to index
        %get3A_528 = arith.index_cast %mul3A_487 : i32 to index
        %get3A_529 = tpu.vector_load %arg5[%get3A_527, %get3A_528] {strides = array<i32>} : memref<16x1024xf32, #tpu.memory_space<vmem>>, vector<16xf32>,
        %add3A_530 = vector.broadcast %mul3A_489 : i32 to vector<16xi32>
        %add3A_531 = arith.addi %add3A_42, %add3A_530 : vector<16xi32>
        tpu.vector_store_idx %arg7[%add3A_531], %get3A_529 : memref<16384xf32, #tpu.memory_space<vmem>>[vector<16xi32>], vector<16xf32>,
        %get3A_532 = arith.constant 7 : i32
        %get3A_533 = arith.index_cast %get3A_532 : i32 to index
        %get3A_534 = arith.index_cast %mul3A_487 : i32 to index
        %get3A_535 = tpu.vector_load %arg5[%get3A_533, %get3A_534] {strides = array<i32>} : memref<16x1024xf32, #tpu.memory_space<vmem>>, vector<16xf32>,
        %add3A_536 = vector.broadcast %mul3A_489 : i32 to vector<16xi32>
        %add3A_537 = arith.addi %add3A_48, %add3A_536 : vector<16xi32>
        tpu.vector_store_idx %arg7[%add3A_537], %get3A_535 : memref<16384xf32, #tpu.memory_space<vmem>>[vector<16xi32>], vector<16xf32>,
        %get3A_538 = arith.constant 8 : i32
        %get3A_539 = arith.index_cast %get3A_538 : i32 to index
        %get3A_540 = arith.index_cast %mul3A_487 : i32 to index
        %get3A_541 = tpu.vector_load %arg5[%get3A_539, %get3A_540] {strides = array<i32>} : memref<16x1024xf32, #tpu.memory_space<vmem>>, vector<16xf32>,
        %add3A_542 = vector.broadcast %mul3A_489 : i32 to vector<16xi32>
        %add3A_543 = arith.addi %add3A_54, %add3A_542 : vector<16xi32>
        tpu.vector_store_idx %arg7[%add3A_543], %get3A_541 : memref<16384xf32, #tpu.memory_space<vmem>>[vector<16xi32>], vector<16xf32>,
        %get3A_544 = arith.constant 9 : i32
        %get3A_545 = arith.index_cast %get3A_544 : i32 to index
        %get3A_546 = arith.index_cast %mul3A_487 : i32 to index
        %get3A_547 = tpu.vector_load %arg5[%get3A_545, %get3A_546] {strides = array<i32>} : memref<16x1024xf32, #tpu.memory_space<vmem>>, vector<16xf32>,
        %add3A_548 = vector.broadcast %mul3A_489 : i32 to vector<16xi32>
        %add3A_549 = arith.addi %add3A_60, %add3A_548 : vector<16xi32>
        tpu.vector_store_idx %arg7[%add3A_549], %get3A_547 : memref<16384xf32, #tpu.memory_space<vmem>>[vector<16xi32>], vector<16xf32>,
        %get3A_550 = arith.constant 10 : i32
        %get3A_551 = arith.index_cast %get3A_550 : i32 to index
        %get3A_552 = arith.index_cast %mul3A_487 : i32 to index
        %get3A_553 = tpu.vector_load %arg5[%get3A_551, %get3A_552] {strides = array<i32>} : memref<16x1024xf32, #tpu.memory_space<vmem>>, vector<16xf32>,
        %add3A_554 = vector.broadcast %mul3A_489 : i32 to vector<16xi32>
        %add3A_555 = arith.addi %add3A_66, %add3A_554 : vector<16xi32>
        tpu.vector_store_idx %arg7[%add3A_555], %get3A_553 : memref<16384xf32, #tpu.memory_space<vmem>>[vector<16xi32>], vector<16xf32>,
        %get3A_556 = arith.constant 11 : i32
        %get3A_557 = arith.index_cast %get3A_556 : i32 to index
        %get3A_558 = arith.index_cast %mul3A_487 : i32 to index
        %get3A_559 = tpu.vector_load %arg5[%get3A_557, %get3A_558] {strides = array<i32>} : memref<16x1024xf32, #tpu.memory_space<vmem>>, vector<16xf32>,
        %add3A_560 = vector.broadcast %mul3A_489 : i32 to vector<16xi32>
        %add3A_561 = arith.addi %add3A_72, %add3A_560 : vector<16xi32>
        tpu.vector_store_idx %arg7[%add3A_561], %get3A_559 : memref<16384xf32, #tpu.memory_space<vmem>>[vector<16xi32>], vector<16xf32>,
        %get3A_562 = arith.constant 12 : i32
        %get3A_563 = arith.index_cast %get3A_562 : i32 to index
        %get3A_564 = arith.index_cast %mul3A_487 : i32 to index
        %get3A_565 = tpu.vector_load %arg5[%get3A_563, %get3A_564] {strides = array<i32>} : memref<16x1024xf32, #tpu.memory_space<vmem>>, vector<16xf32>,
        %add3A_566 = vector.broadcast %mul3A_489 : i32 to vector<16xi32>
        %add3A_567 = arith.addi %add3A_78, %add3A_566 : vector<16xi32>
        tpu.vector_store_idx %arg7[%add3A_567], %get3A_565 : memref<16384xf32, #tpu.memory_space<vmem>>[vector<16xi32>], vector<16xf32>,
        %get3A_568 = arith.constant 13 : i32
        %get3A_569 = arith.index_cast %get3A_568 : i32 to index
        %get3A_570 = arith.index_cast %mul3A_487 : i32 to index
        %get3A_571 = tpu.vector_load %arg5[%get3A_569, %get3A_570] {strides = array<i32>} : memref<16x1024xf32, #tpu.memory_space<vmem>>, vector<16xf32>,
        %add3A_572 = vector.broadcast %mul3A_489 : i32 to vector<16xi32>
        %add3A_573 = arith.addi %add3A_84, %add3A_572 : vector<16xi32>
        tpu.vector_store_idx %arg7[%add3A_573], %get3A_571 : memref<16384xf32, #tpu.memory_space<vmem>>[vector<16xi32>], vector<16xf32>,
        %get3A_574 = arith.constant 14 : i32
        %get3A_575 = arith.index_cast %get3A_574 : i32 to index
        %get3A_576 = arith.index_cast %mul3A_487 : i32 to index
        %get3A_577 = tpu.vector_load %arg5[%get3A_575, %get3A_576] {strides = array<i32>} : memref<16x1024xf32, #tpu.memory_space<vmem>>, vector<16xf32>,
        %add3A_578 = vector.broadcast %mul3A_489 : i32 to vector<16xi32>
        %add3A_579 = arith.addi %add3A_90, %add3A_578 : vector<16xi32>
        tpu.vector_store_idx %arg7[%add3A_579], %get3A_577 : memref<16384xf32, #tpu.memory_space<vmem>>[vector<16xi32>], vector<16xf32>,
        %get3A_580 = arith.constant 15 : i32
        %get3A_581 = arith.index_cast %get3A_580 : i32 to index
        %get3A_582 = arith.index_cast %mul3A_487 : i32 to index
        %get3A_583 = tpu.vector_load %arg5[%get3A_581, %get3A_582] {strides = array<i32>} : memref<16x1024xf32, #tpu.memory_space<vmem>>, vector<16xf32>,
        %add3A_584 = vector.broadcast %mul3A_489 : i32 to vector<16xi32>
        %add3A_585 = arith.addi %add3A_96, %add3A_584 : vector<16xi32>
        tpu.vector_store_idx %arg7[%add3A_585], %get3A_583 : memref<16384xf32, #tpu.memory_space<vmem>>[vector<16xi32>], vector<16xf32>,
      }
      %scan3A_165 = arith.constant 64 : i32
      %mul3A_166 = arith.constant 16 : i32
      %mul3A_167 = arith.muli %mul3A_139, %mul3A_166 : i32
      %dma_start3A_168 = arith.constant 0 : i32
      %dma_start3A_169 = tpu.memref_slice %arg7[%dma_start3A_168] : memref<16384xf32, #tpu.memory_space<vmem>> -> memref<16384xf32, #tpu.memory_space<vmem>>
      %dma_start3A_170 = tpu.memref_slice %arg4[%mul3A_167] : memref<16000000xf32, #tpu.memory_space<hbm>> -> memref<16384xf32, #tpu.memory_space<hbm>>
      %dma_start3A_171 = tpu.memref_slice %arg4[%mul3A_167] : memref<16000000xf32, #tpu.memory_space<hbm>> -> memref<16384xf32, #tpu.memory_space<hbm>>
      %dma_start3A_172 = arith.constant 0 : i32
      %dma_start3A_173 = tpu.memref_slice %arg7[%dma_start3A_172] : memref<16384xf32, #tpu.memory_space<vmem>> -> memref<16384xf32, #tpu.memory_space<vmem>>
      tpu.enqueue_dma source(%dma_start3A_173 : memref<16384xf32, #tpu.memory_space<vmem>>) target(%dma_start3A_171 : memref<16384xf32, #tpu.memory_space<hbm>>) target_semaphore(%arg11 : memref<!tpu.dma_semaphore, #tpu.memory_space<semaphore_mem>>)
      %dma_wait3A_174 = arith.constant 0 : i32
      %dma_wait3A_175 = tpu.memref_slice %arg7[%dma_wait3A_174] : memref<16384xf32, #tpu.memory_space<vmem>> -> memref<16384xf32, #tpu.memory_space<vmem>>
      %dma_wait3A_176 = tpu.memref_slice %arg4[%mul3A_167] : memref<16000000xf32, #tpu.memory_space<hbm>> -> memref<16384xf32, #tpu.memory_space<hbm>>
      %dma_wait3A_177 = tpu.memref_slice %arg4[%mul3A_167] : memref<16000000xf32, #tpu.memory_space<hbm>> -> memref<16384xf32, #tpu.memory_space<hbm>>
      %dma_wait3A_178 = arith.constant 0 : i32
      %dma_wait3A_179 = tpu.memref_slice %arg7[%dma_wait3A_178] : memref<16384xf32, #tpu.memory_space<vmem>> -> memref<16384xf32, #tpu.memory_space<vmem>>
      tpu.wait_dma2 semaphore(%arg11 : memref<!tpu.dma_semaphore, #tpu.memory_space<semaphore_mem>>) src(%dma_wait3A_179 : memref<16384xf32, #tpu.memory_space<vmem>>) dst(%dma_wait3A_177 : memref<16384xf32, #tpu.memory_space<hbm>>)
    } else {
    }
    %eq3A = arith.constant 31 : i32
    %eq3A_132 = arith.cmpi eq, %add3A, %eq3A : i32
    %convert_element_type3A_133 = arith.extui %eq3A_132 : i1 to i32
    %cond3A_134 = arith.constant 0 : i32
    %cond3A_135 = arith.cmpi ne, %convert_element_type3A_133, %cond3A_134 : i32
    scf.if %cond3A_135 {
      %dma_start3A_136 = arith.constant 0 : i32
      %dma_start3A_137 = arith.constant 0 : i32
      %dma_start3A_138 = tpu.memref_slice %arg6[%dma_start3A_136, %dma_start3A_137] : memref<16x1024xf32, #tpu.memory_space<vmem>> -> memref<16x640xf32, #tpu.memory_space<vmem>>
      %dma_start3A_139 = arith.constant 0 : i32
      %dma_start3A_140 = arith.constant 0 : i32
      %dma_start3A_141 = tpu.memref_slice %arg3[%dma_start3A_139, %dma_start3A_140] : memref<16x640xf32, #tpu.memory_space<hbm>> -> memref<16x640xf32, #tpu.memory_space<hbm>>
      %dma_start3A_142 = arith.constant 0 : i32
      %dma_start3A_143 = arith.constant 0 : i32
      %dma_start3A_144 = tpu.memref_slice %arg6[%dma_start3A_142, %dma_start3A_143] : memref<16x1024xf32, #tpu.memory_space<vmem>> -> memref<16x640xf32, #tpu.memory_space<vmem>>
      %dma_start3A_145 = arith.constant 0 : i32
      %dma_start3A_146 = arith.constant 0 : i32
      %dma_start3A_147 = tpu.memref_slice %arg3[%dma_start3A_145, %dma_start3A_146] : memref<16x640xf32, #tpu.memory_space<hbm>> -> memref<16x640xf32, #tpu.memory_space<hbm>>
      tpu.enqueue_dma source(%dma_start3A_147 : memref<16x640xf32, #tpu.memory_space<hbm>>) target(%dma_start3A_144 : memref<16x640xf32, #tpu.memory_space<vmem>>) target_semaphore(%arg10 : memref<!tpu.dma_semaphore, #tpu.memory_space<semaphore_mem>>)
      %dma_wait3A_148 = arith.constant 0 : i32
      %dma_wait3A_149 = arith.constant 0 : i32
      %dma_wait3A_150 = tpu.memref_slice %arg6[%dma_wait3A_148, %dma_wait3A_149] : memref<16x1024xf32, #tpu.memory_space<vmem>> -> memref<16x640xf32, #tpu.memory_space<vmem>>
      %dma_wait3A_151 = arith.constant 0 : i32
      %dma_wait3A_152 = arith.constant 0 : i32
      %dma_wait3A_153 = tpu.memref_slice %arg3[%dma_wait3A_151, %dma_wait3A_152] : memref<16x640xf32, #tpu.memory_space<hbm>> -> memref<16x640xf32, #tpu.memory_space<hbm>>
      %dma_wait3A_154 = arith.constant 0 : i32
      %dma_wait3A_155 = arith.constant 0 : i32
      %dma_wait3A_156 = tpu.memref_slice %arg6[%dma_wait3A_154, %dma_wait3A_155] : memref<16x1024xf32, #tpu.memory_space<vmem>> -> memref<16x640xf32, #tpu.memory_space<vmem>>
      %dma_wait3A_157 = arith.constant 0 : i32
      %dma_wait3A_158 = arith.constant 0 : i32
      %dma_wait3A_159 = tpu.memref_slice %arg3[%dma_wait3A_157, %dma_wait3A_158] : memref<16x640xf32, #tpu.memory_space<hbm>> -> memref<16x640xf32, #tpu.memory_space<hbm>>
      tpu.wait_dma2 semaphore(%arg10 : memref<!tpu.dma_semaphore, #tpu.memory_space<semaphore_mem>>) src(%dma_wait3A_159 : memref<16x640xf32, #tpu.memory_space<hbm>>) dst(%dma_wait3A_156 : memref<16x640xf32, #tpu.memory_space<vmem>>)
      %scan3A_160 = arith.constant 0 : i32
      %scan3A_161 = arith.constant 0 : i32
      %scan3A_162 = arith.constant 40 : i32
      %scan3A_163 = arith.addi %scan3A_161, %scan3A_162 : i32
      %scan3A_164 = arith.constant 4 : i32
      scf.for %scan3A_182 = %scan3A_161 to %scan3A_163 step %scan3A_164  : i32 {
        %mul3A_183 = arith.constant 16 : i32
        %mul3A_184 = arith.muli %scan3A_182, %mul3A_183 : i32
        %mul3A_185 = arith.constant 256 : i32
        %mul3A_186 = arith.muli %scan3A_182, %mul3A_185 : i32
        %get3A = arith.constant 0 : i32
        %get3A_187 = arith.index_cast %get3A : i32 to index
        %get3A_188 = arith.index_cast %mul3A_184 : i32 to index
        %get3A_189 = tpu.vector_load %arg6[%get3A_187, %get3A_188] {strides = array<i32>} : memref<16x1024xf32, #tpu.memory_space<vmem>>, vector<16xf32>,
        %add3A_190 = vector.broadcast %mul3A_186 : i32 to vector<16xi32>
        %add3A_191 = arith.addi %add3A_6, %add3A_190 : vector<16xi32>
        tpu.vector_store_idx %arg8[%add3A_191], %get3A_189 : memref<16384xf32, #tpu.memory_space<vmem>>[vector<16xi32>], vector<16xf32>,
        %get3A_192 = arith.constant 1 : i32
        %get3A_193 = arith.index_cast %get3A_192 : i32 to index
        %get3A_194 = arith.index_cast %mul3A_184 : i32 to index
        %get3A_195 = tpu.vector_load %arg6[%get3A_193, %get3A_194] {strides = array<i32>} : memref<16x1024xf32, #tpu.memory_space<vmem>>, vector<16xf32>,
        %add3A_196 = vector.broadcast %mul3A_186 : i32 to vector<16xi32>
        %add3A_197 = arith.addi %add3A_12, %add3A_196 : vector<16xi32>
        tpu.vector_store_idx %arg8[%add3A_197], %get3A_195 : memref<16384xf32, #tpu.memory_space<vmem>>[vector<16xi32>], vector<16xf32>,
        %get3A_198 = arith.constant 2 : i32
        %get3A_199 = arith.index_cast %get3A_198 : i32 to index
        %get3A_200 = arith.index_cast %mul3A_184 : i32 to index
        %get3A_201 = tpu.vector_load %arg6[%get3A_199, %get3A_200] {strides = array<i32>} : memref<16x1024xf32, #tpu.memory_space<vmem>>, vector<16xf32>,
        %add3A_202 = vector.broadcast %mul3A_186 : i32 to vector<16xi32>
        %add3A_203 = arith.addi %add3A_18, %add3A_202 : vector<16xi32>
        tpu.vector_store_idx %arg8[%add3A_203], %get3A_201 : memref<16384xf32, #tpu.memory_space<vmem>>[vector<16xi32>], vector<16xf32>,
        %get3A_204 = arith.constant 3 : i32
        %get3A_205 = arith.index_cast %get3A_204 : i32 to index
        %get3A_206 = arith.index_cast %mul3A_184 : i32 to index
        %get3A_207 = tpu.vector_load %arg6[%get3A_205, %get3A_206] {strides = array<i32>} : memref<16x1024xf32, #tpu.memory_space<vmem>>, vector<16xf32>,
        %add3A_208 = vector.broadcast %mul3A_186 : i32 to vector<16xi32>
        %add3A_209 = arith.addi %add3A_24, %add3A_208 : vector<16xi32>
        tpu.vector_store_idx %arg8[%add3A_209], %get3A_207 : memref<16384xf32, #tpu.memory_space<vmem>>[vector<16xi32>], vector<16xf32>,
        %get3A_210 = arith.constant 4 : i32
        %get3A_211 = arith.index_cast %get3A_210 : i32 to index
        %get3A_212 = arith.index_cast %mul3A_184 : i32 to index
        %get3A_213 = tpu.vector_load %arg6[%get3A_211, %get3A_212] {strides = array<i32>} : memref<16x1024xf32, #tpu.memory_space<vmem>>, vector<16xf32>,
        %add3A_214 = vector.broadcast %mul3A_186 : i32 to vector<16xi32>
        %add3A_215 = arith.addi %add3A_30, %add3A_214 : vector<16xi32>
        tpu.vector_store_idx %arg8[%add3A_215], %get3A_213 : memref<16384xf32, #tpu.memory_space<vmem>>[vector<16xi32>], vector<16xf32>,
        %get3A_216 = arith.constant 5 : i32
        %get3A_217 = arith.index_cast %get3A_216 : i32 to index
        %get3A_218 = arith.index_cast %mul3A_184 : i32 to index
        %get3A_219 = tpu.vector_load %arg6[%get3A_217, %get3A_218] {strides = array<i32>} : memref<16x1024xf32, #tpu.memory_space<vmem>>, vector<16xf32>,
        %add3A_220 = vector.broadcast %mul3A_186 : i32 to vector<16xi32>
        %add3A_221 = arith.addi %add3A_36, %add3A_220 : vector<16xi32>
        tpu.vector_store_idx %arg8[%add3A_221], %get3A_219 : memref<16384xf32, #tpu.memory_space<vmem>>[vector<16xi32>], vector<16xf32>,
        %get3A_222 = arith.constant 6 : i32
        %get3A_223 = arith.index_cast %get3A_222 : i32 to index
        %get3A_224 = arith.index_cast %mul3A_184 : i32 to index
        %get3A_225 = tpu.vector_load %arg6[%get3A_223, %get3A_224] {strides = array<i32>} : memref<16x1024xf32, #tpu.memory_space<vmem>>, vector<16xf32>,
        %add3A_226 = vector.broadcast %mul3A_186 : i32 to vector<16xi32>
        %add3A_227 = arith.addi %add3A_42, %add3A_226 : vector<16xi32>
        tpu.vector_store_idx %arg8[%add3A_227], %get3A_225 : memref<16384xf32, #tpu.memory_space<vmem>>[vector<16xi32>], vector<16xf32>,
        %get3A_228 = arith.constant 7 : i32
        %get3A_229 = arith.index_cast %get3A_228 : i32 to index
        %get3A_230 = arith.index_cast %mul3A_184 : i32 to index
        %get3A_231 = tpu.vector_load %arg6[%get3A_229, %get3A_230] {strides = array<i32>} : memref<16x1024xf32, #tpu.memory_space<vmem>>, vector<16xf32>,
        %add3A_232 = vector.broadcast %mul3A_186 : i32 to vector<16xi32>
        %add3A_233 = arith.addi %add3A_48, %add3A_232 : vector<16xi32>
        tpu.vector_store_idx %arg8[%add3A_233], %get3A_231 : memref<16384xf32, #tpu.memory_space<vmem>>[vector<16xi32>], vector<16xf32>,
        %get3A_234 = arith.constant 8 : i32
        %get3A_235 = arith.index_cast %get3A_234 : i32 to index
        %get3A_236 = arith.index_cast %mul3A_184 : i32 to index
        %get3A_237 = tpu.vector_load %arg6[%get3A_235, %get3A_236] {strides = array<i32>} : memref<16x1024xf32, #tpu.memory_space<vmem>>, vector<16xf32>,
        %add3A_238 = vector.broadcast %mul3A_186 : i32 to vector<16xi32>
        %add3A_239 = arith.addi %add3A_54, %add3A_238 : vector<16xi32>
        tpu.vector_store_idx %arg8[%add3A_239], %get3A_237 : memref<16384xf32, #tpu.memory_space<vmem>>[vector<16xi32>], vector<16xf32>,
        %get3A_240 = arith.constant 9 : i32
        %get3A_241 = arith.index_cast %get3A_240 : i32 to index
        %get3A_242 = arith.index_cast %mul3A_184 : i32 to index
        %get3A_243 = tpu.vector_load %arg6[%get3A_241, %get3A_242] {strides = array<i32>} : memref<16x1024xf32, #tpu.memory_space<vmem>>, vector<16xf32>,
        %add3A_244 = vector.broadcast %mul3A_186 : i32 to vector<16xi32>
        %add3A_245 = arith.addi %add3A_60, %add3A_244 : vector<16xi32>
        tpu.vector_store_idx %arg8[%add3A_245], %get3A_243 : memref<16384xf32, #tpu.memory_space<vmem>>[vector<16xi32>], vector<16xf32>,
        %get3A_246 = arith.constant 10 : i32
        %get3A_247 = arith.index_cast %get3A_246 : i32 to index
        %get3A_248 = arith.index_cast %mul3A_184 : i32 to index
        %get3A_249 = tpu.vector_load %arg6[%get3A_247, %get3A_248] {strides = array<i32>} : memref<16x1024xf32, #tpu.memory_space<vmem>>, vector<16xf32>,
        %add3A_250 = vector.broadcast %mul3A_186 : i32 to vector<16xi32>
        %add3A_251 = arith.addi %add3A_66, %add3A_250 : vector<16xi32>
        tpu.vector_store_idx %arg8[%add3A_251], %get3A_249 : memref<16384xf32, #tpu.memory_space<vmem>>[vector<16xi32>], vector<16xf32>,
        %get3A_252 = arith.constant 11 : i32
        %get3A_253 = arith.index_cast %get3A_252 : i32 to index
        %get3A_254 = arith.index_cast %mul3A_184 : i32 to index
        %get3A_255 = tpu.vector_load %arg6[%get3A_253, %get3A_254] {strides = array<i32>} : memref<16x1024xf32, #tpu.memory_space<vmem>>, vector<16xf32>,
        %add3A_256 = vector.broadcast %mul3A_186 : i32 to vector<16xi32>
        %add3A_257 = arith.addi %add3A_72, %add3A_256 : vector<16xi32>
        tpu.vector_store_idx %arg8[%add3A_257], %get3A_255 : memref<16384xf32, #tpu.memory_space<vmem>>[vector<16xi32>], vector<16xf32>,
        %get3A_258 = arith.constant 12 : i32
        %get3A_259 = arith.index_cast %get3A_258 : i32 to index
        %get3A_260 = arith.index_cast %mul3A_184 : i32 to index
        %get3A_261 = tpu.vector_load %arg6[%get3A_259, %get3A_260] {strides = array<i32>} : memref<16x1024xf32, #tpu.memory_space<vmem>>, vector<16xf32>,
        %add3A_262 = vector.broadcast %mul3A_186 : i32 to vector<16xi32>
        %add3A_263 = arith.addi %add3A_78, %add3A_262 : vector<16xi32>
        tpu.vector_store_idx %arg8[%add3A_263], %get3A_261 : memref<16384xf32, #tpu.memory_space<vmem>>[vector<16xi32>], vector<16xf32>,
        %get3A_264 = arith.constant 13 : i32
        %get3A_265 = arith.index_cast %get3A_264 : i32 to index
        %get3A_266 = arith.index_cast %mul3A_184 : i32 to index
        %get3A_267 = tpu.vector_load %arg6[%get3A_265, %get3A_266] {strides = array<i32>} : memref<16x1024xf32, #tpu.memory_space<vmem>>, vector<16xf32>,
        %add3A_268 = vector.broadcast %mul3A_186 : i32 to vector<16xi32>
        %add3A_269 = arith.addi %add3A_84, %add3A_268 : vector<16xi32>
        tpu.vector_store_idx %arg8[%add3A_269], %get3A_267 : memref<16384xf32, #tpu.memory_space<vmem>>[vector<16xi32>], vector<16xf32>,
        %get3A_270 = arith.constant 14 : i32
        %get3A_271 = arith.index_cast %get3A_270 : i32 to index
        %get3A_272 = arith.index_cast %mul3A_184 : i32 to index
        %get3A_273 = tpu.vector_load %arg6[%get3A_271, %get3A_272] {strides = array<i32>} : memref<16x1024xf32, #tpu.memory_space<vmem>>, vector<16xf32>,
        %add3A_274 = vector.broadcast %mul3A_186 : i32 to vector<16xi32>
        %add3A_275 = arith.addi %add3A_90, %add3A_274 : vector<16xi32>
        tpu.vector_store_idx %arg8[%add3A_275], %get3A_273 : memref<16384xf32, #tpu.memory_space<vmem>>[vector<16xi32>], vector<16xf32>,
        %get3A_276 = arith.constant 15 : i32
        %get3A_277 = arith.index_cast %get3A_276 : i32 to index
        %get3A_278 = arith.index_cast %mul3A_184 : i32 to index
        %get3A_279 = tpu.vector_load %arg6[%get3A_277, %get3A_278] {strides = array<i32>} : memref<16x1024xf32, #tpu.memory_space<vmem>>, vector<16xf32>,
        %add3A_280 = vector.broadcast %mul3A_186 : i32 to vector<16xi32>
        %add3A_281 = arith.addi %add3A_96, %add3A_280 : vector<16xi32>
        tpu.vector_store_idx %arg8[%add3A_281], %get3A_279 : memref<16384xf32, #tpu.memory_space<vmem>>[vector<16xi32>], vector<16xf32>,
        %scan3A_282 = arith.constant 1 : i32
        %scan3A_283 = arith.addi %scan3A_182, %scan3A_282 : i32
        %mul3A_284 = arith.constant 16 : i32
        %mul3A_285 = arith.muli %scan3A_283, %mul3A_284 : i32
        %mul3A_286 = arith.constant 256 : i32
        %mul3A_287 = arith.muli %scan3A_283, %mul3A_286 : i32
        %get3A_288 = arith.constant 0 : i32
        %get3A_289 = arith.index_cast %get3A_288 : i32 to index
        %get3A_290 = arith.index_cast %mul3A_285 : i32 to index
        %get3A_291 = tpu.vector_load %arg6[%get3A_289, %get3A_290] {strides = array<i32>} : memref<16x1024xf32, #tpu.memory_space<vmem>>, vector<16xf32>,
        %add3A_292 = vector.broadcast %mul3A_287 : i32 to vector<16xi32>
        %add3A_293 = arith.addi %add3A_6, %add3A_292 : vector<16xi32>
        tpu.vector_store_idx %arg8[%add3A_293], %get3A_291 : memref<16384xf32, #tpu.memory_space<vmem>>[vector<16xi32>], vector<16xf32>,
        %get3A_294 = arith.constant 1 : i32
        %get3A_295 = arith.index_cast %get3A_294 : i32 to index
        %get3A_296 = arith.index_cast %mul3A_285 : i32 to index
        %get3A_297 = tpu.vector_load %arg6[%get3A_295, %get3A_296] {strides = array<i32>} : memref<16x1024xf32, #tpu.memory_space<vmem>>, vector<16xf32>,
        %add3A_298 = vector.broadcast %mul3A_287 : i32 to vector<16xi32>
        %add3A_299 = arith.addi %add3A_12, %add3A_298 : vector<16xi32>
        tpu.vector_store_idx %arg8[%add3A_299], %get3A_297 : memref<16384xf32, #tpu.memory_space<vmem>>[vector<16xi32>], vector<16xf32>,
        %get3A_300 = arith.constant 2 : i32
        %get3A_301 = arith.index_cast %get3A_300 : i32 to index
        %get3A_302 = arith.index_cast %mul3A_285 : i32 to index
        %get3A_303 = tpu.vector_load %arg6[%get3A_301, %get3A_302] {strides = array<i32>} : memref<16x1024xf32, #tpu.memory_space<vmem>>, vector<16xf32>,
        %add3A_304 = vector.broadcast %mul3A_287 : i32 to vector<16xi32>
        %add3A_305 = arith.addi %add3A_18, %add3A_304 : vector<16xi32>
        tpu.vector_store_idx %arg8[%add3A_305], %get3A_303 : memref<16384xf32, #tpu.memory_space<vmem>>[vector<16xi32>], vector<16xf32>,
        %get3A_306 = arith.constant 3 : i32
        %get3A_307 = arith.index_cast %get3A_306 : i32 to index
        %get3A_308 = arith.index_cast %mul3A_285 : i32 to index
        %get3A_309 = tpu.vector_load %arg6[%get3A_307, %get3A_308] {strides = array<i32>} : memref<16x1024xf32, #tpu.memory_space<vmem>>, vector<16xf32>,
        %add3A_310 = vector.broadcast %mul3A_287 : i32 to vector<16xi32>
        %add3A_311 = arith.addi %add3A_24, %add3A_310 : vector<16xi32>
        tpu.vector_store_idx %arg8[%add3A_311], %get3A_309 : memref<16384xf32, #tpu.memory_space<vmem>>[vector<16xi32>], vector<16xf32>,
        %get3A_312 = arith.constant 4 : i32
        %get3A_313 = arith.index_cast %get3A_312 : i32 to index
        %get3A_314 = arith.index_cast %mul3A_285 : i32 to index
        %get3A_315 = tpu.vector_load %arg6[%get3A_313, %get3A_314] {strides = array<i32>} : memref<16x1024xf32, #tpu.memory_space<vmem>>, vector<16xf32>,
        %add3A_316 = vector.broadcast %mul3A_287 : i32 to vector<16xi32>
        %add3A_317 = arith.addi %add3A_30, %add3A_316 : vector<16xi32>
        tpu.vector_store_idx %arg8[%add3A_317], %get3A_315 : memref<16384xf32, #tpu.memory_space<vmem>>[vector<16xi32>], vector<16xf32>,
        %get3A_318 = arith.constant 5 : i32
        %get3A_319 = arith.index_cast %get3A_318 : i32 to index
        %get3A_320 = arith.index_cast %mul3A_285 : i32 to index
        %get3A_321 = tpu.vector_load %arg6[%get3A_319, %get3A_320] {strides = array<i32>} : memref<16x1024xf32, #tpu.memory_space<vmem>>, vector<16xf32>,
        %add3A_322 = vector.broadcast %mul3A_287 : i32 to vector<16xi32>
        %add3A_323 = arith.addi %add3A_36, %add3A_322 : vector<16xi32>
        tpu.vector_store_idx %arg8[%add3A_323], %get3A_321 : memref<16384xf32, #tpu.memory_space<vmem>>[vector<16xi32>], vector<16xf32>,
        %get3A_324 = arith.constant 6 : i32
        %get3A_325 = arith.index_cast %get3A_324 : i32 to index
        %get3A_326 = arith.index_cast %mul3A_285 : i32 to index
        %get3A_327 = tpu.vector_load %arg6[%get3A_325, %get3A_326] {strides = array<i32>} : memref<16x1024xf32, #tpu.memory_space<vmem>>, vector<16xf32>,
        %add3A_328 = vector.broadcast %mul3A_287 : i32 to vector<16xi32>
        %add3A_329 = arith.addi %add3A_42, %add3A_328 : vector<16xi32>
        tpu.vector_store_idx %arg8[%add3A_329], %get3A_327 : memref<16384xf32, #tpu.memory_space<vmem>>[vector<16xi32>], vector<16xf32>,
        %get3A_330 = arith.constant 7 : i32
        %get3A_331 = arith.index_cast %get3A_330 : i32 to index
        %get3A_332 = arith.index_cast %mul3A_285 : i32 to index
        %get3A_333 = tpu.vector_load %arg6[%get3A_331, %get3A_332] {strides = array<i32>} : memref<16x1024xf32, #tpu.memory_space<vmem>>, vector<16xf32>,
        %add3A_334 = vector.broadcast %mul3A_287 : i32 to vector<16xi32>
        %add3A_335 = arith.addi %add3A_48, %add3A_334 : vector<16xi32>
        tpu.vector_store_idx %arg8[%add3A_335], %get3A_333 : memref<16384xf32, #tpu.memory_space<vmem>>[vector<16xi32>], vector<16xf32>,
        %get3A_336 = arith.constant 8 : i32
        %get3A_337 = arith.index_cast %get3A_336 : i32 to index
        %get3A_338 = arith.index_cast %mul3A_285 : i32 to index
        %get3A_339 = tpu.vector_load %arg6[%get3A_337, %get3A_338] {strides = array<i32>} : memref<16x1024xf32, #tpu.memory_space<vmem>>, vector<16xf32>,
        %add3A_340 = vector.broadcast %mul3A_287 : i32 to vector<16xi32>
        %add3A_341 = arith.addi %add3A_54, %add3A_340 : vector<16xi32>
        tpu.vector_store_idx %arg8[%add3A_341], %get3A_339 : memref<16384xf32, #tpu.memory_space<vmem>>[vector<16xi32>], vector<16xf32>,
        %get3A_342 = arith.constant 9 : i32
        %get3A_343 = arith.index_cast %get3A_342 : i32 to index
        %get3A_344 = arith.index_cast %mul3A_285 : i32 to index
        %get3A_345 = tpu.vector_load %arg6[%get3A_343, %get3A_344] {strides = array<i32>} : memref<16x1024xf32, #tpu.memory_space<vmem>>, vector<16xf32>,
        %add3A_346 = vector.broadcast %mul3A_287 : i32 to vector<16xi32>
        %add3A_347 = arith.addi %add3A_60, %add3A_346 : vector<16xi32>
        tpu.vector_store_idx %arg8[%add3A_347], %get3A_345 : memref<16384xf32, #tpu.memory_space<vmem>>[vector<16xi32>], vector<16xf32>,
        %get3A_348 = arith.constant 10 : i32
        %get3A_349 = arith.index_cast %get3A_348 : i32 to index
        %get3A_350 = arith.index_cast %mul3A_285 : i32 to index
        %get3A_351 = tpu.vector_load %arg6[%get3A_349, %get3A_350] {strides = array<i32>} : memref<16x1024xf32, #tpu.memory_space<vmem>>, vector<16xf32>,
        %add3A_352 = vector.broadcast %mul3A_287 : i32 to vector<16xi32>
        %add3A_353 = arith.addi %add3A_66, %add3A_352 : vector<16xi32>
        tpu.vector_store_idx %arg8[%add3A_353], %get3A_351 : memref<16384xf32, #tpu.memory_space<vmem>>[vector<16xi32>], vector<16xf32>,
        %get3A_354 = arith.constant 11 : i32
        %get3A_355 = arith.index_cast %get3A_354 : i32 to index
        %get3A_356 = arith.index_cast %mul3A_285 : i32 to index
        %get3A_357 = tpu.vector_load %arg6[%get3A_355, %get3A_356] {strides = array<i32>} : memref<16x1024xf32, #tpu.memory_space<vmem>>, vector<16xf32>,
        %add3A_358 = vector.broadcast %mul3A_287 : i32 to vector<16xi32>
        %add3A_359 = arith.addi %add3A_72, %add3A_358 : vector<16xi32>
        tpu.vector_store_idx %arg8[%add3A_359], %get3A_357 : memref<16384xf32, #tpu.memory_space<vmem>>[vector<16xi32>], vector<16xf32>,
        %get3A_360 = arith.constant 12 : i32
        %get3A_361 = arith.index_cast %get3A_360 : i32 to index
        %get3A_362 = arith.index_cast %mul3A_285 : i32 to index
        %get3A_363 = tpu.vector_load %arg6[%get3A_361, %get3A_362] {strides = array<i32>} : memref<16x1024xf32, #tpu.memory_space<vmem>>, vector<16xf32>,
        %add3A_364 = vector.broadcast %mul3A_287 : i32 to vector<16xi32>
        %add3A_365 = arith.addi %add3A_78, %add3A_364 : vector<16xi32>
        tpu.vector_store_idx %arg8[%add3A_365], %get3A_363 : memref<16384xf32, #tpu.memory_space<vmem>>[vector<16xi32>], vector<16xf32>,
        %get3A_366 = arith.constant 13 : i32
        %get3A_367 = arith.index_cast %get3A_366 : i32 to index
        %get3A_368 = arith.index_cast %mul3A_285 : i32 to index
        %get3A_369 = tpu.vector_load %arg6[%get3A_367, %get3A_368] {strides = array<i32>} : memref<16x1024xf32, #tpu.memory_space<vmem>>, vector<16xf32>,
        %add3A_370 = vector.broadcast %mul3A_287 : i32 to vector<16xi32>
        %add3A_371 = arith.addi %add3A_84, %add3A_370 : vector<16xi32>
        tpu.vector_store_idx %arg8[%add3A_371], %get3A_369 : memref<16384xf32, #tpu.memory_space<vmem>>[vector<16xi32>], vector<16xf32>,
        %get3A_372 = arith.constant 14 : i32
        %get3A_373 = arith.index_cast %get3A_372 : i32 to index
        %get3A_374 = arith.index_cast %mul3A_285 : i32 to index
        %get3A_375 = tpu.vector_load %arg6[%get3A_373, %get3A_374] {strides = array<i32>} : memref<16x1024xf32, #tpu.memory_space<vmem>>, vector<16xf32>,
        %add3A_376 = vector.broadcast %mul3A_287 : i32 to vector<16xi32>
        %add3A_377 = arith.addi %add3A_90, %add3A_376 : vector<16xi32>
        tpu.vector_store_idx %arg8[%add3A_377], %get3A_375 : memref<16384xf32, #tpu.memory_space<vmem>>[vector<16xi32>], vector<16xf32>,
        %get3A_378 = arith.constant 15 : i32
        %get3A_379 = arith.index_cast %get3A_378 : i32 to index
        %get3A_380 = arith.index_cast %mul3A_285 : i32 to index
        %get3A_381 = tpu.vector_load %arg6[%get3A_379, %get3A_380] {strides = array<i32>} : memref<16x1024xf32, #tpu.memory_space<vmem>>, vector<16xf32>,
        %add3A_382 = vector.broadcast %mul3A_287 : i32 to vector<16xi32>
        %add3A_383 = arith.addi %add3A_96, %add3A_382 : vector<16xi32>
        tpu.vector_store_idx %arg8[%add3A_383], %get3A_381 : memref<16384xf32, #tpu.memory_space<vmem>>[vector<16xi32>], vector<16xf32>,
        %scan3A_384 = arith.constant 2 : i32
        %scan3A_385 = arith.addi %scan3A_182, %scan3A_384 : i32
        %mul3A_386 = arith.constant 16 : i32
        %mul3A_387 = arith.muli %scan3A_385, %mul3A_386 : i32
        %mul3A_388 = arith.constant 256 : i32
        %mul3A_389 = arith.muli %scan3A_385, %mul3A_388 : i32
        %get3A_390 = arith.constant 0 : i32
        %get3A_391 = arith.index_cast %get3A_390 : i32 to index
        %get3A_392 = arith.index_cast %mul3A_387 : i32 to index
        %get3A_393 = tpu.vector_load %arg6[%get3A_391, %get3A_392] {strides = array<i32>} : memref<16x1024xf32, #tpu.memory_space<vmem>>, vector<16xf32>,
        %add3A_394 = vector.broadcast %mul3A_389 : i32 to vector<16xi32>
        %add3A_395 = arith.addi %add3A_6, %add3A_394 : vector<16xi32>
        tpu.vector_store_idx %arg8[%add3A_395], %get3A_393 : memref<16384xf32, #tpu.memory_space<vmem>>[vector<16xi32>], vector<16xf32>,
        %get3A_396 = arith.constant 1 : i32
        %get3A_397 = arith.index_cast %get3A_396 : i32 to index
        %get3A_398 = arith.index_cast %mul3A_387 : i32 to index
        %get3A_399 = tpu.vector_load %arg6[%get3A_397, %get3A_398] {strides = array<i32>} : memref<16x1024xf32, #tpu.memory_space<vmem>>, vector<16xf32>,
        %add3A_400 = vector.broadcast %mul3A_389 : i32 to vector<16xi32>
        %add3A_401 = arith.addi %add3A_12, %add3A_400 : vector<16xi32>
        tpu.vector_store_idx %arg8[%add3A_401], %get3A_399 : memref<16384xf32, #tpu.memory_space<vmem>>[vector<16xi32>], vector<16xf32>,
        %get3A_402 = arith.constant 2 : i32
        %get3A_403 = arith.index_cast %get3A_402 : i32 to index
        %get3A_404 = arith.index_cast %mul3A_387 : i32 to index
        %get3A_405 = tpu.vector_load %arg6[%get3A_403, %get3A_404] {strides = array<i32>} : memref<16x1024xf32, #tpu.memory_space<vmem>>, vector<16xf32>,
        %add3A_406 = vector.broadcast %mul3A_389 : i32 to vector<16xi32>
        %add3A_407 = arith.addi %add3A_18, %add3A_406 : vector<16xi32>
        tpu.vector_store_idx %arg8[%add3A_407], %get3A_405 : memref<16384xf32, #tpu.memory_space<vmem>>[vector<16xi32>], vector<16xf32>,
        %get3A_408 = arith.constant 3 : i32
        %get3A_409 = arith.index_cast %get3A_408 : i32 to index
        %get3A_410 = arith.index_cast %mul3A_387 : i32 to index
        %get3A_411 = tpu.vector_load %arg6[%get3A_409, %get3A_410] {strides = array<i32>} : memref<16x1024xf32, #tpu.memory_space<vmem>>, vector<16xf32>,
        %add3A_412 = vector.broadcast %mul3A_389 : i32 to vector<16xi32>
        %add3A_413 = arith.addi %add3A_24, %add3A_412 : vector<16xi32>
        tpu.vector_store_idx %arg8[%add3A_413], %get3A_411 : memref<16384xf32, #tpu.memory_space<vmem>>[vector<16xi32>], vector<16xf32>,
        %get3A_414 = arith.constant 4 : i32
        %get3A_415 = arith.index_cast %get3A_414 : i32 to index
        %get3A_416 = arith.index_cast %mul3A_387 : i32 to index
        %get3A_417 = tpu.vector_load %arg6[%get3A_415, %get3A_416] {strides = array<i32>} : memref<16x1024xf32, #tpu.memory_space<vmem>>, vector<16xf32>,
        %add3A_418 = vector.broadcast %mul3A_389 : i32 to vector<16xi32>
        %add3A_419 = arith.addi %add3A_30, %add3A_418 : vector<16xi32>
        tpu.vector_store_idx %arg8[%add3A_419], %get3A_417 : memref<16384xf32, #tpu.memory_space<vmem>>[vector<16xi32>], vector<16xf32>,
        %get3A_420 = arith.constant 5 : i32
        %get3A_421 = arith.index_cast %get3A_420 : i32 to index
        %get3A_422 = arith.index_cast %mul3A_387 : i32 to index
        %get3A_423 = tpu.vector_load %arg6[%get3A_421, %get3A_422] {strides = array<i32>} : memref<16x1024xf32, #tpu.memory_space<vmem>>, vector<16xf32>,
        %add3A_424 = vector.broadcast %mul3A_389 : i32 to vector<16xi32>
        %add3A_425 = arith.addi %add3A_36, %add3A_424 : vector<16xi32>
        tpu.vector_store_idx %arg8[%add3A_425], %get3A_423 : memref<16384xf32, #tpu.memory_space<vmem>>[vector<16xi32>], vector<16xf32>,
        %get3A_426 = arith.constant 6 : i32
        %get3A_427 = arith.index_cast %get3A_426 : i32 to index
        %get3A_428 = arith.index_cast %mul3A_387 : i32 to index
        %get3A_429 = tpu.vector_load %arg6[%get3A_427, %get3A_428] {strides = array<i32>} : memref<16x1024xf32, #tpu.memory_space<vmem>>, vector<16xf32>,
        %add3A_430 = vector.broadcast %mul3A_389 : i32 to vector<16xi32>
        %add3A_431 = arith.addi %add3A_42, %add3A_430 : vector<16xi32>
        tpu.vector_store_idx %arg8[%add3A_431], %get3A_429 : memref<16384xf32, #tpu.memory_space<vmem>>[vector<16xi32>], vector<16xf32>,
        %get3A_432 = arith.constant 7 : i32
        %get3A_433 = arith.index_cast %get3A_432 : i32 to index
        %get3A_434 = arith.index_cast %mul3A_387 : i32 to index
        %get3A_435 = tpu.vector_load %arg6[%get3A_433, %get3A_434] {strides = array<i32>} : memref<16x1024xf32, #tpu.memory_space<vmem>>, vector<16xf32>,
        %add3A_436 = vector.broadcast %mul3A_389 : i32 to vector<16xi32>
        %add3A_437 = arith.addi %add3A_48, %add3A_436 : vector<16xi32>
        tpu.vector_store_idx %arg8[%add3A_437], %get3A_435 : memref<16384xf32, #tpu.memory_space<vmem>>[vector<16xi32>], vector<16xf32>,
        %get3A_438 = arith.constant 8 : i32
        %get3A_439 = arith.index_cast %get3A_438 : i32 to index
        %get3A_440 = arith.index_cast %mul3A_387 : i32 to index
        %get3A_441 = tpu.vector_load %arg6[%get3A_439, %get3A_440] {strides = array<i32>} : memref<16x1024xf32, #tpu.memory_space<vmem>>, vector<16xf32>,
        %add3A_442 = vector.broadcast %mul3A_389 : i32 to vector<16xi32>
        %add3A_443 = arith.addi %add3A_54, %add3A_442 : vector<16xi32>
        tpu.vector_store_idx %arg8[%add3A_443], %get3A_441 : memref<16384xf32, #tpu.memory_space<vmem>>[vector<16xi32>], vector<16xf32>,
        %get3A_444 = arith.constant 9 : i32
        %get3A_445 = arith.index_cast %get3A_444 : i32 to index
        %get3A_446 = arith.index_cast %mul3A_387 : i32 to index
        %get3A_447 = tpu.vector_load %arg6[%get3A_445, %get3A_446] {strides = array<i32>} : memref<16x1024xf32, #tpu.memory_space<vmem>>, vector<16xf32>,
        %add3A_448 = vector.broadcast %mul3A_389 : i32 to vector<16xi32>
        %add3A_449 = arith.addi %add3A_60, %add3A_448 : vector<16xi32>
        tpu.vector_store_idx %arg8[%add3A_449], %get3A_447 : memref<16384xf32, #tpu.memory_space<vmem>>[vector<16xi32>], vector<16xf32>,
        %get3A_450 = arith.constant 10 : i32
        %get3A_451 = arith.index_cast %get3A_450 : i32 to index
        %get3A_452 = arith.index_cast %mul3A_387 : i32 to index
        %get3A_453 = tpu.vector_load %arg6[%get3A_451, %get3A_452] {strides = array<i32>} : memref<16x1024xf32, #tpu.memory_space<vmem>>, vector<16xf32>,
        %add3A_454 = vector.broadcast %mul3A_389 : i32 to vector<16xi32>
        %add3A_455 = arith.addi %add3A_66, %add3A_454 : vector<16xi32>
        tpu.vector_store_idx %arg8[%add3A_455], %get3A_453 : memref<16384xf32, #tpu.memory_space<vmem>>[vector<16xi32>], vector<16xf32>,
        %get3A_456 = arith.constant 11 : i32
        %get3A_457 = arith.index_cast %get3A_456 : i32 to index
        %get3A_458 = arith.index_cast %mul3A_387 : i32 to index
        %get3A_459 = tpu.vector_load %arg6[%get3A_457, %get3A_458] {strides = array<i32>} : memref<16x1024xf32, #tpu.memory_space<vmem>>, vector<16xf32>,
        %add3A_460 = vector.broadcast %mul3A_389 : i32 to vector<16xi32>
        %add3A_461 = arith.addi %add3A_72, %add3A_460 : vector<16xi32>
        tpu.vector_store_idx %arg8[%add3A_461], %get3A_459 : memref<16384xf32, #tpu.memory_space<vmem>>[vector<16xi32>], vector<16xf32>,
        %get3A_462 = arith.constant 12 : i32
        %get3A_463 = arith.index_cast %get3A_462 : i32 to index
        %get3A_464 = arith.index_cast %mul3A_387 : i32 to index
        %get3A_465 = tpu.vector_load %arg6[%get3A_463, %get3A_464] {strides = array<i32>} : memref<16x1024xf32, #tpu.memory_space<vmem>>, vector<16xf32>,
        %add3A_466 = vector.broadcast %mul3A_389 : i32 to vector<16xi32>
        %add3A_467 = arith.addi %add3A_78, %add3A_466 : vector<16xi32>
        tpu.vector_store_idx %arg8[%add3A_467], %get3A_465 : memref<16384xf32, #tpu.memory_space<vmem>>[vector<16xi32>], vector<16xf32>,
        %get3A_468 = arith.constant 13 : i32
        %get3A_469 = arith.index_cast %get3A_468 : i32 to index
        %get3A_470 = arith.index_cast %mul3A_387 : i32 to index
        %get3A_471 = tpu.vector_load %arg6[%get3A_469, %get3A_470] {strides = array<i32>} : memref<16x1024xf32, #tpu.memory_space<vmem>>, vector<16xf32>,
        %add3A_472 = vector.broadcast %mul3A_389 : i32 to vector<16xi32>
        %add3A_473 = arith.addi %add3A_84, %add3A_472 : vector<16xi32>
        tpu.vector_store_idx %arg8[%add3A_473], %get3A_471 : memref<16384xf32, #tpu.memory_space<vmem>>[vector<16xi32>], vector<16xf32>,
        %get3A_474 = arith.constant 14 : i32
        %get3A_475 = arith.index_cast %get3A_474 : i32 to index
        %get3A_476 = arith.index_cast %mul3A_387 : i32 to index
        %get3A_477 = tpu.vector_load %arg6[%get3A_475, %get3A_476] {strides = array<i32>} : memref<16x1024xf32, #tpu.memory_space<vmem>>, vector<16xf32>,
        %add3A_478 = vector.broadcast %mul3A_389 : i32 to vector<16xi32>
        %add3A_479 = arith.addi %add3A_90, %add3A_478 : vector<16xi32>
        tpu.vector_store_idx %arg8[%add3A_479], %get3A_477 : memref<16384xf32, #tpu.memory_space<vmem>>[vector<16xi32>], vector<16xf32>,
        %get3A_480 = arith.constant 15 : i32
        %get3A_481 = arith.index_cast %get3A_480 : i32 to index
        %get3A_482 = arith.index_cast %mul3A_387 : i32 to index
        %get3A_483 = tpu.vector_load %arg6[%get3A_481, %get3A_482] {strides = array<i32>} : memref<16x1024xf32, #tpu.memory_space<vmem>>, vector<16xf32>,
        %add3A_484 = vector.broadcast %mul3A_389 : i32 to vector<16xi32>
        %add3A_485 = arith.addi %add3A_96, %add3A_484 : vector<16xi32>
        tpu.vector_store_idx %arg8[%add3A_485], %get3A_483 : memref<16384xf32, #tpu.memory_space<vmem>>[vector<16xi32>], vector<16xf32>,
        %scan3A_486 = arith.constant 3 : i32
        %scan3A_487 = arith.addi %scan3A_182, %scan3A_486 : i32
        %mul3A_488 = arith.constant 16 : i32
        %mul3A_489 = arith.muli %scan3A_487, %mul3A_488 : i32
        %mul3A_490 = arith.constant 256 : i32
        %mul3A_491 = arith.muli %scan3A_487, %mul3A_490 : i32
        %get3A_492 = arith.constant 0 : i32
        %get3A_493 = arith.index_cast %get3A_492 : i32 to index
        %get3A_494 = arith.index_cast %mul3A_489 : i32 to index
        %get3A_495 = tpu.vector_load %arg6[%get3A_493, %get3A_494] {strides = array<i32>} : memref<16x1024xf32, #tpu.memory_space<vmem>>, vector<16xf32>,
        %add3A_496 = vector.broadcast %mul3A_491 : i32 to vector<16xi32>
        %add3A_497 = arith.addi %add3A_6, %add3A_496 : vector<16xi32>
        tpu.vector_store_idx %arg8[%add3A_497], %get3A_495 : memref<16384xf32, #tpu.memory_space<vmem>>[vector<16xi32>], vector<16xf32>,
        %get3A_498 = arith.constant 1 : i32
        %get3A_499 = arith.index_cast %get3A_498 : i32 to index
        %get3A_500 = arith.index_cast %mul3A_489 : i32 to index
        %get3A_501 = tpu.vector_load %arg6[%get3A_499, %get3A_500] {strides = array<i32>} : memref<16x1024xf32, #tpu.memory_space<vmem>>, vector<16xf32>,
        %add3A_502 = vector.broadcast %mul3A_491 : i32 to vector<16xi32>
        %add3A_503 = arith.addi %add3A_12, %add3A_502 : vector<16xi32>
        tpu.vector_store_idx %arg8[%add3A_503], %get3A_501 : memref<16384xf32, #tpu.memory_space<vmem>>[vector<16xi32>], vector<16xf32>,
        %get3A_504 = arith.constant 2 : i32
        %get3A_505 = arith.index_cast %get3A_504 : i32 to index
        %get3A_506 = arith.index_cast %mul3A_489 : i32 to index
        %get3A_507 = tpu.vector_load %arg6[%get3A_505, %get3A_506] {strides = array<i32>} : memref<16x1024xf32, #tpu.memory_space<vmem>>, vector<16xf32>,
        %add3A_508 = vector.broadcast %mul3A_491 : i32 to vector<16xi32>
        %add3A_509 = arith.addi %add3A_18, %add3A_508 : vector<16xi32>
        tpu.vector_store_idx %arg8[%add3A_509], %get3A_507 : memref<16384xf32, #tpu.memory_space<vmem>>[vector<16xi32>], vector<16xf32>,
        %get3A_510 = arith.constant 3 : i32
        %get3A_511 = arith.index_cast %get3A_510 : i32 to index
        %get3A_512 = arith.index_cast %mul3A_489 : i32 to index
        %get3A_513 = tpu.vector_load %arg6[%get3A_511, %get3A_512] {strides = array<i32>} : memref<16x1024xf32, #tpu.memory_space<vmem>>, vector<16xf32>,
        %add3A_514 = vector.broadcast %mul3A_491 : i32 to vector<16xi32>
        %add3A_515 = arith.addi %add3A_24, %add3A_514 : vector<16xi32>
        tpu.vector_store_idx %arg8[%add3A_515], %get3A_513 : memref<16384xf32, #tpu.memory_space<vmem>>[vector<16xi32>], vector<16xf32>,
        %get3A_516 = arith.constant 4 : i32
        %get3A_517 = arith.index_cast %get3A_516 : i32 to index
        %get3A_518 = arith.index_cast %mul3A_489 : i32 to index
        %get3A_519 = tpu.vector_load %arg6[%get3A_517, %get3A_518] {strides = array<i32>} : memref<16x1024xf32, #tpu.memory_space<vmem>>, vector<16xf32>,
        %add3A_520 = vector.broadcast %mul3A_491 : i32 to vector<16xi32>
        %add3A_521 = arith.addi %add3A_30, %add3A_520 : vector<16xi32>
        tpu.vector_store_idx %arg8[%add3A_521], %get3A_519 : memref<16384xf32, #tpu.memory_space<vmem>>[vector<16xi32>], vector<16xf32>,
        %get3A_522 = arith.constant 5 : i32
        %get3A_523 = arith.index_cast %get3A_522 : i32 to index
        %get3A_524 = arith.index_cast %mul3A_489 : i32 to index
        %get3A_525 = tpu.vector_load %arg6[%get3A_523, %get3A_524] {strides = array<i32>} : memref<16x1024xf32, #tpu.memory_space<vmem>>, vector<16xf32>,
        %add3A_526 = vector.broadcast %mul3A_491 : i32 to vector<16xi32>
        %add3A_527 = arith.addi %add3A_36, %add3A_526 : vector<16xi32>
        tpu.vector_store_idx %arg8[%add3A_527], %get3A_525 : memref<16384xf32, #tpu.memory_space<vmem>>[vector<16xi32>], vector<16xf32>,
        %get3A_528 = arith.constant 6 : i32
        %get3A_529 = arith.index_cast %get3A_528 : i32 to index
        %get3A_530 = arith.index_cast %mul3A_489 : i32 to index
        %get3A_531 = tpu.vector_load %arg6[%get3A_529, %get3A_530] {strides = array<i32>} : memref<16x1024xf32, #tpu.memory_space<vmem>>, vector<16xf32>,
        %add3A_532 = vector.broadcast %mul3A_491 : i32 to vector<16xi32>
        %add3A_533 = arith.addi %add3A_42, %add3A_532 : vector<16xi32>
        tpu.vector_store_idx %arg8[%add3A_533], %get3A_531 : memref<16384xf32, #tpu.memory_space<vmem>>[vector<16xi32>], vector<16xf32>,
        %get3A_534 = arith.constant 7 : i32
        %get3A_535 = arith.index_cast %get3A_534 : i32 to index
        %get3A_536 = arith.index_cast %mul3A_489 : i32 to index
        %get3A_537 = tpu.vector_load %arg6[%get3A_535, %get3A_536] {strides = array<i32>} : memref<16x1024xf32, #tpu.memory_space<vmem>>, vector<16xf32>,
        %add3A_538 = vector.broadcast %mul3A_491 : i32 to vector<16xi32>
        %add3A_539 = arith.addi %add3A_48, %add3A_538 : vector<16xi32>
        tpu.vector_store_idx %arg8[%add3A_539], %get3A_537 : memref<16384xf32, #tpu.memory_space<vmem>>[vector<16xi32>], vector<16xf32>,
        %get3A_540 = arith.constant 8 : i32
        %get3A_541 = arith.index_cast %get3A_540 : i32 to index
        %get3A_542 = arith.index_cast %mul3A_489 : i32 to index
        %get3A_543 = tpu.vector_load %arg6[%get3A_541, %get3A_542] {strides = array<i32>} : memref<16x1024xf32, #tpu.memory_space<vmem>>, vector<16xf32>,
        %add3A_544 = vector.broadcast %mul3A_491 : i32 to vector<16xi32>
        %add3A_545 = arith.addi %add3A_54, %add3A_544 : vector<16xi32>
        tpu.vector_store_idx %arg8[%add3A_545], %get3A_543 : memref<16384xf32, #tpu.memory_space<vmem>>[vector<16xi32>], vector<16xf32>,
        %get3A_546 = arith.constant 9 : i32
        %get3A_547 = arith.index_cast %get3A_546 : i32 to index
        %get3A_548 = arith.index_cast %mul3A_489 : i32 to index
        %get3A_549 = tpu.vector_load %arg6[%get3A_547, %get3A_548] {strides = array<i32>} : memref<16x1024xf32, #tpu.memory_space<vmem>>, vector<16xf32>,
        %add3A_550 = vector.broadcast %mul3A_491 : i32 to vector<16xi32>
        %add3A_551 = arith.addi %add3A_60, %add3A_550 : vector<16xi32>
        tpu.vector_store_idx %arg8[%add3A_551], %get3A_549 : memref<16384xf32, #tpu.memory_space<vmem>>[vector<16xi32>], vector<16xf32>,
        %get3A_552 = arith.constant 10 : i32
        %get3A_553 = arith.index_cast %get3A_552 : i32 to index
        %get3A_554 = arith.index_cast %mul3A_489 : i32 to index
        %get3A_555 = tpu.vector_load %arg6[%get3A_553, %get3A_554] {strides = array<i32>} : memref<16x1024xf32, #tpu.memory_space<vmem>>, vector<16xf32>,
        %add3A_556 = vector.broadcast %mul3A_491 : i32 to vector<16xi32>
        %add3A_557 = arith.addi %add3A_66, %add3A_556 : vector<16xi32>
        tpu.vector_store_idx %arg8[%add3A_557], %get3A_555 : memref<16384xf32, #tpu.memory_space<vmem>>[vector<16xi32>], vector<16xf32>,
        %get3A_558 = arith.constant 11 : i32
        %get3A_559 = arith.index_cast %get3A_558 : i32 to index
        %get3A_560 = arith.index_cast %mul3A_489 : i32 to index
        %get3A_561 = tpu.vector_load %arg6[%get3A_559, %get3A_560] {strides = array<i32>} : memref<16x1024xf32, #tpu.memory_space<vmem>>, vector<16xf32>,
        %add3A_562 = vector.broadcast %mul3A_491 : i32 to vector<16xi32>
        %add3A_563 = arith.addi %add3A_72, %add3A_562 : vector<16xi32>
        tpu.vector_store_idx %arg8[%add3A_563], %get3A_561 : memref<16384xf32, #tpu.memory_space<vmem>>[vector<16xi32>], vector<16xf32>,
        %get3A_564 = arith.constant 12 : i32
        %get3A_565 = arith.index_cast %get3A_564 : i32 to index
        %get3A_566 = arith.index_cast %mul3A_489 : i32 to index
        %get3A_567 = tpu.vector_load %arg6[%get3A_565, %get3A_566] {strides = array<i32>} : memref<16x1024xf32, #tpu.memory_space<vmem>>, vector<16xf32>,
        %add3A_568 = vector.broadcast %mul3A_491 : i32 to vector<16xi32>
        %add3A_569 = arith.addi %add3A_78, %add3A_568 : vector<16xi32>
        tpu.vector_store_idx %arg8[%add3A_569], %get3A_567 : memref<16384xf32, #tpu.memory_space<vmem>>[vector<16xi32>], vector<16xf32>,
        %get3A_570 = arith.constant 13 : i32
        %get3A_571 = arith.index_cast %get3A_570 : i32 to index
        %get3A_572 = arith.index_cast %mul3A_489 : i32 to index
        %get3A_573 = tpu.vector_load %arg6[%get3A_571, %get3A_572] {strides = array<i32>} : memref<16x1024xf32, #tpu.memory_space<vmem>>, vector<16xf32>,
        %add3A_574 = vector.broadcast %mul3A_491 : i32 to vector<16xi32>
        %add3A_575 = arith.addi %add3A_84, %add3A_574 : vector<16xi32>
        tpu.vector_store_idx %arg8[%add3A_575], %get3A_573 : memref<16384xf32, #tpu.memory_space<vmem>>[vector<16xi32>], vector<16xf32>,
        %get3A_576 = arith.constant 14 : i32
        %get3A_577 = arith.index_cast %get3A_576 : i32 to index
        %get3A_578 = arith.index_cast %mul3A_489 : i32 to index
        %get3A_579 = tpu.vector_load %arg6[%get3A_577, %get3A_578] {strides = array<i32>} : memref<16x1024xf32, #tpu.memory_space<vmem>>, vector<16xf32>,
        %add3A_580 = vector.broadcast %mul3A_491 : i32 to vector<16xi32>
        %add3A_581 = arith.addi %add3A_90, %add3A_580 : vector<16xi32>
        tpu.vector_store_idx %arg8[%add3A_581], %get3A_579 : memref<16384xf32, #tpu.memory_space<vmem>>[vector<16xi32>], vector<16xf32>,
        %get3A_582 = arith.constant 15 : i32
        %get3A_583 = arith.index_cast %get3A_582 : i32 to index
        %get3A_584 = arith.index_cast %mul3A_489 : i32 to index
        %get3A_585 = tpu.vector_load %arg6[%get3A_583, %get3A_584] {strides = array<i32>} : memref<16x1024xf32, #tpu.memory_space<vmem>>, vector<16xf32>,
        %add3A_586 = vector.broadcast %mul3A_491 : i32 to vector<16xi32>
        %add3A_587 = arith.addi %add3A_96, %add3A_586 : vector<16xi32>
        tpu.vector_store_idx %arg8[%add3A_587], %get3A_585 : memref<16384xf32, #tpu.memory_space<vmem>>[vector<16xi32>], vector<16xf32>,
      }
      %scan3A_165 = arith.constant 40 : i32
      %dma_start3A_166 = arith.constant 0 : i32
      %dma_start3A_167 = tpu.memref_slice %arg8[%dma_start3A_166] : memref<16384xf32, #tpu.memory_space<vmem>> -> memref<9216xf32, #tpu.memory_space<vmem>>
      %dma_start3A_168 = arith.constant 15990784 : i32
      %dma_start3A_169 = tpu.memref_slice %arg4[%dma_start3A_168] : memref<16000000xf32, #tpu.memory_space<hbm>> -> memref<9216xf32, #tpu.memory_space<hbm>>
      %dma_start3A_170 = arith.constant 15990784 : i32
      %dma_start3A_171 = tpu.memref_slice %arg4[%dma_start3A_170] : memref<16000000xf32, #tpu.memory_space<hbm>> -> memref<9216xf32, #tpu.memory_space<hbm>>
      %dma_start3A_172 = arith.constant 0 : i32
      %dma_start3A_173 = tpu.memref_slice %arg8[%dma_start3A_172] : memref<16384xf32, #tpu.memory_space<vmem>> -> memref<9216xf32, #tpu.memory_space<vmem>>
      tpu.enqueue_dma source(%dma_start3A_173 : memref<9216xf32, #tpu.memory_space<vmem>>) target(%dma_start3A_171 : memref<9216xf32, #tpu.memory_space<hbm>>) target_semaphore(%arg12 : memref<!tpu.dma_semaphore, #tpu.memory_space<semaphore_mem>>)
      %dma_wait3A_174 = arith.constant 0 : i32
      %dma_wait3A_175 = tpu.memref_slice %arg8[%dma_wait3A_174] : memref<16384xf32, #tpu.memory_space<vmem>> -> memref<9216xf32, #tpu.memory_space<vmem>>
      %dma_wait3A_176 = arith.constant 15990784 : i32
      %dma_wait3A_177 = tpu.memref_slice %arg4[%dma_wait3A_176] : memref<16000000xf32, #tpu.memory_space<hbm>> -> memref<9216xf32, #tpu.memory_space<hbm>>
      %dma_wait3A_178 = arith.constant 15990784 : i32
      %dma_wait3A_179 = tpu.memref_slice %arg4[%dma_wait3A_178] : memref<16000000xf32, #tpu.memory_space<hbm>> -> memref<9216xf32, #tpu.memory_space<hbm>>
      %dma_wait3A_180 = arith.constant 0 : i32
      %dma_wait3A_181 = tpu.memref_slice %arg8[%dma_wait3A_180] : memref<16384xf32, #tpu.memory_space<vmem>> -> memref<9216xf32, #tpu.memory_space<vmem>>
      tpu.wait_dma2 semaphore(%arg12 : memref<!tpu.dma_semaphore, #tpu.memory_space<semaphore_mem>>) src(%dma_wait3A_181 : memref<9216xf32, #tpu.memory_space<vmem>>) dst(%dma_wait3A_179 : memref<9216xf32, #tpu.memory_space<hbm>>)
    } else {
    }
    return
  }
}

</mosaic_0001>

<sc_bundles>
// kernel: _sc_row_major.3.cloned.1.call-start
scs
__scs_entry_jumppad:
0x0: {  	(pc) =	sbr.rel $0x88, $3  }
0x1: {  	(tag) =	ssettag $0x0;
	lr =	simm.s32 $0x1  }
0x2: {  	[smem:$0x3FA0] =	sst lr;
	_ =	strace $0xD0000000  }
0x3: {  	_ = 	snop  }
0x4: {  	_ = 	snop  }
0x5: {  	_ = 	snop  }
0x6: {  	_ = 	snop  }
0x7: {  	_ = 	snop  }
__scs_overlays_trampoline_lowered:
0x8: {  	[smem:$0x3FAF] =	sst s0  }
0x9: {  	[smem:$0x3FB0] =	sst s1  }
0xa: {  	[smem:$0x3FB1] =	sst s2  }
0xb: {  	[smem:$0x3FB2] =	sst s3  }
0xc: {  	[smem:$0x3FB3] =	sst s4  }
0xd: {  	[smem:$0x3FB4] =	sst s5  }
0xe: {  	[smem:$0x3FB5] =	sst s6  }
0xf: {  	[smem:$0x3FB6] =	sst s7  }
0x10: {  	[smem:$0x3FB7] =	sst s8  }
0x11: {  	[smem:$0x3FB8] =	sst s9;
	s0 =	simm.s32 @!p0 $0x0  }
0x12: {  	s1 =	sld [smem:$0x3F9E];
	s0 =	simm.s32 @p0 $0x1  }
0x13: {  	[smem:$0x3FB9] =	sst s0;
	s0 =	simm.s32 @!p1 $0x0  }
0x14: {  	s2 =	sld [smem:$0x3F9D];
	s0 =	simm.s32 @p1 $0x1  }
0x15: {  	[smem:$0x3FBA] =	sst s0;
	s0 =	simm.s32 @!p2 $0x0  }
0x16: {  	s3 =	sld [smem:$0x3FDB];
	s0 =	simm.s32 @p2 $0x1  }
0x17: {  	s4 =	simm.s32 $0x1BF5;
	[smem:$0x3FBC] =	sst s0  }
0x18: {  	s0 =	sld [smem:$0x3F9F];
	_ =	swait.ge [sflag:s4], $0x0  }
0x19: {  	s7 =	sld [smem:$0x3FA0]  }
0x1a: {  	s8 =	sadd.s32 $0xFFFFE003, lr  }
0x1b: {  	s9 =	sadd.s32 $0xFFFFFEF7, lr;
	s5 =	simm.s32 $0xFFFFFFFF;
	p2 =	slt.u32 s8, $0xFFFFF086  }
0x1c: {  	p1 =	slt.u32 s9, $0xF7A;
	s5 =	simm.s32 @!p2 $0x0  }
0x1d: {  	s5 =	simm.s32 @p1 $0x1;
	p0 =	seq.s32 s7, s2  }
0x1e: {  	s7 =	smul.u32 @!p0 $0xF7A, s2;
	p2 =	seq.s32 @!p0 s5, $0x0  }
0x1f: {  	s9 =	smul.u32 $0xF7A, s1;
	s8 =	simm.s32 @!p0 $0x1BF5;
	p2 =	por !p2, p0  }
0x20: {  	[sflag:s8] =	ssyncset.s32 @!p0 $0xFFFFF086;
	s6 =	sadd.s32 @!p0 s3, s7;
	s7 =	simm.s32 @!p0 $0x108  }
0x21: {  	s3 =	sadd.s32 s3, s9;
	s6 =	sadd.s32 @!p0 $0x88, s6;
	s7 =	simm.s32 @p2 $0x1082  }
0x22: {  	[simem:s7], [sflag:s8] =	dma.local @!p0 [hbm:s6], $0xF7A  }
0x23: {  	s9 =	sor.u32 $0xD0000000, s2;
	s6 =	simm.s32 $0x108;
	_ =	swait.ge @!p0 [sflag:s8], $0x0  }
0x24: {  	s3 =	sadd.s32 $0x88, s3;
	s6 =	simm.s32 @!p1 $0x1082;
	[sflag:s4] =	ssyncset.s32 $0xFFFFF086  }
0x25: {  	[simem:s6], [sflag:s4] =	dma.local [hbm:s3], $0xF7A  }
0x26: {  	[smem:$0x3FA0] =	sst s1;
	(tag) =	ssettag s2;
	_ =	strace s9  }
0x27: {  	s1 =	sld [smem:$0x3FB0]  }
0x28: {  	s2 =	sld [smem:$0x3FB1]  }
0x29: {  	s4 =	sld [smem:$0x3FB3]  }
0x2a: {  	p0 =	seq.s32 s5, $0x0;
	s5 =	sld [smem:$0x3FB4]  }
0x2b: {  	s6 =	sld [smem:$0x3FB5]  }
0x2c: {  	s7 =	sld [smem:$0x3FB6]  }
0x2d: {  	s3 =	simm.s32 $0x108;
	s8 =	sld [smem:$0x3FB7]  }
0x2e: {  	s3 =	simm.s32 @!p0 $0x1082;
	s9 =	sld [smem:$0x3FB8]  }
0x2f: {  	lr =	sadd.s32 s0, s3;
	s0 =	sld [smem:$0x3FAF]  }
0x30: {  	s3 =	sld [smem:$0x3FB2]  }
0x31: {  	[smem:$0x3FBB] =	sst s10  }
0x32: {  	s10 =	sld [smem:$0x3FB9];
	_ =	sdelay $0x3  }
0x33: {  	p0 =	seq.s32 s10, $0x1;
	s10 =	sld [smem:$0x3FBB];
	_ =	sdelay $0x3  }
0x34: {  	[smem:$0x3FBB] =	sst s10  }
0x35: {  	s10 =	sld [smem:$0x3FBA];
	_ =	sdelay $0x3  }
0x36: {  	p1 =	seq.s32 s10, $0x1;
	s10 =	sld [smem:$0x3FBB];
	_ =	sdelay $0x3  }
0x37: {  	[smem:$0x3FBB] =	sst s10  }
0x38: {  	s10 =	sld [smem:$0x3FBC]  }
0x39: {  	_ = 	snop;
	(pc) =	sbr.ind lr, $3  }
0x3a: {  	_ = 	snop  }
0x3b: {  	_ = 	snop  }
0x3c: {  	p2 =	seq.s32 s10, $0x1;
	s10 =	sld [smem:$0x3FBB]  }
0x3d: {  	_ =	shalt  }
0x3e: {  	_ =	shalt  }
0x3f: {  	_ =	shalt  }
0x40: {  	_ =	shalt  }
0x41: {  	_ =	shalt  }
0x42: {  	_ =	shalt  }
0x43: {  	_ =	shalt  }
0x44: {  	_ =	shalt  }
0x45: {  	_ =	shalt  }
0x46: {  	_ =	shalt  }
0x47: {  	_ =	shalt  }
0x48: {  	_ =	shalt  }
0x49: {  	_ =	shalt  }
0x4a: {  	_ =	shalt  }
0x4b: {  	_ =	shalt  }
0x4c: {  	_ =	shalt  }
0x4d: {  	_ =	shalt  }
0x4e: {  	_ =	shalt  }
0x4f: {  	_ =	shalt  }
0x50: {  	_ =	shalt  }
0x51: {  	_ =	shalt  }
0x52: {  	_ =	shalt  }
0x53: {  	_ =	shalt  }
0x54: {  	_ =	shalt  }
0x55: {  	_ =	shalt  }
0x56: {  	_ =	shalt  }
0x57: {  	_ =	shalt  }
0x58: {  	_ =	shalt  }
0x59: {  	_ =	shalt  }
0x5a: {  	_ =	shalt  }
0x5b: {  	_ =	shalt  }
0x5c: {  	_ =	shalt  }
0x5d: {  	_ =	shalt  }
0x5e: {  	_ =	shalt  }
0x5f: {  	_ =	shalt  }
0x60: {  	_ =	shalt  }
0x61: {  	_ =	shalt  }
0x62: {  	_ =	shalt  }
0x63: {  	_ =	shalt  }
0x64: {  	_ =	shalt  }
0x65: {  	_ =	shalt  }
0x66: {  	_ =	shalt  }
0x67: {  	_ =	shalt  }
0x68: {  	_ =	shalt  }
0x69: {  	_ =	shalt  }
0x6a: {  	_ =	shalt  }
0x6b: {  	_ =	shalt  }
0x6c: {  	_ =	shalt  }
0x6d: {  	_ =	shalt  }
0x6e: {  	_ =	shalt  }
0x6f: {  	_ =	shalt  }
0x70: {  	_ =	shalt  }
0x71: {  	_ =	shalt  }
0x72: {  	_ =	shalt  }
0x73: {  	_ =	shalt  }
0x74: {  	_ =	shalt  }
0x75: {  	_ =	shalt  }
0x76: {  	_ =	shalt  }
0x77: {  	_ =	shalt  }
0x78: {  	_ =	shalt  }
0x79: {  	_ =	shalt  }
0x7a: {  	_ =	shalt  }
0x7b: {  	_ =	shalt  }
0x7c: {  	_ =	shalt  }
0x7d: {  	_ =	shalt  }
0x7e: {  	_ =	shalt  }
0x7f: {  	_ =	shalt  }
0x80: {  	_ =	shalt  }
0x81: {  	_ =	shalt  }
0x82: {  	_ =	shalt  }
0x83: {  	_ =	shalt  }
0x84: {  	_ =	shalt  }
0x85: {  	_ =	shalt  }
0x86: {  	_ =	shalt  }
0x87: {  	_ =	shalt  }
.Lfunc_end0:
.L_simem_size_0:
called_computation_lowered:
.L_overlay_start_0:
0x88: {  	s2 =	sld [smem:$0x3FD9]  }
0x89: {  	s3 =	sld [smem:$0x3FFE];
	_ =	sdelay $0x1  }
0x8a: {  	s1 =	srdreg.scid  }
0x8b: {  	s0 =	sand.u32 $0x1, s1  }
0x8c: {  	s17 =	sshll.u32 s0, $0xA;
	s2 =	sadd.s32 s3, s2  }
0x8d: {  	s2 =	sadd.s32 s2, s17  }
0x8e: {  	[smem:$0x3FC7] =	sst s2  }
0x8f: {  	_ = 	snop  }
0x90: {  	s2 =	sld [smem:$0x3FC9]  }
0x91: {  	s18 =	sld [smem:$0x3FD0];
	(tm) =	ssettm $0x1  }
0x92: {  	s4 =	sld [smem:$0x3FFB];
	_ =	sdelay $0x3  }
0x93: {  	_ =	strace s4  }
0x94: {  	s4 =	sld [smem:$0x3FFC];
	_ =	sdelay $0x3  }
0x95: {  	_ =	strace s4  }
0x96: {  	s4 =	sld [smem:$0x3FFD];
	_ =	sdelay $0x3  }
0x97: {  	_ =	strace s4  }
0x98: {  	_ =	strace $0x8FFFFFFF  }
0x99: {  	s19 =	sld [smem:$0x3FDB];
	_ =	sdelay $0x1  }
0x9a: {  	s5 =	simm.s32 $_scs_section_size  }
0x9b: {  	s6 =	simm.s32 $_size__tile_overlayer_lowered;
	s7 =	simm.s32 $_tile_overlayer_lowered  }
0x9c: {  	s22 =	simm.s32 $0x1BFF;
	s21 =	sshll.u32 s7, $0x1;
	s4 =	sadd.s32 s5, s19  }
0x9d: {  	s8 =	simm.s32 $0x0;
	s20 =	sshll.u32 s6, $0x1;
	s6 =	sadd.s32 s21, s4  }
0x9e: {  	[timem:s8], [sflag:s22] =	dma.local [hbm:s6], s20  }
0x9f: {  	_ =	swait.ge [sflag:s22], s20  }
0xa0: {  	s5 =	ssub.s32 $0x0, s20;
	[sflag:s22] =	ssyncset.done $0x0  }
0xa1: {  	[sflag:s22] =	ssyncadd.s32 s5;
	_ =	sdelay $0x1  }
0xa2: {  	s23 =	simm.s32 $0x1B8B  }
0xa3: {  	_ =	swait.ge [sflag:s23], $0x1  }
0xa4: {  	[sflag:s23] =	ssyncset.done $0x0  }
0xa5: {  	s25 =	simm.s32 $0x1B8E;
	s24 =	sld [smem:$0x3FFE];
	[sflag:s23] =	ssyncadd.s32 $0xFFFFFFFF  }
0xa6: {  	s26 =	simm.s32 $execute0_lowered;
	[smem:$0x3FD2] =	sst s25  }
0xa7: {  	s6 =	sshll.u32 s26, $0x1;
	_ =	strace $0x80000046;
	[dreg:$0x1] =	wrdreg $0xFFFFFFFF  }
0xa8: {  	s28 =	simm.s32 $_size_execute0_lowered;
	s4 =	sadd.s32 s4, s6;
	[dreg:$0x0] =	wrdreg $0x0  }
0xa9: {  	s6 =	sshll.u32 s28, $0x1;
	[dreg:$0x2] =	wrdreg s4  }
0xaa: {  	[dreg:$0x3] =	wrdreg s6  }
0xab: {  	[dreg:$0x4] =	wrdreg $0xC0  }
0xac: {  	_ =	task [dreg:s8], $0x5FFFF  }
0xad: {  	[dreg:$0x1] =	wrdreg $0xFFFFFFFF  }
0xae: {  	[dreg:$0x0] =	wrdreg $0x60  }
0xaf: {  	[dreg:$0x2] =	wrdreg s2  }
0xb0: {  	[dreg:$0x3] =	wrdreg s24  }
0xb1: {  	[dreg:$0x4] =	wrdreg s18  }
0xb2: {  	[dreg:$0x5] =	wrdreg $0x9  }
0xb3: {  	_ =	task.clear_ibuf [dreg:s8], $0x6FFFF;
	_ =	strace $0x90000046  }
0xb4: {  	s29 =	simm.s32 $0x9;
	_ =	strace $0x80000048  }
0xb5: {  	_ =	swait.ge [sflag:s29], $0x1  }
0xb6: {  	[sflag:s29] =	ssyncadd.s32 $0xFFFFFFFF  }
0xb7: {  	_ =	strace $0x90000048  }
0xb8: {  	_ =	sfence  }
0xb9: {  	s30 =	sld [smem:$0x0];
	_ =	sdelay $0x2  }
0xba: {  	s31 =	sshll.u32 s1, $0xD;
	s1 =	sshrl.u32 s1, $0x2  }
0xbb: {  	s3 =	sand.u32 $0x4000, s31;
	s1 =	sadd.s32 s1, s30  }
0xbc: {  	s0 =	sor.u32 s3, s0;
	s1 =	sshll.u32 s1, $0x11  }
0xbd: {  	s0 =	sor.u32 s1, s0  }
0xbe: {  	s0 =	sadd.s32 $0x8F2B, s0  }
0xbf: {  	[sflag:s0] =	ssyncadd.remote.s32 $0x1  }
0xc0: {  	_ =	sfence.sel $0xFFFF  }
0xc1: {  	[dreg:$0x0] =	wrdreg $0xFFFFFFFF;
	(pc) =	sbr.abs _section_cstart, $3  }
0xc2: {  	[dreg:$0x1] =	wrdreg $0xFFFFFFFF  }
0xc3: {  	_ =	task.clear_ibuf [dreg:s8], $0x2FFFF;
	_ =	strace $0x9FFFFFFF  }
0xc4: {  	(tm) =	ssettm $0x7FFFFFFF  }
0xc5: {  	_ =	shalt  }
tec
execute0_lowered:
.L_overlay_start_1:
0x0: {  	(tag) =	ssettag $0x1  }
0x1: {  	s7 =	rddreg [dreg:$0x0]  }
0x2: {  	s0 =	rddreg [dreg:$0x1]  }
0x3: {  	s9 =	rddreg [dreg:$0x2];
	s4 =	simm.s32 $0x0;
	s1 =	srdreg.scid  }
0x4: {  	s8 =	stileid.u32;
	s18 =	simm.s32 $0x1;
	s19 =	simm.s32 $0x8000  }
0x5: {  	s20 =	simm.s32 $0x2;
	s21 =	simm.s32 $0x4;
	s22 =	simm.s32 $0xC000  }
0x6: {  	[smem:$0x7FF] =	sst s4;
	s1 =	sand.u32 $0x1, s1;
	s23 =	sadd.s32 $0x400, s0  }
0x7: {  	s31 =	sadd.s32 $0x1E8000, s9;
	_ =	strace $0x80000047;
	[dreg:$0x4] =	wrdreg s23  }
0x8: {  	s2 =	sshll.u32 s8, $0x1;
	s0 =	sadd.s32 $0x680, s0;
	[dreg:$0xa] =	wrdreg s31  }
0x9: {  	s3 =	ssub.s32 $0x2, s1;
	s1 =	sor.u32 s1, s2;
	[dreg:$0xc] =	wrdreg s0  }
0xa: {  	v0 =	vlaneseq.u32;
	s24 =	sshrl.u32 s3, $0x1;
	s5 =	sshll.u32 s1, $0xA;
	s26 =	sor.u32 $0x3C0, s1  }
0xb: {  	v0 =	vmul.u32 $0x10, v0;
	s28 =	sor.u32 $0x40, s1;
	s29 =	sshll.u32 s1, $0xB;
	s2 =	ssub.s32 s3, s24  }
0xc: {  	s25 =	sadd.s32 s7, s5;
	[dreg:$0x6] =	wrdreg s28;
	s6 =	sshll.u32 s26, $0xA  }
.Ltmp0:
0xd: {  	v1 =	vor.u32 $0x1, v0;
	v2 =	vor.u32 $0x2, v0;
	v3 =	vor.u32 $0x3, v0;
	s5 =	sadd.s32 s9, s29;
	[dreg:$0x5] =	wrdreg s25;
	(pc) =	sbr.rel .LBB2_1-.Ltmp0, $4  }
0xe: {  	v4 =	vor.u32 $0x4, v0;
	v5 =	vor.u32 $0x5, v0;
	v6 =	vor.u32 $0x6, v0;
	s3 =	sshll.u32 s26, $0xB;
	[dreg:$0x7] =	wrdreg s5;
	s30 =	sadd.s32 s7, s6  }
0xf: {  	p0 =	sgt.u32 s8, $0x7;
	v7 =	vor.u32 $0x7, v0;
	v8 =	vor.u32 $0x8, v0;
	v9 =	vor.u32 $0x9, v0;
	s3 =	sadd.s32 s9, s3;
	[dreg:$0x8] =	wrdreg s30  }
0x10: {  	s13 =	sor.u32 $0x20, s1;
	v10 =	vor.u32 $0xA, v0;
	v11 =	vor.u32 $0xB, v0;
	v12 =	vor.u32 $0xC, v0;
	s2 =	smax.u32 s2, $0x1;
	[dreg:$0x9] =	wrdreg s3  }
0x11: {  	v13 =	vor.u32 $0xD, v0;
	v14 =	vor.u32 $0xE, v0;
	v15 =	vor.u32 $0xF, v0;
	p1 =	sne.s32 s1, $0x1F;
	s1 =	simm.s32 $0x0;
	[dreg:$0xb] =	wrdreg s2  }
.LBB2_19:
0x12: {  	s1 =	sadd.s32 $0x1, s1;
	s0 =	rddreg [dreg:$0xb]  }
0x13: {  	p2 =	sne.s32 s1, s0  }
.Ltmp1:
0x14: {  	_ = 	snop;
	(pc) =	sbr.rel @!p2 .LBB2_20-.Ltmp1, $1  }
0x15: {  	_ =	sdelay $0x3  }
.LBB2_1:
0x16: {  	[dreg:$0xd] =	wrdreg s1  }
0x17: {  	s0 =	rddreg [dreg:$0x5]  }
0x18: {  	s31 =	simm.s32 $0x2000;
	s2 =	simm.s32 $0x7A1400;
	s26 =	simm.s32 $0x0  }
0x19: {  	[tilespmem:s4], [sflag:$0x1] =	stream.strided.gather [hbm4b:s0+s31], $0x4000, s2, s31, $0x38;
	[tilespmem:$0x10000] =	vst v63  }
.LBB2_2:
0x1a: {  	s29 =	sshll.u32 s26, $0x6  }
0x1b: {  	s28 =	sor.u32 s13, s29  }
0x1c: {  	s1 =	rddreg [dreg:$0x0];
	s10 =	simm.s32 $0x2000;
	s0 =	sshll.u32 s28, $0xA  }
0x1d: {  	s2 =	simm.s32 $0x7A1400;
	s3 =	simm.s32 $0x4000;
	s0 =	sadd.s32 s1, s0  }
0x1e: {  	[tilespmem:s3], [sflag:$0x2] =	stream.strided.gather [hbm4b:s0+s10], $0x4000, s2, s10, $0x38;
	[tilespmem:$0x10000] =	vst v63  }
0x1f: {  	_ =	swait.ge [sflag:s18], $0x4000  }
0x20: {  	p2 =	seq.s32 s26, $0x0;
	[sflag:s18] =	ssyncset.done $0x0  }
0x21: {  	s2 =	simm.s32 @!p2 $0x3;
	[sflag:s18] =	ssyncadd.s32 $0xFFFFC000  }
0x22: {  	s30 =	simm.s32 $0x0;
	s11 =	simm.s32 $0x0;
	_ =	swait.ge @!p2 [sflag:s2], $0x4000  }
0x23: {  	s14 =	sand.u32 $0x40, s11;
	s0 =	sand.u32 $0x1C00, s30;
	[sflag:s2] =	ssyncset.done @!p2 $0x0  }
0x24: {  	s12 =	simm.s32 $0x0;
	s15 =	sor.u32 s14, s0;
	[sflag:s2] =	ssyncadd.s32 @!p2 $0xFFFFC000  }
0x25: {  	v17 =	vor.u32 s12, v0;
	v16 =	vld [tilespmem:s15+$0x0];
	_ =	sdelay $0x4  }
0x26: {  	[tilespmem:v17+s19+$0x0] =	vst.idx.msk $0xffff, v16  }
0x27: {  	v17 =	vor.u32 s12, v1;
	v16 =	vld [tilespmem:s15+$0x80];
	_ =	sdelay $0x4  }
0x28: {  	[tilespmem:v17+s19+$0x0] =	vst.idx.msk $0xffff, v16  }
0x29: {  	v17 =	vor.u32 s12, v2;
	v16 =	vld [tilespmem:s15+$0x100];
	_ =	sdelay $0x4  }
0x2a: {  	[tilespmem:v17+s19+$0x0] =	vst.idx.msk $0xffff, v16  }
0x2b: {  	v17 =	vor.u32 s12, v3;
	v16 =	vld [tilespmem:s15+$0x180]  }
0x2c: {  	p3 =	por $0x0, $0x0;
	s2 =	simm.s32 $0x1  }
0x2d: {  	s2 =	simm.s32 @!p3 $0x0  }
0x2e: {  	s2 =	sshll.u32 s2, $0x6  }
0x2f: {  	s2 =	sadd.s32 $0x0, s2  }
0x30: {  	s5 =	sor.u32 $0x200, s2;
	[tilespmem:v17+s19+$0x0] =	vst.idx.msk $0xffff, v16  }
0x31: {  	v17 =	vor.u32 s12, v4;
	v16 =	vld [tilespmem:s5+$0x0];
	_ =	sdelay $0x4  }
0x32: {  	s16 =	sor.u32 $0x280, s2;
	[tilespmem:v17+s19+$0x0] =	vst.idx.msk $0xffff, v16  }
0x33: {  	v17 =	vor.u32 s12, v5;
	v16 =	vld [tilespmem:s16+$0x0];
	_ =	sdelay $0x4  }
0x34: {  	s2 =	sor.u32 $0x300, s2;
	[tilespmem:v17+s19+$0x0] =	vst.idx.msk $0xffff, v16  }
0x35: {  	v17 =	vor.u32 s12, v6;
	v16 =	vld [tilespmem:s2+$0x0];
	_ =	sdelay $0x3  }
0x36: {  	s17 =	sor.u32 s11, s30  }
0x37: {  	s2 =	sor.u32 $0x380, s17;
	[tilespmem:v17+s19+$0x0] =	vst.idx.msk $0xffff, v16  }
0x38: {  	v17 =	vor.u32 s12, v7;
	v16 =	vld [tilespmem:s2+$0x0];
	_ =	sdelay $0x3  }
0x39: {  	s2 =	sor.u32 $0x2000, s0  }
0x3a: {  	s23 =	sor.u32 s14, s2;
	[tilespmem:v17+s19+$0x0] =	vst.idx.msk $0xffff, v16  }
0x3b: {  	v17 =	vor.u32 s12, v8;
	v16 =	vld [tilespmem:s23+$0x0];
	_ =	sdelay $0x3  }
0x3c: {  	s3 =	sor.u32 $0x2080, s0  }
0x3d: {  	s24 =	sor.u32 s14, s3;
	[tilespmem:v17+s19+$0x0] =	vst.idx.msk $0xffff, v16  }
0x3e: {  	v17 =	vor.u32 s12, v9;
	v16 =	vld [tilespmem:s24+$0x0];
	_ =	sdelay $0x3  }
0x3f: {  	s5 =	sor.u32 $0x2100, s0  }
0x40: {  	s6 =	sor.u32 s14, s5;
	[tilespmem:v17+s19+$0x0] =	vst.idx.msk $0xffff, v16  }
0x41: {  	v17 =	vor.u32 s12, v10;
	v16 =	vld [tilespmem:s6+$0x0];
	_ =	sdelay $0x3  }
0x42: {  	s6 =	sor.u32 $0x2180, s0  }
0x43: {  	s7 =	sor.u32 s14, s6;
	[tilespmem:v17+s19+$0x0] =	vst.idx.msk $0xffff, v16  }
0x44: {  	v17 =	vor.u32 s12, v11;
	v16 =	vld [tilespmem:s7+$0x0];
	_ =	sdelay $0x3  }
0x45: {  	s7 =	sor.u32 $0x2200, s0  }
0x46: {  	s9 =	sor.u32 s14, s7;
	[tilespmem:v17+s19+$0x0] =	vst.idx.msk $0xffff, v16  }
0x47: {  	v17 =	vor.u32 s12, v12;
	v16 =	vld [tilespmem:s9+$0x0];
	_ =	sdelay $0x3  }
0x48: {  	s9 =	sor.u32 $0x2280, s0  }
0x49: {  	s10 =	sor.u32 s14, s9;
	[tilespmem:v17+s19+$0x0] =	vst.idx.msk $0xffff, v16  }
0x4a: {  	v17 =	vor.u32 s12, v13;
	v16 =	vld [tilespmem:s10+$0x0];
	_ =	sdelay $0x3  }
0x4b: {  	s10 =	sor.u32 $0x2300, s0  }
0x4c: {  	s11 =	sor.u32 s14, s10;
	[tilespmem:v17+s19+$0x0] =	vst.idx.msk $0xffff, v16  }
0x4d: {  	v17 =	vor.u32 s12, v14;
	v16 =	vld [tilespmem:s11+$0x0];
	_ =	sdelay $0x3  }
0x4e: {  	s11 =	sor.u32 $0x2380, s0  }
0x4f: {  	s1 =	sor.u32 s14, s11;
	[tilespmem:v17+s19+$0x0] =	vst.idx.msk $0xffff, v16  }
0x50: {  	v17 =	vor.u32 s12, v15;
	v16 =	vld [tilespmem:s1+$0x0];
	_ =	sdelay $0x2  }
0x51: {  	s15 =	simm.s32 $0x10  }
0x52: {  	s12 =	sand.u32 $0x50, s15  }
0x53: {  	s14 =	simm.s32 $0x100;
	s25 =	sor.u32 s12, s0;
	[tilespmem:v17+s19+$0x0] =	vst.idx.msk $0xffff, v16  }
0x54: {  	v17 =	vor.u32 s14, v0;
	v16 =	vld [tilespmem:s25+$0x0];
	_ =	sdelay $0x4  }
0x55: {  	[tilespmem:v17+s19+$0x0] =	vst.idx.msk $0xffff, v16  }
0x56: {  	v17 =	vor.u32 s14, v1;
	v16 =	vld [tilespmem:s25+$0x80];
	_ =	sdelay $0x4  }
0x57: {  	[tilespmem:v17+s19+$0x0] =	vst.idx.msk $0xffff, v16  }
0x58: {  	v17 =	vor.u32 s14, v2;
	v16 =	vld [tilespmem:s25+$0x100];
	_ =	sdelay $0x4  }
0x59: {  	[tilespmem:v17+s19+$0x0] =	vst.idx.msk $0xffff, v16  }
0x5a: {  	v17 =	vor.u32 s14, v3;
	v16 =	vld [tilespmem:s25+$0x180]  }
0x5b: {  	s8 =	sand.u32 $0x7, s30  }
0x5c: {  	s1 =	sshll.u32 s8, $0x4  }
0x5d: {  	s1 =	sadd.s32 $0x0, s1  }
0x5e: {  	s17 =	sadd.s32 $0x10, s1  }
0x5f: {  	s23 =	sor.u32 $0x200, s17;
	[tilespmem:v17+s19+$0x0] =	vst.idx.msk $0xffff, v16  }
0x60: {  	v17 =	vor.u32 s14, v4;
	v16 =	vld [tilespmem:s23+$0x0];
	_ =	sdelay $0x4  }
0x61: {  	s16 =	sor.u32 $0x280, s17;
	[tilespmem:v17+s19+$0x0] =	vst.idx.msk $0xffff, v16  }
0x62: {  	v17 =	vor.u32 s14, v5;
	v16 =	vld [tilespmem:s16+$0x0];
	_ =	sdelay $0x4  }
0x63: {  	s17 =	sor.u32 $0x300, s17;
	[tilespmem:v17+s19+$0x0] =	vst.idx.msk $0xffff, v16  }
0x64: {  	v17 =	vor.u32 s14, v6;
	v16 =	vld [tilespmem:s17+$0x0];
	_ =	sdelay $0x3  }
0x65: {  	s15 =	sor.u32 s15, s30  }
0x66: {  	s15 =	sor.u32 $0x380, s15;
	[tilespmem:v17+s19+$0x0] =	vst.idx.msk $0xffff, v16  }
0x67: {  	v17 =	vor.u32 s14, v7;
	v16 =	vld [tilespmem:s15+$0x0];
	_ =	sdelay $0x4  }
0x68: {  	s23 =	sor.u32 s12, s2;
	[tilespmem:v17+s19+$0x0] =	vst.idx.msk $0xffff, v16  }
0x69: {  	v17 =	vor.u32 s14, v8;
	v16 =	vld [tilespmem:s23+$0x0];
	_ =	sdelay $0x4  }
0x6a: {  	s24 =	sor.u32 s12, s3;
	[tilespmem:v17+s19+$0x0] =	vst.idx.msk $0xffff, v16  }
0x6b: {  	v17 =	vor.u32 s14, v9;
	v16 =	vld [tilespmem:s24+$0x0];
	_ =	sdelay $0x4  }
0x6c: {  	s25 =	sor.u32 s12, s5;
	[tilespmem:v17+s19+$0x0] =	vst.idx.msk $0xffff, v16  }
0x6d: {  	v17 =	vor.u32 s14, v10;
	v16 =	vld [tilespmem:s25+$0x0];
	_ =	sdelay $0x4  }
0x6e: {  	s8 =	sor.u32 s12, s6;
	[tilespmem:v17+s19+$0x0] =	vst.idx.msk $0xffff, v16  }
0x6f: {  	v17 =	vor.u32 s14, v11;
	v16 =	vld [tilespmem:s8+$0x0];
	_ =	sdelay $0x4  }
0x70: {  	s16 =	sor.u32 s12, s7;
	[tilespmem:v17+s19+$0x0] =	vst.idx.msk $0xffff, v16  }
0x71: {  	v17 =	vor.u32 s14, v12;
	v16 =	vld [tilespmem:s16+$0x0];
	_ =	sdelay $0x4  }
0x72: {  	s17 =	sor.u32 s12, s9;
	[tilespmem:v17+s19+$0x0] =	vst.idx.msk $0xffff, v16  }
0x73: {  	v17 =	vor.u32 s14, v13;
	v16 =	vld [tilespmem:s17+$0x0];
	_ =	sdelay $0x4  }
0x74: {  	s23 =	sor.u32 s12, s10;
	[tilespmem:v17+s19+$0x0] =	vst.idx.msk $0xffff, v16  }
0x75: {  	v17 =	vor.u32 s14, v14;
	v16 =	vld [tilespmem:s23+$0x0];
	_ =	sdelay $0x4  }
0x76: {  	s12 =	sor.u32 s12, s11;
	[tilespmem:v17+s19+$0x0] =	vst.idx.msk $0xffff, v16  }
0x77: {  	v17 =	vor.u32 s14, v15;
	v16 =	vld [tilespmem:s12+$0x0];
	_ =	sdelay $0x2  }
0x78: {  	s15 =	simm.s32 $0x20  }
0x79: {  	s12 =	sand.u32 $0x60, s15  }
0x7a: {  	s14 =	simm.s32 $0x200;
	s24 =	sor.u32 s12, s0;
	[tilespmem:v17+s19+$0x0] =	vst.idx.msk $0xffff, v16  }
0x7b: {  	v17 =	vor.u32 s14, v0;
	v16 =	vld [tilespmem:s24+$0x0];
	_ =	sdelay $0x4  }
0x7c: {  	[tilespmem:v17+s19+$0x0] =	vst.idx.msk $0xffff, v16  }
0x7d: {  	v17 =	vor.u32 s14, v1;
	v16 =	vld [tilespmem:s24+$0x80];
	_ =	sdelay $0x4  }
0x7e: {  	[tilespmem:v17+s19+$0x0] =	vst.idx.msk $0xffff, v16  }
0x7f: {  	v17 =	vor.u32 s14, v2;
	v16 =	vld [tilespmem:s24+$0x100];
	_ =	sdelay $0x4  }
0x80: {  	[tilespmem:v17+s19+$0x0] =	vst.idx.msk $0xffff, v16  }
0x81: {  	v17 =	vor.u32 s14, v3;
	v16 =	vld [tilespmem:s24+$0x180]  }
0x82: {  	s25 =	sand.u32 $0x3, s30  }
0x83: {  	s17 =	sshll.u32 s25, $0x5  }
0x84: {  	s17 =	sadd.s32 $0x0, s17  }
0x85: {  	s17 =	sadd.s32 $0x20, s17  }
0x86: {  	s8 =	sor.u32 $0x200, s17;
	[tilespmem:v17+s19+$0x0] =	vst.idx.msk $0xffff, v16  }
0x87: {  	v17 =	vor.u32 s14, v4;
	v16 =	vld [tilespmem:s8+$0x0];
	_ =	sdelay $0x4  }
0x88: {  	s16 =	sor.u32 $0x280, s17;
	[tilespmem:v17+s19+$0x0] =	vst.idx.msk $0xffff, v16  }
0x89: {  	v17 =	vor.u32 s14, v5;
	v16 =	vld [tilespmem:s16+$0x0];
	_ =	sdelay $0x4  }
0x8a: {  	s17 =	sor.u32 $0x300, s17;
	[tilespmem:v17+s19+$0x0] =	vst.idx.msk $0xffff, v16  }
0x8b: {  	v17 =	vor.u32 s14, v6;
	v16 =	vld [tilespmem:s17+$0x0];
	_ =	sdelay $0x3  }
0x8c: {  	s15 =	sor.u32 s15, s30  }
0x8d: {  	s15 =	sor.u32 $0x380, s15;
	[tilespmem:v17+s19+$0x0] =	vst.idx.msk $0xffff, v16  }
0x8e: {  	v17 =	vor.u32 s14, v7;
	v16 =	vld [tilespmem:s15+$0x0];
	_ =	sdelay $0x4  }
0x8f: {  	s17 =	sor.u32 s12, s2;
	[tilespmem:v17+s19+$0x0] =	vst.idx.msk $0xffff, v16  }
0x90: {  	v17 =	vor.u32 s14, v8;
	v16 =	vld [tilespmem:s17+$0x0];
	_ =	sdelay $0x4  }
0x91: {  	s23 =	sor.u32 s12, s3;
	[tilespmem:v17+s19+$0x0] =	vst.idx.msk $0xffff, v16  }
0x92: {  	v17 =	vor.u32 s14, v9;
	v16 =	vld [tilespmem:s23+$0x0];
	_ =	sdelay $0x4  }
0x93: {  	s24 =	sor.u32 s12, s5;
	[tilespmem:v17+s19+$0x0] =	vst.idx.msk $0xffff, v16  }
0x94: {  	v17 =	vor.u32 s14, v10;
	v16 =	vld [tilespmem:s24+$0x0];
	_ =	sdelay $0x4  }
0x95: {  	s25 =	sor.u32 s12, s6;
	[tilespmem:v17+s19+$0x0] =	vst.idx.msk $0xffff, v16  }
0x96: {  	v17 =	vor.u32 s14, v11;
	v16 =	vld [tilespmem:s25+$0x0];
	_ =	sdelay $0x4  }
0x97: {  	s8 =	sor.u32 s12, s7;
	[tilespmem:v17+s19+$0x0] =	vst.idx.msk $0xffff, v16  }
0x98: {  	v17 =	vor.u32 s14, v12;
	v16 =	vld [tilespmem:s8+$0x0];
	_ =	sdelay $0x4  }
0x99: {  	s16 =	sor.u32 s12, s9;
	[tilespmem:v17+s19+$0x0] =	vst.idx.msk $0xffff, v16  }
0x9a: {  	v17 =	vor.u32 s14, v13;
	v16 =	vld [tilespmem:s16+$0x0];
	_ =	sdelay $0x4  }
0x9b: {  	s17 =	sor.u32 s12, s10;
	[tilespmem:v17+s19+$0x0] =	vst.idx.msk $0xffff, v16  }
0x9c: {  	v17 =	vor.u32 s14, v14;
	v16 =	vld [tilespmem:s17+$0x0];
	_ =	sdelay $0x4  }
0x9d: {  	s12 =	sor.u32 s12, s11;
	[tilespmem:v17+s19+$0x0] =	vst.idx.msk $0xffff, v16  }
0x9e: {  	v17 =	vor.u32 s14, v15;
	v16 =	vld [tilespmem:s12+$0x0];
	_ =	sdelay $0x2  }
0x9f: {  	s23 =	simm.s32 $0x30  }
0xa0: {  	s12 =	sand.u32 $0x70, s23  }
0xa1: {  	s31 =	simm.s32 $0x300;
	s0 =	sor.u32 s12, s0;
	[tilespmem:v17+s19+$0x0] =	vst.idx.msk $0xffff, v16  }
0xa2: {  	v17 =	vor.u32 s31, v0;
	v16 =	vld [tilespmem:s0+$0x0];
	_ =	sdelay $0x4  }
0xa3: {  	[tilespmem:v17+s19+$0x0] =	vst.idx.msk $0xffff, v16  }
0xa4: {  	v17 =	vor.u32 s31, v1;
	v16 =	vld [tilespmem:s0+$0x80];
	_ =	sdelay $0x4  }
0xa5: {  	[tilespmem:v17+s19+$0x0] =	vst.idx.msk $0xffff, v16  }
0xa6: {  	v17 =	vor.u32 s31, v2;
	v16 =	vld [tilespmem:s0+$0x100];
	_ =	sdelay $0x4  }
0xa7: {  	[tilespmem:v17+s19+$0x0] =	vst.idx.msk $0xffff, v16  }
0xa8: {  	v17 =	vor.u32 s31, v3;
	v16 =	vld [tilespmem:s0+$0x180];
	_ =	sdelay $0x3  }
0xa9: {  	s24 =	sadd.s32 $0x30, s1  }
0xaa: {  	s1 =	sor.u32 $0x200, s24;
	[tilespmem:v17+s19+$0x0] =	vst.idx.msk $0xffff, v16  }
0xab: {  	v17 =	vor.u32 s31, v4;
	v16 =	vld [tilespmem:s1+$0x0];
	_ =	sdelay $0x4  }
0xac: {  	s25 =	sor.u32 $0x280, s24;
	[tilespmem:v17+s19+$0x0] =	vst.idx.msk $0xffff, v16  }
0xad: {  	v17 =	vor.u32 s31, v5;
	v16 =	vld [tilespmem:s25+$0x0];
	_ =	sdelay $0x4  }
0xae: {  	s0 =	sor.u32 $0x300, s24;
	[tilespmem:v17+s19+$0x0] =	vst.idx.msk $0xffff, v16  }
0xaf: {  	v17 =	vor.u32 s31, v6;
	v16 =	vld [tilespmem:s0+$0x0];
	_ =	sdelay $0x3  }
0xb0: {  	s1 =	sor.u32 s23, s30  }
0xb1: {  	s0 =	sor.u32 $0x380, s1;
	[tilespmem:v17+s19+$0x0] =	vst.idx.msk $0xffff, v16  }
0xb2: {  	v17 =	vor.u32 s31, v7;
	v16 =	vld [tilespmem:s0+$0x0];
	_ =	sdelay $0x4  }
0xb3: {  	s8 =	sor.u32 s12, s2;
	[tilespmem:v17+s19+$0x0] =	vst.idx.msk $0xffff, v16  }
0xb4: {  	v17 =	vor.u32 s31, v8;
	v16 =	vld [tilespmem:s8+$0x0];
	_ =	sdelay $0x4  }
0xb5: {  	s14 =	sor.u32 s12, s3;
	[tilespmem:v17+s19+$0x0] =	vst.idx.msk $0xffff, v16  }
0xb6: {  	v17 =	vor.u32 s31, v9;
	v16 =	vld [tilespmem:s14+$0x0];
	_ =	sdelay $0x4  }
0xb7: {  	s15 =	sor.u32 s12, s5;
	[tilespmem:v17+s19+$0x0] =	vst.idx.msk $0xffff, v16  }
0xb8: {  	v17 =	vor.u32 s31, v10;
	v16 =	vld [tilespmem:s15+$0x0];
	_ =	sdelay $0x4  }
0xb9: {  	s16 =	sor.u32 s12, s6;
	[tilespmem:v17+s19+$0x0] =	vst.idx.msk $0xffff, v16  }
0xba: {  	v17 =	vor.u32 s31, v11;
	v16 =	vld [tilespmem:s16+$0x0];
	_ =	sdelay $0x4  }
0xbb: {  	s17 =	sor.u32 s12, s7;
	[tilespmem:v17+s19+$0x0] =	vst.idx.msk $0xffff, v16  }
0xbc: {  	v17 =	vor.u32 s31, v12;
	v16 =	vld [tilespmem:s17+$0x0];
	_ =	sdelay $0x4  }
0xbd: {  	s23 =	sor.u32 s12, s9;
	[tilespmem:v17+s19+$0x0] =	vst.idx.msk $0xffff, v16  }
0xbe: {  	v17 =	vor.u32 s31, v13;
	v16 =	vld [tilespmem:s23+$0x0];
	_ =	sdelay $0x4  }
0xbf: {  	s24 =	sor.u32 s12, s10;
	[tilespmem:v17+s19+$0x0] =	vst.idx.msk $0xffff, v16  }
0xc0: {  	v17 =	vor.u32 s31, v14;
	v16 =	vld [tilespmem:s24+$0x0];
	_ =	sdelay $0x4  }
0xc1: {  	s25 =	sor.u32 s12, s11;
	[tilespmem:v17+s19+$0x0] =	vst.idx.msk $0xffff, v16  }
0xc2: {  	v17 =	vor.u32 s31, v15;
	v16 =	vld [tilespmem:s25+$0x0]  }
0xc3: {  	s2 =	simm.s32 $0x70  }
0xc4: {  	s5 =	simm.s32 $0x0;
	s0 =	simm.s32 $0x0;
	s24 =	simm.s32 $0x200  }
.LBB2_3:
0xc5: {  	s1 =	sadd.s32 $0xFFFFFFD0, s2;
	s0 =	sadd.s32 $0x4, s0;
	s31 =	sadd.s32 $0x400, s31  }
0xc6: {  	s9 =	sand.u32 $0x1C00, s24;
	s7 =	sand.u32 $0x40, s1;
	p4 =	slt.u32 s0, $0x3C  }
0xc7: {  	s17 =	sadd.s32 $0xFFFFFD00, s31;
	s3 =	sor.u32 s7, s9;
	[tilespmem:v17+s19+$0x0] =	vst.idx.msk $0xffff, v16  }
0xc8: {  	v17 =	vor.u32 s17, v0;
	v16 =	vld [tilespmem:s3+$0x0];
	_ =	sdelay $0x4  }
0xc9: {  	[tilespmem:v17+s19+$0x0] =	vst.idx.msk $0xffff, v16  }
0xca: {  	v17 =	vor.u32 s17, v1;
	v16 =	vld [tilespmem:s3+$0x80];
	_ =	sdelay $0x4  }
0xcb: {  	[tilespmem:v17+s19+$0x0] =	vst.idx.msk $0xffff, v16  }
0xcc: {  	v17 =	vor.u32 s17, v2;
	v16 =	vld [tilespmem:s3+$0x100];
	_ =	sdelay $0x4  }
0xcd: {  	[tilespmem:v17+s19+$0x0] =	vst.idx.msk $0xffff, v16  }
0xce: {  	v17 =	vor.u32 s17, v3;
	v16 =	vld [tilespmem:s3+$0x180]  }
0xcf: {  	p3 =	por !p3, !p3;
	s3 =	simm.s32 $0x1  }
0xd0: {  	s3 =	simm.s32 @!p3 $0x0  }
0xd1: {  	s3 =	sshll.u32 s3, $0x6  }
0xd2: {  	s3 =	sadd.s32 s3, s24  }
0xd3: {  	s6 =	sor.u32 $0x200, s3;
	[tilespmem:v17+s19+$0x0] =	vst.idx.msk $0xffff, v16  }
0xd4: {  	v17 =	vor.u32 s17, v4;
	v16 =	vld [tilespmem:s6+$0x0];
	_ =	sdelay $0x4  }
0xd5: {  	s6 =	sor.u32 $0x280, s3;
	[tilespmem:v17+s19+$0x0] =	vst.idx.msk $0xffff, v16  }
0xd6: {  	v17 =	vor.u32 s17, v5;
	v16 =	vld [tilespmem:s6+$0x0];
	_ =	sdelay $0x4  }
0xd7: {  	s3 =	sor.u32 $0x300, s3;
	[tilespmem:v17+s19+$0x0] =	vst.idx.msk $0xffff, v16  }
0xd8: {  	v17 =	vor.u32 s17, v6;
	v16 =	vld [tilespmem:s3+$0x0];
	_ =	sdelay $0x3  }
0xd9: {  	s1 =	sor.u32 s1, s24  }
0xda: {  	s1 =	sor.u32 $0x380, s1;
	[tilespmem:v17+s19+$0x0] =	vst.idx.msk $0xffff, v16  }
0xdb: {  	v17 =	vor.u32 s17, v7;
	v16 =	vld [tilespmem:s1+$0x0];
	_ =	sdelay $0x3  }
0xdc: {  	s10 =	sor.u32 $0x2000, s9  }
0xdd: {  	s1 =	sor.u32 s7, s10;
	[tilespmem:v17+s19+$0x0] =	vst.idx.msk $0xffff, v16  }
0xde: {  	v17 =	vor.u32 s17, v8;
	v16 =	vld [tilespmem:s1+$0x0];
	_ =	sdelay $0x3  }
0xdf: {  	s11 =	sor.u32 $0x2080, s9  }
0xe0: {  	s1 =	sor.u32 s7, s11;
	[tilespmem:v17+s19+$0x0] =	vst.idx.msk $0xffff, v16  }
0xe1: {  	v17 =	vor.u32 s17, v9;
	v16 =	vld [tilespmem:s1+$0x0];
	_ =	sdelay $0x3  }
0xe2: {  	s14 =	sor.u32 $0x2100, s9  }
0xe3: {  	s1 =	sor.u32 s7, s14;
	[tilespmem:v17+s19+$0x0] =	vst.idx.msk $0xffff, v16  }
0xe4: {  	v17 =	vor.u32 s17, v10;
	v16 =	vld [tilespmem:s1+$0x0];
	_ =	sdelay $0x3  }
0xe5: {  	s6 =	sor.u32 $0x2180, s9  }
0xe6: {  	s1 =	sor.u32 s7, s6;
	[tilespmem:v17+s19+$0x0] =	vst.idx.msk $0xffff, v16  }
0xe7: {  	v17 =	vor.u32 s17, v11;
	v16 =	vld [tilespmem:s1+$0x0];
	_ =	sdelay $0x3  }
0xe8: {  	s12 =	sor.u32 $0x2200, s9  }
0xe9: {  	s1 =	sor.u32 s7, s12;
	[tilespmem:v17+s19+$0x0] =	vst.idx.msk $0xffff, v16  }
0xea: {  	v17 =	vor.u32 s17, v12;
	v16 =	vld [tilespmem:s1+$0x0];
	_ =	sdelay $0x3  }
0xeb: {  	s23 =	sor.u32 $0x2280, s9  }
0xec: {  	s1 =	sor.u32 s7, s23;
	[tilespmem:v17+s19+$0x0] =	vst.idx.msk $0xffff, v16  }
0xed: {  	v17 =	vor.u32 s17, v13;
	v16 =	vld [tilespmem:s1+$0x0];
	_ =	sdelay $0x3  }
0xee: {  	s25 =	sor.u32 $0x2300, s9  }
0xef: {  	s1 =	sor.u32 s7, s25;
	[tilespmem:v17+s19+$0x0] =	vst.idx.msk $0xffff, v16  }
0xf0: {  	v17 =	vor.u32 s17, v14;
	v16 =	vld [tilespmem:s1+$0x0];
	_ =	sdelay $0x3  }
0xf1: {  	s3 =	sor.u32 $0x2380, s9  }
0xf2: {  	s1 =	sor.u32 s7, s3;
	[tilespmem:v17+s19+$0x0] =	vst.idx.msk $0xffff, v16  }
0xf3: {  	v17 =	vor.u32 s17, v15;
	v16 =	vld [tilespmem:s1+$0x0];
	_ =	sdelay $0x2  }
0xf4: {  	s15 =	sadd.s32 $0xFFFFFFE0, s2  }
0xf5: {  	s1 =	sand.u32 $0x50, s15  }
0xf6: {  	s17 =	sadd.s32 $0xFFFFFE00, s31;
	s7 =	sor.u32 s1, s9;
	[tilespmem:v17+s19+$0x0] =	vst.idx.msk $0xffff, v16  }
0xf7: {  	v17 =	vor.u32 s17, v0;
	v16 =	vld [tilespmem:s7+$0x0];
	_ =	sdelay $0x4  }
0xf8: {  	[tilespmem:v17+s19+$0x0] =	vst.idx.msk $0xffff, v16  }
0xf9: {  	v17 =	vor.u32 s17, v1;
	v16 =	vld [tilespmem:s7+$0x80];
	_ =	sdelay $0x4  }
0xfa: {  	[tilespmem:v17+s19+$0x0] =	vst.idx.msk $0xffff, v16  }
0xfb: {  	v17 =	vor.u32 s17, v2;
	v16 =	vld [tilespmem:s7+$0x100];
	_ =	sdelay $0x4  }
0xfc: {  	[tilespmem:v17+s19+$0x0] =	vst.idx.msk $0xffff, v16  }
0xfd: {  	s30 =	sadd.s32 $0x4, s30;
	v17 =	vor.u32 s17, v3;
	v16 =	vld [tilespmem:s7+$0x180]  }
0xfe: {  	s7 =	sand.u32 $0x7, s30  }
0xff: {  	s7 =	sshll.u32 s7, $0x4  }
0x100: {  	s7 =	sadd.s32 s24, s7  }
0x101: {  	s16 =	sadd.s32 $0x10, s7  }
0x102: {  	s8 =	sor.u32 $0x200, s16;
	[tilespmem:v17+s19+$0x0] =	vst.idx.msk $0xffff, v16  }
0x103: {  	v17 =	vor.u32 s17, v4;
	v16 =	vld [tilespmem:s8+$0x0];
	_ =	sdelay $0x4  }
0x104: {  	s8 =	sor.u32 $0x280, s16;
	[tilespmem:v17+s19+$0x0] =	vst.idx.msk $0xffff, v16  }
0x105: {  	v17 =	vor.u32 s17, v5;
	v16 =	vld [tilespmem:s8+$0x0];
	_ =	sdelay $0x4  }
0x106: {  	s8 =	sor.u32 $0x300, s16;
	[tilespmem:v17+s19+$0x0] =	vst.idx.msk $0xffff, v16  }
0x107: {  	v17 =	vor.u32 s17, v6;
	v16 =	vld [tilespmem:s8+$0x0];
	_ =	sdelay $0x3  }
0x108: {  	s8 =	sor.u32 s15, s24  }
0x109: {  	s8 =	sor.u32 $0x380, s8;
	[tilespmem:v17+s19+$0x0] =	vst.idx.msk $0xffff, v16  }
0x10a: {  	v17 =	vor.u32 s17, v7;
	v16 =	vld [tilespmem:s8+$0x0];
	_ =	sdelay $0x4  }
0x10b: {  	s8 =	sor.u32 s1, s10;
	[tilespmem:v17+s19+$0x0] =	vst.idx.msk $0xffff, v16  }
0x10c: {  	v17 =	vor.u32 s17, v8;
	v16 =	vld [tilespmem:s8+$0x0];
	_ =	sdelay $0x4  }
0x10d: {  	s8 =	sor.u32 s1, s11;
	[tilespmem:v17+s19+$0x0] =	vst.idx.msk $0xffff, v16  }
0x10e: {  	v17 =	vor.u32 s17, v9;
	v16 =	vld [tilespmem:s8+$0x0];
	_ =	sdelay $0x4  }
0x10f: {  	s8 =	sor.u32 s1, s14;
	[tilespmem:v17+s19+$0x0] =	vst.idx.msk $0xffff, v16  }
0x110: {  	v17 =	vor.u32 s17, v10;
	v16 =	vld [tilespmem:s8+$0x0];
	_ =	sdelay $0x4  }
0x111: {  	s8 =	sor.u32 s1, s6;
	[tilespmem:v17+s19+$0x0] =	vst.idx.msk $0xffff, v16  }
0x112: {  	v17 =	vor.u32 s17, v11;
	v16 =	vld [tilespmem:s8+$0x0];
	_ =	sdelay $0x4  }
0x113: {  	s8 =	sor.u32 s1, s12;
	[tilespmem:v17+s19+$0x0] =	vst.idx.msk $0xffff, v16  }
0x114: {  	v17 =	vor.u32 s17, v12;
	v16 =	vld [tilespmem:s8+$0x0];
	_ =	sdelay $0x4  }
0x115: {  	s8 =	sor.u32 s1, s23;
	[tilespmem:v17+s19+$0x0] =	vst.idx.msk $0xffff, v16  }
0x116: {  	v17 =	vor.u32 s17, v13;
	v16 =	vld [tilespmem:s8+$0x0];
	_ =	sdelay $0x4  }
0x117: {  	s8 =	sor.u32 s1, s25;
	[tilespmem:v17+s19+$0x0] =	vst.idx.msk $0xffff, v16  }
0x118: {  	v17 =	vor.u32 s17, v14;
	v16 =	vld [tilespmem:s8+$0x0];
	_ =	sdelay $0x4  }
0x119: {  	s1 =	sor.u32 s1, s3;
	[tilespmem:v17+s19+$0x0] =	vst.idx.msk $0xffff, v16  }
0x11a: {  	v17 =	vor.u32 s17, v15;
	v16 =	vld [tilespmem:s1+$0x0];
	_ =	sdelay $0x2  }
0x11b: {  	s15 =	sadd.s32 $0xFFFFFFF0, s2  }
0x11c: {  	s17 =	sand.u32 $0x60, s15  }
0x11d: {  	s1 =	sadd.s32 $0xFFFFFF00, s31;
	s8 =	sor.u32 s17, s9;
	[tilespmem:v17+s19+$0x0] =	vst.idx.msk $0xffff, v16  }
0x11e: {  	v17 =	vor.u32 s1, v0;
	v16 =	vld [tilespmem:s8+$0x0];
	_ =	sdelay $0x4  }
0x11f: {  	[tilespmem:v17+s19+$0x0] =	vst.idx.msk $0xffff, v16  }
0x120: {  	v17 =	vor.u32 s1, v1;
	v16 =	vld [tilespmem:s8+$0x80];
	_ =	sdelay $0x4  }
0x121: {  	[tilespmem:v17+s19+$0x0] =	vst.idx.msk $0xffff, v16  }
0x122: {  	v17 =	vor.u32 s1, v2;
	v16 =	vld [tilespmem:s8+$0x100];
	_ =	sdelay $0x4  }
0x123: {  	[tilespmem:v17+s19+$0x0] =	vst.idx.msk $0xffff, v16  }
0x124: {  	s5 =	sadd.s32 $0x2, s5;
	v17 =	vor.u32 s1, v3;
	v16 =	vld [tilespmem:s8+$0x180]  }
0x125: {  	s8 =	sand.u32 $0x3, s5  }
0x126: {  	s8 =	sshll.u32 s8, $0x5  }
0x127: {  	s8 =	sadd.s32 s24, s8  }
0x128: {  	s8 =	sadd.s32 $0x20, s8  }
0x129: {  	s16 =	sor.u32 $0x200, s8;
	[tilespmem:v17+s19+$0x0] =	vst.idx.msk $0xffff, v16  }
0x12a: {  	v17 =	vor.u32 s1, v4;
	v16 =	vld [tilespmem:s16+$0x0];
	_ =	sdelay $0x4  }
0x12b: {  	s16 =	sor.u32 $0x280, s8;
	[tilespmem:v17+s19+$0x0] =	vst.idx.msk $0xffff, v16  }
0x12c: {  	v17 =	vor.u32 s1, v5;
	v16 =	vld [tilespmem:s16+$0x0];
	_ =	sdelay $0x4  }
0x12d: {  	s8 =	sor.u32 $0x300, s8;
	[tilespmem:v17+s19+$0x0] =	vst.idx.msk $0xffff, v16  }
0x12e: {  	v17 =	vor.u32 s1, v6;
	v16 =	vld [tilespmem:s8+$0x0];
	_ =	sdelay $0x3  }
0x12f: {  	s8 =	sor.u32 s15, s24  }
0x130: {  	s8 =	sor.u32 $0x380, s8;
	[tilespmem:v17+s19+$0x0] =	vst.idx.msk $0xffff, v16  }
0x131: {  	v17 =	vor.u32 s1, v7;
	v16 =	vld [tilespmem:s8+$0x0];
	_ =	sdelay $0x4  }
0x132: {  	s8 =	sor.u32 s17, s10;
	[tilespmem:v17+s19+$0x0] =	vst.idx.msk $0xffff, v16  }
0x133: {  	v17 =	vor.u32 s1, v8;
	v16 =	vld [tilespmem:s8+$0x0];
	_ =	sdelay $0x4  }
0x134: {  	s8 =	sor.u32 s17, s11;
	[tilespmem:v17+s19+$0x0] =	vst.idx.msk $0xffff, v16  }
0x135: {  	v17 =	vor.u32 s1, v9;
	v16 =	vld [tilespmem:s8+$0x0];
	_ =	sdelay $0x4  }
0x136: {  	s8 =	sor.u32 s17, s14;
	[tilespmem:v17+s19+$0x0] =	vst.idx.msk $0xffff, v16  }
0x137: {  	v17 =	vor.u32 s1, v10;
	v16 =	vld [tilespmem:s8+$0x0];
	_ =	sdelay $0x4  }
0x138: {  	s8 =	sor.u32 s17, s6;
	[tilespmem:v17+s19+$0x0] =	vst.idx.msk $0xffff, v16  }
0x139: {  	v17 =	vor.u32 s1, v11;
	v16 =	vld [tilespmem:s8+$0x0];
	_ =	sdelay $0x4  }
0x13a: {  	s8 =	sor.u32 s17, s12;
	[tilespmem:v17+s19+$0x0] =	vst.idx.msk $0xffff, v16  }
0x13b: {  	v17 =	vor.u32 s1, v12;
	v16 =	vld [tilespmem:s8+$0x0];
	_ =	sdelay $0x4  }
0x13c: {  	s8 =	sor.u32 s17, s23;
	[tilespmem:v17+s19+$0x0] =	vst.idx.msk $0xffff, v16  }
0x13d: {  	v17 =	vor.u32 s1, v13;
	v16 =	vld [tilespmem:s8+$0x0];
	_ =	sdelay $0x4  }
0x13e: {  	s8 =	sor.u32 s17, s25;
	[tilespmem:v17+s19+$0x0] =	vst.idx.msk $0xffff, v16  }
0x13f: {  	v17 =	vor.u32 s1, v14;
	v16 =	vld [tilespmem:s8+$0x0];
	_ =	sdelay $0x4  }
0x140: {  	s8 =	sor.u32 s17, s3;
	[tilespmem:v17+s19+$0x0] =	vst.idx.msk $0xffff, v16  }
0x141: {  	v17 =	vor.u32 s1, v15;
	v16 =	vld [tilespmem:s8+$0x0];
	_ =	sdelay $0x3  }
0x142: {  	s1 =	sand.u32 $0x70, s2  }
0x143: {  	s8 =	sor.u32 s1, s9;
	[tilespmem:v17+s19+$0x0] =	vst.idx.msk $0xffff, v16  }
0x144: {  	v17 =	vor.u32 s31, v0;
	v16 =	vld [tilespmem:s8+$0x0];
	_ =	sdelay $0x4  }
0x145: {  	[tilespmem:v17+s19+$0x0] =	vst.idx.msk $0xffff, v16  }
0x146: {  	v17 =	vor.u32 s31, v1;
	v16 =	vld [tilespmem:s8+$0x80];
	_ =	sdelay $0x4  }
0x147: {  	[tilespmem:v17+s19+$0x0] =	vst.idx.msk $0xffff, v16  }
0x148: {  	v17 =	vor.u32 s31, v2;
	v16 =	vld [tilespmem:s8+$0x100];
	_ =	sdelay $0x4  }
0x149: {  	[tilespmem:v17+s19+$0x0] =	vst.idx.msk $0xffff, v16  }
0x14a: {  	v17 =	vor.u32 s31, v3;
	v16 =	vld [tilespmem:s8+$0x180];
	_ =	sdelay $0x3  }
0x14b: {  	s7 =	sadd.s32 $0x30, s7  }
0x14c: {  	s8 =	sor.u32 $0x200, s7;
	[tilespmem:v17+s19+$0x0] =	vst.idx.msk $0xffff, v16  }
0x14d: {  	v17 =	vor.u32 s31, v4;
	v16 =	vld [tilespmem:s8+$0x0];
	_ =	sdelay $0x4  }
0x14e: {  	s8 =	sor.u32 $0x280, s7;
	[tilespmem:v17+s19+$0x0] =	vst.idx.msk $0xffff, v16  }
0x14f: {  	v17 =	vor.u32 s31, v5;
	v16 =	vld [tilespmem:s8+$0x0];
	_ =	sdelay $0x4  }
0x150: {  	s7 =	sor.u32 $0x300, s7;
	[tilespmem:v17+s19+$0x0] =	vst.idx.msk $0xffff, v16  }
0x151: {  	v17 =	vor.u32 s31, v6;
	v16 =	vld [tilespmem:s7+$0x0];
	_ =	sdelay $0x3  }
0x152: {  	s7 =	sor.u32 s2, s24  }
0x153: {  	s7 =	sor.u32 $0x380, s7;
	[tilespmem:v17+s19+$0x0] =	vst.idx.msk $0xffff, v16  }
0x154: {  	v17 =	vor.u32 s31, v7;
	v16 =	vld [tilespmem:s7+$0x0];
	_ =	sdelay $0x4  }
0x155: {  	s7 =	sor.u32 s1, s10;
	[tilespmem:v17+s19+$0x0] =	vst.idx.msk $0xffff, v16  }
0x156: {  	v17 =	vor.u32 s31, v8;
	v16 =	vld [tilespmem:s7+$0x0];
	_ =	sdelay $0x4  }
0x157: {  	s7 =	sor.u32 s1, s11;
	[tilespmem:v17+s19+$0x0] =	vst.idx.msk $0xffff, v16  }
0x158: {  	v17 =	vor.u32 s31, v9;
	v16 =	vld [tilespmem:s7+$0x0];
	_ =	sdelay $0x4  }
0x159: {  	s7 =	sor.u32 s1, s14;
	[tilespmem:v17+s19+$0x0] =	vst.idx.msk $0xffff, v16  }
0x15a: {  	v17 =	vor.u32 s31, v10;
	v16 =	vld [tilespmem:s7+$0x0];
	_ =	sdelay $0x4  }
0x15b: {  	s6 =	sor.u32 s1, s6;
	[tilespmem:v17+s19+$0x0] =	vst.idx.msk $0xffff, v16  }
0x15c: {  	v17 =	vor.u32 s31, v11;
	v16 =	vld [tilespmem:s6+$0x0];
	_ =	sdelay $0x4  }
0x15d: {  	s6 =	sor.u32 s1, s12;
	[tilespmem:v17+s19+$0x0] =	vst.idx.msk $0xffff, v16  }
0x15e: {  	v17 =	vor.u32 s31, v12;
	v16 =	vld [tilespmem:s6+$0x0];
	_ =	sdelay $0x4  }
0x15f: {  	s6 =	sor.u32 s1, s23;
	[tilespmem:v17+s19+$0x0] =	vst.idx.msk $0xffff, v16  }
0x160: {  	v17 =	vor.u32 s31, v13;
	v16 =	vld [tilespmem:s6+$0x0];
	_ =	sdelay $0x4  }
0x161: {  	s6 =	sor.u32 s1, s25;
	[tilespmem:v17+s19+$0x0] =	vst.idx.msk $0xffff, v16  }
0x162: {  	v17 =	vor.u32 s31, v14;
	v16 =	vld [tilespmem:s6+$0x0];
	_ =	sdelay $0x3  }
.Ltmp2:
0x163: {  	(pc) =	sbr.rel @p4 .LBB2_3-.Ltmp2, $3  }
0x164: {  	s1 =	sor.u32 s1, s3;
	[tilespmem:v17+s19+$0x0] =	vst.idx.msk $0xffff, v16  }
0x165: {  	v17 =	vor.u32 s31, v15;
	v16 =	vld [tilespmem:s1+$0x0];
	_ =	sdelay $0x1  }
0x166: {  	s2 =	sadd.s32 $0x40, s2;
	s24 =	sadd.s32 $0x200, s24  }
0x167: {  	p3 =	sne.s32 s26, $0xE  }
.Ltmp3:
0x168: {  	_ = 	snop;
	(pc) =	sbr.rel @p3 .LBB2_6-.Ltmp3, $4  }
0x169: {  	_ = 	snop  }
0x16a: {  	s0 =	sshll.u32 s26, $0x11;
	s1 =	rddreg [dreg:$0x7]  }
0x16b: {  	s0 =	sadd.s32 s0, s1;
	[tilespmem:v17+s19+$0x0] =	vst.idx.msk $0xffff, v16  }
0x16c: {  	[hbm4b:s0+s4] =	stream.linear.scatter [tilespmem:s19], [sflag:$0x3], $0x4000, $0x38;
	[tilespmem:$0x10000] =	vst v63  }
.Ltmp4:
0x16d: {  	(pc) =	sbr.rel .LBB2_7-.Ltmp4, $4  }
0x16e: {  	_ = 	snop  }
0x16f: {  	_ =	swait.ge [sflag:s20], $0x4000  }
0x170: {  	[sflag:s20] =	ssyncset.done $0x0  }
0x171: {  	[sflag:s20] =	ssyncadd.s32 $0xFFFFC000  }
.LBB2_6:
0x172: {  	s0 =	rddreg [dreg:$0x6]  }
0x173: {  	s0 =	sadd.s32 s0, s29  }
0x174: {  	s1 =	rddreg [dreg:$0x0];
	s31 =	simm.s32 $0x2000;
	s0 =	sshll.u32 s0, $0xA  }
.Ltmp5:
0x175: {  	s2 =	simm.s32 $0x7A1400;
	s0 =	sadd.s32 s1, s0;
	(pc) =	sbr.rel @p2 .LBB2_8-.Ltmp5, $4  }
0x176: {  	[tilespmem:s4], [sflag:$0x1] =	stream.strided.gather [hbm4b:s0+s31], $0x4000, s2, s31, $0x38;
	[tilespmem:$0x10000] =	vst v63  }
0x177: {  	_ =	swait.ge [sflag:s20], $0x4000  }
0x178: {  	[sflag:s20] =	ssyncset.done $0x0  }
0x179: {  	[sflag:s20] =	ssyncadd.s32 $0xFFFFC000  }
.LBB2_7:
0x17a: {  	_ =	swait.ge [sflag:s21], $0x4000  }
0x17b: {  	[sflag:s21] =	ssyncset.done $0x0  }
0x17c: {  	[sflag:s21] =	ssyncadd.s32 $0xFFFFC000  }
.LBB2_8:
0x17d: {  	s29 =	simm.s32 $0x0  }
0x17e: {  	s2 =	simm.s32 $0x0;
	s11 =	sand.u32 $0x1C00, s29  }
0x17f: {  	s1 =	sand.u32 $0x40, s2;
	s0 =	sor.u32 $0x4000, s11  }
0x180: {  	s12 =	simm.s32 $0x0;
	s3 =	sor.u32 s1, s0  }
0x181: {  	v17 =	vor.u32 s12, v0;
	v16 =	vld [tilespmem:s3+$0x0];
	_ =	sdelay $0x4  }
0x182: {  	[tilespmem:v17+s22+$0x0] =	vst.idx.msk $0xffff, v16  }
0x183: {  	v17 =	vor.u32 s12, v1;
	v16 =	vld [tilespmem:s3+$0x80];
	_ =	sdelay $0x4  }
0x184: {  	[tilespmem:v17+s22+$0x0] =	vst.idx.msk $0xffff, v16  }
0x185: {  	v17 =	vor.u32 s12, v2;
	v16 =	vld [tilespmem:s3+$0x100];
	_ =	sdelay $0x4  }
0x186: {  	[tilespmem:v17+s22+$0x0] =	vst.idx.msk $0xffff, v16  }
0x187: {  	v17 =	vor.u32 s12, v3;
	v16 =	vld [tilespmem:s3+$0x180]  }
0x188: {  	p2 =	por $0x0, $0x0;
	s3 =	simm.s32 $0x1  }
0x189: {  	s3 =	simm.s32 @!p2 $0x0  }
0x18a: {  	s3 =	sshll.u32 s3, $0x6  }
0x18b: {  	s3 =	sadd.s32 $0x0, s3  }
0x18c: {  	s5 =	sor.u32 $0x200, s3;
	[tilespmem:v17+s22+$0x0] =	vst.idx.msk $0xffff, v16  }
0x18d: {  	v17 =	vor.u32 s12, v4;
	v16 =	vld [tilespmem:s5+$0x4000];
	_ =	sdelay $0x4  }
0x18e: {  	s9 =	sor.u32 $0x280, s3;
	[tilespmem:v17+s22+$0x0] =	vst.idx.msk $0xffff, v16  }
0x18f: {  	v17 =	vor.u32 s12, v5;
	v16 =	vld [tilespmem:s9+$0x4000];
	_ =	sdelay $0x4  }
0x190: {  	s3 =	sor.u32 $0x300, s3;
	[tilespmem:v17+s22+$0x0] =	vst.idx.msk $0xffff, v16  }
0x191: {  	v17 =	vor.u32 s12, v6;
	v16 =	vld [tilespmem:s3+$0x4000];
	_ =	sdelay $0x3  }
0x192: {  	s2 =	sor.u32 s2, s29  }
0x193: {  	s2 =	sor.u32 $0x380, s2;
	[tilespmem:v17+s22+$0x0] =	vst.idx.msk $0xffff, v16  }
0x194: {  	v17 =	vor.u32 s12, v7;
	v16 =	vld [tilespmem:s2+$0x4000];
	_ =	sdelay $0x3  }
0x195: {  	s2 =	sor.u32 $0x6000, s11  }
0x196: {  	s10 =	sor.u32 s1, s2;
	[tilespmem:v17+s22+$0x0] =	vst.idx.msk $0xffff, v16  }
0x197: {  	v17 =	vor.u32 s12, v8;
	v16 =	vld [tilespmem:s10+$0x0];
	_ =	sdelay $0x3  }
0x198: {  	s3 =	sor.u32 $0x6080, s11  }
0x199: {  	s14 =	sor.u32 s1, s3;
	[tilespmem:v17+s22+$0x0] =	vst.idx.msk $0xffff, v16  }
0x19a: {  	v17 =	vor.u32 s12, v9;
	v16 =	vld [tilespmem:s14+$0x0];
	_ =	sdelay $0x3  }
0x19b: {  	s5 =	sor.u32 $0x6100, s11  }
0x19c: {  	s6 =	sor.u32 s1, s5;
	[tilespmem:v17+s22+$0x0] =	vst.idx.msk $0xffff, v16  }
0x19d: {  	v17 =	vor.u32 s12, v10;
	v16 =	vld [tilespmem:s6+$0x0];
	_ =	sdelay $0x3  }
0x19e: {  	s6 =	sor.u32 $0x6180, s11  }
0x19f: {  	s7 =	sor.u32 s1, s6;
	[tilespmem:v17+s22+$0x0] =	vst.idx.msk $0xffff, v16  }
0x1a0: {  	v17 =	vor.u32 s12, v11;
	v16 =	vld [tilespmem:s7+$0x0];
	_ =	sdelay $0x3  }
0x1a1: {  	s7 =	sor.u32 $0x6200, s11  }
0x1a2: {  	s8 =	sor.u32 s1, s7;
	[tilespmem:v17+s22+$0x0] =	vst.idx.msk $0xffff, v16  }
0x1a3: {  	v17 =	vor.u32 s12, v12;
	v16 =	vld [tilespmem:s8+$0x0];
	_ =	sdelay $0x3  }
0x1a4: {  	s9 =	sor.u32 $0x6280, s11  }
0x1a5: {  	s15 =	sor.u32 s1, s9;
	[tilespmem:v17+s22+$0x0] =	vst.idx.msk $0xffff, v16  }
0x1a6: {  	v17 =	vor.u32 s12, v13;
	v16 =	vld [tilespmem:s15+$0x0];
	_ =	sdelay $0x3  }
0x1a7: {  	s10 =	sor.u32 $0x6300, s11  }
0x1a8: {  	s16 =	sor.u32 s1, s10;
	[tilespmem:v17+s22+$0x0] =	vst.idx.msk $0xffff, v16  }
0x1a9: {  	v17 =	vor.u32 s12, v14;
	v16 =	vld [tilespmem:s16+$0x0];
	_ =	sdelay $0x3  }
0x1aa: {  	s11 =	sor.u32 $0x6380, s11  }
0x1ab: {  	s1 =	sor.u32 s1, s11;
	[tilespmem:v17+s22+$0x0] =	vst.idx.msk $0xffff, v16  }
0x1ac: {  	v17 =	vor.u32 s12, v15;
	v16 =	vld [tilespmem:s1+$0x0];
	_ =	sdelay $0x2  }
0x1ad: {  	s17 =	simm.s32 $0x10  }
0x1ae: {  	s12 =	sand.u32 $0x50, s17  }
0x1af: {  	s14 =	simm.s32 $0x100;
	s23 =	sor.u32 s12, s0;
	[tilespmem:v17+s22+$0x0] =	vst.idx.msk $0xffff, v16  }
0x1b0: {  	v17 =	vor.u32 s14, v0;
	v16 =	vld [tilespmem:s23+$0x0];
	_ =	sdelay $0x4  }
0x1b1: {  	[tilespmem:v17+s22+$0x0] =	vst.idx.msk $0xffff, v16  }
0x1b2: {  	v17 =	vor.u32 s14, v1;
	v16 =	vld [tilespmem:s23+$0x80];
	_ =	sdelay $0x4  }
0x1b3: {  	[tilespmem:v17+s22+$0x0] =	vst.idx.msk $0xffff, v16  }
0x1b4: {  	v17 =	vor.u32 s14, v2;
	v16 =	vld [tilespmem:s23+$0x100];
	_ =	sdelay $0x4  }
0x1b5: {  	[tilespmem:v17+s22+$0x0] =	vst.idx.msk $0xffff, v16  }
0x1b6: {  	v17 =	vor.u32 s14, v3;
	v16 =	vld [tilespmem:s23+$0x180]  }
0x1b7: {  	s24 =	sand.u32 $0x7, s29  }
0x1b8: {  	s1 =	sshll.u32 s24, $0x4  }
0x1b9: {  	s1 =	sadd.s32 $0x0, s1  }
0x1ba: {  	s15 =	sadd.s32 $0x10, s1  }
0x1bb: {  	s16 =	sor.u32 $0x200, s15;
	[tilespmem:v17+s22+$0x0] =	vst.idx.msk $0xffff, v16  }
0x1bc: {  	v17 =	vor.u32 s14, v4;
	v16 =	vld [tilespmem:s16+$0x4000];
	_ =	sdelay $0x4  }
0x1bd: {  	s25 =	sor.u32 $0x280, s15;
	[tilespmem:v17+s22+$0x0] =	vst.idx.msk $0xffff, v16  }
0x1be: {  	v17 =	vor.u32 s14, v5;
	v16 =	vld [tilespmem:s25+$0x4000];
	_ =	sdelay $0x4  }
0x1bf: {  	s15 =	sor.u32 $0x300, s15;
	[tilespmem:v17+s22+$0x0] =	vst.idx.msk $0xffff, v16  }
0x1c0: {  	v17 =	vor.u32 s14, v6;
	v16 =	vld [tilespmem:s15+$0x4000];
	_ =	sdelay $0x3  }
0x1c1: {  	s8 =	sor.u32 s17, s29  }
0x1c2: {  	s8 =	sor.u32 $0x380, s8;
	[tilespmem:v17+s22+$0x0] =	vst.idx.msk $0xffff, v16  }
0x1c3: {  	v17 =	vor.u32 s14, v7;
	v16 =	vld [tilespmem:s8+$0x4000];
	_ =	sdelay $0x4  }
0x1c4: {  	s15 =	sor.u32 s12, s2;
	[tilespmem:v17+s22+$0x0] =	vst.idx.msk $0xffff, v16  }
0x1c5: {  	v17 =	vor.u32 s14, v8;
	v16 =	vld [tilespmem:s15+$0x0];
	_ =	sdelay $0x4  }
0x1c6: {  	s16 =	sor.u32 s12, s3;
	[tilespmem:v17+s22+$0x0] =	vst.idx.msk $0xffff, v16  }
0x1c7: {  	v17 =	vor.u32 s14, v9;
	v16 =	vld [tilespmem:s16+$0x0];
	_ =	sdelay $0x4  }
0x1c8: {  	s17 =	sor.u32 s12, s5;
	[tilespmem:v17+s22+$0x0] =	vst.idx.msk $0xffff, v16  }
0x1c9: {  	v17 =	vor.u32 s14, v10;
	v16 =	vld [tilespmem:s17+$0x0];
	_ =	sdelay $0x4  }
0x1ca: {  	s23 =	sor.u32 s12, s6;
	[tilespmem:v17+s22+$0x0] =	vst.idx.msk $0xffff, v16  }
0x1cb: {  	v17 =	vor.u32 s14, v11;
	v16 =	vld [tilespmem:s23+$0x0];
	_ =	sdelay $0x4  }
0x1cc: {  	s24 =	sor.u32 s12, s7;
	[tilespmem:v17+s22+$0x0] =	vst.idx.msk $0xffff, v16  }
0x1cd: {  	v17 =	vor.u32 s14, v12;
	v16 =	vld [tilespmem:s24+$0x0];
	_ =	sdelay $0x4  }
0x1ce: {  	s25 =	sor.u32 s12, s9;
	[tilespmem:v17+s22+$0x0] =	vst.idx.msk $0xffff, v16  }
0x1cf: {  	v17 =	vor.u32 s14, v13;
	v16 =	vld [tilespmem:s25+$0x0];
	_ =	sdelay $0x4  }
0x1d0: {  	s15 =	sor.u32 s12, s10;
	[tilespmem:v17+s22+$0x0] =	vst.idx.msk $0xffff, v16  }
0x1d1: {  	v17 =	vor.u32 s14, v14;
	v16 =	vld [tilespmem:s15+$0x0];
	_ =	sdelay $0x4  }
0x1d2: {  	s16 =	sor.u32 s12, s11;
	[tilespmem:v17+s22+$0x0] =	vst.idx.msk $0xffff, v16  }
0x1d3: {  	v17 =	vor.u32 s14, v15;
	v16 =	vld [tilespmem:s16+$0x0];
	_ =	sdelay $0x2  }
0x1d4: {  	s8 =	simm.s32 $0x20  }
0x1d5: {  	s12 =	sand.u32 $0x60, s8  }
0x1d6: {  	s17 =	sor.u32 s12, s0;
	s14 =	simm.s32 $0x200;
	[tilespmem:v17+s22+$0x0] =	vst.idx.msk $0xffff, v16  }
0x1d7: {  	v17 =	vor.u32 s14, v0;
	v16 =	vld [tilespmem:s17+$0x0];
	_ =	sdelay $0x4  }
0x1d8: {  	[tilespmem:v17+s22+$0x0] =	vst.idx.msk $0xffff, v16  }
0x1d9: {  	v17 =	vor.u32 s14, v1;
	v16 =	vld [tilespmem:s17+$0x80];
	_ =	sdelay $0x4  }
0x1da: {  	[tilespmem:v17+s22+$0x0] =	vst.idx.msk $0xffff, v16  }
0x1db: {  	v17 =	vor.u32 s14, v2;
	v16 =	vld [tilespmem:s17+$0x100];
	_ =	sdelay $0x4  }
0x1dc: {  	[tilespmem:v17+s22+$0x0] =	vst.idx.msk $0xffff, v16  }
0x1dd: {  	v17 =	vor.u32 s14, v3;
	v16 =	vld [tilespmem:s17+$0x180]  }
0x1de: {  	s23 =	sand.u32 $0x3, s29  }
0x1df: {  	s15 =	sshll.u32 s23, $0x5  }
0x1e0: {  	s15 =	sadd.s32 $0x0, s15  }
0x1e1: {  	s15 =	sadd.s32 $0x20, s15  }
0x1e2: {  	s24 =	sor.u32 $0x200, s15;
	[tilespmem:v17+s22+$0x0] =	vst.idx.msk $0xffff, v16  }
0x1e3: {  	v17 =	vor.u32 s14, v4;
	v16 =	vld [tilespmem:s24+$0x4000];
	_ =	sdelay $0x4  }
0x1e4: {  	s25 =	sor.u32 $0x280, s15;
	[tilespmem:v17+s22+$0x0] =	vst.idx.msk $0xffff, v16  }
0x1e5: {  	v17 =	vor.u32 s14, v5;
	v16 =	vld [tilespmem:s25+$0x4000];
	_ =	sdelay $0x4  }
0x1e6: {  	s15 =	sor.u32 $0x300, s15;
	[tilespmem:v17+s22+$0x0] =	vst.idx.msk $0xffff, v16  }
0x1e7: {  	v17 =	vor.u32 s14, v6;
	v16 =	vld [tilespmem:s15+$0x4000];
	_ =	sdelay $0x3  }
0x1e8: {  	s8 =	sor.u32 s8, s29  }
0x1e9: {  	s8 =	sor.u32 $0x380, s8;
	[tilespmem:v17+s22+$0x0] =	vst.idx.msk $0xffff, v16  }
0x1ea: {  	v17 =	vor.u32 s14, v7;
	v16 =	vld [tilespmem:s8+$0x4000];
	_ =	sdelay $0x4  }
0x1eb: {  	s16 =	sor.u32 s12, s2;
	[tilespmem:v17+s22+$0x0] =	vst.idx.msk $0xffff, v16  }
0x1ec: {  	v17 =	vor.u32 s14, v8;
	v16 =	vld [tilespmem:s16+$0x0];
	_ =	sdelay $0x4  }
0x1ed: {  	s17 =	sor.u32 s12, s3;
	[tilespmem:v17+s22+$0x0] =	vst.idx.msk $0xffff, v16  }
0x1ee: {  	v17 =	vor.u32 s14, v9;
	v16 =	vld [tilespmem:s17+$0x0];
	_ =	sdelay $0x4  }
0x1ef: {  	s23 =	sor.u32 s12, s5;
	[tilespmem:v17+s22+$0x0] =	vst.idx.msk $0xffff, v16  }
0x1f0: {  	v17 =	vor.u32 s14, v10;
	v16 =	vld [tilespmem:s23+$0x0];
	_ =	sdelay $0x4  }
0x1f1: {  	s24 =	sor.u32 s12, s6;
	[tilespmem:v17+s22+$0x0] =	vst.idx.msk $0xffff, v16  }
0x1f2: {  	v17 =	vor.u32 s14, v11;
	v16 =	vld [tilespmem:s24+$0x0];
	_ =	sdelay $0x4  }
0x1f3: {  	s25 =	sor.u32 s12, s7;
	[tilespmem:v17+s22+$0x0] =	vst.idx.msk $0xffff, v16  }
0x1f4: {  	v17 =	vor.u32 s14, v12;
	v16 =	vld [tilespmem:s25+$0x0];
	_ =	sdelay $0x4  }
0x1f5: {  	s15 =	sor.u32 s12, s9;
	[tilespmem:v17+s22+$0x0] =	vst.idx.msk $0xffff, v16  }
0x1f6: {  	v17 =	vor.u32 s14, v13;
	v16 =	vld [tilespmem:s15+$0x0];
	_ =	sdelay $0x4  }
0x1f7: {  	s16 =	sor.u32 s12, s10;
	[tilespmem:v17+s22+$0x0] =	vst.idx.msk $0xffff, v16  }
0x1f8: {  	v17 =	vor.u32 s14, v14;
	v16 =	vld [tilespmem:s16+$0x0];
	_ =	sdelay $0x4  }
0x1f9: {  	s17 =	sor.u32 s12, s11;
	[tilespmem:v17+s22+$0x0] =	vst.idx.msk $0xffff, v16  }
0x1fa: {  	v17 =	vor.u32 s14, v15;
	v16 =	vld [tilespmem:s17+$0x0];
	_ =	sdelay $0x2  }
0x1fb: {  	s23 =	simm.s32 $0x30  }
0x1fc: {  	s14 =	sand.u32 $0x70, s23  }
0x1fd: {  	s12 =	simm.s32 $0x300;
	s0 =	sor.u32 s14, s0;
	[tilespmem:v17+s22+$0x0] =	vst.idx.msk $0xffff, v16  }
0x1fe: {  	v17 =	vor.u32 s12, v0;
	v16 =	vld [tilespmem:s0+$0x0];
	_ =	sdelay $0x4  }
0x1ff: {  	[tilespmem:v17+s22+$0x0] =	vst.idx.msk $0xffff, v16  }
0x200: {  	v17 =	vor.u32 s12, v1;
	v16 =	vld [tilespmem:s0+$0x80];
	_ =	sdelay $0x4  }
0x201: {  	[tilespmem:v17+s22+$0x0] =	vst.idx.msk $0xffff, v16  }
0x202: {  	v17 =	vor.u32 s12, v2;
	v16 =	vld [tilespmem:s0+$0x100];
	_ =	sdelay $0x4  }
0x203: {  	[tilespmem:v17+s22+$0x0] =	vst.idx.msk $0xffff, v16  }
0x204: {  	v17 =	vor.u32 s12, v3;
	v16 =	vld [tilespmem:s0+$0x180];
	_ =	sdelay $0x3  }
0x205: {  	s24 =	sadd.s32 $0x30, s1  }
0x206: {  	s1 =	sor.u32 $0x200, s24;
	[tilespmem:v17+s22+$0x0] =	vst.idx.msk $0xffff, v16  }
0x207: {  	v17 =	vor.u32 s12, v4;
	v16 =	vld [tilespmem:s1+$0x4000];
	_ =	sdelay $0x4  }
0x208: {  	s25 =	sor.u32 $0x280, s24;
	[tilespmem:v17+s22+$0x0] =	vst.idx.msk $0xffff, v16  }
0x209: {  	v17 =	vor.u32 s12, v5;
	v16 =	vld [tilespmem:s25+$0x4000];
	_ =	sdelay $0x4  }
0x20a: {  	s0 =	sor.u32 $0x300, s24;
	[tilespmem:v17+s22+$0x0] =	vst.idx.msk $0xffff, v16  }
0x20b: {  	v17 =	vor.u32 s12, v6;
	v16 =	vld [tilespmem:s0+$0x4000];
	_ =	sdelay $0x3  }
0x20c: {  	s1 =	sor.u32 s23, s29  }
0x20d: {  	s0 =	sor.u32 $0x380, s1;
	[tilespmem:v17+s22+$0x0] =	vst.idx.msk $0xffff, v16  }
0x20e: {  	v17 =	vor.u32 s12, v7;
	v16 =	vld [tilespmem:s0+$0x4000];
	_ =	sdelay $0x4  }
0x20f: {  	s2 =	sor.u32 s14, s2;
	[tilespmem:v17+s22+$0x0] =	vst.idx.msk $0xffff, v16  }
0x210: {  	v17 =	vor.u32 s12, v8;
	v16 =	vld [tilespmem:s2+$0x0];
	_ =	sdelay $0x4  }
0x211: {  	s8 =	sor.u32 s14, s3;
	[tilespmem:v17+s22+$0x0] =	vst.idx.msk $0xffff, v16  }
0x212: {  	v17 =	vor.u32 s12, v9;
	v16 =	vld [tilespmem:s8+$0x0];
	_ =	sdelay $0x4  }
0x213: {  	s15 =	sor.u32 s14, s5;
	[tilespmem:v17+s22+$0x0] =	vst.idx.msk $0xffff, v16  }
0x214: {  	v17 =	vor.u32 s12, v10;
	v16 =	vld [tilespmem:s15+$0x0];
	_ =	sdelay $0x4  }
0x215: {  	s16 =	sor.u32 s14, s6;
	[tilespmem:v17+s22+$0x0] =	vst.idx.msk $0xffff, v16  }
0x216: {  	v17 =	vor.u32 s12, v11;
	v16 =	vld [tilespmem:s16+$0x0];
	_ =	sdelay $0x4  }
0x217: {  	s17 =	sor.u32 s14, s7;
	[tilespmem:v17+s22+$0x0] =	vst.idx.msk $0xffff, v16  }
0x218: {  	v17 =	vor.u32 s12, v12;
	v16 =	vld [tilespmem:s17+$0x0];
	_ =	sdelay $0x4  }
0x219: {  	s23 =	sor.u32 s14, s9;
	[tilespmem:v17+s22+$0x0] =	vst.idx.msk $0xffff, v16  }
0x21a: {  	v17 =	vor.u32 s12, v13;
	v16 =	vld [tilespmem:s23+$0x0];
	_ =	sdelay $0x4  }
0x21b: {  	s24 =	sor.u32 s14, s10;
	[tilespmem:v17+s22+$0x0] =	vst.idx.msk $0xffff, v16  }
0x21c: {  	v17 =	vor.u32 s12, v14;
	v16 =	vld [tilespmem:s24+$0x0];
	_ =	sdelay $0x4  }
0x21d: {  	s25 =	sor.u32 s14, s11;
	[tilespmem:v17+s22+$0x0] =	vst.idx.msk $0xffff, v16  }
0x21e: {  	v17 =	vor.u32 s12, v15;
	v16 =	vld [tilespmem:s25+$0x0]  }
0x21f: {  	s30 =	simm.s32 $0x0;
	s31 =	simm.s32 $0x70  }
0x220: {  	s0 =	simm.s32 $0x700;
	s2 =	simm.s32 $0x200;
	s24 =	simm.s32 $0x0  }
.LBB2_9:
0x221: {  	s1 =	sadd.s32 $0xFFFFFFD0, s31;
	s3 =	sand.u32 $0x1C00, s2;
	s30 =	sadd.s32 $0x4, s30  }
0x222: {  	s7 =	sand.u32 $0x40, s1;
	s5 =	sor.u32 $0x4000, s3;
	p3 =	slt.u32 s30, $0x3C  }
0x223: {  	s17 =	sadd.s32 $0xFFFFFD00, s0;
	s6 =	sor.u32 s7, s5;
	[tilespmem:v17+s22+$0x0] =	vst.idx.msk $0xffff, v16  }
0x224: {  	v17 =	vor.u32 s17, v0;
	v16 =	vld [tilespmem:s6+$0x0];
	_ =	sdelay $0x4  }
0x225: {  	[tilespmem:v17+s22+$0x0] =	vst.idx.msk $0xffff, v16  }
0x226: {  	v17 =	vor.u32 s17, v1;
	v16 =	vld [tilespmem:s6+$0x80];
	_ =	sdelay $0x4  }
0x227: {  	[tilespmem:v17+s22+$0x0] =	vst.idx.msk $0xffff, v16  }
0x228: {  	v17 =	vor.u32 s17, v2;
	v16 =	vld [tilespmem:s6+$0x100];
	_ =	sdelay $0x4  }
0x229: {  	[tilespmem:v17+s22+$0x0] =	vst.idx.msk $0xffff, v16  }
0x22a: {  	v17 =	vor.u32 s17, v3;
	v16 =	vld [tilespmem:s6+$0x180]  }
0x22b: {  	p2 =	por !p2, !p2;
	s6 =	simm.s32 $0x1  }
0x22c: {  	s6 =	simm.s32 @!p2 $0x0  }
0x22d: {  	s6 =	sshll.u32 s6, $0x6  }
0x22e: {  	s6 =	sadd.s32 s6, s2  }
0x22f: {  	s8 =	sor.u32 $0x200, s6;
	[tilespmem:v17+s22+$0x0] =	vst.idx.msk $0xffff, v16  }
0x230: {  	v17 =	vor.u32 s17, v4;
	v16 =	vld [tilespmem:s8+$0x4000];
	_ =	sdelay $0x4  }
0x231: {  	s8 =	sor.u32 $0x280, s6;
	[tilespmem:v17+s22+$0x0] =	vst.idx.msk $0xffff, v16  }
0x232: {  	v17 =	vor.u32 s17, v5;
	v16 =	vld [tilespmem:s8+$0x4000];
	_ =	sdelay $0x4  }
0x233: {  	s6 =	sor.u32 $0x300, s6;
	[tilespmem:v17+s22+$0x0] =	vst.idx.msk $0xffff, v16  }
0x234: {  	v17 =	vor.u32 s17, v6;
	v16 =	vld [tilespmem:s6+$0x4000];
	_ =	sdelay $0x3  }
0x235: {  	s1 =	sor.u32 s1, s2  }
0x236: {  	s1 =	sor.u32 $0x380, s1;
	[tilespmem:v17+s22+$0x0] =	vst.idx.msk $0xffff, v16  }
0x237: {  	v17 =	vor.u32 s17, v7;
	v16 =	vld [tilespmem:s1+$0x4000];
	_ =	sdelay $0x3  }
0x238: {  	s9 =	sor.u32 $0x6000, s3  }
0x239: {  	s1 =	sor.u32 s7, s9;
	[tilespmem:v17+s22+$0x0] =	vst.idx.msk $0xffff, v16  }
0x23a: {  	v17 =	vor.u32 s17, v8;
	v16 =	vld [tilespmem:s1+$0x0];
	_ =	sdelay $0x3  }
0x23b: {  	s10 =	sor.u32 $0x6080, s3  }
0x23c: {  	s1 =	sor.u32 s7, s10;
	[tilespmem:v17+s22+$0x0] =	vst.idx.msk $0xffff, v16  }
0x23d: {  	v17 =	vor.u32 s17, v9;
	v16 =	vld [tilespmem:s1+$0x0];
	_ =	sdelay $0x3  }
0x23e: {  	s11 =	sor.u32 $0x6100, s3  }
0x23f: {  	s1 =	sor.u32 s7, s11;
	[tilespmem:v17+s22+$0x0] =	vst.idx.msk $0xffff, v16  }
0x240: {  	v17 =	vor.u32 s17, v10;
	v16 =	vld [tilespmem:s1+$0x0];
	_ =	sdelay $0x3  }
0x241: {  	s6 =	sor.u32 $0x6180, s3  }
0x242: {  	s1 =	sor.u32 s7, s6;
	[tilespmem:v17+s22+$0x0] =	vst.idx.msk $0xffff, v16  }
0x243: {  	v17 =	vor.u32 s17, v11;
	v16 =	vld [tilespmem:s1+$0x0];
	_ =	sdelay $0x3  }
0x244: {  	s12 =	sor.u32 $0x6200, s3  }
0x245: {  	s1 =	sor.u32 s7, s12;
	[tilespmem:v17+s22+$0x0] =	vst.idx.msk $0xffff, v16  }
0x246: {  	v17 =	vor.u32 s17, v12;
	v16 =	vld [tilespmem:s1+$0x0];
	_ =	sdelay $0x3  }
0x247: {  	s14 =	sor.u32 $0x6280, s3  }
0x248: {  	s1 =	sor.u32 s7, s14;
	[tilespmem:v17+s22+$0x0] =	vst.idx.msk $0xffff, v16  }
0x249: {  	v17 =	vor.u32 s17, v13;
	v16 =	vld [tilespmem:s1+$0x0];
	_ =	sdelay $0x3  }
0x24a: {  	s23 =	sor.u32 $0x6300, s3  }
0x24b: {  	s1 =	sor.u32 s7, s23;
	[tilespmem:v17+s22+$0x0] =	vst.idx.msk $0xffff, v16  }
0x24c: {  	v17 =	vor.u32 s17, v14;
	v16 =	vld [tilespmem:s1+$0x0];
	_ =	sdelay $0x3  }
0x24d: {  	s3 =	sor.u32 $0x6380, s3  }
0x24e: {  	s1 =	sor.u32 s7, s3;
	[tilespmem:v17+s22+$0x0] =	vst.idx.msk $0xffff, v16  }
0x24f: {  	v17 =	vor.u32 s17, v15;
	v16 =	vld [tilespmem:s1+$0x0];
	_ =	sdelay $0x2  }
0x250: {  	s15 =	sadd.s32 $0xFFFFFFE0, s31  }
0x251: {  	s17 =	sand.u32 $0x50, s15  }
0x252: {  	s1 =	sadd.s32 $0xFFFFFE00, s0;
	s7 =	sor.u32 s17, s5;
	[tilespmem:v17+s22+$0x0] =	vst.idx.msk $0xffff, v16  }
0x253: {  	v17 =	vor.u32 s1, v0;
	v16 =	vld [tilespmem:s7+$0x0];
	_ =	sdelay $0x4  }
0x254: {  	[tilespmem:v17+s22+$0x0] =	vst.idx.msk $0xffff, v16  }
0x255: {  	v17 =	vor.u32 s1, v1;
	v16 =	vld [tilespmem:s7+$0x80];
	_ =	sdelay $0x4  }
0x256: {  	[tilespmem:v17+s22+$0x0] =	vst.idx.msk $0xffff, v16  }
0x257: {  	v17 =	vor.u32 s1, v2;
	v16 =	vld [tilespmem:s7+$0x100];
	_ =	sdelay $0x4  }
0x258: {  	[tilespmem:v17+s22+$0x0] =	vst.idx.msk $0xffff, v16  }
0x259: {  	s29 =	sadd.s32 $0x4, s29;
	v17 =	vor.u32 s1, v3;
	v16 =	vld [tilespmem:s7+$0x180]  }
0x25a: {  	s7 =	sand.u32 $0x7, s29  }
0x25b: {  	s7 =	sshll.u32 s7, $0x4  }
0x25c: {  	s7 =	sadd.s32 s2, s7  }
0x25d: {  	s8 =	sadd.s32 $0x10, s7  }
0x25e: {  	s16 =	sor.u32 $0x200, s8;
	[tilespmem:v17+s22+$0x0] =	vst.idx.msk $0xffff, v16  }
0x25f: {  	v17 =	vor.u32 s1, v4;
	v16 =	vld [tilespmem:s16+$0x4000];
	_ =	sdelay $0x4  }
0x260: {  	s16 =	sor.u32 $0x280, s8;
	[tilespmem:v17+s22+$0x0] =	vst.idx.msk $0xffff, v16  }
0x261: {  	v17 =	vor.u32 s1, v5;
	v16 =	vld [tilespmem:s16+$0x4000];
	_ =	sdelay $0x4  }
0x262: {  	s8 =	sor.u32 $0x300, s8;
	[tilespmem:v17+s22+$0x0] =	vst.idx.msk $0xffff, v16  }
0x263: {  	v17 =	vor.u32 s1, v6;
	v16 =	vld [tilespmem:s8+$0x4000];
	_ =	sdelay $0x3  }
0x264: {  	s8 =	sor.u32 s15, s2  }
0x265: {  	s8 =	sor.u32 $0x380, s8;
	[tilespmem:v17+s22+$0x0] =	vst.idx.msk $0xffff, v16  }
0x266: {  	v17 =	vor.u32 s1, v7;
	v16 =	vld [tilespmem:s8+$0x4000];
	_ =	sdelay $0x4  }
0x267: {  	s8 =	sor.u32 s17, s9;
	[tilespmem:v17+s22+$0x0] =	vst.idx.msk $0xffff, v16  }
0x268: {  	v17 =	vor.u32 s1, v8;
	v16 =	vld [tilespmem:s8+$0x0];
	_ =	sdelay $0x4  }
0x269: {  	s8 =	sor.u32 s17, s10;
	[tilespmem:v17+s22+$0x0] =	vst.idx.msk $0xffff, v16  }
0x26a: {  	v17 =	vor.u32 s1, v9;
	v16 =	vld [tilespmem:s8+$0x0];
	_ =	sdelay $0x4  }
0x26b: {  	s8 =	sor.u32 s17, s11;
	[tilespmem:v17+s22+$0x0] =	vst.idx.msk $0xffff, v16  }
0x26c: {  	v17 =	vor.u32 s1, v10;
	v16 =	vld [tilespmem:s8+$0x0];
	_ =	sdelay $0x4  }
0x26d: {  	s8 =	sor.u32 s17, s6;
	[tilespmem:v17+s22+$0x0] =	vst.idx.msk $0xffff, v16  }
0x26e: {  	v17 =	vor.u32 s1, v11;
	v16 =	vld [tilespmem:s8+$0x0];
	_ =	sdelay $0x4  }
0x26f: {  	s8 =	sor.u32 s17, s12;
	[tilespmem:v17+s22+$0x0] =	vst.idx.msk $0xffff, v16  }
0x270: {  	v17 =	vor.u32 s1, v12;
	v16 =	vld [tilespmem:s8+$0x0];
	_ =	sdelay $0x4  }
0x271: {  	s8 =	sor.u32 s17, s14;
	[tilespmem:v17+s22+$0x0] =	vst.idx.msk $0xffff, v16  }
0x272: {  	v17 =	vor.u32 s1, v13;
	v16 =	vld [tilespmem:s8+$0x0];
	_ =	sdelay $0x4  }
0x273: {  	s8 =	sor.u32 s17, s23;
	[tilespmem:v17+s22+$0x0] =	vst.idx.msk $0xffff, v16  }
0x274: {  	v17 =	vor.u32 s1, v14;
	v16 =	vld [tilespmem:s8+$0x0];
	_ =	sdelay $0x4  }
0x275: {  	s8 =	sor.u32 s17, s3;
	[tilespmem:v17+s22+$0x0] =	vst.idx.msk $0xffff, v16  }
0x276: {  	v17 =	vor.u32 s1, v15;
	v16 =	vld [tilespmem:s8+$0x0];
	_ =	sdelay $0x2  }
0x277: {  	s15 =	sadd.s32 $0xFFFFFFF0, s31  }
0x278: {  	s17 =	sand.u32 $0x60, s15  }
0x279: {  	s1 =	sadd.s32 $0xFFFFFF00, s0;
	s8 =	sor.u32 s17, s5;
	[tilespmem:v17+s22+$0x0] =	vst.idx.msk $0xffff, v16  }
0x27a: {  	v17 =	vor.u32 s1, v0;
	v16 =	vld [tilespmem:s8+$0x0];
	_ =	sdelay $0x4  }
0x27b: {  	[tilespmem:v17+s22+$0x0] =	vst.idx.msk $0xffff, v16  }
0x27c: {  	v17 =	vor.u32 s1, v1;
	v16 =	vld [tilespmem:s8+$0x80];
	_ =	sdelay $0x4  }
0x27d: {  	[tilespmem:v17+s22+$0x0] =	vst.idx.msk $0xffff, v16  }
0x27e: {  	v17 =	vor.u32 s1, v2;
	v16 =	vld [tilespmem:s8+$0x100];
	_ =	sdelay $0x4  }
0x27f: {  	[tilespmem:v17+s22+$0x0] =	vst.idx.msk $0xffff, v16  }
0x280: {  	s24 =	sadd.s32 $0x2, s24;
	v17 =	vor.u32 s1, v3;
	v16 =	vld [tilespmem:s8+$0x180]  }
0x281: {  	s8 =	sand.u32 $0x3, s24  }
0x282: {  	s8 =	sshll.u32 s8, $0x5  }
0x283: {  	s8 =	sadd.s32 s2, s8  }
0x284: {  	s8 =	sadd.s32 $0x20, s8  }
0x285: {  	s16 =	sor.u32 $0x200, s8;
	[tilespmem:v17+s22+$0x0] =	vst.idx.msk $0xffff, v16  }
0x286: {  	v17 =	vor.u32 s1, v4;
	v16 =	vld [tilespmem:s16+$0x4000];
	_ =	sdelay $0x4  }
0x287: {  	s16 =	sor.u32 $0x280, s8;
	[tilespmem:v17+s22+$0x0] =	vst.idx.msk $0xffff, v16  }
0x288: {  	v17 =	vor.u32 s1, v5;
	v16 =	vld [tilespmem:s16+$0x4000];
	_ =	sdelay $0x4  }
0x289: {  	s8 =	sor.u32 $0x300, s8;
	[tilespmem:v17+s22+$0x0] =	vst.idx.msk $0xffff, v16  }
0x28a: {  	v17 =	vor.u32 s1, v6;
	v16 =	vld [tilespmem:s8+$0x4000];
	_ =	sdelay $0x3  }
0x28b: {  	s8 =	sor.u32 s15, s2  }
0x28c: {  	s8 =	sor.u32 $0x380, s8;
	[tilespmem:v17+s22+$0x0] =	vst.idx.msk $0xffff, v16  }
0x28d: {  	v17 =	vor.u32 s1, v7;
	v16 =	vld [tilespmem:s8+$0x4000];
	_ =	sdelay $0x4  }
0x28e: {  	s8 =	sor.u32 s17, s9;
	[tilespmem:v17+s22+$0x0] =	vst.idx.msk $0xffff, v16  }
0x28f: {  	v17 =	vor.u32 s1, v8;
	v16 =	vld [tilespmem:s8+$0x0];
	_ =	sdelay $0x4  }
0x290: {  	s8 =	sor.u32 s17, s10;
	[tilespmem:v17+s22+$0x0] =	vst.idx.msk $0xffff, v16  }
0x291: {  	v17 =	vor.u32 s1, v9;
	v16 =	vld [tilespmem:s8+$0x0];
	_ =	sdelay $0x4  }
0x292: {  	s8 =	sor.u32 s17, s11;
	[tilespmem:v17+s22+$0x0] =	vst.idx.msk $0xffff, v16  }
0x293: {  	v17 =	vor.u32 s1, v10;
	v16 =	vld [tilespmem:s8+$0x0];
	_ =	sdelay $0x4  }
0x294: {  	s8 =	sor.u32 s17, s6;
	[tilespmem:v17+s22+$0x0] =	vst.idx.msk $0xffff, v16  }
0x295: {  	v17 =	vor.u32 s1, v11;
	v16 =	vld [tilespmem:s8+$0x0];
	_ =	sdelay $0x4  }
0x296: {  	s8 =	sor.u32 s17, s12;
	[tilespmem:v17+s22+$0x0] =	vst.idx.msk $0xffff, v16  }
0x297: {  	v17 =	vor.u32 s1, v12;
	v16 =	vld [tilespmem:s8+$0x0];
	_ =	sdelay $0x4  }
0x298: {  	s8 =	sor.u32 s17, s14;
	[tilespmem:v17+s22+$0x0] =	vst.idx.msk $0xffff, v16  }
0x299: {  	v17 =	vor.u32 s1, v13;
	v16 =	vld [tilespmem:s8+$0x0];
	_ =	sdelay $0x4  }
0x29a: {  	s8 =	sor.u32 s17, s23;
	[tilespmem:v17+s22+$0x0] =	vst.idx.msk $0xffff, v16  }
0x29b: {  	v17 =	vor.u32 s1, v14;
	v16 =	vld [tilespmem:s8+$0x0];
	_ =	sdelay $0x4  }
0x29c: {  	s8 =	sor.u32 s17, s3;
	[tilespmem:v17+s22+$0x0] =	vst.idx.msk $0xffff, v16  }
0x29d: {  	v17 =	vor.u32 s1, v15;
	v16 =	vld [tilespmem:s8+$0x0];
	_ =	sdelay $0x3  }
0x29e: {  	s1 =	sand.u32 $0x70, s31  }
0x29f: {  	s5 =	sor.u32 s1, s5;
	[tilespmem:v17+s22+$0x0] =	vst.idx.msk $0xffff, v16  }
0x2a0: {  	v17 =	vor.u32 s0, v0;
	v16 =	vld [tilespmem:s5+$0x0];
	_ =	sdelay $0x4  }
0x2a1: {  	[tilespmem:v17+s22+$0x0] =	vst.idx.msk $0xffff, v16  }
0x2a2: {  	v17 =	vor.u32 s0, v1;
	v16 =	vld [tilespmem:s5+$0x80];
	_ =	sdelay $0x4  }
0x2a3: {  	[tilespmem:v17+s22+$0x0] =	vst.idx.msk $0xffff, v16  }
0x2a4: {  	v17 =	vor.u32 s0, v2;
	v16 =	vld [tilespmem:s5+$0x100];
	_ =	sdelay $0x4  }
0x2a5: {  	[tilespmem:v17+s22+$0x0] =	vst.idx.msk $0xffff, v16  }
0x2a6: {  	v17 =	vor.u32 s0, v3;
	v16 =	vld [tilespmem:s5+$0x180];
	_ =	sdelay $0x3  }
0x2a7: {  	s5 =	sadd.s32 $0x30, s7  }
0x2a8: {  	s7 =	sor.u32 $0x200, s5;
	[tilespmem:v17+s22+$0x0] =	vst.idx.msk $0xffff, v16  }
0x2a9: {  	v17 =	vor.u32 s0, v4;
	v16 =	vld [tilespmem:s7+$0x4000];
	_ =	sdelay $0x4  }
0x2aa: {  	s7 =	sor.u32 $0x280, s5;
	[tilespmem:v17+s22+$0x0] =	vst.idx.msk $0xffff, v16  }
0x2ab: {  	v17 =	vor.u32 s0, v5;
	v16 =	vld [tilespmem:s7+$0x4000];
	_ =	sdelay $0x4  }
0x2ac: {  	s5 =	sor.u32 $0x300, s5;
	[tilespmem:v17+s22+$0x0] =	vst.idx.msk $0xffff, v16  }
0x2ad: {  	v17 =	vor.u32 s0, v6;
	v16 =	vld [tilespmem:s5+$0x4000];
	_ =	sdelay $0x3  }
0x2ae: {  	s5 =	sor.u32 s31, s2  }
0x2af: {  	s5 =	sor.u32 $0x380, s5;
	[tilespmem:v17+s22+$0x0] =	vst.idx.msk $0xffff, v16  }
0x2b0: {  	v17 =	vor.u32 s0, v7;
	v16 =	vld [tilespmem:s5+$0x4000];
	_ =	sdelay $0x4  }
0x2b1: {  	s5 =	sor.u32 s1, s9;
	[tilespmem:v17+s22+$0x0] =	vst.idx.msk $0xffff, v16  }
0x2b2: {  	v17 =	vor.u32 s0, v8;
	v16 =	vld [tilespmem:s5+$0x0];
	_ =	sdelay $0x4  }
0x2b3: {  	s5 =	sor.u32 s1, s10;
	[tilespmem:v17+s22+$0x0] =	vst.idx.msk $0xffff, v16  }
0x2b4: {  	v17 =	vor.u32 s0, v9;
	v16 =	vld [tilespmem:s5+$0x0];
	_ =	sdelay $0x4  }
0x2b5: {  	s5 =	sor.u32 s1, s11;
	[tilespmem:v17+s22+$0x0] =	vst.idx.msk $0xffff, v16  }
0x2b6: {  	v17 =	vor.u32 s0, v10;
	v16 =	vld [tilespmem:s5+$0x0];
	_ =	sdelay $0x4  }
0x2b7: {  	s5 =	sor.u32 s1, s6;
	[tilespmem:v17+s22+$0x0] =	vst.idx.msk $0xffff, v16  }
0x2b8: {  	v17 =	vor.u32 s0, v11;
	v16 =	vld [tilespmem:s5+$0x0];
	_ =	sdelay $0x4  }
0x2b9: {  	s5 =	sor.u32 s1, s12;
	[tilespmem:v17+s22+$0x0] =	vst.idx.msk $0xffff, v16  }
0x2ba: {  	v17 =	vor.u32 s0, v12;
	v16 =	vld [tilespmem:s5+$0x0];
	_ =	sdelay $0x4  }
0x2bb: {  	s5 =	sor.u32 s1, s14;
	[tilespmem:v17+s22+$0x0] =	vst.idx.msk $0xffff, v16  }
0x2bc: {  	v17 =	vor.u32 s0, v13;
	v16 =	vld [tilespmem:s5+$0x0];
	_ =	sdelay $0x4  }
0x2bd: {  	s5 =	sor.u32 s1, s23;
	[tilespmem:v17+s22+$0x0] =	vst.idx.msk $0xffff, v16  }
0x2be: {  	v17 =	vor.u32 s0, v14;
	v16 =	vld [tilespmem:s5+$0x0];
	_ =	sdelay $0x3  }
.Ltmp6:
0x2bf: {  	(pc) =	sbr.rel @p3 .LBB2_9-.Ltmp6, $3  }
0x2c0: {  	s1 =	sor.u32 s1, s3;
	[tilespmem:v17+s22+$0x0] =	vst.idx.msk $0xffff, v16  }
0x2c1: {  	v17 =	vor.u32 s0, v15;
	v16 =	vld [tilespmem:s1+$0x0];
	_ =	sdelay $0x1  }
0x2c2: {  	s31 =	sadd.s32 $0x40, s31;
	s2 =	sadd.s32 $0x200, s2;
	s0 =	sadd.s32 $0x400, s0  }
0x2c3: {  	s26 =	sadd.s32 $0x1, s26  }
0x2c4: {  	p2 =	sne.s32 s26, $0xF  }
.Ltmp7:
0x2c5: {  	_ = 	snop;
	(pc) =	sbr.rel @p2 .LBB2_2-.Ltmp7, $4  }
0x2c6: {  	_ = 	snop  }
0x2c7: {  	s0 =	sshll.u32 s28, $0xB;
	s1 =	rddreg [dreg:$0x2]  }
0x2c8: {  	s0 =	sadd.s32 s1, s0;
	[tilespmem:v17+s22+$0x0] =	vst.idx.msk $0xffff, v16  }
0x2c9: {  	[hbm4b:s0+s4] =	stream.linear.scatter [tilespmem:s22], [sflag:$0x4], $0x4000, $0x38;
	[tilespmem:$0x10000] =	vst v63  }
0x2ca: {  	s0 =	simm.s32 $0x3  }
0x2cb: {  	_ =	swait.ge [sflag:s0], $0x4000  }
.Ltmp8:
0x2cc: {  	[sflag:s0] =	ssyncset.done $0x0;
	(pc) =	sbr.rel @p0 .LBB2_15-.Ltmp8, $4  }
0x2cd: {  	[sflag:s0] =	ssyncadd.s32 $0xFFFFC000  }
0x2ce: {  	_ =	swait.ge [sflag:s21], $0x4000  }
0x2cf: {  	[sflag:s21] =	ssyncset.done $0x0  }
0x2d0: {  	[sflag:s21] =	ssyncadd.s32 $0xFFFFC000  }
0x2d1: {  	s26 =	simm.s32 $0x0  }
0x2d2: {  	s0 =	rddreg [dreg:$0x8];
	s1 =	simm.s32 $0x2000;
	s2 =	simm.s32 $0x7A1400  }
0x2d3: {  	[tilespmem:s26], [sflag:$0x1] =	stream.strided.gather [hbm4b:s0+s1], $0x4000, s2, s1, $0x38;
	[tilespmem:$0x10000] =	vst v63  }
0x2d4: {  	s16 =	simm.s32 $0x0;
	_ =	swait.ge [sflag:s18], $0x4000  }
0x2d5: {  	s17 =	sand.u32 $0x40, s16;
	s0 =	sand.u32 $0x1C00, s26;
	[sflag:s18] =	ssyncset.done $0x0  }
0x2d6: {  	s12 =	simm.s32 $0x0;
	s3 =	sor.u32 s17, s0;
	[sflag:s18] =	ssyncadd.s32 $0xFFFFC000  }
0x2d7: {  	v17 =	vor.u32 s12, v0;
	v16 =	vld [tilespmem:s3+$0x0];
	_ =	sdelay $0x4  }
0x2d8: {  	[tilespmem:v17+s19+$0x0] =	vst.idx.msk $0xffff, v16  }
0x2d9: {  	v17 =	vor.u32 s12, v1;
	v16 =	vld [tilespmem:s3+$0x80];
	_ =	sdelay $0x4  }
0x2da: {  	[tilespmem:v17+s19+$0x0] =	vst.idx.msk $0xffff, v16  }
0x2db: {  	v17 =	vor.u32 s12, v2;
	v16 =	vld [tilespmem:s3+$0x100];
	_ =	sdelay $0x4  }
0x2dc: {  	[tilespmem:v17+s19+$0x0] =	vst.idx.msk $0xffff, v16  }
0x2dd: {  	v17 =	vor.u32 s12, v3;
	v16 =	vld [tilespmem:s3+$0x180]  }
0x2de: {  	p2 =	por $0x0, $0x0;
	s3 =	simm.s32 $0x1  }
0x2df: {  	s3 =	simm.s32 @!p2 $0x0  }
0x2e0: {  	s3 =	sshll.u32 s3, $0x6  }
0x2e1: {  	s3 =	sadd.s32 $0x0, s3  }
0x2e2: {  	s5 =	sor.u32 $0x200, s3;
	[tilespmem:v17+s19+$0x0] =	vst.idx.msk $0xffff, v16  }
0x2e3: {  	v17 =	vor.u32 s12, v4;
	v16 =	vld [tilespmem:s5+$0x0];
	_ =	sdelay $0x4  }
0x2e4: {  	s23 =	sor.u32 $0x280, s3;
	[tilespmem:v17+s19+$0x0] =	vst.idx.msk $0xffff, v16  }
0x2e5: {  	v17 =	vor.u32 s12, v5;
	v16 =	vld [tilespmem:s23+$0x0];
	_ =	sdelay $0x4  }
0x2e6: {  	s3 =	sor.u32 $0x300, s3;
	[tilespmem:v17+s19+$0x0] =	vst.idx.msk $0xffff, v16  }
0x2e7: {  	v17 =	vor.u32 s12, v6;
	v16 =	vld [tilespmem:s3+$0x0];
	_ =	sdelay $0x3  }
0x2e8: {  	s2 =	sor.u32 s16, s26  }
0x2e9: {  	s2 =	sor.u32 $0x380, s2;
	[tilespmem:v17+s19+$0x0] =	vst.idx.msk $0xffff, v16  }
0x2ea: {  	v17 =	vor.u32 s12, v7;
	v16 =	vld [tilespmem:s2+$0x0];
	_ =	sdelay $0x3  }
0x2eb: {  	s2 =	sor.u32 $0x2000, s0  }
0x2ec: {  	s24 =	sor.u32 s17, s2;
	[tilespmem:v17+s19+$0x0] =	vst.idx.msk $0xffff, v16  }
0x2ed: {  	v17 =	vor.u32 s12, v8;
	v16 =	vld [tilespmem:s24+$0x0];
	_ =	sdelay $0x3  }
0x2ee: {  	s3 =	sor.u32 $0x2080, s0  }
0x2ef: {  	s25 =	sor.u32 s17, s3;
	[tilespmem:v17+s19+$0x0] =	vst.idx.msk $0xffff, v16  }
0x2f0: {  	v17 =	vor.u32 s12, v9;
	v16 =	vld [tilespmem:s25+$0x0];
	_ =	sdelay $0x3  }
0x2f1: {  	s5 =	sor.u32 $0x2100, s0  }
0x2f2: {  	s6 =	sor.u32 s17, s5;
	[tilespmem:v17+s19+$0x0] =	vst.idx.msk $0xffff, v16  }
0x2f3: {  	v17 =	vor.u32 s12, v10;
	v16 =	vld [tilespmem:s6+$0x0];
	_ =	sdelay $0x3  }
0x2f4: {  	s6 =	sor.u32 $0x2180, s0  }
0x2f5: {  	s7 =	sor.u32 s17, s6;
	[tilespmem:v17+s19+$0x0] =	vst.idx.msk $0xffff, v16  }
0x2f6: {  	v17 =	vor.u32 s12, v11;
	v16 =	vld [tilespmem:s7+$0x0];
	_ =	sdelay $0x3  }
0x2f7: {  	s7 =	sor.u32 $0x2200, s0  }
0x2f8: {  	s8 =	sor.u32 s17, s7;
	[tilespmem:v17+s19+$0x0] =	vst.idx.msk $0xffff, v16  }
0x2f9: {  	v17 =	vor.u32 s12, v12;
	v16 =	vld [tilespmem:s8+$0x0];
	_ =	sdelay $0x3  }
0x2fa: {  	s9 =	sor.u32 $0x2280, s0  }
0x2fb: {  	s29 =	sor.u32 s17, s9;
	[tilespmem:v17+s19+$0x0] =	vst.idx.msk $0xffff, v16  }
0x2fc: {  	v17 =	vor.u32 s12, v13;
	v16 =	vld [tilespmem:s29+$0x0];
	_ =	sdelay $0x3  }
0x2fd: {  	s10 =	sor.u32 $0x2300, s0  }
0x2fe: {  	s30 =	sor.u32 s17, s10;
	[tilespmem:v17+s19+$0x0] =	vst.idx.msk $0xffff, v16  }
0x2ff: {  	v17 =	vor.u32 s12, v14;
	v16 =	vld [tilespmem:s30+$0x0];
	_ =	sdelay $0x3  }
0x300: {  	s11 =	sor.u32 $0x2380, s0  }
0x301: {  	s1 =	sor.u32 s17, s11;
	[tilespmem:v17+s19+$0x0] =	vst.idx.msk $0xffff, v16  }
0x302: {  	v17 =	vor.u32 s12, v15;
	v16 =	vld [tilespmem:s1+$0x0];
	_ =	sdelay $0x2  }
0x303: {  	s31 =	simm.s32 $0x10  }
0x304: {  	s12 =	sand.u32 $0x50, s31  }
0x305: {  	s14 =	simm.s32 $0x100;
	s16 =	sor.u32 s12, s0;
	[tilespmem:v17+s19+$0x0] =	vst.idx.msk $0xffff, v16  }
0x306: {  	v17 =	vor.u32 s14, v0;
	v16 =	vld [tilespmem:s16+$0x0];
	_ =	sdelay $0x4  }
0x307: {  	[tilespmem:v17+s19+$0x0] =	vst.idx.msk $0xffff, v16  }
0x308: {  	v17 =	vor.u32 s14, v1;
	v16 =	vld [tilespmem:s16+$0x80];
	_ =	sdelay $0x4  }
0x309: {  	[tilespmem:v17+s19+$0x0] =	vst.idx.msk $0xffff, v16  }
0x30a: {  	v17 =	vor.u32 s14, v2;
	v16 =	vld [tilespmem:s16+$0x100];
	_ =	sdelay $0x4  }
0x30b: {  	[tilespmem:v17+s19+$0x0] =	vst.idx.msk $0xffff, v16  }
0x30c: {  	v17 =	vor.u32 s14, v3;
	v16 =	vld [tilespmem:s16+$0x180]  }
0x30d: {  	s17 =	sand.u32 $0x7, s26  }
0x30e: {  	s1 =	sshll.u32 s17, $0x4  }
0x30f: {  	s1 =	sadd.s32 $0x0, s1  }
0x310: {  	s15 =	sadd.s32 $0x10, s1  }
0x311: {  	s16 =	sor.u32 $0x200, s15;
	[tilespmem:v17+s19+$0x0] =	vst.idx.msk $0xffff, v16  }
0x312: {  	v17 =	vor.u32 s14, v4;
	v16 =	vld [tilespmem:s16+$0x0];
	_ =	sdelay $0x4  }
0x313: {  	s23 =	sor.u32 $0x280, s15;
	[tilespmem:v17+s19+$0x0] =	vst.idx.msk $0xffff, v16  }
0x314: {  	v17 =	vor.u32 s14, v5;
	v16 =	vld [tilespmem:s23+$0x0];
	_ =	sdelay $0x4  }
0x315: {  	s15 =	sor.u32 $0x300, s15;
	[tilespmem:v17+s19+$0x0] =	vst.idx.msk $0xffff, v16  }
0x316: {  	v17 =	vor.u32 s14, v6;
	v16 =	vld [tilespmem:s15+$0x0];
	_ =	sdelay $0x3  }
0x317: {  	s8 =	sor.u32 s31, s26  }
0x318: {  	s8 =	sor.u32 $0x380, s8;
	[tilespmem:v17+s19+$0x0] =	vst.idx.msk $0xffff, v16  }
0x319: {  	v17 =	vor.u32 s14, v7;
	v16 =	vld [tilespmem:s8+$0x0];
	_ =	sdelay $0x4  }
0x31a: {  	s24 =	sor.u32 s12, s2;
	[tilespmem:v17+s19+$0x0] =	vst.idx.msk $0xffff, v16  }
0x31b: {  	v17 =	vor.u32 s14, v8;
	v16 =	vld [tilespmem:s24+$0x0];
	_ =	sdelay $0x4  }
0x31c: {  	s25 =	sor.u32 s12, s3;
	[tilespmem:v17+s19+$0x0] =	vst.idx.msk $0xffff, v16  }
0x31d: {  	v17 =	vor.u32 s14, v9;
	v16 =	vld [tilespmem:s25+$0x0];
	_ =	sdelay $0x4  }
0x31e: {  	s29 =	sor.u32 s12, s5;
	[tilespmem:v17+s19+$0x0] =	vst.idx.msk $0xffff, v16  }
0x31f: {  	v17 =	vor.u32 s14, v10;
	v16 =	vld [tilespmem:s29+$0x0];
	_ =	sdelay $0x4  }
0x320: {  	s30 =	sor.u32 s12, s6;
	[tilespmem:v17+s19+$0x0] =	vst.idx.msk $0xffff, v16  }
0x321: {  	v17 =	vor.u32 s14, v11;
	v16 =	vld [tilespmem:s30+$0x0];
	_ =	sdelay $0x4  }
0x322: {  	s31 =	sor.u32 s12, s7;
	[tilespmem:v17+s19+$0x0] =	vst.idx.msk $0xffff, v16  }
0x323: {  	v17 =	vor.u32 s14, v12;
	v16 =	vld [tilespmem:s31+$0x0];
	_ =	sdelay $0x4  }
0x324: {  	s15 =	sor.u32 s12, s9;
	[tilespmem:v17+s19+$0x0] =	vst.idx.msk $0xffff, v16  }
0x325: {  	v17 =	vor.u32 s14, v13;
	v16 =	vld [tilespmem:s15+$0x0];
	_ =	sdelay $0x4  }
0x326: {  	s16 =	sor.u32 s12, s10;
	[tilespmem:v17+s19+$0x0] =	vst.idx.msk $0xffff, v16  }
0x327: {  	v17 =	vor.u32 s14, v14;
	v16 =	vld [tilespmem:s16+$0x0];
	_ =	sdelay $0x4  }
0x328: {  	s17 =	sor.u32 s12, s11;
	[tilespmem:v17+s19+$0x0] =	vst.idx.msk $0xffff, v16  }
0x329: {  	v17 =	vor.u32 s14, v15;
	v16 =	vld [tilespmem:s17+$0x0];
	_ =	sdelay $0x2  }
0x32a: {  	s23 =	simm.s32 $0x20  }
0x32b: {  	s12 =	sand.u32 $0x60, s23  }
0x32c: {  	s24 =	sor.u32 s12, s0;
	s14 =	simm.s32 $0x200;
	[tilespmem:v17+s19+$0x0] =	vst.idx.msk $0xffff, v16  }
0x32d: {  	v17 =	vor.u32 s14, v0;
	v16 =	vld [tilespmem:s24+$0x0];
	_ =	sdelay $0x4  }
0x32e: {  	[tilespmem:v17+s19+$0x0] =	vst.idx.msk $0xffff, v16  }
0x32f: {  	v17 =	vor.u32 s14, v1;
	v16 =	vld [tilespmem:s24+$0x80];
	_ =	sdelay $0x4  }
0x330: {  	[tilespmem:v17+s19+$0x0] =	vst.idx.msk $0xffff, v16  }
0x331: {  	v17 =	vor.u32 s14, v2;
	v16 =	vld [tilespmem:s24+$0x100];
	_ =	sdelay $0x4  }
0x332: {  	[tilespmem:v17+s19+$0x0] =	vst.idx.msk $0xffff, v16  }
0x333: {  	v17 =	vor.u32 s14, v3;
	v16 =	vld [tilespmem:s24+$0x180]  }
0x334: {  	s25 =	sand.u32 $0x3, s26  }
0x335: {  	s15 =	sshll.u32 s25, $0x5  }
0x336: {  	s15 =	sadd.s32 $0x0, s15  }
0x337: {  	s15 =	sadd.s32 $0x20, s15  }
0x338: {  	s29 =	sor.u32 $0x200, s15;
	[tilespmem:v17+s19+$0x0] =	vst.idx.msk $0xffff, v16  }
0x339: {  	v17 =	vor.u32 s14, v4;
	v16 =	vld [tilespmem:s29+$0x0];
	_ =	sdelay $0x4  }
0x33a: {  	s30 =	sor.u32 $0x280, s15;
	[tilespmem:v17+s19+$0x0] =	vst.idx.msk $0xffff, v16  }
0x33b: {  	v17 =	vor.u32 s14, v5;
	v16 =	vld [tilespmem:s30+$0x0];
	_ =	sdelay $0x4  }
0x33c: {  	s15 =	sor.u32 $0x300, s15;
	[tilespmem:v17+s19+$0x0] =	vst.idx.msk $0xffff, v16  }
0x33d: {  	v17 =	vor.u32 s14, v6;
	v16 =	vld [tilespmem:s15+$0x0];
	_ =	sdelay $0x3  }
0x33e: {  	s8 =	sor.u32 s23, s26  }
0x33f: {  	s8 =	sor.u32 $0x380, s8;
	[tilespmem:v17+s19+$0x0] =	vst.idx.msk $0xffff, v16  }
0x340: {  	v17 =	vor.u32 s14, v7;
	v16 =	vld [tilespmem:s8+$0x0];
	_ =	sdelay $0x4  }
0x341: {  	s31 =	sor.u32 s12, s2;
	[tilespmem:v17+s19+$0x0] =	vst.idx.msk $0xffff, v16  }
0x342: {  	v17 =	vor.u32 s14, v8;
	v16 =	vld [tilespmem:s31+$0x0];
	_ =	sdelay $0x4  }
0x343: {  	s15 =	sor.u32 s12, s3;
	[tilespmem:v17+s19+$0x0] =	vst.idx.msk $0xffff, v16  }
0x344: {  	v17 =	vor.u32 s14, v9;
	v16 =	vld [tilespmem:s15+$0x0];
	_ =	sdelay $0x4  }
0x345: {  	s16 =	sor.u32 s12, s5;
	[tilespmem:v17+s19+$0x0] =	vst.idx.msk $0xffff, v16  }
0x346: {  	v17 =	vor.u32 s14, v10;
	v16 =	vld [tilespmem:s16+$0x0];
	_ =	sdelay $0x4  }
0x347: {  	s17 =	sor.u32 s12, s6;
	[tilespmem:v17+s19+$0x0] =	vst.idx.msk $0xffff, v16  }
0x348: {  	v17 =	vor.u32 s14, v11;
	v16 =	vld [tilespmem:s17+$0x0];
	_ =	sdelay $0x4  }
0x349: {  	s23 =	sor.u32 s12, s7;
	[tilespmem:v17+s19+$0x0] =	vst.idx.msk $0xffff, v16  }
0x34a: {  	v17 =	vor.u32 s14, v12;
	v16 =	vld [tilespmem:s23+$0x0];
	_ =	sdelay $0x4  }
0x34b: {  	s24 =	sor.u32 s12, s9;
	[tilespmem:v17+s19+$0x0] =	vst.idx.msk $0xffff, v16  }
0x34c: {  	v17 =	vor.u32 s14, v13;
	v16 =	vld [tilespmem:s24+$0x0];
	_ =	sdelay $0x4  }
0x34d: {  	s25 =	sor.u32 s12, s10;
	[tilespmem:v17+s19+$0x0] =	vst.idx.msk $0xffff, v16  }
0x34e: {  	v17 =	vor.u32 s14, v14;
	v16 =	vld [tilespmem:s25+$0x0];
	_ =	sdelay $0x4  }
0x34f: {  	s29 =	sor.u32 s12, s11;
	[tilespmem:v17+s19+$0x0] =	vst.idx.msk $0xffff, v16  }
0x350: {  	v17 =	vor.u32 s14, v15;
	v16 =	vld [tilespmem:s29+$0x0];
	_ =	sdelay $0x2  }
0x351: {  	s30 =	simm.s32 $0x30  }
0x352: {  	s12 =	sand.u32 $0x70, s30  }
0x353: {  	s28 =	simm.s32 $0x300;
	s0 =	sor.u32 s12, s0;
	[tilespmem:v17+s19+$0x0] =	vst.idx.msk $0xffff, v16  }
0x354: {  	v17 =	vor.u32 s28, v0;
	v16 =	vld [tilespmem:s0+$0x0];
	_ =	sdelay $0x4  }
0x355: {  	[tilespmem:v17+s19+$0x0] =	vst.idx.msk $0xffff, v16  }
0x356: {  	v17 =	vor.u32 s28, v1;
	v16 =	vld [tilespmem:s0+$0x80];
	_ =	sdelay $0x4  }
0x357: {  	[tilespmem:v17+s19+$0x0] =	vst.idx.msk $0xffff, v16  }
0x358: {  	v17 =	vor.u32 s28, v2;
	v16 =	vld [tilespmem:s0+$0x100];
	_ =	sdelay $0x4  }
0x359: {  	[tilespmem:v17+s19+$0x0] =	vst.idx.msk $0xffff, v16  }
0x35a: {  	v17 =	vor.u32 s28, v3;
	v16 =	vld [tilespmem:s0+$0x180];
	_ =	sdelay $0x3  }
0x35b: {  	s31 =	sadd.s32 $0x30, s1  }
0x35c: {  	s1 =	sor.u32 $0x200, s31;
	[tilespmem:v17+s19+$0x0] =	vst.idx.msk $0xffff, v16  }
0x35d: {  	v17 =	vor.u32 s28, v4;
	v16 =	vld [tilespmem:s1+$0x0];
	_ =	sdelay $0x4  }
0x35e: {  	s14 =	sor.u32 $0x280, s31;
	[tilespmem:v17+s19+$0x0] =	vst.idx.msk $0xffff, v16  }
0x35f: {  	v17 =	vor.u32 s28, v5;
	v16 =	vld [tilespmem:s14+$0x0];
	_ =	sdelay $0x4  }
0x360: {  	s0 =	sor.u32 $0x300, s31;
	[tilespmem:v17+s19+$0x0] =	vst.idx.msk $0xffff, v16  }
0x361: {  	v17 =	vor.u32 s28, v6;
	v16 =	vld [tilespmem:s0+$0x0];
	_ =	sdelay $0x3  }
0x362: {  	s15 =	sor.u32 s30, s26  }
0x363: {  	s0 =	sor.u32 $0x380, s15;
	[tilespmem:v17+s19+$0x0] =	vst.idx.msk $0xffff, v16  }
0x364: {  	v17 =	vor.u32 s28, v7;
	v16 =	vld [tilespmem:s0+$0x0];
	_ =	sdelay $0x4  }
0x365: {  	s16 =	sor.u32 s12, s2;
	[tilespmem:v17+s19+$0x0] =	vst.idx.msk $0xffff, v16  }
0x366: {  	v17 =	vor.u32 s28, v8;
	v16 =	vld [tilespmem:s16+$0x0];
	_ =	sdelay $0x4  }
0x367: {  	s17 =	sor.u32 s12, s3;
	[tilespmem:v17+s19+$0x0] =	vst.idx.msk $0xffff, v16  }
0x368: {  	v17 =	vor.u32 s28, v9;
	v16 =	vld [tilespmem:s17+$0x0];
	_ =	sdelay $0x4  }
0x369: {  	s23 =	sor.u32 s12, s5;
	[tilespmem:v17+s19+$0x0] =	vst.idx.msk $0xffff, v16  }
0x36a: {  	v17 =	vor.u32 s28, v10;
	v16 =	vld [tilespmem:s23+$0x0];
	_ =	sdelay $0x4  }
0x36b: {  	s24 =	sor.u32 s12, s6;
	[tilespmem:v17+s19+$0x0] =	vst.idx.msk $0xffff, v16  }
0x36c: {  	v17 =	vor.u32 s28, v11;
	v16 =	vld [tilespmem:s24+$0x0];
	_ =	sdelay $0x4  }
0x36d: {  	s25 =	sor.u32 s12, s7;
	[tilespmem:v17+s19+$0x0] =	vst.idx.msk $0xffff, v16  }
0x36e: {  	v17 =	vor.u32 s28, v12;
	v16 =	vld [tilespmem:s25+$0x0];
	_ =	sdelay $0x4  }
0x36f: {  	s29 =	sor.u32 s12, s9;
	[tilespmem:v17+s19+$0x0] =	vst.idx.msk $0xffff, v16  }
0x370: {  	v17 =	vor.u32 s28, v13;
	v16 =	vld [tilespmem:s29+$0x0];
	_ =	sdelay $0x4  }
0x371: {  	s30 =	sor.u32 s12, s10;
	[tilespmem:v17+s19+$0x0] =	vst.idx.msk $0xffff, v16  }
0x372: {  	v17 =	vor.u32 s28, v14;
	v16 =	vld [tilespmem:s30+$0x0];
	_ =	sdelay $0x4  }
0x373: {  	s31 =	sor.u32 s12, s11;
	[tilespmem:v17+s19+$0x0] =	vst.idx.msk $0xffff, v16  }
0x374: {  	v17 =	vor.u32 s28, v15;
	v16 =	vld [tilespmem:s31+$0x0]  }
0x375: {  	s2 =	simm.s32 $0x70  }
0x376: {  	s5 =	simm.s32 $0x0;
	s0 =	simm.s32 $0x0;
	s24 =	simm.s32 $0x200  }
.LBB2_13:
0x377: {  	s1 =	sadd.s32 $0xFFFFFFD0, s2;
	s0 =	sadd.s32 $0x4, s0;
	s28 =	sadd.s32 $0x400, s28  }
0x378: {  	s9 =	sand.u32 $0x1C00, s24;
	s7 =	sand.u32 $0x40, s1;
	p3 =	slt.u32 s0, $0x3C  }
0x379: {  	s17 =	sadd.s32 $0xFFFFFD00, s28;
	s3 =	sor.u32 s7, s9;
	[tilespmem:v17+s19+$0x0] =	vst.idx.msk $0xffff, v16  }
0x37a: {  	v17 =	vor.u32 s17, v0;
	v16 =	vld [tilespmem:s3+$0x0];
	_ =	sdelay $0x4  }
0x37b: {  	[tilespmem:v17+s19+$0x0] =	vst.idx.msk $0xffff, v16  }
0x37c: {  	v17 =	vor.u32 s17, v1;
	v16 =	vld [tilespmem:s3+$0x80];
	_ =	sdelay $0x4  }
0x37d: {  	[tilespmem:v17+s19+$0x0] =	vst.idx.msk $0xffff, v16  }
0x37e: {  	v17 =	vor.u32 s17, v2;
	v16 =	vld [tilespmem:s3+$0x100];
	_ =	sdelay $0x4  }
0x37f: {  	[tilespmem:v17+s19+$0x0] =	vst.idx.msk $0xffff, v16  }
0x380: {  	v17 =	vor.u32 s17, v3;
	v16 =	vld [tilespmem:s3+$0x180]  }
0x381: {  	p2 =	por !p2, !p2;
	s3 =	simm.s32 $0x1  }
0x382: {  	s3 =	simm.s32 @!p2 $0x0  }
0x383: {  	s3 =	sshll.u32 s3, $0x6  }
0x384: {  	s3 =	sadd.s32 s3, s24  }
0x385: {  	s6 =	sor.u32 $0x200, s3;
	[tilespmem:v17+s19+$0x0] =	vst.idx.msk $0xffff, v16  }
0x386: {  	v17 =	vor.u32 s17, v4;
	v16 =	vld [tilespmem:s6+$0x0];
	_ =	sdelay $0x4  }
0x387: {  	s6 =	sor.u32 $0x280, s3;
	[tilespmem:v17+s19+$0x0] =	vst.idx.msk $0xffff, v16  }
0x388: {  	v17 =	vor.u32 s17, v5;
	v16 =	vld [tilespmem:s6+$0x0];
	_ =	sdelay $0x4  }
0x389: {  	s3 =	sor.u32 $0x300, s3;
	[tilespmem:v17+s19+$0x0] =	vst.idx.msk $0xffff, v16  }
0x38a: {  	v17 =	vor.u32 s17, v6;
	v16 =	vld [tilespmem:s3+$0x0];
	_ =	sdelay $0x3  }
0x38b: {  	s1 =	sor.u32 s1, s24  }
0x38c: {  	s1 =	sor.u32 $0x380, s1;
	[tilespmem:v17+s19+$0x0] =	vst.idx.msk $0xffff, v16  }
0x38d: {  	v17 =	vor.u32 s17, v7;
	v16 =	vld [tilespmem:s1+$0x0];
	_ =	sdelay $0x3  }
0x38e: {  	s10 =	sor.u32 $0x2000, s9  }
0x38f: {  	s1 =	sor.u32 s7, s10;
	[tilespmem:v17+s19+$0x0] =	vst.idx.msk $0xffff, v16  }
0x390: {  	v17 =	vor.u32 s17, v8;
	v16 =	vld [tilespmem:s1+$0x0];
	_ =	sdelay $0x3  }
0x391: {  	s11 =	sor.u32 $0x2080, s9  }
0x392: {  	s1 =	sor.u32 s7, s11;
	[tilespmem:v17+s19+$0x0] =	vst.idx.msk $0xffff, v16  }
0x393: {  	v17 =	vor.u32 s17, v9;
	v16 =	vld [tilespmem:s1+$0x0];
	_ =	sdelay $0x3  }
0x394: {  	s14 =	sor.u32 $0x2100, s9  }
0x395: {  	s1 =	sor.u32 s7, s14;
	[tilespmem:v17+s19+$0x0] =	vst.idx.msk $0xffff, v16  }
0x396: {  	v17 =	vor.u32 s17, v10;
	v16 =	vld [tilespmem:s1+$0x0];
	_ =	sdelay $0x3  }
0x397: {  	s6 =	sor.u32 $0x2180, s9  }
0x398: {  	s1 =	sor.u32 s7, s6;
	[tilespmem:v17+s19+$0x0] =	vst.idx.msk $0xffff, v16  }
0x399: {  	v17 =	vor.u32 s17, v11;
	v16 =	vld [tilespmem:s1+$0x0];
	_ =	sdelay $0x3  }
0x39a: {  	s12 =	sor.u32 $0x2200, s9  }
0x39b: {  	s1 =	sor.u32 s7, s12;
	[tilespmem:v17+s19+$0x0] =	vst.idx.msk $0xffff, v16  }
0x39c: {  	v17 =	vor.u32 s17, v12;
	v16 =	vld [tilespmem:s1+$0x0];
	_ =	sdelay $0x3  }
0x39d: {  	s23 =	sor.u32 $0x2280, s9  }
0x39e: {  	s1 =	sor.u32 s7, s23;
	[tilespmem:v17+s19+$0x0] =	vst.idx.msk $0xffff, v16  }
0x39f: {  	v17 =	vor.u32 s17, v13;
	v16 =	vld [tilespmem:s1+$0x0];
	_ =	sdelay $0x3  }
0x3a0: {  	s25 =	sor.u32 $0x2300, s9  }
0x3a1: {  	s1 =	sor.u32 s7, s25;
	[tilespmem:v17+s19+$0x0] =	vst.idx.msk $0xffff, v16  }
0x3a2: {  	v17 =	vor.u32 s17, v14;
	v16 =	vld [tilespmem:s1+$0x0];
	_ =	sdelay $0x3  }
0x3a3: {  	s3 =	sor.u32 $0x2380, s9  }
0x3a4: {  	s1 =	sor.u32 s7, s3;
	[tilespmem:v17+s19+$0x0] =	vst.idx.msk $0xffff, v16  }
0x3a5: {  	v17 =	vor.u32 s17, v15;
	v16 =	vld [tilespmem:s1+$0x0];
	_ =	sdelay $0x2  }
0x3a6: {  	s15 =	sadd.s32 $0xFFFFFFE0, s2  }
0x3a7: {  	s17 =	sand.u32 $0x50, s15  }
0x3a8: {  	s1 =	sadd.s32 $0xFFFFFE00, s28;
	s7 =	sor.u32 s17, s9;
	[tilespmem:v17+s19+$0x0] =	vst.idx.msk $0xffff, v16  }
0x3a9: {  	v17 =	vor.u32 s1, v0;
	v16 =	vld [tilespmem:s7+$0x0];
	_ =	sdelay $0x4  }
0x3aa: {  	[tilespmem:v17+s19+$0x0] =	vst.idx.msk $0xffff, v16  }
0x3ab: {  	v17 =	vor.u32 s1, v1;
	v16 =	vld [tilespmem:s7+$0x80];
	_ =	sdelay $0x4  }
0x3ac: {  	[tilespmem:v17+s19+$0x0] =	vst.idx.msk $0xffff, v16  }
0x3ad: {  	v17 =	vor.u32 s1, v2;
	v16 =	vld [tilespmem:s7+$0x100];
	_ =	sdelay $0x4  }
0x3ae: {  	[tilespmem:v17+s19+$0x0] =	vst.idx.msk $0xffff, v16  }
0x3af: {  	s26 =	sadd.s32 $0x4, s26;
	v17 =	vor.u32 s1, v3;
	v16 =	vld [tilespmem:s7+$0x180]  }
0x3b0: {  	s7 =	sand.u32 $0x7, s26  }
0x3b1: {  	s7 =	sshll.u32 s7, $0x4  }
0x3b2: {  	s7 =	sadd.s32 s24, s7  }
0x3b3: {  	s8 =	sadd.s32 $0x10, s7  }
0x3b4: {  	s16 =	sor.u32 $0x200, s8;
	[tilespmem:v17+s19+$0x0] =	vst.idx.msk $0xffff, v16  }
0x3b5: {  	v17 =	vor.u32 s1, v4;
	v16 =	vld [tilespmem:s16+$0x0];
	_ =	sdelay $0x4  }
0x3b6: {  	s16 =	sor.u32 $0x280, s8;
	[tilespmem:v17+s19+$0x0] =	vst.idx.msk $0xffff, v16  }
0x3b7: {  	v17 =	vor.u32 s1, v5;
	v16 =	vld [tilespmem:s16+$0x0];
	_ =	sdelay $0x4  }
0x3b8: {  	s8 =	sor.u32 $0x300, s8;
	[tilespmem:v17+s19+$0x0] =	vst.idx.msk $0xffff, v16  }
0x3b9: {  	v17 =	vor.u32 s1, v6;
	v16 =	vld [tilespmem:s8+$0x0];
	_ =	sdelay $0x3  }
0x3ba: {  	s8 =	sor.u32 s15, s24  }
0x3bb: {  	s8 =	sor.u32 $0x380, s8;
	[tilespmem:v17+s19+$0x0] =	vst.idx.msk $0xffff, v16  }
0x3bc: {  	v17 =	vor.u32 s1, v7;
	v16 =	vld [tilespmem:s8+$0x0];
	_ =	sdelay $0x4  }
0x3bd: {  	s8 =	sor.u32 s17, s10;
	[tilespmem:v17+s19+$0x0] =	vst.idx.msk $0xffff, v16  }
0x3be: {  	v17 =	vor.u32 s1, v8;
	v16 =	vld [tilespmem:s8+$0x0];
	_ =	sdelay $0x4  }
0x3bf: {  	s8 =	sor.u32 s17, s11;
	[tilespmem:v17+s19+$0x0] =	vst.idx.msk $0xffff, v16  }
0x3c0: {  	v17 =	vor.u32 s1, v9;
	v16 =	vld [tilespmem:s8+$0x0];
	_ =	sdelay $0x4  }
0x3c1: {  	s8 =	sor.u32 s17, s14;
	[tilespmem:v17+s19+$0x0] =	vst.idx.msk $0xffff, v16  }
0x3c2: {  	v17 =	vor.u32 s1, v10;
	v16 =	vld [tilespmem:s8+$0x0];
	_ =	sdelay $0x4  }
0x3c3: {  	s8 =	sor.u32 s17, s6;
	[tilespmem:v17+s19+$0x0] =	vst.idx.msk $0xffff, v16  }
0x3c4: {  	v17 =	vor.u32 s1, v11;
	v16 =	vld [tilespmem:s8+$0x0];
	_ =	sdelay $0x4  }
0x3c5: {  	s8 =	sor.u32 s17, s12;
	[tilespmem:v17+s19+$0x0] =	vst.idx.msk $0xffff, v16  }
0x3c6: {  	v17 =	vor.u32 s1, v12;
	v16 =	vld [tilespmem:s8+$0x0];
	_ =	sdelay $0x4  }
0x3c7: {  	s8 =	sor.u32 s17, s23;
	[tilespmem:v17+s19+$0x0] =	vst.idx.msk $0xffff, v16  }
0x3c8: {  	v17 =	vor.u32 s1, v13;
	v16 =	vld [tilespmem:s8+$0x0];
	_ =	sdelay $0x4  }
0x3c9: {  	s8 =	sor.u32 s17, s25;
	[tilespmem:v17+s19+$0x0] =	vst.idx.msk $0xffff, v16  }
0x3ca: {  	v17 =	vor.u32 s1, v14;
	v16 =	vld [tilespmem:s8+$0x0];
	_ =	sdelay $0x4  }
0x3cb: {  	s8 =	sor.u32 s17, s3;
	[tilespmem:v17+s19+$0x0] =	vst.idx.msk $0xffff, v16  }
0x3cc: {  	v17 =	vor.u32 s1, v15;
	v16 =	vld [tilespmem:s8+$0x0];
	_ =	sdelay $0x2  }
0x3cd: {  	s15 =	sadd.s32 $0xFFFFFFF0, s2  }
0x3ce: {  	s17 =	sand.u32 $0x60, s15  }
0x3cf: {  	s1 =	sadd.s32 $0xFFFFFF00, s28;
	s8 =	sor.u32 s17, s9;
	[tilespmem:v17+s19+$0x0] =	vst.idx.msk $0xffff, v16  }
0x3d0: {  	v17 =	vor.u32 s1, v0;
	v16 =	vld [tilespmem:s8+$0x0];
	_ =	sdelay $0x4  }
0x3d1: {  	[tilespmem:v17+s19+$0x0] =	vst.idx.msk $0xffff, v16  }
0x3d2: {  	v17 =	vor.u32 s1, v1;
	v16 =	vld [tilespmem:s8+$0x80];
	_ =	sdelay $0x4  }
0x3d3: {  	[tilespmem:v17+s19+$0x0] =	vst.idx.msk $0xffff, v16  }
0x3d4: {  	v17 =	vor.u32 s1, v2;
	v16 =	vld [tilespmem:s8+$0x100];
	_ =	sdelay $0x4  }
0x3d5: {  	[tilespmem:v17+s19+$0x0] =	vst.idx.msk $0xffff, v16  }
0x3d6: {  	s5 =	sadd.s32 $0x2, s5;
	v17 =	vor.u32 s1, v3;
	v16 =	vld [tilespmem:s8+$0x180]  }
0x3d7: {  	s8 =	sand.u32 $0x3, s5  }
0x3d8: {  	s8 =	sshll.u32 s8, $0x5  }
0x3d9: {  	s8 =	sadd.s32 s24, s8  }
0x3da: {  	s8 =	sadd.s32 $0x20, s8  }
0x3db: {  	s16 =	sor.u32 $0x200, s8;
	[tilespmem:v17+s19+$0x0] =	vst.idx.msk $0xffff, v16  }
0x3dc: {  	v17 =	vor.u32 s1, v4;
	v16 =	vld [tilespmem:s16+$0x0];
	_ =	sdelay $0x4  }
0x3dd: {  	s16 =	sor.u32 $0x280, s8;
	[tilespmem:v17+s19+$0x0] =	vst.idx.msk $0xffff, v16  }
0x3de: {  	v17 =	vor.u32 s1, v5;
	v16 =	vld [tilespmem:s16+$0x0];
	_ =	sdelay $0x4  }
0x3df: {  	s8 =	sor.u32 $0x300, s8;
	[tilespmem:v17+s19+$0x0] =	vst.idx.msk $0xffff, v16  }
0x3e0: {  	v17 =	vor.u32 s1, v6;
	v16 =	vld [tilespmem:s8+$0x0];
	_ =	sdelay $0x3  }
0x3e1: {  	s8 =	sor.u32 s15, s24  }
0x3e2: {  	s8 =	sor.u32 $0x380, s8;
	[tilespmem:v17+s19+$0x0] =	vst.idx.msk $0xffff, v16  }
0x3e3: {  	v17 =	vor.u32 s1, v7;
	v16 =	vld [tilespmem:s8+$0x0];
	_ =	sdelay $0x4  }
0x3e4: {  	s8 =	sor.u32 s17, s10;
	[tilespmem:v17+s19+$0x0] =	vst.idx.msk $0xffff, v16  }
0x3e5: {  	v17 =	vor.u32 s1, v8;
	v16 =	vld [tilespmem:s8+$0x0];
	_ =	sdelay $0x4  }
0x3e6: {  	s8 =	sor.u32 s17, s11;
	[tilespmem:v17+s19+$0x0] =	vst.idx.msk $0xffff, v16  }
0x3e7: {  	v17 =	vor.u32 s1, v9;
	v16 =	vld [tilespmem:s8+$0x0];
	_ =	sdelay $0x4  }
0x3e8: {  	s8 =	sor.u32 s17, s14;
	[tilespmem:v17+s19+$0x0] =	vst.idx.msk $0xffff, v16  }
0x3e9: {  	v17 =	vor.u32 s1, v10;
	v16 =	vld [tilespmem:s8+$0x0];
	_ =	sdelay $0x4  }
0x3ea: {  	s8 =	sor.u32 s17, s6;
	[tilespmem:v17+s19+$0x0] =	vst.idx.msk $0xffff, v16  }
0x3eb: {  	v17 =	vor.u32 s1, v11;
	v16 =	vld [tilespmem:s8+$0x0];
	_ =	sdelay $0x4  }
0x3ec: {  	s8 =	sor.u32 s17, s12;
	[tilespmem:v17+s19+$0x0] =	vst.idx.msk $0xffff, v16  }
0x3ed: {  	v17 =	vor.u32 s1, v12;
	v16 =	vld [tilespmem:s8+$0x0];
	_ =	sdelay $0x4  }
0x3ee: {  	s8 =	sor.u32 s17, s23;
	[tilespmem:v17+s19+$0x0] =	vst.idx.msk $0xffff, v16  }
0x3ef: {  	v17 =	vor.u32 s1, v13;
	v16 =	vld [tilespmem:s8+$0x0];
	_ =	sdelay $0x4  }
0x3f0: {  	s8 =	sor.u32 s17, s25;
	[tilespmem:v17+s19+$0x0] =	vst.idx.msk $0xffff, v16  }
0x3f1: {  	v17 =	vor.u32 s1, v14;
	v16 =	vld [tilespmem:s8+$0x0];
	_ =	sdelay $0x4  }
0x3f2: {  	s8 =	sor.u32 s17, s3;
	[tilespmem:v17+s19+$0x0] =	vst.idx.msk $0xffff, v16  }
0x3f3: {  	v17 =	vor.u32 s1, v15;
	v16 =	vld [tilespmem:s8+$0x0];
	_ =	sdelay $0x3  }
0x3f4: {  	s1 =	sand.u32 $0x70, s2  }
0x3f5: {  	s8 =	sor.u32 s1, s9;
	[tilespmem:v17+s19+$0x0] =	vst.idx.msk $0xffff, v16  }
0x3f6: {  	v17 =	vor.u32 s28, v0;
	v16 =	vld [tilespmem:s8+$0x0];
	_ =	sdelay $0x4  }
0x3f7: {  	[tilespmem:v17+s19+$0x0] =	vst.idx.msk $0xffff, v16  }
0x3f8: {  	v17 =	vor.u32 s28, v1;
	v16 =	vld [tilespmem:s8+$0x80];
	_ =	sdelay $0x4  }
0x3f9: {  	[tilespmem:v17+s19+$0x0] =	vst.idx.msk $0xffff, v16  }
0x3fa: {  	v17 =	vor.u32 s28, v2;
	v16 =	vld [tilespmem:s8+$0x100];
	_ =	sdelay $0x4  }
0x3fb: {  	[tilespmem:v17+s19+$0x0] =	vst.idx.msk $0xffff, v16  }
0x3fc: {  	v17 =	vor.u32 s28, v3;
	v16 =	vld [tilespmem:s8+$0x180];
	_ =	sdelay $0x3  }
0x3fd: {  	s7 =	sadd.s32 $0x30, s7  }
0x3fe: {  	s8 =	sor.u32 $0x200, s7;
	[tilespmem:v17+s19+$0x0] =	vst.idx.msk $0xffff, v16  }
0x3ff: {  	v17 =	vor.u32 s28, v4;
	v16 =	vld [tilespmem:s8+$0x0];
	_ =	sdelay $0x4  }
0x400: {  	s8 =	sor.u32 $0x280, s7;
	[tilespmem:v17+s19+$0x0] =	vst.idx.msk $0xffff, v16  }
0x401: {  	v17 =	vor.u32 s28, v5;
	v16 =	vld [tilespmem:s8+$0x0];
	_ =	sdelay $0x4  }
0x402: {  	s7 =	sor.u32 $0x300, s7;
	[tilespmem:v17+s19+$0x0] =	vst.idx.msk $0xffff, v16  }
0x403: {  	v17 =	vor.u32 s28, v6;
	v16 =	vld [tilespmem:s7+$0x0];
	_ =	sdelay $0x3  }
0x404: {  	s7 =	sor.u32 s2, s24  }
0x405: {  	s7 =	sor.u32 $0x380, s7;
	[tilespmem:v17+s19+$0x0] =	vst.idx.msk $0xffff, v16  }
0x406: {  	v17 =	vor.u32 s28, v7;
	v16 =	vld [tilespmem:s7+$0x0];
	_ =	sdelay $0x4  }
0x407: {  	s7 =	sor.u32 s1, s10;
	[tilespmem:v17+s19+$0x0] =	vst.idx.msk $0xffff, v16  }
0x408: {  	v17 =	vor.u32 s28, v8;
	v16 =	vld [tilespmem:s7+$0x0];
	_ =	sdelay $0x4  }
0x409: {  	s7 =	sor.u32 s1, s11;
	[tilespmem:v17+s19+$0x0] =	vst.idx.msk $0xffff, v16  }
0x40a: {  	v17 =	vor.u32 s28, v9;
	v16 =	vld [tilespmem:s7+$0x0];
	_ =	sdelay $0x4  }
0x40b: {  	s7 =	sor.u32 s1, s14;
	[tilespmem:v17+s19+$0x0] =	vst.idx.msk $0xffff, v16  }
0x40c: {  	v17 =	vor.u32 s28, v10;
	v16 =	vld [tilespmem:s7+$0x0];
	_ =	sdelay $0x4  }
0x40d: {  	s6 =	sor.u32 s1, s6;
	[tilespmem:v17+s19+$0x0] =	vst.idx.msk $0xffff, v16  }
0x40e: {  	v17 =	vor.u32 s28, v11;
	v16 =	vld [tilespmem:s6+$0x0];
	_ =	sdelay $0x4  }
0x40f: {  	s6 =	sor.u32 s1, s12;
	[tilespmem:v17+s19+$0x0] =	vst.idx.msk $0xffff, v16  }
0x410: {  	v17 =	vor.u32 s28, v12;
	v16 =	vld [tilespmem:s6+$0x0];
	_ =	sdelay $0x4  }
0x411: {  	s6 =	sor.u32 s1, s23;
	[tilespmem:v17+s19+$0x0] =	vst.idx.msk $0xffff, v16  }
0x412: {  	v17 =	vor.u32 s28, v13;
	v16 =	vld [tilespmem:s6+$0x0];
	_ =	sdelay $0x4  }
0x413: {  	s6 =	sor.u32 s1, s25;
	[tilespmem:v17+s19+$0x0] =	vst.idx.msk $0xffff, v16  }
0x414: {  	v17 =	vor.u32 s28, v14;
	v16 =	vld [tilespmem:s6+$0x0];
	_ =	sdelay $0x3  }
.Ltmp9:
0x415: {  	(pc) =	sbr.rel @p3 .LBB2_13-.Ltmp9, $3  }
0x416: {  	s1 =	sor.u32 s1, s3;
	[tilespmem:v17+s19+$0x0] =	vst.idx.msk $0xffff, v16  }
0x417: {  	v17 =	vor.u32 s28, v15;
	v16 =	vld [tilespmem:s1+$0x0];
	_ =	sdelay $0x1  }
0x418: {  	s2 =	sadd.s32 $0x40, s2;
	s24 =	sadd.s32 $0x200, s24  }
0x419: {  	_ =	sdelay $0x3  }
0x41a: {  	s0 =	rddreg [dreg:$0x9];
	s31 =	simm.s32 $0x3;
	[tilespmem:v17+s19+$0x0] =	vst.idx.msk $0xffff, v16  }
0x41b: {  	[hbm4b:s0+s4] =	stream.linear.scatter [tilespmem:s19], [sflag:$0x3], $0x4000, $0x38;
	[tilespmem:$0x10000] =	vst v63  }
0x41c: {  	_ =	swait.ge [sflag:s31], $0x4000  }
0x41d: {  	[sflag:s31] =	ssyncset.done $0x0  }
0x41e: {  	[sflag:s31] =	ssyncadd.s32 $0xFFFFC000  }
.LBB2_15:
.Ltmp10:
0x41f: {  	(pc) =	sbr.rel @p1 .LBB2_19-.Ltmp10, $2  }
0x420: {  	_ =	sdelay $0x2  }
0x421: {  	s1 =	rddreg [dreg:$0xd]  }
0x422: {  	s26 =	simm.s32 $0x0;
	s0 =	rddreg [dreg:$0x4];
	s1 =	simm.s32 $0x4000  }
0x423: {  	[tilespmem:s1], [sflag:$0x2] =	stream.linear.gather [hbm4b:s0+s26], $0x1400, $0x38;
	[tilespmem:$0x10000] =	vst v63  }
0x424: {  	s25 =	rddreg [dreg:$0xc];
	s30 =	simm.s32 $0x6000  }
0x425: {  	[tilespmem:s30], [sflag:$0x2] =	stream.linear.gather [hbm4b:s25+s26], $0x1400, $0x38;
	[tilespmem:$0x10000] =	vst v63  }
0x426: {  	s2 =	simm.s32 $0x0;
	s31 =	sand.u32 $0x1C00, s26;
	_ =	swait.ge [sflag:s20], $0x2800  }
0x427: {  	s12 =	sand.u32 $0x40, s2;
	s0 =	sor.u32 $0x4000, s31;
	[sflag:s20] =	ssyncset.done $0x0  }
0x428: {  	s14 =	simm.s32 $0x0;
	s3 =	sor.u32 s12, s0;
	[sflag:s20] =	ssyncadd.s32 $0xFFFFD800  }
0x429: {  	v17 =	vor.u32 s14, v0;
	v16 =	vld [tilespmem:s3+$0x0];
	_ =	sdelay $0x4  }
0x42a: {  	[tilespmem:v17+s22+$0x0] =	vst.idx.msk $0xffff, v16  }
0x42b: {  	v17 =	vor.u32 s14, v1;
	v16 =	vld [tilespmem:s3+$0x80];
	_ =	sdelay $0x4  }
0x42c: {  	[tilespmem:v17+s22+$0x0] =	vst.idx.msk $0xffff, v16  }
0x42d: {  	v17 =	vor.u32 s14, v2;
	v16 =	vld [tilespmem:s3+$0x100];
	_ =	sdelay $0x4  }
0x42e: {  	[tilespmem:v17+s22+$0x0] =	vst.idx.msk $0xffff, v16  }
0x42f: {  	v17 =	vor.u32 s14, v3;
	v16 =	vld [tilespmem:s3+$0x180]  }
0x430: {  	p2 =	por $0x0, $0x0;
	s3 =	simm.s32 $0x1  }
0x431: {  	s3 =	simm.s32 @!p2 $0x0  }
0x432: {  	s3 =	sshll.u32 s3, $0x6  }
0x433: {  	s3 =	sadd.s32 $0x0, s3  }
0x434: {  	s5 =	sor.u32 $0x200, s3;
	[tilespmem:v17+s22+$0x0] =	vst.idx.msk $0xffff, v16  }
0x435: {  	v17 =	vor.u32 s14, v4;
	v16 =	vld [tilespmem:s5+$0x4000];
	_ =	sdelay $0x4  }
0x436: {  	s10 =	sor.u32 $0x280, s3;
	[tilespmem:v17+s22+$0x0] =	vst.idx.msk $0xffff, v16  }
0x437: {  	v17 =	vor.u32 s14, v5;
	v16 =	vld [tilespmem:s10+$0x4000];
	_ =	sdelay $0x4  }
0x438: {  	s3 =	sor.u32 $0x300, s3;
	[tilespmem:v17+s22+$0x0] =	vst.idx.msk $0xffff, v16  }
0x439: {  	v17 =	vor.u32 s14, v6;
	v16 =	vld [tilespmem:s3+$0x4000];
	_ =	sdelay $0x3  }
0x43a: {  	s2 =	sor.u32 s2, s26  }
0x43b: {  	s2 =	sor.u32 $0x380, s2;
	[tilespmem:v17+s22+$0x0] =	vst.idx.msk $0xffff, v16  }
0x43c: {  	v17 =	vor.u32 s14, v7;
	v16 =	vld [tilespmem:s2+$0x4000];
	_ =	sdelay $0x3  }
0x43d: {  	s2 =	sor.u32 $0x6000, s31  }
0x43e: {  	s11 =	sor.u32 s12, s2;
	[tilespmem:v17+s22+$0x0] =	vst.idx.msk $0xffff, v16  }
0x43f: {  	v17 =	vor.u32 s14, v8;
	v16 =	vld [tilespmem:s11+$0x0];
	_ =	sdelay $0x3  }
0x440: {  	s3 =	sor.u32 $0x6080, s31  }
0x441: {  	s15 =	sor.u32 s12, s3;
	[tilespmem:v17+s22+$0x0] =	vst.idx.msk $0xffff, v16  }
0x442: {  	v17 =	vor.u32 s14, v9;
	v16 =	vld [tilespmem:s15+$0x0];
	_ =	sdelay $0x3  }
0x443: {  	s5 =	sor.u32 $0x6100, s31  }
0x444: {  	s6 =	sor.u32 s12, s5;
	[tilespmem:v17+s22+$0x0] =	vst.idx.msk $0xffff, v16  }
0x445: {  	v17 =	vor.u32 s14, v10;
	v16 =	vld [tilespmem:s6+$0x0];
	_ =	sdelay $0x3  }
0x446: {  	s6 =	sor.u32 $0x6180, s31  }
0x447: {  	s7 =	sor.u32 s12, s6;
	[tilespmem:v17+s22+$0x0] =	vst.idx.msk $0xffff, v16  }
0x448: {  	v17 =	vor.u32 s14, v11;
	v16 =	vld [tilespmem:s7+$0x0];
	_ =	sdelay $0x3  }
0x449: {  	s7 =	sor.u32 $0x6200, s31  }
0x44a: {  	s8 =	sor.u32 s12, s7;
	[tilespmem:v17+s22+$0x0] =	vst.idx.msk $0xffff, v16  }
0x44b: {  	v17 =	vor.u32 s14, v12;
	v16 =	vld [tilespmem:s8+$0x0];
	_ =	sdelay $0x3  }
0x44c: {  	s9 =	sor.u32 $0x6280, s31  }
0x44d: {  	s16 =	sor.u32 s12, s9;
	[tilespmem:v17+s22+$0x0] =	vst.idx.msk $0xffff, v16  }
0x44e: {  	v17 =	vor.u32 s14, v13;
	v16 =	vld [tilespmem:s16+$0x0];
	_ =	sdelay $0x3  }
0x44f: {  	s10 =	sor.u32 $0x6300, s31  }
0x450: {  	s17 =	sor.u32 s12, s10;
	[tilespmem:v17+s22+$0x0] =	vst.idx.msk $0xffff, v16  }
0x451: {  	v17 =	vor.u32 s14, v14;
	v16 =	vld [tilespmem:s17+$0x0];
	_ =	sdelay $0x3  }
0x452: {  	s11 =	sor.u32 $0x6380, s31  }
0x453: {  	s1 =	sor.u32 s12, s11;
	[tilespmem:v17+s22+$0x0] =	vst.idx.msk $0xffff, v16  }
0x454: {  	v17 =	vor.u32 s14, v15;
	v16 =	vld [tilespmem:s1+$0x0];
	_ =	sdelay $0x2  }
0x455: {  	s23 =	simm.s32 $0x10  }
0x456: {  	s12 =	sand.u32 $0x50, s23  }
0x457: {  	s24 =	sor.u32 s12, s0;
	s14 =	simm.s32 $0x100;
	[tilespmem:v17+s22+$0x0] =	vst.idx.msk $0xffff, v16  }
0x458: {  	v17 =	vor.u32 s14, v0;
	v16 =	vld [tilespmem:s24+$0x0];
	_ =	sdelay $0x4  }
0x459: {  	[tilespmem:v17+s22+$0x0] =	vst.idx.msk $0xffff, v16  }
0x45a: {  	v17 =	vor.u32 s14, v1;
	v16 =	vld [tilespmem:s24+$0x80];
	_ =	sdelay $0x4  }
0x45b: {  	[tilespmem:v17+s22+$0x0] =	vst.idx.msk $0xffff, v16  }
0x45c: {  	v17 =	vor.u32 s14, v2;
	v16 =	vld [tilespmem:s24+$0x100];
	_ =	sdelay $0x4  }
0x45d: {  	[tilespmem:v17+s22+$0x0] =	vst.idx.msk $0xffff, v16  }
0x45e: {  	v17 =	vor.u32 s14, v3;
	v16 =	vld [tilespmem:s24+$0x180]  }
0x45f: {  	s25 =	sand.u32 $0x7, s26  }
0x460: {  	s1 =	sshll.u32 s25, $0x4  }
0x461: {  	s1 =	sadd.s32 $0x0, s1  }
0x462: {  	s15 =	sadd.s32 $0x10, s1  }
0x463: {  	s16 =	sor.u32 $0x200, s15;
	[tilespmem:v17+s22+$0x0] =	vst.idx.msk $0xffff, v16  }
0x464: {  	v17 =	vor.u32 s14, v4;
	v16 =	vld [tilespmem:s16+$0x4000];
	_ =	sdelay $0x4  }
0x465: {  	s30 =	sor.u32 $0x280, s15;
	[tilespmem:v17+s22+$0x0] =	vst.idx.msk $0xffff, v16  }
0x466: {  	v17 =	vor.u32 s14, v5;
	v16 =	vld [tilespmem:s30+$0x4000];
	_ =	sdelay $0x4  }
0x467: {  	s15 =	sor.u32 $0x300, s15;
	[tilespmem:v17+s22+$0x0] =	vst.idx.msk $0xffff, v16  }
0x468: {  	v17 =	vor.u32 s14, v6;
	v16 =	vld [tilespmem:s15+$0x4000];
	_ =	sdelay $0x3  }
0x469: {  	s8 =	sor.u32 s23, s26  }
0x46a: {  	s8 =	sor.u32 $0x380, s8;
	[tilespmem:v17+s22+$0x0] =	vst.idx.msk $0xffff, v16  }
0x46b: {  	v17 =	vor.u32 s14, v7;
	v16 =	vld [tilespmem:s8+$0x4000];
	_ =	sdelay $0x4  }
0x46c: {  	s31 =	sor.u32 s12, s2;
	[tilespmem:v17+s22+$0x0] =	vst.idx.msk $0xffff, v16  }
0x46d: {  	v17 =	vor.u32 s14, v8;
	v16 =	vld [tilespmem:s31+$0x0];
	_ =	sdelay $0x4  }
0x46e: {  	s15 =	sor.u32 s12, s3;
	[tilespmem:v17+s22+$0x0] =	vst.idx.msk $0xffff, v16  }
0x46f: {  	v17 =	vor.u32 s14, v9;
	v16 =	vld [tilespmem:s15+$0x0];
	_ =	sdelay $0x4  }
0x470: {  	s16 =	sor.u32 s12, s5;
	[tilespmem:v17+s22+$0x0] =	vst.idx.msk $0xffff, v16  }
0x471: {  	v17 =	vor.u32 s14, v10;
	v16 =	vld [tilespmem:s16+$0x0];
	_ =	sdelay $0x4  }
0x472: {  	s17 =	sor.u32 s12, s6;
	[tilespmem:v17+s22+$0x0] =	vst.idx.msk $0xffff, v16  }
0x473: {  	v17 =	vor.u32 s14, v11;
	v16 =	vld [tilespmem:s17+$0x0];
	_ =	sdelay $0x4  }
0x474: {  	s23 =	sor.u32 s12, s7;
	[tilespmem:v17+s22+$0x0] =	vst.idx.msk $0xffff, v16  }
0x475: {  	v17 =	vor.u32 s14, v12;
	v16 =	vld [tilespmem:s23+$0x0];
	_ =	sdelay $0x4  }
0x476: {  	s24 =	sor.u32 s12, s9;
	[tilespmem:v17+s22+$0x0] =	vst.idx.msk $0xffff, v16  }
0x477: {  	v17 =	vor.u32 s14, v13;
	v16 =	vld [tilespmem:s24+$0x0];
	_ =	sdelay $0x4  }
0x478: {  	s25 =	sor.u32 s12, s10;
	[tilespmem:v17+s22+$0x0] =	vst.idx.msk $0xffff, v16  }
0x479: {  	v17 =	vor.u32 s14, v14;
	v16 =	vld [tilespmem:s25+$0x0];
	_ =	sdelay $0x4  }
0x47a: {  	s30 =	sor.u32 s12, s11;
	[tilespmem:v17+s22+$0x0] =	vst.idx.msk $0xffff, v16  }
0x47b: {  	v17 =	vor.u32 s14, v15;
	v16 =	vld [tilespmem:s30+$0x0];
	_ =	sdelay $0x2  }
0x47c: {  	s31 =	simm.s32 $0x20  }
0x47d: {  	s12 =	sand.u32 $0x60, s31  }
0x47e: {  	s16 =	sor.u32 s12, s0;
	s14 =	simm.s32 $0x200;
	[tilespmem:v17+s22+$0x0] =	vst.idx.msk $0xffff, v16  }
0x47f: {  	v17 =	vor.u32 s14, v0;
	v16 =	vld [tilespmem:s16+$0x0];
	_ =	sdelay $0x4  }
0x480: {  	[tilespmem:v17+s22+$0x0] =	vst.idx.msk $0xffff, v16  }
0x481: {  	v17 =	vor.u32 s14, v1;
	v16 =	vld [tilespmem:s16+$0x80];
	_ =	sdelay $0x4  }
0x482: {  	[tilespmem:v17+s22+$0x0] =	vst.idx.msk $0xffff, v16  }
0x483: {  	v17 =	vor.u32 s14, v2;
	v16 =	vld [tilespmem:s16+$0x100];
	_ =	sdelay $0x4  }
0x484: {  	[tilespmem:v17+s22+$0x0] =	vst.idx.msk $0xffff, v16  }
0x485: {  	v17 =	vor.u32 s14, v3;
	v16 =	vld [tilespmem:s16+$0x180]  }
0x486: {  	s17 =	sand.u32 $0x3, s26  }
0x487: {  	s15 =	sshll.u32 s17, $0x5  }
0x488: {  	s15 =	sadd.s32 $0x0, s15  }
0x489: {  	s15 =	sadd.s32 $0x20, s15  }
0x48a: {  	s23 =	sor.u32 $0x200, s15;
	[tilespmem:v17+s22+$0x0] =	vst.idx.msk $0xffff, v16  }
0x48b: {  	v17 =	vor.u32 s14, v4;
	v16 =	vld [tilespmem:s23+$0x4000];
	_ =	sdelay $0x4  }
0x48c: {  	s24 =	sor.u32 $0x280, s15;
	[tilespmem:v17+s22+$0x0] =	vst.idx.msk $0xffff, v16  }
0x48d: {  	v17 =	vor.u32 s14, v5;
	v16 =	vld [tilespmem:s24+$0x4000];
	_ =	sdelay $0x4  }
0x48e: {  	s15 =	sor.u32 $0x300, s15;
	[tilespmem:v17+s22+$0x0] =	vst.idx.msk $0xffff, v16  }
0x48f: {  	v17 =	vor.u32 s14, v6;
	v16 =	vld [tilespmem:s15+$0x4000];
	_ =	sdelay $0x3  }
0x490: {  	s8 =	sor.u32 s31, s26  }
0x491: {  	s8 =	sor.u32 $0x380, s8;
	[tilespmem:v17+s22+$0x0] =	vst.idx.msk $0xffff, v16  }
0x492: {  	v17 =	vor.u32 s14, v7;
	v16 =	vld [tilespmem:s8+$0x4000];
	_ =	sdelay $0x4  }
0x493: {  	s25 =	sor.u32 s12, s2;
	[tilespmem:v17+s22+$0x0] =	vst.idx.msk $0xffff, v16  }
0x494: {  	v17 =	vor.u32 s14, v8;
	v16 =	vld [tilespmem:s25+$0x0];
	_ =	sdelay $0x4  }
0x495: {  	s30 =	sor.u32 s12, s3;
	[tilespmem:v17+s22+$0x0] =	vst.idx.msk $0xffff, v16  }
0x496: {  	v17 =	vor.u32 s14, v9;
	v16 =	vld [tilespmem:s30+$0x0];
	_ =	sdelay $0x4  }
0x497: {  	s31 =	sor.u32 s12, s5;
	[tilespmem:v17+s22+$0x0] =	vst.idx.msk $0xffff, v16  }
0x498: {  	v17 =	vor.u32 s14, v10;
	v16 =	vld [tilespmem:s31+$0x0];
	_ =	sdelay $0x4  }
0x499: {  	s15 =	sor.u32 s12, s6;
	[tilespmem:v17+s22+$0x0] =	vst.idx.msk $0xffff, v16  }
0x49a: {  	v17 =	vor.u32 s14, v11;
	v16 =	vld [tilespmem:s15+$0x0];
	_ =	sdelay $0x4  }
0x49b: {  	s16 =	sor.u32 s12, s7;
	[tilespmem:v17+s22+$0x0] =	vst.idx.msk $0xffff, v16  }
0x49c: {  	v17 =	vor.u32 s14, v12;
	v16 =	vld [tilespmem:s16+$0x0];
	_ =	sdelay $0x4  }
0x49d: {  	s17 =	sor.u32 s12, s9;
	[tilespmem:v17+s22+$0x0] =	vst.idx.msk $0xffff, v16  }
0x49e: {  	v17 =	vor.u32 s14, v13;
	v16 =	vld [tilespmem:s17+$0x0];
	_ =	sdelay $0x4  }
0x49f: {  	s23 =	sor.u32 s12, s10;
	[tilespmem:v17+s22+$0x0] =	vst.idx.msk $0xffff, v16  }
0x4a0: {  	v17 =	vor.u32 s14, v14;
	v16 =	vld [tilespmem:s23+$0x0];
	_ =	sdelay $0x4  }
0x4a1: {  	s24 =	sor.u32 s12, s11;
	[tilespmem:v17+s22+$0x0] =	vst.idx.msk $0xffff, v16  }
0x4a2: {  	v17 =	vor.u32 s14, v15;
	v16 =	vld [tilespmem:s24+$0x0];
	_ =	sdelay $0x2  }
0x4a3: {  	s25 =	simm.s32 $0x30  }
0x4a4: {  	s14 =	sand.u32 $0x70, s25  }
0x4a5: {  	s12 =	simm.s32 $0x300;
	s0 =	sor.u32 s14, s0;
	[tilespmem:v17+s22+$0x0] =	vst.idx.msk $0xffff, v16  }
0x4a6: {  	v17 =	vor.u32 s12, v0;
	v16 =	vld [tilespmem:s0+$0x0];
	_ =	sdelay $0x4  }
0x4a7: {  	[tilespmem:v17+s22+$0x0] =	vst.idx.msk $0xffff, v16  }
0x4a8: {  	v17 =	vor.u32 s12, v1;
	v16 =	vld [tilespmem:s0+$0x80];
	_ =	sdelay $0x4  }
0x4a9: {  	[tilespmem:v17+s22+$0x0] =	vst.idx.msk $0xffff, v16  }
0x4aa: {  	v17 =	vor.u32 s12, v2;
	v16 =	vld [tilespmem:s0+$0x100];
	_ =	sdelay $0x4  }
0x4ab: {  	[tilespmem:v17+s22+$0x0] =	vst.idx.msk $0xffff, v16  }
0x4ac: {  	v17 =	vor.u32 s12, v3;
	v16 =	vld [tilespmem:s0+$0x180];
	_ =	sdelay $0x3  }
0x4ad: {  	s30 =	sadd.s32 $0x30, s1  }
0x4ae: {  	s1 =	sor.u32 $0x200, s30;
	[tilespmem:v17+s22+$0x0] =	vst.idx.msk $0xffff, v16  }
0x4af: {  	v17 =	vor.u32 s12, v4;
	v16 =	vld [tilespmem:s1+$0x4000];
	_ =	sdelay $0x4  }
0x4b0: {  	s31 =	sor.u32 $0x280, s30;
	[tilespmem:v17+s22+$0x0] =	vst.idx.msk $0xffff, v16  }
0x4b1: {  	v17 =	vor.u32 s12, v5;
	v16 =	vld [tilespmem:s31+$0x4000];
	_ =	sdelay $0x4  }
0x4b2: {  	s0 =	sor.u32 $0x300, s30;
	[tilespmem:v17+s22+$0x0] =	vst.idx.msk $0xffff, v16  }
0x4b3: {  	v17 =	vor.u32 s12, v6;
	v16 =	vld [tilespmem:s0+$0x4000];
	_ =	sdelay $0x3  }
0x4b4: {  	s8 =	sor.u32 s25, s26  }
0x4b5: {  	s0 =	sor.u32 $0x380, s8;
	[tilespmem:v17+s22+$0x0] =	vst.idx.msk $0xffff, v16  }
0x4b6: {  	v17 =	vor.u32 s12, v7;
	v16 =	vld [tilespmem:s0+$0x4000];
	_ =	sdelay $0x4  }
0x4b7: {  	s15 =	sor.u32 s14, s2;
	[tilespmem:v17+s22+$0x0] =	vst.idx.msk $0xffff, v16  }
0x4b8: {  	v17 =	vor.u32 s12, v8;
	v16 =	vld [tilespmem:s15+$0x0];
	_ =	sdelay $0x4  }
0x4b9: {  	s16 =	sor.u32 s14, s3;
	[tilespmem:v17+s22+$0x0] =	vst.idx.msk $0xffff, v16  }
0x4ba: {  	v17 =	vor.u32 s12, v9;
	v16 =	vld [tilespmem:s16+$0x0];
	_ =	sdelay $0x4  }
0x4bb: {  	s17 =	sor.u32 s14, s5;
	[tilespmem:v17+s22+$0x0] =	vst.idx.msk $0xffff, v16  }
0x4bc: {  	v17 =	vor.u32 s12, v10;
	v16 =	vld [tilespmem:s17+$0x0];
	_ =	sdelay $0x4  }
0x4bd: {  	s23 =	sor.u32 s14, s6;
	[tilespmem:v17+s22+$0x0] =	vst.idx.msk $0xffff, v16  }
0x4be: {  	v17 =	vor.u32 s12, v11;
	v16 =	vld [tilespmem:s23+$0x0];
	_ =	sdelay $0x4  }
0x4bf: {  	s24 =	sor.u32 s14, s7;
	[tilespmem:v17+s22+$0x0] =	vst.idx.msk $0xffff, v16  }
0x4c0: {  	v17 =	vor.u32 s12, v12;
	v16 =	vld [tilespmem:s24+$0x0];
	_ =	sdelay $0x4  }
0x4c1: {  	s25 =	sor.u32 s14, s9;
	[tilespmem:v17+s22+$0x0] =	vst.idx.msk $0xffff, v16  }
0x4c2: {  	v17 =	vor.u32 s12, v13;
	v16 =	vld [tilespmem:s25+$0x0];
	_ =	sdelay $0x4  }
0x4c3: {  	s30 =	sor.u32 s14, s10;
	[tilespmem:v17+s22+$0x0] =	vst.idx.msk $0xffff, v16  }
0x4c4: {  	v17 =	vor.u32 s12, v14;
	v16 =	vld [tilespmem:s30+$0x0];
	_ =	sdelay $0x4  }
0x4c5: {  	s31 =	sor.u32 s14, s11;
	[tilespmem:v17+s22+$0x0] =	vst.idx.msk $0xffff, v16  }
0x4c6: {  	v17 =	vor.u32 s12, v15;
	v16 =	vld [tilespmem:s31+$0x0]  }
0x4c7: {  	s28 =	simm.s32 $0x0;
	s29 =	simm.s32 $0x70  }
0x4c8: {  	s2 =	simm.s32 $0x200;
	s0 =	simm.s32 $0x700;
	s24 =	simm.s32 $0x0  }
.LBB2_17:
0x4c9: {  	s1 =	sadd.s32 $0xFFFFFFD0, s29;
	s3 =	sand.u32 $0x1C00, s2;
	s28 =	sadd.s32 $0x4, s28  }
0x4ca: {  	s7 =	sand.u32 $0x40, s1;
	s5 =	sor.u32 $0x4000, s3;
	p3 =	slt.u32 s28, $0x24  }
0x4cb: {  	s17 =	sadd.s32 $0xFFFFFD00, s0;
	s6 =	sor.u32 s7, s5;
	[tilespmem:v17+s22+$0x0] =	vst.idx.msk $0xffff, v16  }
0x4cc: {  	v17 =	vor.u32 s17, v0;
	v16 =	vld [tilespmem:s6+$0x0];
	_ =	sdelay $0x4  }
0x4cd: {  	[tilespmem:v17+s22+$0x0] =	vst.idx.msk $0xffff, v16  }
0x4ce: {  	v17 =	vor.u32 s17, v1;
	v16 =	vld [tilespmem:s6+$0x80];
	_ =	sdelay $0x4  }
0x4cf: {  	[tilespmem:v17+s22+$0x0] =	vst.idx.msk $0xffff, v16  }
0x4d0: {  	v17 =	vor.u32 s17, v2;
	v16 =	vld [tilespmem:s6+$0x100];
	_ =	sdelay $0x4  }
0x4d1: {  	[tilespmem:v17+s22+$0x0] =	vst.idx.msk $0xffff, v16  }
0x4d2: {  	v17 =	vor.u32 s17, v3;
	v16 =	vld [tilespmem:s6+$0x180]  }
0x4d3: {  	p2 =	por !p2, !p2;
	s6 =	simm.s32 $0x1  }
0x4d4: {  	s6 =	simm.s32 @!p2 $0x0  }
0x4d5: {  	s6 =	sshll.u32 s6, $0x6  }
0x4d6: {  	s6 =	sadd.s32 s6, s2  }
0x4d7: {  	s8 =	sor.u32 $0x200, s6;
	[tilespmem:v17+s22+$0x0] =	vst.idx.msk $0xffff, v16  }
0x4d8: {  	v17 =	vor.u32 s17, v4;
	v16 =	vld [tilespmem:s8+$0x4000];
	_ =	sdelay $0x4  }
0x4d9: {  	s8 =	sor.u32 $0x280, s6;
	[tilespmem:v17+s22+$0x0] =	vst.idx.msk $0xffff, v16  }
0x4da: {  	v17 =	vor.u32 s17, v5;
	v16 =	vld [tilespmem:s8+$0x4000];
	_ =	sdelay $0x4  }
0x4db: {  	s6 =	sor.u32 $0x300, s6;
	[tilespmem:v17+s22+$0x0] =	vst.idx.msk $0xffff, v16  }
0x4dc: {  	v17 =	vor.u32 s17, v6;
	v16 =	vld [tilespmem:s6+$0x4000];
	_ =	sdelay $0x3  }
0x4dd: {  	s1 =	sor.u32 s1, s2  }
0x4de: {  	s1 =	sor.u32 $0x380, s1;
	[tilespmem:v17+s22+$0x0] =	vst.idx.msk $0xffff, v16  }
0x4df: {  	v17 =	vor.u32 s17, v7;
	v16 =	vld [tilespmem:s1+$0x4000];
	_ =	sdelay $0x3  }
0x4e0: {  	s9 =	sor.u32 $0x6000, s3  }
0x4e1: {  	s1 =	sor.u32 s7, s9;
	[tilespmem:v17+s22+$0x0] =	vst.idx.msk $0xffff, v16  }
0x4e2: {  	v17 =	vor.u32 s17, v8;
	v16 =	vld [tilespmem:s1+$0x0];
	_ =	sdelay $0x3  }
0x4e3: {  	s10 =	sor.u32 $0x6080, s3  }
0x4e4: {  	s1 =	sor.u32 s7, s10;
	[tilespmem:v17+s22+$0x0] =	vst.idx.msk $0xffff, v16  }
0x4e5: {  	v17 =	vor.u32 s17, v9;
	v16 =	vld [tilespmem:s1+$0x0];
	_ =	sdelay $0x3  }
0x4e6: {  	s11 =	sor.u32 $0x6100, s3  }
0x4e7: {  	s1 =	sor.u32 s7, s11;
	[tilespmem:v17+s22+$0x0] =	vst.idx.msk $0xffff, v16  }
0x4e8: {  	v17 =	vor.u32 s17, v10;
	v16 =	vld [tilespmem:s1+$0x0];
	_ =	sdelay $0x3  }
0x4e9: {  	s6 =	sor.u32 $0x6180, s3  }
0x4ea: {  	s1 =	sor.u32 s7, s6;
	[tilespmem:v17+s22+$0x0] =	vst.idx.msk $0xffff, v16  }
0x4eb: {  	v17 =	vor.u32 s17, v11;
	v16 =	vld [tilespmem:s1+$0x0];
	_ =	sdelay $0x3  }
0x4ec: {  	s12 =	sor.u32 $0x6200, s3  }
0x4ed: {  	s1 =	sor.u32 s7, s12;
	[tilespmem:v17+s22+$0x0] =	vst.idx.msk $0xffff, v16  }
0x4ee: {  	v17 =	vor.u32 s17, v12;
	v16 =	vld [tilespmem:s1+$0x0];
	_ =	sdelay $0x3  }
0x4ef: {  	s14 =	sor.u32 $0x6280, s3  }
0x4f0: {  	s1 =	sor.u32 s7, s14;
	[tilespmem:v17+s22+$0x0] =	vst.idx.msk $0xffff, v16  }
0x4f1: {  	v17 =	vor.u32 s17, v13;
	v16 =	vld [tilespmem:s1+$0x0];
	_ =	sdelay $0x3  }
0x4f2: {  	s23 =	sor.u32 $0x6300, s3  }
0x4f3: {  	s1 =	sor.u32 s7, s23;
	[tilespmem:v17+s22+$0x0] =	vst.idx.msk $0xffff, v16  }
0x4f4: {  	v17 =	vor.u32 s17, v14;
	v16 =	vld [tilespmem:s1+$0x0];
	_ =	sdelay $0x3  }
0x4f5: {  	s3 =	sor.u32 $0x6380, s3  }
0x4f6: {  	s1 =	sor.u32 s7, s3;
	[tilespmem:v17+s22+$0x0] =	vst.idx.msk $0xffff, v16  }
0x4f7: {  	v17 =	vor.u32 s17, v15;
	v16 =	vld [tilespmem:s1+$0x0];
	_ =	sdelay $0x2  }
0x4f8: {  	s15 =	sadd.s32 $0xFFFFFFE0, s29  }
0x4f9: {  	s17 =	sand.u32 $0x50, s15  }
0x4fa: {  	s1 =	sadd.s32 $0xFFFFFE00, s0;
	s7 =	sor.u32 s17, s5;
	[tilespmem:v17+s22+$0x0] =	vst.idx.msk $0xffff, v16  }
0x4fb: {  	v17 =	vor.u32 s1, v0;
	v16 =	vld [tilespmem:s7+$0x0];
	_ =	sdelay $0x4  }
0x4fc: {  	[tilespmem:v17+s22+$0x0] =	vst.idx.msk $0xffff, v16  }
0x4fd: {  	v17 =	vor.u32 s1, v1;
	v16 =	vld [tilespmem:s7+$0x80];
	_ =	sdelay $0x4  }
0x4fe: {  	[tilespmem:v17+s22+$0x0] =	vst.idx.msk $0xffff, v16  }
0x4ff: {  	v17 =	vor.u32 s1, v2;
	v16 =	vld [tilespmem:s7+$0x100];
	_ =	sdelay $0x4  }
0x500: {  	[tilespmem:v17+s22+$0x0] =	vst.idx.msk $0xffff, v16  }
0x501: {  	s26 =	sadd.s32 $0x4, s26;
	v17 =	vor.u32 s1, v3;
	v16 =	vld [tilespmem:s7+$0x180]  }
0x502: {  	s7 =	sand.u32 $0x7, s26  }
0x503: {  	s7 =	sshll.u32 s7, $0x4  }
0x504: {  	s7 =	sadd.s32 s2, s7  }
0x505: {  	s8 =	sadd.s32 $0x10, s7  }
0x506: {  	s16 =	sor.u32 $0x200, s8;
	[tilespmem:v17+s22+$0x0] =	vst.idx.msk $0xffff, v16  }
0x507: {  	v17 =	vor.u32 s1, v4;
	v16 =	vld [tilespmem:s16+$0x4000];
	_ =	sdelay $0x4  }
0x508: {  	s16 =	sor.u32 $0x280, s8;
	[tilespmem:v17+s22+$0x0] =	vst.idx.msk $0xffff, v16  }
0x509: {  	v17 =	vor.u32 s1, v5;
	v16 =	vld [tilespmem:s16+$0x4000];
	_ =	sdelay $0x4  }
0x50a: {  	s8 =	sor.u32 $0x300, s8;
	[tilespmem:v17+s22+$0x0] =	vst.idx.msk $0xffff, v16  }
0x50b: {  	v17 =	vor.u32 s1, v6;
	v16 =	vld [tilespmem:s8+$0x4000];
	_ =	sdelay $0x3  }
0x50c: {  	s8 =	sor.u32 s15, s2  }
0x50d: {  	s8 =	sor.u32 $0x380, s8;
	[tilespmem:v17+s22+$0x0] =	vst.idx.msk $0xffff, v16  }
0x50e: {  	v17 =	vor.u32 s1, v7;
	v16 =	vld [tilespmem:s8+$0x4000];
	_ =	sdelay $0x4  }
0x50f: {  	s8 =	sor.u32 s17, s9;
	[tilespmem:v17+s22+$0x0] =	vst.idx.msk $0xffff, v16  }
0x510: {  	v17 =	vor.u32 s1, v8;
	v16 =	vld [tilespmem:s8+$0x0];
	_ =	sdelay $0x4  }
0x511: {  	s8 =	sor.u32 s17, s10;
	[tilespmem:v17+s22+$0x0] =	vst.idx.msk $0xffff, v16  }
0x512: {  	v17 =	vor.u32 s1, v9;
	v16 =	vld [tilespmem:s8+$0x0];
	_ =	sdelay $0x4  }
0x513: {  	s8 =	sor.u32 s17, s11;
	[tilespmem:v17+s22+$0x0] =	vst.idx.msk $0xffff, v16  }
0x514: {  	v17 =	vor.u32 s1, v10;
	v16 =	vld [tilespmem:s8+$0x0];
	_ =	sdelay $0x4  }
0x515: {  	s8 =	sor.u32 s17, s6;
	[tilespmem:v17+s22+$0x0] =	vst.idx.msk $0xffff, v16  }
0x516: {  	v17 =	vor.u32 s1, v11;
	v16 =	vld [tilespmem:s8+$0x0];
	_ =	sdelay $0x4  }
0x517: {  	s8 =	sor.u32 s17, s12;
	[tilespmem:v17+s22+$0x0] =	vst.idx.msk $0xffff, v16  }
0x518: {  	v17 =	vor.u32 s1, v12;
	v16 =	vld [tilespmem:s8+$0x0];
	_ =	sdelay $0x4  }
0x519: {  	s8 =	sor.u32 s17, s14;
	[tilespmem:v17+s22+$0x0] =	vst.idx.msk $0xffff, v16  }
0x51a: {  	v17 =	vor.u32 s1, v13;
	v16 =	vld [tilespmem:s8+$0x0];
	_ =	sdelay $0x4  }
0x51b: {  	s8 =	sor.u32 s17, s23;
	[tilespmem:v17+s22+$0x0] =	vst.idx.msk $0xffff, v16  }
0x51c: {  	v17 =	vor.u32 s1, v14;
	v16 =	vld [tilespmem:s8+$0x0];
	_ =	sdelay $0x4  }
0x51d: {  	s8 =	sor.u32 s17, s3;
	[tilespmem:v17+s22+$0x0] =	vst.idx.msk $0xffff, v16  }
0x51e: {  	v17 =	vor.u32 s1, v15;
	v16 =	vld [tilespmem:s8+$0x0];
	_ =	sdelay $0x2  }
0x51f: {  	s15 =	sadd.s32 $0xFFFFFFF0, s29  }
0x520: {  	s17 =	sand.u32 $0x60, s15  }
0x521: {  	s1 =	sadd.s32 $0xFFFFFF00, s0;
	s8 =	sor.u32 s17, s5;
	[tilespmem:v17+s22+$0x0] =	vst.idx.msk $0xffff, v16  }
0x522: {  	v17 =	vor.u32 s1, v0;
	v16 =	vld [tilespmem:s8+$0x0];
	_ =	sdelay $0x4  }
0x523: {  	[tilespmem:v17+s22+$0x0] =	vst.idx.msk $0xffff, v16  }
0x524: {  	v17 =	vor.u32 s1, v1;
	v16 =	vld [tilespmem:s8+$0x80];
	_ =	sdelay $0x4  }
0x525: {  	[tilespmem:v17+s22+$0x0] =	vst.idx.msk $0xffff, v16  }
0x526: {  	v17 =	vor.u32 s1, v2;
	v16 =	vld [tilespmem:s8+$0x100];
	_ =	sdelay $0x4  }
0x527: {  	[tilespmem:v17+s22+$0x0] =	vst.idx.msk $0xffff, v16  }
0x528: {  	s24 =	sadd.s32 $0x2, s24;
	v17 =	vor.u32 s1, v3;
	v16 =	vld [tilespmem:s8+$0x180]  }
0x529: {  	s8 =	sand.u32 $0x3, s24  }
0x52a: {  	s8 =	sshll.u32 s8, $0x5  }
0x52b: {  	s8 =	sadd.s32 s2, s8  }
0x52c: {  	s8 =	sadd.s32 $0x20, s8  }
0x52d: {  	s16 =	sor.u32 $0x200, s8;
	[tilespmem:v17+s22+$0x0] =	vst.idx.msk $0xffff, v16  }
0x52e: {  	v17 =	vor.u32 s1, v4;
	v16 =	vld [tilespmem:s16+$0x4000];
	_ =	sdelay $0x4  }
0x52f: {  	s16 =	sor.u32 $0x280, s8;
	[tilespmem:v17+s22+$0x0] =	vst.idx.msk $0xffff, v16  }
0x530: {  	v17 =	vor.u32 s1, v5;
	v16 =	vld [tilespmem:s16+$0x4000];
	_ =	sdelay $0x4  }
0x531: {  	s8 =	sor.u32 $0x300, s8;
	[tilespmem:v17+s22+$0x0] =	vst.idx.msk $0xffff, v16  }
0x532: {  	v17 =	vor.u32 s1, v6;
	v16 =	vld [tilespmem:s8+$0x4000];
	_ =	sdelay $0x3  }
0x533: {  	s8 =	sor.u32 s15, s2  }
0x534: {  	s8 =	sor.u32 $0x380, s8;
	[tilespmem:v17+s22+$0x0] =	vst.idx.msk $0xffff, v16  }
0x535: {  	v17 =	vor.u32 s1, v7;
	v16 =	vld [tilespmem:s8+$0x4000];
	_ =	sdelay $0x4  }
0x536: {  	s8 =	sor.u32 s17, s9;
	[tilespmem:v17+s22+$0x0] =	vst.idx.msk $0xffff, v16  }
0x537: {  	v17 =	vor.u32 s1, v8;
	v16 =	vld [tilespmem:s8+$0x0];
	_ =	sdelay $0x4  }
0x538: {  	s8 =	sor.u32 s17, s10;
	[tilespmem:v17+s22+$0x0] =	vst.idx.msk $0xffff, v16  }
0x539: {  	v17 =	vor.u32 s1, v9;
	v16 =	vld [tilespmem:s8+$0x0];
	_ =	sdelay $0x4  }
0x53a: {  	s8 =	sor.u32 s17, s11;
	[tilespmem:v17+s22+$0x0] =	vst.idx.msk $0xffff, v16  }
0x53b: {  	v17 =	vor.u32 s1, v10;
	v16 =	vld [tilespmem:s8+$0x0];
	_ =	sdelay $0x4  }
0x53c: {  	s8 =	sor.u32 s17, s6;
	[tilespmem:v17+s22+$0x0] =	vst.idx.msk $0xffff, v16  }
0x53d: {  	v17 =	vor.u32 s1, v11;
	v16 =	vld [tilespmem:s8+$0x0];
	_ =	sdelay $0x4  }
0x53e: {  	s8 =	sor.u32 s17, s12;
	[tilespmem:v17+s22+$0x0] =	vst.idx.msk $0xffff, v16  }
0x53f: {  	v17 =	vor.u32 s1, v12;
	v16 =	vld [tilespmem:s8+$0x0];
	_ =	sdelay $0x4  }
0x540: {  	s8 =	sor.u32 s17, s14;
	[tilespmem:v17+s22+$0x0] =	vst.idx.msk $0xffff, v16  }
0x541: {  	v17 =	vor.u32 s1, v13;
	v16 =	vld [tilespmem:s8+$0x0];
	_ =	sdelay $0x4  }
0x542: {  	s8 =	sor.u32 s17, s23;
	[tilespmem:v17+s22+$0x0] =	vst.idx.msk $0xffff, v16  }
0x543: {  	v17 =	vor.u32 s1, v14;
	v16 =	vld [tilespmem:s8+$0x0];
	_ =	sdelay $0x4  }
0x544: {  	s8 =	sor.u32 s17, s3;
	[tilespmem:v17+s22+$0x0] =	vst.idx.msk $0xffff, v16  }
0x545: {  	v17 =	vor.u32 s1, v15;
	v16 =	vld [tilespmem:s8+$0x0];
	_ =	sdelay $0x3  }
0x546: {  	s1 =	sand.u32 $0x70, s29  }
0x547: {  	s5 =	sor.u32 s1, s5;
	[tilespmem:v17+s22+$0x0] =	vst.idx.msk $0xffff, v16  }
0x548: {  	v17 =	vor.u32 s0, v0;
	v16 =	vld [tilespmem:s5+$0x0];
	_ =	sdelay $0x4  }
0x549: {  	[tilespmem:v17+s22+$0x0] =	vst.idx.msk $0xffff, v16  }
0x54a: {  	v17 =	vor.u32 s0, v1;
	v16 =	vld [tilespmem:s5+$0x80];
	_ =	sdelay $0x4  }
0x54b: {  	[tilespmem:v17+s22+$0x0] =	vst.idx.msk $0xffff, v16  }
0x54c: {  	v17 =	vor.u32 s0, v2;
	v16 =	vld [tilespmem:s5+$0x100];
	_ =	sdelay $0x4  }
0x54d: {  	[tilespmem:v17+s22+$0x0] =	vst.idx.msk $0xffff, v16  }
0x54e: {  	v17 =	vor.u32 s0, v3;
	v16 =	vld [tilespmem:s5+$0x180];
	_ =	sdelay $0x3  }
0x54f: {  	s5 =	sadd.s32 $0x30, s7  }
0x550: {  	s7 =	sor.u32 $0x200, s5;
	[tilespmem:v17+s22+$0x0] =	vst.idx.msk $0xffff, v16  }
0x551: {  	v17 =	vor.u32 s0, v4;
	v16 =	vld [tilespmem:s7+$0x4000];
	_ =	sdelay $0x4  }
0x552: {  	s7 =	sor.u32 $0x280, s5;
	[tilespmem:v17+s22+$0x0] =	vst.idx.msk $0xffff, v16  }
0x553: {  	v17 =	vor.u32 s0, v5;
	v16 =	vld [tilespmem:s7+$0x4000];
	_ =	sdelay $0x4  }
0x554: {  	s5 =	sor.u32 $0x300, s5;
	[tilespmem:v17+s22+$0x0] =	vst.idx.msk $0xffff, v16  }
0x555: {  	v17 =	vor.u32 s0, v6;
	v16 =	vld [tilespmem:s5+$0x4000];
	_ =	sdelay $0x3  }
0x556: {  	s5 =	sor.u32 s29, s2  }
0x557: {  	s5 =	sor.u32 $0x380, s5;
	[tilespmem:v17+s22+$0x0] =	vst.idx.msk $0xffff, v16  }
0x558: {  	v17 =	vor.u32 s0, v7;
	v16 =	vld [tilespmem:s5+$0x4000];
	_ =	sdelay $0x4  }
0x559: {  	s5 =	sor.u32 s1, s9;
	[tilespmem:v17+s22+$0x0] =	vst.idx.msk $0xffff, v16  }
0x55a: {  	v17 =	vor.u32 s0, v8;
	v16 =	vld [tilespmem:s5+$0x0];
	_ =	sdelay $0x4  }
0x55b: {  	s5 =	sor.u32 s1, s10;
	[tilespmem:v17+s22+$0x0] =	vst.idx.msk $0xffff, v16  }
0x55c: {  	v17 =	vor.u32 s0, v9;
	v16 =	vld [tilespmem:s5+$0x0];
	_ =	sdelay $0x4  }
0x55d: {  	s5 =	sor.u32 s1, s11;
	[tilespmem:v17+s22+$0x0] =	vst.idx.msk $0xffff, v16  }
0x55e: {  	v17 =	vor.u32 s0, v10;
	v16 =	vld [tilespmem:s5+$0x0];
	_ =	sdelay $0x4  }
0x55f: {  	s5 =	sor.u32 s1, s6;
	[tilespmem:v17+s22+$0x0] =	vst.idx.msk $0xffff, v16  }
0x560: {  	v17 =	vor.u32 s0, v11;
	v16 =	vld [tilespmem:s5+$0x0];
	_ =	sdelay $0x4  }
0x561: {  	s5 =	sor.u32 s1, s12;
	[tilespmem:v17+s22+$0x0] =	vst.idx.msk $0xffff, v16  }
0x562: {  	v17 =	vor.u32 s0, v12;
	v16 =	vld [tilespmem:s5+$0x0];
	_ =	sdelay $0x4  }
0x563: {  	s5 =	sor.u32 s1, s14;
	[tilespmem:v17+s22+$0x0] =	vst.idx.msk $0xffff, v16  }
0x564: {  	v17 =	vor.u32 s0, v13;
	v16 =	vld [tilespmem:s5+$0x0];
	_ =	sdelay $0x4  }
0x565: {  	s5 =	sor.u32 s1, s23;
	[tilespmem:v17+s22+$0x0] =	vst.idx.msk $0xffff, v16  }
0x566: {  	v17 =	vor.u32 s0, v14;
	v16 =	vld [tilespmem:s5+$0x0];
	_ =	sdelay $0x3  }
.Ltmp11:
0x567: {  	(pc) =	sbr.rel @p3 .LBB2_17-.Ltmp11, $3  }
0x568: {  	s1 =	sor.u32 s1, s3;
	[tilespmem:v17+s22+$0x0] =	vst.idx.msk $0xffff, v16  }
0x569: {  	v17 =	vor.u32 s0, v15;
	v16 =	vld [tilespmem:s1+$0x0];
	_ =	sdelay $0x1  }
0x56a: {  	s29 =	sadd.s32 $0x40, s29;
	s2 =	sadd.s32 $0x200, s2;
	s0 =	sadd.s32 $0x400, s0  }
0x56b: {  	_ =	sdelay $0x3  }
.Ltmp12:
0x56c: {  	s0 =	rddreg [dreg:$0xa];
	[tilespmem:v17+s22+$0x0] =	vst.idx.msk $0xffff, v16;
	(pc) =	sbr.rel .LBB2_19-.Ltmp12, $4  }
0x56d: {  	[hbm4b:s0+s4] =	stream.linear.scatter [tilespmem:s22], [sflag:$0x4], $0x2400, $0x38;
	[tilespmem:$0x10000] =	vst v63  }
0x56e: {  	_ =	swait.ge [sflag:s21], $0x2400  }
0x56f: {  	[sflag:s21] =	ssyncset.done $0x0  }
0x570: {  	s1 =	rddreg [dreg:$0xd];
	[sflag:s21] =	ssyncadd.s32 $0xFFFFDC00  }
.LBB2_20:
0x571: {  	_ =	sfence.sel $0x180000  }
0x572: {  	[bflag:$0x0] =	sbarrier.arrive $0xFFFF  }
0x573: {  	_ =	strace $0x90000047  }
0x574: {  	s0 =	stileid.u32;
	[bflag:$0x2] =	sbarrier.arrive $0xFFFF  }
0x575: {  	p0 =	sne.s32 s0, $0x0;
	s0 =	rddreg [dreg:$0x3]  }
0x576: {  	s0 =	sadd.s32 @!p0 $0x100000, s0  }
0x577: {  	[sflag:s0] =	ssyncadd.tile.s32 @!p0 $0x1;
	_ =	shalt  }
.Lfunc_end2:
_tile_overlayer_lowered:
.L_overlay_start_2:
0x578: {  	(tag) =	ssettag $0x2  }
0x579: {  	s0 =	rddreg [dreg:$0x0];
	s2 =	stileid.u32  }
0x57a: {  	s1 =	rddreg [dreg:$0x1];
	p0 =	sne.s32 s2, $0x0  }
0x57b: {  	s3 =	rddreg [dreg:$0x2];
	[bflag:$0x3] =	sbarrier.arrive $0xFFFF;
	s2 =	simm.s32 @!p0 $0x1C05  }
0x57c: {  	[timem:s3], [sflag:s2] =	dma.local @!p0 [hbm:s0], s1  }
0x57d: {  	s0 =	simm.s32 @!p0 $0x5  }
0x57e: {  	_ =	swait.ge @!p0 [sflag:s0], s1  }
0x57f: {  	s1 =	ssub.s32 @!p0 $0x0, s1;
	[sflag:s0] =	ssyncset.done @!p0 $0x0  }
0x580: {  	[sflag:s0] =	ssyncadd.s32 @!p0 s1  }
0x581: {  	[bflag:$0x3] =	sbarrier.arrive $0xFFFF  }
0x582: {  	_ =	shalt  }

</sc_bundles>
